<compile_context>
chip_gen: v7x
topology: tpu7x:2x2x1
jax: 0.10.2.dev20260603
libtpu: 0.0.44.dev20260713+nightly
codegen_flags: <defaults>
</compile_context>

<pallas_src>
import jax
import jax.numpy as jnp
from jax import lax
from jax.experimental import pallas as pl
from jax.experimental.pallas import tpu as pltpu
from jax.experimental.pallas import tpu_sc as plsc

N_ROWS = 160000
N_FEATS = 256
N_SEG = 10000

NUM_CORES = 2
NUM_SUBCORES = 16
LANES = 16

DHALF = N_FEATS // NUM_CORES
ROWS_PER_TILE = N_ROWS // NUM_SUBCORES
SUB = 80
N_CHUNK = ROWS_PER_TILE // SUB
NRING = 3
IDX_PAD = 128

SEG_PER_TILE = 640
S_PAD = SEG_PER_TILE * NUM_SUBCORES
SEG_CHUNK = 40
FULL_SEG_CHUNKS = SEG_PER_TILE // SEG_CHUNK
LAST_SEG_CHUNKS = (N_SEG - 15 * SEG_PER_TILE) // SEG_CHUNK

CNT_BATCH = 25


def _counts_body(batch_hbm, cnt_hbm, ibuf, ones, zbuf, cnt_sh, csem):
  core = lax.axis_index("c")
  tile = lax.axis_index("s")
  seg_base = tile * SEG_PER_TILE

  zeros16 = jnp.zeros((LANES,), jnp.float32)
  ones16 = jnp.ones((LANES,), jnp.float32)

  def init_rows(s, _):
    zbuf[s, :] = zeros16
    ones[s, :] = ones16
    return _
  lax.fori_loop(0, SUB, init_rows, 0)

  for k in range(SEG_PER_TILE // SUB):
    pltpu.sync_copy(zbuf, cnt_sh.at[pl.ds(seg_base + k * SUB, SUB)])

  plsc.subcore_barrier()

  pltpu.sync_copy(batch_hbm.at[tile], ibuf)
  groups = {}
  for g in range(N_CHUNK // CNT_BATCH):
    if g >= 1:
      for d in groups.pop(g - 1):
        d.wait()
    descs = []
    for j in range(CNT_BATCH):
      descs.append(pltpu.async_copy(
          ones, cnt_sh.at[ibuf.at[g * CNT_BATCH + j]], csem, add=True))
    groups[g] = descs
  for g in sorted(groups):
    for d in groups.pop(g):
      d.wait()

  plsc.subcore_barrier()

  @pl.when(core == 0)
  def _():
    pltpu.sync_copy(cnt_sh.at[pl.ds(seg_base, SEG_PER_TILE)],
                    cnt_hbm.at[pl.ds(seg_base, SEG_PER_TILE)])


def _pool_body(feats_hbm, batch_hbm, cnt_hbm, out_hbm, fbuf, ibuf, sbuf,
               cbuf, sums_sh, lsem, ssem):
  core = lax.axis_index("c")
  tile = lax.axis_index("s")
  col0 = core * DHALF
  row_base = tile * ROWS_PER_TILE
  seg_base = tile * SEG_PER_TILE

  zeros16 = jnp.zeros((LANES,), jnp.float32)
  ones16 = jnp.ones((LANES,), jnp.float32)

  def zero_sbuf(s, _):
    for v in range(DHALF // LANES):
      sbuf[s, pl.ds(v * LANES, LANES)] = zeros16
    return _
  lax.fori_loop(0, SEG_CHUNK, zero_sbuf, 0)

  for k in range(FULL_SEG_CHUNKS):
    base = pl.multiple_of(seg_base + k * SEG_CHUNK, 8)
    pltpu.sync_copy(sbuf, sums_sh.at[pl.ds(base, SEG_CHUNK)])

  plsc.subcore_barrier()

  def feats_src(k):
    row0 = pl.multiple_of(row_base + k * SUB, 8)
    return feats_hbm.at[pl.ds(row0, SUB), pl.ds(col0, DHALF)]

  def start_load(k):
    slot = lax.rem(k, NRING)
    return pltpu.async_copy(feats_src(k), fbuf.at[slot], lsem)

  start_load(0)
  start_load(1)

  def accum(k, _):
    slot = lax.rem(k, NRING)

    @pl.when(k >= 1)
    def _drain():
      prev = lax.rem(k - 1, NRING)
      pltpu.make_async_copy(fbuf.at[prev],
                            sums_sh.at[ibuf.at[lax.rem(k - 1, 8)]],
                            ssem).wait()

    @pl.when(lax.rem(k, 8) == 0)
    def _idx():
      pltpu.sync_copy(batch_hbm.at[tile].at[pl.ds(pl.multiple_of(k, 8), 8)],
                      ibuf)

    pltpu.make_async_copy(feats_src(k), fbuf.at[slot], lsem).wait()

    @pl.when(k + 2 < N_CHUNK)
    def _prefetch():
      start_load(k + 2)

    pltpu.async_copy(fbuf.at[slot], sums_sh.at[ibuf.at[lax.rem(k, 8)]],
                     ssem, add=True)
    return _
  lax.fori_loop(0, N_CHUNK, accum, 0)
  pltpu.make_async_copy(fbuf.at[lax.rem(N_CHUNK - 1, NRING)],
                        sums_sh.at[ibuf.at[lax.rem(N_CHUNK - 1, 8)]],
                        ssem).wait()

  plsc.subcore_barrier()

  n_chunks = jnp.where(tile == NUM_SUBCORES - 1, LAST_SEG_CHUNKS,
                       FULL_SEG_CHUNKS)

  def finalize(k, _):
    base = pl.multiple_of(seg_base + k * SEG_CHUNK, 8)
    pltpu.sync_copy(sums_sh.at[pl.ds(base, SEG_CHUNK)], sbuf)
    pltpu.sync_copy(cnt_hbm.at[pl.ds(base, SEG_CHUNK)], cbuf)

    def div_one(s, _2):
      cntv = cbuf[s, :]
      inv = (ones16 / jnp.maximum(cntv, ones16))[0]
      for v in range(DHALF // LANES):
        sl = pl.ds(v * LANES, LANES)
        sbuf[s, sl] = sbuf[s, sl] * inv
      return _2
    lax.fori_loop(0, SEG_CHUNK, div_one, 0)

    pltpu.sync_copy(sbuf, out_hbm.at[pl.ds(base, SEG_CHUNK),
                                     pl.ds(col0, DHALF)])
    return _
  lax.fori_loop(0, n_chunks, finalize, 0)


@jax.jit
def _pool_mean(feats, batch3d):
  mesh = plsc.VectorSubcoreMesh(core_axis_name="c", subcore_axis_name="s")
  counts = pl.kernel(
      _counts_body,
      out_type=jax.ShapeDtypeStruct((S_PAD, LANES), jnp.float32),
      mesh=mesh,
      compiler_params=pltpu.CompilerParams(use_tc_tiling_on_sc=False),
      scratch_types=[
          pltpu.VMEM((IDX_PAD, SUB), jnp.int32),
          pltpu.VMEM((SUB, LANES), jnp.float32),
          pltpu.VMEM((SUB, LANES), jnp.float32),
          pltpu.VMEM_SHARED((S_PAD, LANES), jnp.float32),
          pltpu.SemaphoreType.DMA,
      ],
  )(batch3d)
  return pl.kernel(
      _pool_body,
      out_type=jax.ShapeDtypeStruct((N_SEG, N_FEATS), jnp.float32),
      mesh=mesh,
      scratch_types=[
          pltpu.VMEM((NRING, SUB, DHALF), jnp.float32),
          pltpu.VMEM((8, SUB), jnp.int32),
          pltpu.VMEM((SEG_CHUNK, DHALF), jnp.float32),
          pltpu.VMEM((SEG_CHUNK, LANES), jnp.float32),
          pltpu.VMEM_SHARED((S_PAD, DHALF), jnp.float32),
          pltpu.SemaphoreType.DMA,
          pltpu.SemaphoreType.DMA,
      ],
  )(feats, batch3d, counts)


def kernel(feats, batch):
  batch3d = batch.astype(jnp.int32).reshape(NUM_SUBCORES, N_CHUNK, SUB)
  batch3d = jnp.pad(batch3d, ((0, 0), (0, IDX_PAD - N_CHUNK), (0, 0)))
  return _pool_mean(feats, batch3d)

# --- scband reference (transcript-rebuilt; emitter-appended) ---
"""Pipeline reference for scband-pool-mean-6871947674132 (READ-ONLY COPY).

The authoritative reference and input builder live on the scoring server;
editing this copy changes nothing except your own understanding.
"""

import jax, jax.numpy as jnp
import numpy as np

NUM_SEGMENTS = 10000

def setup_inputs(seed: int = 0) -> dict:
    key = jax.random.key(seed)
    k1, k2 = jax.random.split(key)
    feats = jax.random.normal(k1, (160000, 256), dtype=jnp.float32)
    batch = jnp.sort(jax.random.randint(k2, (160000,), 0, NUM_SEGMENTS, dtype=jnp.int64))
    return {"feats": feats, "batch": batch}

def reference(feats, batch):
    # scatter_mean(feats, batch, dim=0): segment-wise mean over dim 0
    sums = jax.ops.segment_sum(feats, batch, num_segments=NUM_SEGMENTS)
    counts = jax.ops.segment_sum(jnp.ones((feats.shape[0],), dtype=feats.dtype), batch, num_segments=NUM_SEGMENTS)
    counts = jnp.clip(counts, 1.0, None)
    mean = sums / counts[:, None]
    return mean

if __name__ == "__main__":
    import jax
    _d = setup_inputs()
    print(jax.jit(kernel)(*tuple(_d.values())))

</pallas_src>

<mosaic_0001>
#map = affine_map<(d0, d1) -> (0, 0, 0)>
#map1 = affine_map<(d0, d1) -> (0, 0)>
module attributes {stable_mosaic.version = 14 : i64} {
  func.func @_counts_body(%arg0: i32, %arg1: i32, %arg2: memref<16x128x80xi32, #tpu.memory_space<hbm>>, %arg3: memref<10240x16xf32, #tpu.memory_space<hbm>>, %arg4: memref<128x80xi32, #tpu.memory_space<vmem>>, %arg5: memref<80x16xf32, #tpu.memory_space<vmem>>, %arg6: memref<80x16xf32, #tpu.memory_space<vmem>>, %arg7: memref<10240x16xf32, #tpu.memory_space<vmem_shared>>, %arg8: memref<!tpu.dma_semaphore, #tpu.memory_space<semaphore_mem>>) attributes {dimension_semantics = [#tpu.dimension_semantics<core_parallel>, #tpu.dimension_semantics<subcore_parallel>], iteration_bounds = array<i64: 2, 16>, scalar_prefetch = 0 : i64, scratch_operands = 5 : i64, tpu.core_type = #tpu.core_type<sc_vector_subcore>, window_params = [{transform_indices = #map}, {transform_indices = #map1}]} {
    %mul3A = arith.constant 640 : i32
    %mul3A_0 = arith.muli %arg1, %mul3A : i32
    %broadcast_in_dim3A = arith.constant 0.000000e+00 : f32
    %broadcast_in_dim3A_1 = vector.broadcast %broadcast_in_dim3A : f32 to vector<16xf32>
    %broadcast_in_dim3A_2 = arith.constant 1.000000e+00 : f32
    %broadcast_in_dim3A_3 = vector.broadcast %broadcast_in_dim3A_2 : f32 to vector<16xf32>
    %scan3A = arith.constant 0 : i32
    %scan3A_4 = arith.constant 0 : i32
    %scan3A_5 = arith.constant 80 : i32
    %scan3A_6 = arith.addi %scan3A_4, %scan3A_5 : i32
    %scan3A_7 = arith.constant 1 : i32
    scf.for %scan3A_1775 = %scan3A_4 to %scan3A_6 step %scan3A_7  : i32 {
      %swap3A = arith.index_cast %scan3A_1775 : i32 to index
      %swap3A_1776 = arith.constant 0 : index
      %swap3A_1777 = tpu.vector_load %arg6[%swap3A, %swap3A_1776] {strides = array<i32>} : memref<80x16xf32, #tpu.memory_space<vmem>>, vector<1x16xf32>,
      %swap3A_1778 = vector.shape_cast %swap3A_1777 : vector<1x16xf32> to vector<16xf32>
      %swap3A_1779 = vector.shape_cast %broadcast_in_dim3A_1 : vector<16xf32> to vector<1x16xf32>
      tpu.vector_store %arg6[%swap3A, %swap3A_1776], %swap3A_1779 {strides = array<i32>} : memref<80x16xf32, #tpu.memory_space<vmem>>, vector<1x16xf32>,
      %swap3A_1780 = arith.index_cast %scan3A_1775 : i32 to index
      %swap3A_1781 = arith.constant 0 : index
      %swap3A_1782 = tpu.vector_load %arg5[%swap3A_1780, %swap3A_1781] {strides = array<i32>} : memref<80x16xf32, #tpu.memory_space<vmem>>, vector<1x16xf32>,
      %swap3A_1783 = vector.shape_cast %swap3A_1782 : vector<1x16xf32> to vector<16xf32>
      %swap3A_1784 = vector.shape_cast %broadcast_in_dim3A_3 : vector<16xf32> to vector<1x16xf32>
      tpu.vector_store %arg5[%swap3A_1780, %swap3A_1781], %swap3A_1784 {strides = array<i32>} : memref<80x16xf32, #tpu.memory_space<vmem>>, vector<1x16xf32>,
    }
    %scan3A_8 = arith.constant 80 : i32
    %add3A = arith.constant 0 : i32
    %add3A_9 = arith.addi %mul3A_0, %add3A : i32
    "tpu.region"() ({
      %run_scoped3A = tpu.sem_alloc : memref<!tpu.dma_semaphore, #tpu.memory_space<semaphore_mem>>
      %dma_start3A_1775 = arith.constant 0 : i32
      %dma_start3A_1776 = tpu.memref_slice %arg7[%add3A_9, %dma_start3A_1775] : memref<10240x16xf32, #tpu.memory_space<vmem_shared>> -> memref<80x16xf32, #tpu.memory_space<vmem_shared>>
      %dma_start3A_1777 = arith.constant 0 : i32
      %dma_start3A_1778 = tpu.memref_slice %arg7[%add3A_9, %dma_start3A_1777] : memref<10240x16xf32, #tpu.memory_space<vmem_shared>> -> memref<80x16xf32, #tpu.memory_space<vmem_shared>>
      tpu.enqueue_dma source(%arg6 : memref<80x16xf32, #tpu.memory_space<vmem>>) target(%dma_start3A_1778 : memref<80x16xf32, #tpu.memory_space<vmem_shared>>) target_semaphore(%run_scoped3A : memref<!tpu.dma_semaphore, #tpu.memory_space<semaphore_mem>>)
      %dma_wait3A_1779 = arith.constant 0 : i32
      %dma_wait3A_1780 = tpu.memref_slice %arg7[%add3A_9, %dma_wait3A_1779] : memref<10240x16xf32, #tpu.memory_space<vmem_shared>> -> memref<80x16xf32, #tpu.memory_space<vmem_shared>>
      %dma_wait3A_1781 = arith.constant 0 : i32
      %dma_wait3A_1782 = tpu.memref_slice %arg7[%add3A_9, %dma_wait3A_1781] : memref<10240x16xf32, #tpu.memory_space<vmem_shared>> -> memref<80x16xf32, #tpu.memory_space<vmem_shared>>
      tpu.wait_dma2 semaphore(%run_scoped3A : memref<!tpu.dma_semaphore, #tpu.memory_space<semaphore_mem>>) src(%arg6 : memref<80x16xf32, #tpu.memory_space<vmem>>) dst(%dma_wait3A_1782 : memref<80x16xf32, #tpu.memory_space<vmem_shared>>)
      tpu.yield
    }) : () -> ()
    %add3A_10 = arith.constant 80 : i32
    %add3A_11 = arith.addi %mul3A_0, %add3A_10 : i32
    "tpu.region"() ({
      %run_scoped3A = tpu.sem_alloc : memref<!tpu.dma_semaphore, #tpu.memory_space<semaphore_mem>>
      %dma_start3A_1775 = arith.constant 0 : i32
      %dma_start3A_1776 = tpu.memref_slice %arg7[%add3A_11, %dma_start3A_1775] : memref<10240x16xf32, #tpu.memory_space<vmem_shared>> -> memref<80x16xf32, #tpu.memory_space<vmem_shared>>
      %dma_start3A_1777 = arith.constant 0 : i32
      %dma_start3A_1778 = tpu.memref_slice %arg7[%add3A_11, %dma_start3A_1777] : memref<10240x16xf32, #tpu.memory_space<vmem_shared>> -> memref<80x16xf32, #tpu.memory_space<vmem_shared>>
      tpu.enqueue_dma source(%arg6 : memref<80x16xf32, #tpu.memory_space<vmem>>) target(%dma_start3A_1778 : memref<80x16xf32, #tpu.memory_space<vmem_shared>>) target_semaphore(%run_scoped3A : memref<!tpu.dma_semaphore, #tpu.memory_space<semaphore_mem>>)
      %dma_wait3A_1779 = arith.constant 0 : i32
      %dma_wait3A_1780 = tpu.memref_slice %arg7[%add3A_11, %dma_wait3A_1779] : memref<10240x16xf32, #tpu.memory_space<vmem_shared>> -> memref<80x16xf32, #tpu.memory_space<vmem_shared>>
      %dma_wait3A_1781 = arith.constant 0 : i32
      %dma_wait3A_1782 = tpu.memref_slice %arg7[%add3A_11, %dma_wait3A_1781] : memref<10240x16xf32, #tpu.memory_space<vmem_shared>> -> memref<80x16xf32, #tpu.memory_space<vmem_shared>>
      tpu.wait_dma2 semaphore(%run_scoped3A : memref<!tpu.dma_semaphore, #tpu.memory_space<semaphore_mem>>) src(%arg6 : memref<80x16xf32, #tpu.memory_space<vmem>>) dst(%dma_wait3A_1782 : memref<80x16xf32, #tpu.memory_space<vmem_shared>>)
      tpu.yield
    }) : () -> ()
    %add3A_12 = arith.constant 160 : i32
    %add3A_13 = arith.addi %mul3A_0, %add3A_12 : i32
    "tpu.region"() ({
      %run_scoped3A = tpu.sem_alloc : memref<!tpu.dma_semaphore, #tpu.memory_space<semaphore_mem>>
      %dma_start3A_1775 = arith.constant 0 : i32
      %dma_start3A_1776 = tpu.memref_slice %arg7[%add3A_13, %dma_start3A_1775] : memref<10240x16xf32, #tpu.memory_space<vmem_shared>> -> memref<80x16xf32, #tpu.memory_space<vmem_shared>>
      %dma_start3A_1777 = arith.constant 0 : i32
      %dma_start3A_1778 = tpu.memref_slice %arg7[%add3A_13, %dma_start3A_1777] : memref<10240x16xf32, #tpu.memory_space<vmem_shared>> -> memref<80x16xf32, #tpu.memory_space<vmem_shared>>
      tpu.enqueue_dma source(%arg6 : memref<80x16xf32, #tpu.memory_space<vmem>>) target(%dma_start3A_1778 : memref<80x16xf32, #tpu.memory_space<vmem_shared>>) target_semaphore(%run_scoped3A : memref<!tpu.dma_semaphore, #tpu.memory_space<semaphore_mem>>)
      %dma_wait3A_1779 = arith.constant 0 : i32
      %dma_wait3A_1780 = tpu.memref_slice %arg7[%add3A_13, %dma_wait3A_1779] : memref<10240x16xf32, #tpu.memory_space<vmem_shared>> -> memref<80x16xf32, #tpu.memory_space<vmem_shared>>
      %dma_wait3A_1781 = arith.constant 0 : i32
      %dma_wait3A_1782 = tpu.memref_slice %arg7[%add3A_13, %dma_wait3A_1781] : memref<10240x16xf32, #tpu.memory_space<vmem_shared>> -> memref<80x16xf32, #tpu.memory_space<vmem_shared>>
      tpu.wait_dma2 semaphore(%run_scoped3A : memref<!tpu.dma_semaphore, #tpu.memory_space<semaphore_mem>>) src(%arg6 : memref<80x16xf32, #tpu.memory_space<vmem>>) dst(%dma_wait3A_1782 : memref<80x16xf32, #tpu.memory_space<vmem_shared>>)
      tpu.yield
    }) : () -> ()
    %add3A_14 = arith.constant 240 : i32
    %add3A_15 = arith.addi %mul3A_0, %add3A_14 : i32
    "tpu.region"() ({
      %run_scoped3A = tpu.sem_alloc : memref<!tpu.dma_semaphore, #tpu.memory_space<semaphore_mem>>
      %dma_start3A_1775 = arith.constant 0 : i32
      %dma_start3A_1776 = tpu.memref_slice %arg7[%add3A_15, %dma_start3A_1775] : memref<10240x16xf32, #tpu.memory_space<vmem_shared>> -> memref<80x16xf32, #tpu.memory_space<vmem_shared>>
      %dma_start3A_1777 = arith.constant 0 : i32
      %dma_start3A_1778 = tpu.memref_slice %arg7[%add3A_15, %dma_start3A_1777] : memref<10240x16xf32, #tpu.memory_space<vmem_shared>> -> memref<80x16xf32, #tpu.memory_space<vmem_shared>>
      tpu.enqueue_dma source(%arg6 : memref<80x16xf32, #tpu.memory_space<vmem>>) target(%dma_start3A_1778 : memref<80x16xf32, #tpu.memory_space<vmem_shared>>) target_semaphore(%run_scoped3A : memref<!tpu.dma_semaphore, #tpu.memory_space<semaphore_mem>>)
      %dma_wait3A_1779 = arith.constant 0 : i32
      %dma_wait3A_1780 = tpu.memref_slice %arg7[%add3A_15, %dma_wait3A_1779] : memref<10240x16xf32, #tpu.memory_space<vmem_shared>> -> memref<80x16xf32, #tpu.memory_space<vmem_shared>>
      %dma_wait3A_1781 = arith.constant 0 : i32
      %dma_wait3A_1782 = tpu.memref_slice %arg7[%add3A_15, %dma_wait3A_1781] : memref<10240x16xf32, #tpu.memory_space<vmem_shared>> -> memref<80x16xf32, #tpu.memory_space<vmem_shared>>
      tpu.wait_dma2 semaphore(%run_scoped3A : memref<!tpu.dma_semaphore, #tpu.memory_space<semaphore_mem>>) src(%arg6 : memref<80x16xf32, #tpu.memory_space<vmem>>) dst(%dma_wait3A_1782 : memref<80x16xf32, #tpu.memory_space<vmem_shared>>)
      tpu.yield
    }) : () -> ()
    %add3A_16 = arith.constant 320 : i32
    %add3A_17 = arith.addi %mul3A_0, %add3A_16 : i32
    "tpu.region"() ({
      %run_scoped3A = tpu.sem_alloc : memref<!tpu.dma_semaphore, #tpu.memory_space<semaphore_mem>>
      %dma_start3A_1775 = arith.constant 0 : i32
      %dma_start3A_1776 = tpu.memref_slice %arg7[%add3A_17, %dma_start3A_1775] : memref<10240x16xf32, #tpu.memory_space<vmem_shared>> -> memref<80x16xf32, #tpu.memory_space<vmem_shared>>
      %dma_start3A_1777 = arith.constant 0 : i32
      %dma_start3A_1778 = tpu.memref_slice %arg7[%add3A_17, %dma_start3A_1777] : memref<10240x16xf32, #tpu.memory_space<vmem_shared>> -> memref<80x16xf32, #tpu.memory_space<vmem_shared>>
      tpu.enqueue_dma source(%arg6 : memref<80x16xf32, #tpu.memory_space<vmem>>) target(%dma_start3A_1778 : memref<80x16xf32, #tpu.memory_space<vmem_shared>>) target_semaphore(%run_scoped3A : memref<!tpu.dma_semaphore, #tpu.memory_space<semaphore_mem>>)
      %dma_wait3A_1779 = arith.constant 0 : i32
      %dma_wait3A_1780 = tpu.memref_slice %arg7[%add3A_17, %dma_wait3A_1779] : memref<10240x16xf32, #tpu.memory_space<vmem_shared>> -> memref<80x16xf32, #tpu.memory_space<vmem_shared>>
      %dma_wait3A_1781 = arith.constant 0 : i32
      %dma_wait3A_1782 = tpu.memref_slice %arg7[%add3A_17, %dma_wait3A_1781] : memref<10240x16xf32, #tpu.memory_space<vmem_shared>> -> memref<80x16xf32, #tpu.memory_space<vmem_shared>>
      tpu.wait_dma2 semaphore(%run_scoped3A : memref<!tpu.dma_semaphore, #tpu.memory_space<semaphore_mem>>) src(%arg6 : memref<80x16xf32, #tpu.memory_space<vmem>>) dst(%dma_wait3A_1782 : memref<80x16xf32, #tpu.memory_space<vmem_shared>>)
      tpu.yield
    }) : () -> ()
    %add3A_18 = arith.constant 400 : i32
    %add3A_19 = arith.addi %mul3A_0, %add3A_18 : i32
    "tpu.region"() ({
      %run_scoped3A = tpu.sem_alloc : memref<!tpu.dma_semaphore, #tpu.memory_space<semaphore_mem>>
      %dma_start3A_1775 = arith.constant 0 : i32
      %dma_start3A_1776 = tpu.memref_slice %arg7[%add3A_19, %dma_start3A_1775] : memref<10240x16xf32, #tpu.memory_space<vmem_shared>> -> memref<80x16xf32, #tpu.memory_space<vmem_shared>>
      %dma_start3A_1777 = arith.constant 0 : i32
      %dma_start3A_1778 = tpu.memref_slice %arg7[%add3A_19, %dma_start3A_1777] : memref<10240x16xf32, #tpu.memory_space<vmem_shared>> -> memref<80x16xf32, #tpu.memory_space<vmem_shared>>
      tpu.enqueue_dma source(%arg6 : memref<80x16xf32, #tpu.memory_space<vmem>>) target(%dma_start3A_1778 : memref<80x16xf32, #tpu.memory_space<vmem_shared>>) target_semaphore(%run_scoped3A : memref<!tpu.dma_semaphore, #tpu.memory_space<semaphore_mem>>)
      %dma_wait3A_1779 = arith.constant 0 : i32
      %dma_wait3A_1780 = tpu.memref_slice %arg7[%add3A_19, %dma_wait3A_1779] : memref<10240x16xf32, #tpu.memory_space<vmem_shared>> -> memref<80x16xf32, #tpu.memory_space<vmem_shared>>
      %dma_wait3A_1781 = arith.constant 0 : i32
      %dma_wait3A_1782 = tpu.memref_slice %arg7[%add3A_19, %dma_wait3A_1781] : memref<10240x16xf32, #tpu.memory_space<vmem_shared>> -> memref<80x16xf32, #tpu.memory_space<vmem_shared>>
      tpu.wait_dma2 semaphore(%run_scoped3A : memref<!tpu.dma_semaphore, #tpu.memory_space<semaphore_mem>>) src(%arg6 : memref<80x16xf32, #tpu.memory_space<vmem>>) dst(%dma_wait3A_1782 : memref<80x16xf32, #tpu.memory_space<vmem_shared>>)
      tpu.yield
    }) : () -> ()
    %add3A_20 = arith.constant 480 : i32
    %add3A_21 = arith.addi %mul3A_0, %add3A_20 : i32
    "tpu.region"() ({
      %run_scoped3A = tpu.sem_alloc : memref<!tpu.dma_semaphore, #tpu.memory_space<semaphore_mem>>
      %dma_start3A_1775 = arith.constant 0 : i32
      %dma_start3A_1776 = tpu.memref_slice %arg7[%add3A_21, %dma_start3A_1775] : memref<10240x16xf32, #tpu.memory_space<vmem_shared>> -> memref<80x16xf32, #tpu.memory_space<vmem_shared>>
      %dma_start3A_1777 = arith.constant 0 : i32
      %dma_start3A_1778 = tpu.memref_slice %arg7[%add3A_21, %dma_start3A_1777] : memref<10240x16xf32, #tpu.memory_space<vmem_shared>> -> memref<80x16xf32, #tpu.memory_space<vmem_shared>>
      tpu.enqueue_dma source(%arg6 : memref<80x16xf32, #tpu.memory_space<vmem>>) target(%dma_start3A_1778 : memref<80x16xf32, #tpu.memory_space<vmem_shared>>) target_semaphore(%run_scoped3A : memref<!tpu.dma_semaphore, #tpu.memory_space<semaphore_mem>>)
      %dma_wait3A_1779 = arith.constant 0 : i32
      %dma_wait3A_1780 = tpu.memref_slice %arg7[%add3A_21, %dma_wait3A_1779] : memref<10240x16xf32, #tpu.memory_space<vmem_shared>> -> memref<80x16xf32, #tpu.memory_space<vmem_shared>>
      %dma_wait3A_1781 = arith.constant 0 : i32
      %dma_wait3A_1782 = tpu.memref_slice %arg7[%add3A_21, %dma_wait3A_1781] : memref<10240x16xf32, #tpu.memory_space<vmem_shared>> -> memref<80x16xf32, #tpu.memory_space<vmem_shared>>
      tpu.wait_dma2 semaphore(%run_scoped3A : memref<!tpu.dma_semaphore, #tpu.memory_space<semaphore_mem>>) src(%arg6 : memref<80x16xf32, #tpu.memory_space<vmem>>) dst(%dma_wait3A_1782 : memref<80x16xf32, #tpu.memory_space<vmem_shared>>)
      tpu.yield
    }) : () -> ()
    %add3A_22 = arith.constant 560 : i32
    %add3A_23 = arith.addi %mul3A_0, %add3A_22 : i32
    "tpu.region"() ({
      %run_scoped3A = tpu.sem_alloc : memref<!tpu.dma_semaphore, #tpu.memory_space<semaphore_mem>>
      %dma_start3A_1775 = arith.constant 0 : i32
      %dma_start3A_1776 = tpu.memref_slice %arg7[%add3A_23, %dma_start3A_1775] : memref<10240x16xf32, #tpu.memory_space<vmem_shared>> -> memref<80x16xf32, #tpu.memory_space<vmem_shared>>
      %dma_start3A_1777 = arith.constant 0 : i32
      %dma_start3A_1778 = tpu.memref_slice %arg7[%add3A_23, %dma_start3A_1777] : memref<10240x16xf32, #tpu.memory_space<vmem_shared>> -> memref<80x16xf32, #tpu.memory_space<vmem_shared>>
      tpu.enqueue_dma source(%arg6 : memref<80x16xf32, #tpu.memory_space<vmem>>) target(%dma_start3A_1778 : memref<80x16xf32, #tpu.memory_space<vmem_shared>>) target_semaphore(%run_scoped3A : memref<!tpu.dma_semaphore, #tpu.memory_space<semaphore_mem>>)
      %dma_wait3A_1779 = arith.constant 0 : i32
      %dma_wait3A_1780 = tpu.memref_slice %arg7[%add3A_23, %dma_wait3A_1779] : memref<10240x16xf32, #tpu.memory_space<vmem_shared>> -> memref<80x16xf32, #tpu.memory_space<vmem_shared>>
      %dma_wait3A_1781 = arith.constant 0 : i32
      %dma_wait3A_1782 = tpu.memref_slice %arg7[%add3A_23, %dma_wait3A_1781] : memref<10240x16xf32, #tpu.memory_space<vmem_shared>> -> memref<80x16xf32, #tpu.memory_space<vmem_shared>>
      tpu.wait_dma2 semaphore(%run_scoped3A : memref<!tpu.dma_semaphore, #tpu.memory_space<semaphore_mem>>) src(%arg6 : memref<80x16xf32, #tpu.memory_space<vmem>>) dst(%dma_wait3A_1782 : memref<80x16xf32, #tpu.memory_space<vmem_shared>>)
      tpu.yield
    }) : () -> ()
    %barrier3A = arith.constant 0 : index
    tpu.barrier barrier_id(%barrier3A)
    "tpu.region"() ({
      %run_scoped3A = tpu.sem_alloc : memref<!tpu.dma_semaphore, #tpu.memory_space<semaphore_mem>>
      %dma_start3A_1775 = arith.constant 0 : i32
      %dma_start3A_1776 = arith.constant 0 : i32
      %dma_start3A_1777 = tpu.memref_slice %arg2[%arg1, %dma_start3A_1775, %dma_start3A_1776] : memref<16x128x80xi32, #tpu.memory_space<hbm>> -> memref<1x128x80xi32, #tpu.memory_space<hbm>>
      %dma_start3A_1778 = tpu.memref_squeeze %dma_start3A_1777 : memref<1x128x80xi32, #tpu.memory_space<hbm>> -> memref<128x80xi32, #tpu.memory_space<hbm>>
      %dma_start3A_1779 = arith.constant 0 : i32
      %dma_start3A_1780 = arith.constant 0 : i32
      %dma_start3A_1781 = tpu.memref_slice %arg2[%arg1, %dma_start3A_1779, %dma_start3A_1780] : memref<16x128x80xi32, #tpu.memory_space<hbm>> -> memref<1x128x80xi32, #tpu.memory_space<hbm>>
      %dma_start3A_1782 = tpu.memref_squeeze %dma_start3A_1781 : memref<1x128x80xi32, #tpu.memory_space<hbm>> -> memref<128x80xi32, #tpu.memory_space<hbm>>
      tpu.enqueue_dma source(%dma_start3A_1782 : memref<128x80xi32, #tpu.memory_space<hbm>>) target(%arg4 : memref<128x80xi32, #tpu.memory_space<vmem>>) target_semaphore(%run_scoped3A : memref<!tpu.dma_semaphore, #tpu.memory_space<semaphore_mem>>)
      %dma_wait3A_1783 = arith.constant 0 : i32
      %dma_wait3A_1784 = arith.constant 0 : i32
      %dma_wait3A_1785 = tpu.memref_slice %arg2[%arg1, %dma_wait3A_1783, %dma_wait3A_1784] : memref<16x128x80xi32, #tpu.memory_space<hbm>> -> memref<1x128x80xi32, #tpu.memory_space<hbm>>
      %dma_wait3A_1786 = tpu.memref_squeeze %dma_wait3A_1785 : memref<1x128x80xi32, #tpu.memory_space<hbm>> -> memref<128x80xi32, #tpu.memory_space<hbm>>
      %dma_wait3A_1787 = arith.constant 0 : i32
      %dma_wait3A_1788 = arith.constant 0 : i32
      %dma_wait3A_1789 = tpu.memref_slice %arg2[%arg1, %dma_wait3A_1787, %dma_wait3A_1788] : memref<16x128x80xi32, #tpu.memory_space<hbm>> -> memref<1x128x80xi32, #tpu.memory_space<hbm>>
      %dma_wait3A_1790 = tpu.memref_squeeze %dma_wait3A_1789 : memref<1x128x80xi32, #tpu.memory_space<hbm>> -> memref<128x80xi32, #tpu.memory_space<hbm>>
      tpu.wait_dma2 semaphore(%run_scoped3A : memref<!tpu.dma_semaphore, #tpu.memory_space<semaphore_mem>>) src(%dma_wait3A_1790 : memref<128x80xi32, #tpu.memory_space<hbm>>) dst(%arg4 : memref<128x80xi32, #tpu.memory_space<vmem>>)
      tpu.yield
    }) : () -> ()
    %dma_start3A = arith.constant 0 : i32
    %dma_start3A_24 = arith.constant 0 : i32
    %dma_start3A_25 = tpu.memref_slice %arg4[%dma_start3A, %dma_start3A_24] : memref<128x80xi32, #tpu.memory_space<vmem>> -> memref<1x80xi32, #tpu.memory_space<vmem>>
    %dma_start3A_26 = tpu.memref_squeeze %dma_start3A_25 : memref<1x80xi32, #tpu.memory_space<vmem>> -> memref<80xi32, #tpu.memory_space<vmem>>
    %dma_start3A_27 = arith.constant 0 : i32
    %dma_start3A_28 = arith.constant 0 : i32
    %dma_start3A_29 = tpu.memref_slice %arg7[%dma_start3A_27, %dma_start3A_28] : memref<10240x16xf32, #tpu.memory_space<vmem_shared>> -> memref<10240x16xf32, #tpu.memory_space<vmem_shared>>
    tpu.enqueue_indirect_dma source(%arg5 : memref<80x16xf32, #tpu.memory_space<vmem>>) target(%dma_start3A_29 : memref<10240x16xf32, #tpu.memory_space<vmem_shared>>) offsets(%dma_start3A_26 : memref<80xi32, #tpu.memory_space<vmem>>) semaphore(%arg8 : memref<!tpu.dma_semaphore, #tpu.memory_space<semaphore_mem>>) {add = true}
    %dma_start3A_30 = arith.constant 1 : i32
    %dma_start3A_31 = arith.constant 0 : i32
    %dma_start3A_32 = tpu.memref_slice %arg4[%dma_start3A_30, %dma_start3A_31] : memref<128x80xi32, #tpu.memory_space<vmem>> -> memref<1x80xi32, #tpu.memory_space<vmem>>
    %dma_start3A_33 = tpu.memref_squeeze %dma_start3A_32 : memref<1x80xi32, #tpu.memory_space<vmem>> -> memref<80xi32, #tpu.memory_space<vmem>>
    %dma_start3A_34 = arith.constant 0 : i32
    %dma_start3A_35 = arith.constant 0 : i32
    %dma_start3A_36 = tpu.memref_slice %arg7[%dma_start3A_34, %dma_start3A_35] : memref<10240x16xf32, #tpu.memory_space<vmem_shared>> -> memref<10240x16xf32, #tpu.memory_space<vmem_shared>>
    tpu.enqueue_indirect_dma source(%arg5 : memref<80x16xf32, #tpu.memory_space<vmem>>) target(%dma_start3A_36 : memref<10240x16xf32, #tpu.memory_space<vmem_shared>>) offsets(%dma_start3A_33 : memref<80xi32, #tpu.memory_space<vmem>>) semaphore(%arg8 : memref<!tpu.dma_semaphore, #tpu.memory_space<semaphore_mem>>) {add = true}
    %dma_start3A_37 = arith.constant 2 : i32
    %dma_start3A_38 = arith.constant 0 : i32
    %dma_start3A_39 = tpu.memref_slice %arg4[%dma_start3A_37, %dma_start3A_38] : memref<128x80xi32, #tpu.memory_space<vmem>> -> memref<1x80xi32, #tpu.memory_space<vmem>>
    %dma_start3A_40 = tpu.memref_squeeze %dma_start3A_39 : memref<1x80xi32, #tpu.memory_space<vmem>> -> memref<80xi32, #tpu.memory_space<vmem>>
    %dma_start3A_41 = arith.constant 0 : i32
    %dma_start3A_42 = arith.constant 0 : i32
    %dma_start3A_43 = tpu.memref_slice %arg7[%dma_start3A_41, %dma_start3A_42] : memref<10240x16xf32, #tpu.memory_space<vmem_shared>> -> memref<10240x16xf32, #tpu.memory_space<vmem_shared>>
    tpu.enqueue_indirect_dma source(%arg5 : memref<80x16xf32, #tpu.memory_space<vmem>>) target(%dma_start3A_43 : memref<10240x16xf32, #tpu.memory_space<vmem_shared>>) offsets(%dma_start3A_40 : memref<80xi32, #tpu.memory_space<vmem>>) semaphore(%arg8 : memref<!tpu.dma_semaphore, #tpu.memory_space<semaphore_mem>>) {add = true}
    %dma_start3A_44 = arith.constant 3 : i32
    %dma_start3A_45 = arith.constant 0 : i32
    %dma_start3A_46 = tpu.memref_slice %arg4[%dma_start3A_44, %dma_start3A_45] : memref<128x80xi32, #tpu.memory_space<vmem>> -> memref<1x80xi32, #tpu.memory_space<vmem>>
    %dma_start3A_47 = tpu.memref_squeeze %dma_start3A_46 : memref<1x80xi32, #tpu.memory_space<vmem>> -> memref<80xi32, #tpu.memory_space<vmem>>
    %dma_start3A_48 = arith.constant 0 : i32
    %dma_start3A_49 = arith.constant 0 : i32
    %dma_start3A_50 = tpu.memref_slice %arg7[%dma_start3A_48, %dma_start3A_49] : memref<10240x16xf32, #tpu.memory_space<vmem_shared>> -> memref<10240x16xf32, #tpu.memory_space<vmem_shared>>
    tpu.enqueue_indirect_dma source(%arg5 : memref<80x16xf32, #tpu.memory_space<vmem>>) target(%dma_start3A_50 : memref<10240x16xf32, #tpu.memory_space<vmem_shared>>) offsets(%dma_start3A_47 : memref<80xi32, #tpu.memory_space<vmem>>) semaphore(%arg8 : memref<!tpu.dma_semaphore, #tpu.memory_space<semaphore_mem>>) {add = true}
    %dma_start3A_51 = arith.constant 4 : i32
    %dma_start3A_52 = arith.constant 0 : i32
    %dma_start3A_53 = tpu.memref_slice %arg4[%dma_start3A_51, %dma_start3A_52] : memref<128x80xi32, #tpu.memory_space<vmem>> -> memref<1x80xi32, #tpu.memory_space<vmem>>
    %dma_start3A_54 = tpu.memref_squeeze %dma_start3A_53 : memref<1x80xi32, #tpu.memory_space<vmem>> -> memref<80xi32, #tpu.memory_space<vmem>>
    %dma_start3A_55 = arith.constant 0 : i32
    %dma_start3A_56 = arith.constant 0 : i32
    %dma_start3A_57 = tpu.memref_slice %arg7[%dma_start3A_55, %dma_start3A_56] : memref<10240x16xf32, #tpu.memory_space<vmem_shared>> -> memref<10240x16xf32, #tpu.memory_space<vmem_shared>>
    tpu.enqueue_indirect_dma source(%arg5 : memref<80x16xf32, #tpu.memory_space<vmem>>) target(%dma_start3A_57 : memref<10240x16xf32, #tpu.memory_space<vmem_shared>>) offsets(%dma_start3A_54 : memref<80xi32, #tpu.memory_space<vmem>>) semaphore(%arg8 : memref<!tpu.dma_semaphore, #tpu.memory_space<semaphore_mem>>) {add = true}
    %dma_start3A_58 = arith.constant 5 : i32
    %dma_start3A_59 = arith.constant 0 : i32
    %dma_start3A_60 = tpu.memref_slice %arg4[%dma_start3A_58, %dma_start3A_59] : memref<128x80xi32, #tpu.memory_space<vmem>> -> memref<1x80xi32, #tpu.memory_space<vmem>>
    %dma_start3A_61 = tpu.memref_squeeze %dma_start3A_60 : memref<1x80xi32, #tpu.memory_space<vmem>> -> memref<80xi32, #tpu.memory_space<vmem>>
    %dma_start3A_62 = arith.constant 0 : i32
    %dma_start3A_63 = arith.constant 0 : i32
    %dma_start3A_64 = tpu.memref_slice %arg7[%dma_start3A_62, %dma_start3A_63] : memref<10240x16xf32, #tpu.memory_space<vmem_shared>> -> memref<10240x16xf32, #tpu.memory_space<vmem_shared>>
    tpu.enqueue_indirect_dma source(%arg5 : memref<80x16xf32, #tpu.memory_space<vmem>>) target(%dma_start3A_64 : memref<10240x16xf32, #tpu.memory_space<vmem_shared>>) offsets(%dma_start3A_61 : memref<80xi32, #tpu.memory_space<vmem>>) semaphore(%arg8 : memref<!tpu.dma_semaphore, #tpu.memory_space<semaphore_mem>>) {add = true}
    %dma_start3A_65 = arith.constant 6 : i32
    %dma_start3A_66 = arith.constant 0 : i32
    %dma_start3A_67 = tpu.memref_slice %arg4[%dma_start3A_65, %dma_start3A_66] : memref<128x80xi32, #tpu.memory_space<vmem>> -> memref<1x80xi32, #tpu.memory_space<vmem>>
    %dma_start3A_68 = tpu.memref_squeeze %dma_start3A_67 : memref<1x80xi32, #tpu.memory_space<vmem>> -> memref<80xi32, #tpu.memory_space<vmem>>
    %dma_start3A_69 = arith.constant 0 : i32
    %dma_start3A_70 = arith.constant 0 : i32
    %dma_start3A_71 = tpu.memref_slice %arg7[%dma_start3A_69, %dma_start3A_70] : memref<10240x16xf32, #tpu.memory_space<vmem_shared>> -> memref<10240x16xf32, #tpu.memory_space<vmem_shared>>
    tpu.enqueue_indirect_dma source(%arg5 : memref<80x16xf32, #tpu.memory_space<vmem>>) target(%dma_start3A_71 : memref<10240x16xf32, #tpu.memory_space<vmem_shared>>) offsets(%dma_start3A_68 : memref<80xi32, #tpu.memory_space<vmem>>) semaphore(%arg8 : memref<!tpu.dma_semaphore, #tpu.memory_space<semaphore_mem>>) {add = true}
    %dma_start3A_72 = arith.constant 7 : i32
    %dma_start3A_73 = arith.constant 0 : i32
    %dma_start3A_74 = tpu.memref_slice %arg4[%dma_start3A_72, %dma_start3A_73] : memref<128x80xi32, #tpu.memory_space<vmem>> -> memref<1x80xi32, #tpu.memory_space<vmem>>
    %dma_start3A_75 = tpu.memref_squeeze %dma_start3A_74 : memref<1x80xi32, #tpu.memory_space<vmem>> -> memref<80xi32, #tpu.memory_space<vmem>>
    %dma_start3A_76 = arith.constant 0 : i32
    %dma_start3A_77 = arith.constant 0 : i32
    %dma_start3A_78 = tpu.memref_slice %arg7[%dma_start3A_76, %dma_start3A_77] : memref<10240x16xf32, #tpu.memory_space<vmem_shared>> -> memref<10240x16xf32, #tpu.memory_space<vmem_shared>>
    tpu.enqueue_indirect_dma source(%arg5 : memref<80x16xf32, #tpu.memory_space<vmem>>) target(%dma_start3A_78 : memref<10240x16xf32, #tpu.memory_space<vmem_shared>>) offsets(%dma_start3A_75 : memref<80xi32, #tpu.memory_space<vmem>>) semaphore(%arg8 : memref<!tpu.dma_semaphore, #tpu.memory_space<semaphore_mem>>) {add = true}
    %dma_start3A_79 = arith.constant 8 : i32
    %dma_start3A_80 = arith.constant 0 : i32
    %dma_start3A_81 = tpu.memref_slice %arg4[%dma_start3A_79, %dma_start3A_80] : memref<128x80xi32, #tpu.memory_space<vmem>> -> memref<1x80xi32, #tpu.memory_space<vmem>>
    %dma_start3A_82 = tpu.memref_squeeze %dma_start3A_81 : memref<1x80xi32, #tpu.memory_space<vmem>> -> memref<80xi32, #tpu.memory_space<vmem>>
    %dma_start3A_83 = arith.constant 0 : i32
    %dma_start3A_84 = arith.constant 0 : i32
    %dma_start3A_85 = tpu.memref_slice %arg7[%dma_start3A_83, %dma_start3A_84] : memref<10240x16xf32, #tpu.memory_space<vmem_shared>> -> memref<10240x16xf32, #tpu.memory_space<vmem_shared>>
    tpu.enqueue_indirect_dma source(%arg5 : memref<80x16xf32, #tpu.memory_space<vmem>>) target(%dma_start3A_85 : memref<10240x16xf32, #tpu.memory_space<vmem_shared>>) offsets(%dma_start3A_82 : memref<80xi32, #tpu.memory_space<vmem>>) semaphore(%arg8 : memref<!tpu.dma_semaphore, #tpu.memory_space<semaphore_mem>>) {add = true}
    %dma_start3A_86 = arith.constant 9 : i32
    %dma_start3A_87 = arith.constant 0 : i32
    %dma_start3A_88 = tpu.memref_slice %arg4[%dma_start3A_86, %dma_start3A_87] : memref<128x80xi32, #tpu.memory_space<vmem>> -> memref<1x80xi32, #tpu.memory_space<vmem>>
    %dma_start3A_89 = tpu.memref_squeeze %dma_start3A_88 : memref<1x80xi32, #tpu.memory_space<vmem>> -> memref<80xi32, #tpu.memory_space<vmem>>
    %dma_start3A_90 = arith.constant 0 : i32
    %dma_start3A_91 = arith.constant 0 : i32
    %dma_start3A_92 = tpu.memref_slice %arg7[%dma_start3A_90, %dma_start3A_91] : memref<10240x16xf32, #tpu.memory_space<vmem_shared>> -> memref<10240x16xf32, #tpu.memory_space<vmem_shared>>
    tpu.enqueue_indirect_dma source(%arg5 : memref<80x16xf32, #tpu.memory_space<vmem>>) target(%dma_start3A_92 : memref<10240x16xf32, #tpu.memory_space<vmem_shared>>) offsets(%dma_start3A_89 : memref<80xi32, #tpu.memory_space<vmem>>) semaphore(%arg8 : memref<!tpu.dma_semaphore, #tpu.memory_space<semaphore_mem>>) {add = true}
    %dma_start3A_93 = arith.constant 10 : i32
    %dma_start3A_94 = arith.constant 0 : i32
    %dma_start3A_95 = tpu.memref_slice %arg4[%dma_start3A_93, %dma_start3A_94] : memref<128x80xi32, #tpu.memory_space<vmem>> -> memref<1x80xi32, #tpu.memory_space<vmem>>
    %dma_start3A_96 = tpu.memref_squeeze %dma_start3A_95 : memref<1x80xi32, #tpu.memory_space<vmem>> -> memref<80xi32, #tpu.memory_space<vmem>>
    %dma_start3A_97 = arith.constant 0 : i32
    %dma_start3A_98 = arith.constant 0 : i32
    %dma_start3A_99 = tpu.memref_slice %arg7[%dma_start3A_97, %dma_start3A_98] : memref<10240x16xf32, #tpu.memory_space<vmem_shared>> -> memref<10240x16xf32, #tpu.memory_space<vmem_shared>>
    tpu.enqueue_indirect_dma source(%arg5 : memref<80x16xf32, #tpu.memory_space<vmem>>) target(%dma_start3A_99 : memref<10240x16xf32, #tpu.memory_space<vmem_shared>>) offsets(%dma_start3A_96 : memref<80xi32, #tpu.memory_space<vmem>>) semaphore(%arg8 : memref<!tpu.dma_semaphore, #tpu.memory_space<semaphore_mem>>) {add = true}
    %dma_start3A_100 = arith.constant 11 : i32
    %dma_start3A_101 = arith.constant 0 : i32
    %dma_start3A_102 = tpu.memref_slice %arg4[%dma_start3A_100, %dma_start3A_101] : memref<128x80xi32, #tpu.memory_space<vmem>> -> memref<1x80xi32, #tpu.memory_space<vmem>>
    %dma_start3A_103 = tpu.memref_squeeze %dma_start3A_102 : memref<1x80xi32, #tpu.memory_space<vmem>> -> memref<80xi32, #tpu.memory_space<vmem>>
    %dma_start3A_104 = arith.constant 0 : i32
    %dma_start3A_105 = arith.constant 0 : i32
    %dma_start3A_106 = tpu.memref_slice %arg7[%dma_start3A_104, %dma_start3A_105] : memref<10240x16xf32, #tpu.memory_space<vmem_shared>> -> memref<10240x16xf32, #tpu.memory_space<vmem_shared>>
    tpu.enqueue_indirect_dma source(%arg5 : memref<80x16xf32, #tpu.memory_space<vmem>>) target(%dma_start3A_106 : memref<10240x16xf32, #tpu.memory_space<vmem_shared>>) offsets(%dma_start3A_103 : memref<80xi32, #tpu.memory_space<vmem>>) semaphore(%arg8 : memref<!tpu.dma_semaphore, #tpu.memory_space<semaphore_mem>>) {add = true}
    %dma_start3A_107 = arith.constant 12 : i32
    %dma_start3A_108 = arith.constant 0 : i32
    %dma_start3A_109 = tpu.memref_slice %arg4[%dma_start3A_107, %dma_start3A_108] : memref<128x80xi32, #tpu.memory_space<vmem>> -> memref<1x80xi32, #tpu.memory_space<vmem>>
    %dma_start3A_110 = tpu.memref_squeeze %dma_start3A_109 : memref<1x80xi32, #tpu.memory_space<vmem>> -> memref<80xi32, #tpu.memory_space<vmem>>
    %dma_start3A_111 = arith.constant 0 : i32
    %dma_start3A_112 = arith.constant 0 : i32
    %dma_start3A_113 = tpu.memref_slice %arg7[%dma_start3A_111, %dma_start3A_112] : memref<10240x16xf32, #tpu.memory_space<vmem_shared>> -> memref<10240x16xf32, #tpu.memory_space<vmem_shared>>
    tpu.enqueue_indirect_dma source(%arg5 : memref<80x16xf32, #tpu.memory_space<vmem>>) target(%dma_start3A_113 : memref<10240x16xf32, #tpu.memory_space<vmem_shared>>) offsets(%dma_start3A_110 : memref<80xi32, #tpu.memory_space<vmem>>) semaphore(%arg8 : memref<!tpu.dma_semaphore, #tpu.memory_space<semaphore_mem>>) {add = true}
    %dma_start3A_114 = arith.constant 13 : i32
    %dma_start3A_115 = arith.constant 0 : i32
    %dma_start3A_116 = tpu.memref_slice %arg4[%dma_start3A_114, %dma_start3A_115] : memref<128x80xi32, #tpu.memory_space<vmem>> -> memref<1x80xi32, #tpu.memory_space<vmem>>
    %dma_start3A_117 = tpu.memref_squeeze %dma_start3A_116 : memref<1x80xi32, #tpu.memory_space<vmem>> -> memref<80xi32, #tpu.memory_space<vmem>>
    %dma_start3A_118 = arith.constant 0 : i32
    %dma_start3A_119 = arith.constant 0 : i32
    %dma_start3A_120 = tpu.memref_slice %arg7[%dma_start3A_118, %dma_start3A_119] : memref<10240x16xf32, #tpu.memory_space<vmem_shared>> -> memref<10240x16xf32, #tpu.memory_space<vmem_shared>>
    tpu.enqueue_indirect_dma source(%arg5 : memref<80x16xf32, #tpu.memory_space<vmem>>) target(%dma_start3A_120 : memref<10240x16xf32, #tpu.memory_space<vmem_shared>>) offsets(%dma_start3A_117 : memref<80xi32, #tpu.memory_space<vmem>>) semaphore(%arg8 : memref<!tpu.dma_semaphore, #tpu.memory_space<semaphore_mem>>) {add = true}
    %dma_start3A_121 = arith.constant 14 : i32
    %dma_start3A_122 = arith.constant 0 : i32
    %dma_start3A_123 = tpu.memref_slice %arg4[%dma_start3A_121, %dma_start3A_122] : memref<128x80xi32, #tpu.memory_space<vmem>> -> memref<1x80xi32, #tpu.memory_space<vmem>>
    %dma_start3A_124 = tpu.memref_squeeze %dma_start3A_123 : memref<1x80xi32, #tpu.memory_space<vmem>> -> memref<80xi32, #tpu.memory_space<vmem>>
    %dma_start3A_125 = arith.constant 0 : i32
    %dma_start3A_126 = arith.constant 0 : i32
    %dma_start3A_127 = tpu.memref_slice %arg7[%dma_start3A_125, %dma_start3A_126] : memref<10240x16xf32, #tpu.memory_space<vmem_shared>> -> memref<10240x16xf32, #tpu.memory_space<vmem_shared>>
    tpu.enqueue_indirect_dma source(%arg5 : memref<80x16xf32, #tpu.memory_space<vmem>>) target(%dma_start3A_127 : memref<10240x16xf32, #tpu.memory_space<vmem_shared>>) offsets(%dma_start3A_124 : memref<80xi32, #tpu.memory_space<vmem>>) semaphore(%arg8 : memref<!tpu.dma_semaphore, #tpu.memory_space<semaphore_mem>>) {add = true}
    %dma_start3A_128 = arith.constant 15 : i32
    %dma_start3A_129 = arith.constant 0 : i32
    %dma_start3A_130 = tpu.memref_slice %arg4[%dma_start3A_128, %dma_start3A_129] : memref<128x80xi32, #tpu.memory_space<vmem>> -> memref<1x80xi32, #tpu.memory_space<vmem>>
    %dma_start3A_131 = tpu.memref_squeeze %dma_start3A_130 : memref<1x80xi32, #tpu.memory_space<vmem>> -> memref<80xi32, #tpu.memory_space<vmem>>
    %dma_start3A_132 = arith.constant 0 : i32
    %dma_start3A_133 = arith.constant 0 : i32
    %dma_start3A_134 = tpu.memref_slice %arg7[%dma_start3A_132, %dma_start3A_133] : memref<10240x16xf32, #tpu.memory_space<vmem_shared>> -> memref<10240x16xf32, #tpu.memory_space<vmem_shared>>
    tpu.enqueue_indirect_dma source(%arg5 : memref<80x16xf32, #tpu.memory_space<vmem>>) target(%dma_start3A_134 : memref<10240x16xf32, #tpu.memory_space<vmem_shared>>) offsets(%dma_start3A_131 : memref<80xi32, #tpu.memory_space<vmem>>) semaphore(%arg8 : memref<!tpu.dma_semaphore, #tpu.memory_space<semaphore_mem>>) {add = true}
    %dma_start3A_135 = arith.constant 16 : i32
    %dma_start3A_136 = arith.constant 0 : i32
    %dma_start3A_137 = tpu.memref_slice %arg4[%dma_start3A_135, %dma_start3A_136] : memref<128x80xi32, #tpu.memory_space<vmem>> -> memref<1x80xi32, #tpu.memory_space<vmem>>
    %dma_start3A_138 = tpu.memref_squeeze %dma_start3A_137 : memref<1x80xi32, #tpu.memory_space<vmem>> -> memref<80xi32, #tpu.memory_space<vmem>>
    %dma_start3A_139 = arith.constant 0 : i32
    %dma_start3A_140 = arith.constant 0 : i32
    %dma_start3A_141 = tpu.memref_slice %arg7[%dma_start3A_139, %dma_start3A_140] : memref<10240x16xf32, #tpu.memory_space<vmem_shared>> -> memref<10240x16xf32, #tpu.memory_space<vmem_shared>>
    tpu.enqueue_indirect_dma source(%arg5 : memref<80x16xf32, #tpu.memory_space<vmem>>) target(%dma_start3A_141 : memref<10240x16xf32, #tpu.memory_space<vmem_shared>>) offsets(%dma_start3A_138 : memref<80xi32, #tpu.memory_space<vmem>>) semaphore(%arg8 : memref<!tpu.dma_semaphore, #tpu.memory_space<semaphore_mem>>) {add = true}
    %dma_start3A_142 = arith.constant 17 : i32
    %dma_start3A_143 = arith.constant 0 : i32
    %dma_start3A_144 = tpu.memref_slice %arg4[%dma_start3A_142, %dma_start3A_143] : memref<128x80xi32, #tpu.memory_space<vmem>> -> memref<1x80xi32, #tpu.memory_space<vmem>>
    %dma_start3A_145 = tpu.memref_squeeze %dma_start3A_144 : memref<1x80xi32, #tpu.memory_space<vmem>> -> memref<80xi32, #tpu.memory_space<vmem>>
    %dma_start3A_146 = arith.constant 0 : i32
    %dma_start3A_147 = arith.constant 0 : i32
    %dma_start3A_148 = tpu.memref_slice %arg7[%dma_start3A_146, %dma_start3A_147] : memref<10240x16xf32, #tpu.memory_space<vmem_shared>> -> memref<10240x16xf32, #tpu.memory_space<vmem_shared>>
    tpu.enqueue_indirect_dma source(%arg5 : memref<80x16xf32, #tpu.memory_space<vmem>>) target(%dma_start3A_148 : memref<10240x16xf32, #tpu.memory_space<vmem_shared>>) offsets(%dma_start3A_145 : memref<80xi32, #tpu.memory_space<vmem>>) semaphore(%arg8 : memref<!tpu.dma_semaphore, #tpu.memory_space<semaphore_mem>>) {add = true}
    %dma_start3A_149 = arith.constant 18 : i32
    %dma_start3A_150 = arith.constant 0 : i32
    %dma_start3A_151 = tpu.memref_slice %arg4[%dma_start3A_149, %dma_start3A_150] : memref<128x80xi32, #tpu.memory_space<vmem>> -> memref<1x80xi32, #tpu.memory_space<vmem>>
    %dma_start3A_152 = tpu.memref_squeeze %dma_start3A_151 : memref<1x80xi32, #tpu.memory_space<vmem>> -> memref<80xi32, #tpu.memory_space<vmem>>
    %dma_start3A_153 = arith.constant 0 : i32
    %dma_start3A_154 = arith.constant 0 : i32
    %dma_start3A_155 = tpu.memref_slice %arg7[%dma_start3A_153, %dma_start3A_154] : memref<10240x16xf32, #tpu.memory_space<vmem_shared>> -> memref<10240x16xf32, #tpu.memory_space<vmem_shared>>
    tpu.enqueue_indirect_dma source(%arg5 : memref<80x16xf32, #tpu.memory_space<vmem>>) target(%dma_start3A_155 : memref<10240x16xf32, #tpu.memory_space<vmem_shared>>) offsets(%dma_start3A_152 : memref<80xi32, #tpu.memory_space<vmem>>) semaphore(%arg8 : memref<!tpu.dma_semaphore, #tpu.memory_space<semaphore_mem>>) {add = true}
    %dma_start3A_156 = arith.constant 19 : i32
    %dma_start3A_157 = arith.constant 0 : i32
    %dma_start3A_158 = tpu.memref_slice %arg4[%dma_start3A_156, %dma_start3A_157] : memref<128x80xi32, #tpu.memory_space<vmem>> -> memref<1x80xi32, #tpu.memory_space<vmem>>
    %dma_start3A_159 = tpu.memref_squeeze %dma_start3A_158 : memref<1x80xi32, #tpu.memory_space<vmem>> -> memref<80xi32, #tpu.memory_space<vmem>>
    %dma_start3A_160 = arith.constant 0 : i32
    %dma_start3A_161 = arith.constant 0 : i32
    %dma_start3A_162 = tpu.memref_slice %arg7[%dma_start3A_160, %dma_start3A_161] : memref<10240x16xf32, #tpu.memory_space<vmem_shared>> -> memref<10240x16xf32, #tpu.memory_space<vmem_shared>>
    tpu.enqueue_indirect_dma source(%arg5 : memref<80x16xf32, #tpu.memory_space<vmem>>) target(%dma_start3A_162 : memref<10240x16xf32, #tpu.memory_space<vmem_shared>>) offsets(%dma_start3A_159 : memref<80xi32, #tpu.memory_space<vmem>>) semaphore(%arg8 : memref<!tpu.dma_semaphore, #tpu.memory_space<semaphore_mem>>) {add = true}
    %dma_start3A_163 = arith.constant 20 : i32
    %dma_start3A_164 = arith.constant 0 : i32
    %dma_start3A_165 = tpu.memref_slice %arg4[%dma_start3A_163, %dma_start3A_164] : memref<128x80xi32, #tpu.memory_space<vmem>> -> memref<1x80xi32, #tpu.memory_space<vmem>>
    %dma_start3A_166 = tpu.memref_squeeze %dma_start3A_165 : memref<1x80xi32, #tpu.memory_space<vmem>> -> memref<80xi32, #tpu.memory_space<vmem>>
    %dma_start3A_167 = arith.constant 0 : i32
    %dma_start3A_168 = arith.constant 0 : i32
    %dma_start3A_169 = tpu.memref_slice %arg7[%dma_start3A_167, %dma_start3A_168] : memref<10240x16xf32, #tpu.memory_space<vmem_shared>> -> memref<10240x16xf32, #tpu.memory_space<vmem_shared>>
    tpu.enqueue_indirect_dma source(%arg5 : memref<80x16xf32, #tpu.memory_space<vmem>>) target(%dma_start3A_169 : memref<10240x16xf32, #tpu.memory_space<vmem_shared>>) offsets(%dma_start3A_166 : memref<80xi32, #tpu.memory_space<vmem>>) semaphore(%arg8 : memref<!tpu.dma_semaphore, #tpu.memory_space<semaphore_mem>>) {add = true}
    %dma_start3A_170 = arith.constant 21 : i32
    %dma_start3A_171 = arith.constant 0 : i32
    %dma_start3A_172 = tpu.memref_slice %arg4[%dma_start3A_170, %dma_start3A_171] : memref<128x80xi32, #tpu.memory_space<vmem>> -> memref<1x80xi32, #tpu.memory_space<vmem>>
    %dma_start3A_173 = tpu.memref_squeeze %dma_start3A_172 : memref<1x80xi32, #tpu.memory_space<vmem>> -> memref<80xi32, #tpu.memory_space<vmem>>
    %dma_start3A_174 = arith.constant 0 : i32
    %dma_start3A_175 = arith.constant 0 : i32
    %dma_start3A_176 = tpu.memref_slice %arg7[%dma_start3A_174, %dma_start3A_175] : memref<10240x16xf32, #tpu.memory_space<vmem_shared>> -> memref<10240x16xf32, #tpu.memory_space<vmem_shared>>
    tpu.enqueue_indirect_dma source(%arg5 : memref<80x16xf32, #tpu.memory_space<vmem>>) target(%dma_start3A_176 : memref<10240x16xf32, #tpu.memory_space<vmem_shared>>) offsets(%dma_start3A_173 : memref<80xi32, #tpu.memory_space<vmem>>) semaphore(%arg8 : memref<!tpu.dma_semaphore, #tpu.memory_space<semaphore_mem>>) {add = true}
    %dma_start3A_177 = arith.constant 22 : i32
    %dma_start3A_178 = arith.constant 0 : i32
    %dma_start3A_179 = tpu.memref_slice %arg4[%dma_start3A_177, %dma_start3A_178] : memref<128x80xi32, #tpu.memory_space<vmem>> -> memref<1x80xi32, #tpu.memory_space<vmem>>
    %dma_start3A_180 = tpu.memref_squeeze %dma_start3A_179 : memref<1x80xi32, #tpu.memory_space<vmem>> -> memref<80xi32, #tpu.memory_space<vmem>>
    %dma_start3A_181 = arith.constant 0 : i32
    %dma_start3A_182 = arith.constant 0 : i32
    %dma_start3A_183 = tpu.memref_slice %arg7[%dma_start3A_181, %dma_start3A_182] : memref<10240x16xf32, #tpu.memory_space<vmem_shared>> -> memref<10240x16xf32, #tpu.memory_space<vmem_shared>>
    tpu.enqueue_indirect_dma source(%arg5 : memref<80x16xf32, #tpu.memory_space<vmem>>) target(%dma_start3A_183 : memref<10240x16xf32, #tpu.memory_space<vmem_shared>>) offsets(%dma_start3A_180 : memref<80xi32, #tpu.memory_space<vmem>>) semaphore(%arg8 : memref<!tpu.dma_semaphore, #tpu.memory_space<semaphore_mem>>) {add = true}
    %dma_start3A_184 = arith.constant 23 : i32
    %dma_start3A_185 = arith.constant 0 : i32
    %dma_start3A_186 = tpu.memref_slice %arg4[%dma_start3A_184, %dma_start3A_185] : memref<128x80xi32, #tpu.memory_space<vmem>> -> memref<1x80xi32, #tpu.memory_space<vmem>>
    %dma_start3A_187 = tpu.memref_squeeze %dma_start3A_186 : memref<1x80xi32, #tpu.memory_space<vmem>> -> memref<80xi32, #tpu.memory_space<vmem>>
    %dma_start3A_188 = arith.constant 0 : i32
    %dma_start3A_189 = arith.constant 0 : i32
    %dma_start3A_190 = tpu.memref_slice %arg7[%dma_start3A_188, %dma_start3A_189] : memref<10240x16xf32, #tpu.memory_space<vmem_shared>> -> memref<10240x16xf32, #tpu.memory_space<vmem_shared>>
    tpu.enqueue_indirect_dma source(%arg5 : memref<80x16xf32, #tpu.memory_space<vmem>>) target(%dma_start3A_190 : memref<10240x16xf32, #tpu.memory_space<vmem_shared>>) offsets(%dma_start3A_187 : memref<80xi32, #tpu.memory_space<vmem>>) semaphore(%arg8 : memref<!tpu.dma_semaphore, #tpu.memory_space<semaphore_mem>>) {add = true}
    %dma_start3A_191 = arith.constant 24 : i32
    %dma_start3A_192 = arith.constant 0 : i32
    %dma_start3A_193 = tpu.memref_slice %arg4[%dma_start3A_191, %dma_start3A_192] : memref<128x80xi32, #tpu.memory_space<vmem>> -> memref<1x80xi32, #tpu.memory_space<vmem>>
    %dma_start3A_194 = tpu.memref_squeeze %dma_start3A_193 : memref<1x80xi32, #tpu.memory_space<vmem>> -> memref<80xi32, #tpu.memory_space<vmem>>
    %dma_start3A_195 = arith.constant 0 : i32
    %dma_start3A_196 = arith.constant 0 : i32
    %dma_start3A_197 = tpu.memref_slice %arg7[%dma_start3A_195, %dma_start3A_196] : memref<10240x16xf32, #tpu.memory_space<vmem_shared>> -> memref<10240x16xf32, #tpu.memory_space<vmem_shared>>
    tpu.enqueue_indirect_dma source(%arg5 : memref<80x16xf32, #tpu.memory_space<vmem>>) target(%dma_start3A_197 : memref<10240x16xf32, #tpu.memory_space<vmem_shared>>) offsets(%dma_start3A_194 : memref<80xi32, #tpu.memory_space<vmem>>) semaphore(%arg8 : memref<!tpu.dma_semaphore, #tpu.memory_space<semaphore_mem>>) {add = true}
    %dma_wait3A = arith.constant 0 : i32
    %dma_wait3A_198 = arith.constant 0 : i32
    %dma_wait3A_199 = tpu.memref_slice %arg4[%dma_wait3A, %dma_wait3A_198] : memref<128x80xi32, #tpu.memory_space<vmem>> -> memref<1x80xi32, #tpu.memory_space<vmem>>
    %dma_wait3A_200 = tpu.memref_squeeze %dma_wait3A_199 : memref<1x80xi32, #tpu.memory_space<vmem>> -> memref<80xi32, #tpu.memory_space<vmem>>
    %dma_wait3A_201 = arith.constant 0 : i32
    %dma_wait3A_202 = arith.constant 0 : i32
    %dma_wait3A_203 = tpu.memref_slice %arg7[%dma_wait3A_201, %dma_wait3A_202] : memref<10240x16xf32, #tpu.memory_space<vmem_shared>> -> memref<10240x16xf32, #tpu.memory_space<vmem_shared>>
    tpu.wait_indirect_dma semaphore(%arg8 : memref<!tpu.dma_semaphore, #tpu.memory_space<semaphore_mem>>) src(%arg5 : memref<80x16xf32, #tpu.memory_space<vmem>>) dst(%dma_wait3A_203 : memref<10240x16xf32, #tpu.memory_space<vmem_shared>>)
    %dma_wait3A_204 = arith.constant 1 : i32
    %dma_wait3A_205 = arith.constant 0 : i32
    %dma_wait3A_206 = tpu.memref_slice %arg4[%dma_wait3A_204, %dma_wait3A_205] : memref<128x80xi32, #tpu.memory_space<vmem>> -> memref<1x80xi32, #tpu.memory_space<vmem>>
    %dma_wait3A_207 = tpu.memref_squeeze %dma_wait3A_206 : memref<1x80xi32, #tpu.memory_space<vmem>> -> memref<80xi32, #tpu.memory_space<vmem>>
    %dma_wait3A_208 = arith.constant 0 : i32
    %dma_wait3A_209 = arith.constant 0 : i32
    %dma_wait3A_210 = tpu.memref_slice %arg7[%dma_wait3A_208, %dma_wait3A_209] : memref<10240x16xf32, #tpu.memory_space<vmem_shared>> -> memref<10240x16xf32, #tpu.memory_space<vmem_shared>>
    tpu.wait_indirect_dma semaphore(%arg8 : memref<!tpu.dma_semaphore, #tpu.memory_space<semaphore_mem>>) src(%arg5 : memref<80x16xf32, #tpu.memory_space<vmem>>) dst(%dma_wait3A_210 : memref<10240x16xf32, #tpu.memory_space<vmem_shared>>)
    %dma_wait3A_211 = arith.constant 2 : i32
    %dma_wait3A_212 = arith.constant 0 : i32
    %dma_wait3A_213 = tpu.memref_slice %arg4[%dma_wait3A_211, %dma_wait3A_212] : memref<128x80xi32, #tpu.memory_space<vmem>> -> memref<1x80xi32, #tpu.memory_space<vmem>>
    %dma_wait3A_214 = tpu.memref_squeeze %dma_wait3A_213 : memref<1x80xi32, #tpu.memory_space<vmem>> -> memref<80xi32, #tpu.memory_space<vmem>>
    %dma_wait3A_215 = arith.constant 0 : i32
    %dma_wait3A_216 = arith.constant 0 : i32
    %dma_wait3A_217 = tpu.memref_slice %arg7[%dma_wait3A_215, %dma_wait3A_216] : memref<10240x16xf32, #tpu.memory_space<vmem_shared>> -> memref<10240x16xf32, #tpu.memory_space<vmem_shared>>
    tpu.wait_indirect_dma semaphore(%arg8 : memref<!tpu.dma_semaphore, #tpu.memory_space<semaphore_mem>>) src(%arg5 : memref<80x16xf32, #tpu.memory_space<vmem>>) dst(%dma_wait3A_217 : memref<10240x16xf32, #tpu.memory_space<vmem_shared>>)
    %dma_wait3A_218 = arith.constant 3 : i32
    %dma_wait3A_219 = arith.constant 0 : i32
    %dma_wait3A_220 = tpu.memref_slice %arg4[%dma_wait3A_218, %dma_wait3A_219] : memref<128x80xi32, #tpu.memory_space<vmem>> -> memref<1x80xi32, #tpu.memory_space<vmem>>
    %dma_wait3A_221 = tpu.memref_squeeze %dma_wait3A_220 : memref<1x80xi32, #tpu.memory_space<vmem>> -> memref<80xi32, #tpu.memory_space<vmem>>
    %dma_wait3A_222 = arith.constant 0 : i32
    %dma_wait3A_223 = arith.constant 0 : i32
    %dma_wait3A_224 = tpu.memref_slice %arg7[%dma_wait3A_222, %dma_wait3A_223] : memref<10240x16xf32, #tpu.memory_space<vmem_shared>> -> memref<10240x16xf32, #tpu.memory_space<vmem_shared>>
    tpu.wait_indirect_dma semaphore(%arg8 : memref<!tpu.dma_semaphore, #tpu.memory_space<semaphore_mem>>) src(%arg5 : memref<80x16xf32, #tpu.memory_space<vmem>>) dst(%dma_wait3A_224 : memref<10240x16xf32, #tpu.memory_space<vmem_shared>>)
    %dma_wait3A_225 = arith.constant 4 : i32
    %dma_wait3A_226 = arith.constant 0 : i32
    %dma_wait3A_227 = tpu.memref_slice %arg4[%dma_wait3A_225, %dma_wait3A_226] : memref<128x80xi32, #tpu.memory_space<vmem>> -> memref<1x80xi32, #tpu.memory_space<vmem>>
    %dma_wait3A_228 = tpu.memref_squeeze %dma_wait3A_227 : memref<1x80xi32, #tpu.memory_space<vmem>> -> memref<80xi32, #tpu.memory_space<vmem>>
    %dma_wait3A_229 = arith.constant 0 : i32
    %dma_wait3A_230 = arith.constant 0 : i32
    %dma_wait3A_231 = tpu.memref_slice %arg7[%dma_wait3A_229, %dma_wait3A_230] : memref<10240x16xf32, #tpu.memory_space<vmem_shared>> -> memref<10240x16xf32, #tpu.memory_space<vmem_shared>>
    tpu.wait_indirect_dma semaphore(%arg8 : memref<!tpu.dma_semaphore, #tpu.memory_space<semaphore_mem>>) src(%arg5 : memref<80x16xf32, #tpu.memory_space<vmem>>) dst(%dma_wait3A_231 : memref<10240x16xf32, #tpu.memory_space<vmem_shared>>)
    %dma_wait3A_232 = arith.constant 5 : i32
    %dma_wait3A_233 = arith.constant 0 : i32
    %dma_wait3A_234 = tpu.memref_slice %arg4[%dma_wait3A_232, %dma_wait3A_233] : memref<128x80xi32, #tpu.memory_space<vmem>> -> memref<1x80xi32, #tpu.memory_space<vmem>>
    %dma_wait3A_235 = tpu.memref_squeeze %dma_wait3A_234 : memref<1x80xi32, #tpu.memory_space<vmem>> -> memref<80xi32, #tpu.memory_space<vmem>>
    %dma_wait3A_236 = arith.constant 0 : i32
    %dma_wait3A_237 = arith.constant 0 : i32
    %dma_wait3A_238 = tpu.memref_slice %arg7[%dma_wait3A_236, %dma_wait3A_237] : memref<10240x16xf32, #tpu.memory_space<vmem_shared>> -> memref<10240x16xf32, #tpu.memory_space<vmem_shared>>
    tpu.wait_indirect_dma semaphore(%arg8 : memref<!tpu.dma_semaphore, #tpu.memory_space<semaphore_mem>>) src(%arg5 : memref<80x16xf32, #tpu.memory_space<vmem>>) dst(%dma_wait3A_238 : memref<10240x16xf32, #tpu.memory_space<vmem_shared>>)
    %dma_wait3A_239 = arith.constant 6 : i32
    %dma_wait3A_240 = arith.constant 0 : i32
    %dma_wait3A_241 = tpu.memref_slice %arg4[%dma_wait3A_239, %dma_wait3A_240] : memref<128x80xi32, #tpu.memory_space<vmem>> -> memref<1x80xi32, #tpu.memory_space<vmem>>
    %dma_wait3A_242 = tpu.memref_squeeze %dma_wait3A_241 : memref<1x80xi32, #tpu.memory_space<vmem>> -> memref<80xi32, #tpu.memory_space<vmem>>
    %dma_wait3A_243 = arith.constant 0 : i32
    %dma_wait3A_244 = arith.constant 0 : i32
    %dma_wait3A_245 = tpu.memref_slice %arg7[%dma_wait3A_243, %dma_wait3A_244] : memref<10240x16xf32, #tpu.memory_space<vmem_shared>> -> memref<10240x16xf32, #tpu.memory_space<vmem_shared>>
    tpu.wait_indirect_dma semaphore(%arg8 : memref<!tpu.dma_semaphore, #tpu.memory_space<semaphore_mem>>) src(%arg5 : memref<80x16xf32, #tpu.memory_space<vmem>>) dst(%dma_wait3A_245 : memref<10240x16xf32, #tpu.memory_space<vmem_shared>>)
    %dma_wait3A_246 = arith.constant 7 : i32
    %dma_wait3A_247 = arith.constant 0 : i32
    %dma_wait3A_248 = tpu.memref_slice %arg4[%dma_wait3A_246, %dma_wait3A_247] : memref<128x80xi32, #tpu.memory_space<vmem>> -> memref<1x80xi32, #tpu.memory_space<vmem>>
    %dma_wait3A_249 = tpu.memref_squeeze %dma_wait3A_248 : memref<1x80xi32, #tpu.memory_space<vmem>> -> memref<80xi32, #tpu.memory_space<vmem>>
    %dma_wait3A_250 = arith.constant 0 : i32
    %dma_wait3A_251 = arith.constant 0 : i32
    %dma_wait3A_252 = tpu.memref_slice %arg7[%dma_wait3A_250, %dma_wait3A_251] : memref<10240x16xf32, #tpu.memory_space<vmem_shared>> -> memref<10240x16xf32, #tpu.memory_space<vmem_shared>>
    tpu.wait_indirect_dma semaphore(%arg8 : memref<!tpu.dma_semaphore, #tpu.memory_space<semaphore_mem>>) src(%arg5 : memref<80x16xf32, #tpu.memory_space<vmem>>) dst(%dma_wait3A_252 : memref<10240x16xf32, #tpu.memory_space<vmem_shared>>)
    %dma_wait3A_253 = arith.constant 8 : i32
    %dma_wait3A_254 = arith.constant 0 : i32
    %dma_wait3A_255 = tpu.memref_slice %arg4[%dma_wait3A_253, %dma_wait3A_254] : memref<128x80xi32, #tpu.memory_space<vmem>> -> memref<1x80xi32, #tpu.memory_space<vmem>>
    %dma_wait3A_256 = tpu.memref_squeeze %dma_wait3A_255 : memref<1x80xi32, #tpu.memory_space<vmem>> -> memref<80xi32, #tpu.memory_space<vmem>>
    %dma_wait3A_257 = arith.constant 0 : i32
    %dma_wait3A_258 = arith.constant 0 : i32
    %dma_wait3A_259 = tpu.memref_slice %arg7[%dma_wait3A_257, %dma_wait3A_258] : memref<10240x16xf32, #tpu.memory_space<vmem_shared>> -> memref<10240x16xf32, #tpu.memory_space<vmem_shared>>
    tpu.wait_indirect_dma semaphore(%arg8 : memref<!tpu.dma_semaphore, #tpu.memory_space<semaphore_mem>>) src(%arg5 : memref<80x16xf32, #tpu.memory_space<vmem>>) dst(%dma_wait3A_259 : memref<10240x16xf32, #tpu.memory_space<vmem_shared>>)
    %dma_wait3A_260 = arith.constant 9 : i32
    %dma_wait3A_261 = arith.constant 0 : i32
    %dma_wait3A_262 = tpu.memref_slice %arg4[%dma_wait3A_260, %dma_wait3A_261] : memref<128x80xi32, #tpu.memory_space<vmem>> -> memref<1x80xi32, #tpu.memory_space<vmem>>
    %dma_wait3A_263 = tpu.memref_squeeze %dma_wait3A_262 : memref<1x80xi32, #tpu.memory_space<vmem>> -> memref<80xi32, #tpu.memory_space<vmem>>
    %dma_wait3A_264 = arith.constant 0 : i32
    %dma_wait3A_265 = arith.constant 0 : i32
    %dma_wait3A_266 = tpu.memref_slice %arg7[%dma_wait3A_264, %dma_wait3A_265] : memref<10240x16xf32, #tpu.memory_space<vmem_shared>> -> memref<10240x16xf32, #tpu.memory_space<vmem_shared>>
    tpu.wait_indirect_dma semaphore(%arg8 : memref<!tpu.dma_semaphore, #tpu.memory_space<semaphore_mem>>) src(%arg5 : memref<80x16xf32, #tpu.memory_space<vmem>>) dst(%dma_wait3A_266 : memref<10240x16xf32, #tpu.memory_space<vmem_shared>>)
    %dma_wait3A_267 = arith.constant 10 : i32
    %dma_wait3A_268 = arith.constant 0 : i32
    %dma_wait3A_269 = tpu.memref_slice %arg4[%dma_wait3A_267, %dma_wait3A_268] : memref<128x80xi32, #tpu.memory_space<vmem>> -> memref<1x80xi32, #tpu.memory_space<vmem>>
    %dma_wait3A_270 = tpu.memref_squeeze %dma_wait3A_269 : memref<1x80xi32, #tpu.memory_space<vmem>> -> memref<80xi32, #tpu.memory_space<vmem>>
    %dma_wait3A_271 = arith.constant 0 : i32
    %dma_wait3A_272 = arith.constant 0 : i32
    %dma_wait3A_273 = tpu.memref_slice %arg7[%dma_wait3A_271, %dma_wait3A_272] : memref<10240x16xf32, #tpu.memory_space<vmem_shared>> -> memref<10240x16xf32, #tpu.memory_space<vmem_shared>>
    tpu.wait_indirect_dma semaphore(%arg8 : memref<!tpu.dma_semaphore, #tpu.memory_space<semaphore_mem>>) src(%arg5 : memref<80x16xf32, #tpu.memory_space<vmem>>) dst(%dma_wait3A_273 : memref<10240x16xf32, #tpu.memory_space<vmem_shared>>)
    %dma_wait3A_274 = arith.constant 11 : i32
    %dma_wait3A_275 = arith.constant 0 : i32
    %dma_wait3A_276 = tpu.memref_slice %arg4[%dma_wait3A_274, %dma_wait3A_275] : memref<128x80xi32, #tpu.memory_space<vmem>> -> memref<1x80xi32, #tpu.memory_space<vmem>>
    %dma_wait3A_277 = tpu.memref_squeeze %dma_wait3A_276 : memref<1x80xi32, #tpu.memory_space<vmem>> -> memref<80xi32, #tpu.memory_space<vmem>>
    %dma_wait3A_278 = arith.constant 0 : i32
    %dma_wait3A_279 = arith.constant 0 : i32
    %dma_wait3A_280 = tpu.memref_slice %arg7[%dma_wait3A_278, %dma_wait3A_279] : memref<10240x16xf32, #tpu.memory_space<vmem_shared>> -> memref<10240x16xf32, #tpu.memory_space<vmem_shared>>
    tpu.wait_indirect_dma semaphore(%arg8 : memref<!tpu.dma_semaphore, #tpu.memory_space<semaphore_mem>>) src(%arg5 : memref<80x16xf32, #tpu.memory_space<vmem>>) dst(%dma_wait3A_280 : memref<10240x16xf32, #tpu.memory_space<vmem_shared>>)
    %dma_wait3A_281 = arith.constant 12 : i32
    %dma_wait3A_282 = arith.constant 0 : i32
    %dma_wait3A_283 = tpu.memref_slice %arg4[%dma_wait3A_281, %dma_wait3A_282] : memref<128x80xi32, #tpu.memory_space<vmem>> -> memref<1x80xi32, #tpu.memory_space<vmem>>
    %dma_wait3A_284 = tpu.memref_squeeze %dma_wait3A_283 : memref<1x80xi32, #tpu.memory_space<vmem>> -> memref<80xi32, #tpu.memory_space<vmem>>
    %dma_wait3A_285 = arith.constant 0 : i32
    %dma_wait3A_286 = arith.constant 0 : i32
    %dma_wait3A_287 = tpu.memref_slice %arg7[%dma_wait3A_285, %dma_wait3A_286] : memref<10240x16xf32, #tpu.memory_space<vmem_shared>> -> memref<10240x16xf32, #tpu.memory_space<vmem_shared>>
    tpu.wait_indirect_dma semaphore(%arg8 : memref<!tpu.dma_semaphore, #tpu.memory_space<semaphore_mem>>) src(%arg5 : memref<80x16xf32, #tpu.memory_space<vmem>>) dst(%dma_wait3A_287 : memref<10240x16xf32, #tpu.memory_space<vmem_shared>>)
    %dma_wait3A_288 = arith.constant 13 : i32
    %dma_wait3A_289 = arith.constant 0 : i32
    %dma_wait3A_290 = tpu.memref_slice %arg4[%dma_wait3A_288, %dma_wait3A_289] : memref<128x80xi32, #tpu.memory_space<vmem>> -> memref<1x80xi32, #tpu.memory_space<vmem>>
    %dma_wait3A_291 = tpu.memref_squeeze %dma_wait3A_290 : memref<1x80xi32, #tpu.memory_space<vmem>> -> memref<80xi32, #tpu.memory_space<vmem>>
    %dma_wait3A_292 = arith.constant 0 : i32
    %dma_wait3A_293 = arith.constant 0 : i32
    %dma_wait3A_294 = tpu.memref_slice %arg7[%dma_wait3A_292, %dma_wait3A_293] : memref<10240x16xf32, #tpu.memory_space<vmem_shared>> -> memref<10240x16xf32, #tpu.memory_space<vmem_shared>>
    tpu.wait_indirect_dma semaphore(%arg8 : memref<!tpu.dma_semaphore, #tpu.memory_space<semaphore_mem>>) src(%arg5 : memref<80x16xf32, #tpu.memory_space<vmem>>) dst(%dma_wait3A_294 : memref<10240x16xf32, #tpu.memory_space<vmem_shared>>)
    %dma_wait3A_295 = arith.constant 14 : i32
    %dma_wait3A_296 = arith.constant 0 : i32
    %dma_wait3A_297 = tpu.memref_slice %arg4[%dma_wait3A_295, %dma_wait3A_296] : memref<128x80xi32, #tpu.memory_space<vmem>> -> memref<1x80xi32, #tpu.memory_space<vmem>>
    %dma_wait3A_298 = tpu.memref_squeeze %dma_wait3A_297 : memref<1x80xi32, #tpu.memory_space<vmem>> -> memref<80xi32, #tpu.memory_space<vmem>>
    %dma_wait3A_299 = arith.constant 0 : i32
    %dma_wait3A_300 = arith.constant 0 : i32
    %dma_wait3A_301 = tpu.memref_slice %arg7[%dma_wait3A_299, %dma_wait3A_300] : memref<10240x16xf32, #tpu.memory_space<vmem_shared>> -> memref<10240x16xf32, #tpu.memory_space<vmem_shared>>
    tpu.wait_indirect_dma semaphore(%arg8 : memref<!tpu.dma_semaphore, #tpu.memory_space<semaphore_mem>>) src(%arg5 : memref<80x16xf32, #tpu.memory_space<vmem>>) dst(%dma_wait3A_301 : memref<10240x16xf32, #tpu.memory_space<vmem_shared>>)
    %dma_wait3A_302 = arith.constant 15 : i32
    %dma_wait3A_303 = arith.constant 0 : i32
    %dma_wait3A_304 = tpu.memref_slice %arg4[%dma_wait3A_302, %dma_wait3A_303] : memref<128x80xi32, #tpu.memory_space<vmem>> -> memref<1x80xi32, #tpu.memory_space<vmem>>
    %dma_wait3A_305 = tpu.memref_squeeze %dma_wait3A_304 : memref<1x80xi32, #tpu.memory_space<vmem>> -> memref<80xi32, #tpu.memory_space<vmem>>
    %dma_wait3A_306 = arith.constant 0 : i32
    %dma_wait3A_307 = arith.constant 0 : i32
    %dma_wait3A_308 = tpu.memref_slice %arg7[%dma_wait3A_306, %dma_wait3A_307] : memref<10240x16xf32, #tpu.memory_space<vmem_shared>> -> memref<10240x16xf32, #tpu.memory_space<vmem_shared>>
    tpu.wait_indirect_dma semaphore(%arg8 : memref<!tpu.dma_semaphore, #tpu.memory_space<semaphore_mem>>) src(%arg5 : memref<80x16xf32, #tpu.memory_space<vmem>>) dst(%dma_wait3A_308 : memref<10240x16xf32, #tpu.memory_space<vmem_shared>>)
    %dma_wait3A_309 = arith.constant 16 : i32
    %dma_wait3A_310 = arith.constant 0 : i32
    %dma_wait3A_311 = tpu.memref_slice %arg4[%dma_wait3A_309, %dma_wait3A_310] : memref<128x80xi32, #tpu.memory_space<vmem>> -> memref<1x80xi32, #tpu.memory_space<vmem>>
    %dma_wait3A_312 = tpu.memref_squeeze %dma_wait3A_311 : memref<1x80xi32, #tpu.memory_space<vmem>> -> memref<80xi32, #tpu.memory_space<vmem>>
    %dma_wait3A_313 = arith.constant 0 : i32
    %dma_wait3A_314 = arith.constant 0 : i32
    %dma_wait3A_315 = tpu.memref_slice %arg7[%dma_wait3A_313, %dma_wait3A_314] : memref<10240x16xf32, #tpu.memory_space<vmem_shared>> -> memref<10240x16xf32, #tpu.memory_space<vmem_shared>>
    tpu.wait_indirect_dma semaphore(%arg8 : memref<!tpu.dma_semaphore, #tpu.memory_space<semaphore_mem>>) src(%arg5 : memref<80x16xf32, #tpu.memory_space<vmem>>) dst(%dma_wait3A_315 : memref<10240x16xf32, #tpu.memory_space<vmem_shared>>)
    %dma_wait3A_316 = arith.constant 17 : i32
    %dma_wait3A_317 = arith.constant 0 : i32
    %dma_wait3A_318 = tpu.memref_slice %arg4[%dma_wait3A_316, %dma_wait3A_317] : memref<128x80xi32, #tpu.memory_space<vmem>> -> memref<1x80xi32, #tpu.memory_space<vmem>>
    %dma_wait3A_319 = tpu.memref_squeeze %dma_wait3A_318 : memref<1x80xi32, #tpu.memory_space<vmem>> -> memref<80xi32, #tpu.memory_space<vmem>>
    %dma_wait3A_320 = arith.constant 0 : i32
    %dma_wait3A_321 = arith.constant 0 : i32
    %dma_wait3A_322 = tpu.memref_slice %arg7[%dma_wait3A_320, %dma_wait3A_321] : memref<10240x16xf32, #tpu.memory_space<vmem_shared>> -> memref<10240x16xf32, #tpu.memory_space<vmem_shared>>
    tpu.wait_indirect_dma semaphore(%arg8 : memref<!tpu.dma_semaphore, #tpu.memory_space<semaphore_mem>>) src(%arg5 : memref<80x16xf32, #tpu.memory_space<vmem>>) dst(%dma_wait3A_322 : memref<10240x16xf32, #tpu.memory_space<vmem_shared>>)
    %dma_wait3A_323 = arith.constant 18 : i32
    %dma_wait3A_324 = arith.constant 0 : i32
    %dma_wait3A_325 = tpu.memref_slice %arg4[%dma_wait3A_323, %dma_wait3A_324] : memref<128x80xi32, #tpu.memory_space<vmem>> -> memref<1x80xi32, #tpu.memory_space<vmem>>
    %dma_wait3A_326 = tpu.memref_squeeze %dma_wait3A_325 : memref<1x80xi32, #tpu.memory_space<vmem>> -> memref<80xi32, #tpu.memory_space<vmem>>
    %dma_wait3A_327 = arith.constant 0 : i32
    %dma_wait3A_328 = arith.constant 0 : i32
    %dma_wait3A_329 = tpu.memref_slice %arg7[%dma_wait3A_327, %dma_wait3A_328] : memref<10240x16xf32, #tpu.memory_space<vmem_shared>> -> memref<10240x16xf32, #tpu.memory_space<vmem_shared>>
    tpu.wait_indirect_dma semaphore(%arg8 : memref<!tpu.dma_semaphore, #tpu.memory_space<semaphore_mem>>) src(%arg5 : memref<80x16xf32, #tpu.memory_space<vmem>>) dst(%dma_wait3A_329 : memref<10240x16xf32, #tpu.memory_space<vmem_shared>>)
    %dma_wait3A_330 = arith.constant 19 : i32
    %dma_wait3A_331 = arith.constant 0 : i32
    %dma_wait3A_332 = tpu.memref_slice %arg4[%dma_wait3A_330, %dma_wait3A_331] : memref<128x80xi32, #tpu.memory_space<vmem>> -> memref<1x80xi32, #tpu.memory_space<vmem>>
    %dma_wait3A_333 = tpu.memref_squeeze %dma_wait3A_332 : memref<1x80xi32, #tpu.memory_space<vmem>> -> memref<80xi32, #tpu.memory_space<vmem>>
    %dma_wait3A_334 = arith.constant 0 : i32
    %dma_wait3A_335 = arith.constant 0 : i32
    %dma_wait3A_336 = tpu.memref_slice %arg7[%dma_wait3A_334, %dma_wait3A_335] : memref<10240x16xf32, #tpu.memory_space<vmem_shared>> -> memref<10240x16xf32, #tpu.memory_space<vmem_shared>>
    tpu.wait_indirect_dma semaphore(%arg8 : memref<!tpu.dma_semaphore, #tpu.memory_space<semaphore_mem>>) src(%arg5 : memref<80x16xf32, #tpu.memory_space<vmem>>) dst(%dma_wait3A_336 : memref<10240x16xf32, #tpu.memory_space<vmem_shared>>)
    %dma_wait3A_337 = arith.constant 20 : i32
    %dma_wait3A_338 = arith.constant 0 : i32
    %dma_wait3A_339 = tpu.memref_slice %arg4[%dma_wait3A_337, %dma_wait3A_338] : memref<128x80xi32, #tpu.memory_space<vmem>> -> memref<1x80xi32, #tpu.memory_space<vmem>>
    %dma_wait3A_340 = tpu.memref_squeeze %dma_wait3A_339 : memref<1x80xi32, #tpu.memory_space<vmem>> -> memref<80xi32, #tpu.memory_space<vmem>>
    %dma_wait3A_341 = arith.constant 0 : i32
    %dma_wait3A_342 = arith.constant 0 : i32
    %dma_wait3A_343 = tpu.memref_slice %arg7[%dma_wait3A_341, %dma_wait3A_342] : memref<10240x16xf32, #tpu.memory_space<vmem_shared>> -> memref<10240x16xf32, #tpu.memory_space<vmem_shared>>
    tpu.wait_indirect_dma semaphore(%arg8 : memref<!tpu.dma_semaphore, #tpu.memory_space<semaphore_mem>>) src(%arg5 : memref<80x16xf32, #tpu.memory_space<vmem>>) dst(%dma_wait3A_343 : memref<10240x16xf32, #tpu.memory_space<vmem_shared>>)
    %dma_wait3A_344 = arith.constant 21 : i32
    %dma_wait3A_345 = arith.constant 0 : i32
    %dma_wait3A_346 = tpu.memref_slice %arg4[%dma_wait3A_344, %dma_wait3A_345] : memref<128x80xi32, #tpu.memory_space<vmem>> -> memref<1x80xi32, #tpu.memory_space<vmem>>
    %dma_wait3A_347 = tpu.memref_squeeze %dma_wait3A_346 : memref<1x80xi32, #tpu.memory_space<vmem>> -> memref<80xi32, #tpu.memory_space<vmem>>
    %dma_wait3A_348 = arith.constant 0 : i32
    %dma_wait3A_349 = arith.constant 0 : i32
    %dma_wait3A_350 = tpu.memref_slice %arg7[%dma_wait3A_348, %dma_wait3A_349] : memref<10240x16xf32, #tpu.memory_space<vmem_shared>> -> memref<10240x16xf32, #tpu.memory_space<vmem_shared>>
    tpu.wait_indirect_dma semaphore(%arg8 : memref<!tpu.dma_semaphore, #tpu.memory_space<semaphore_mem>>) src(%arg5 : memref<80x16xf32, #tpu.memory_space<vmem>>) dst(%dma_wait3A_350 : memref<10240x16xf32, #tpu.memory_space<vmem_shared>>)
    %dma_wait3A_351 = arith.constant 22 : i32
    %dma_wait3A_352 = arith.constant 0 : i32
    %dma_wait3A_353 = tpu.memref_slice %arg4[%dma_wait3A_351, %dma_wait3A_352] : memref<128x80xi32, #tpu.memory_space<vmem>> -> memref<1x80xi32, #tpu.memory_space<vmem>>
    %dma_wait3A_354 = tpu.memref_squeeze %dma_wait3A_353 : memref<1x80xi32, #tpu.memory_space<vmem>> -> memref<80xi32, #tpu.memory_space<vmem>>
    %dma_wait3A_355 = arith.constant 0 : i32
    %dma_wait3A_356 = arith.constant 0 : i32
    %dma_wait3A_357 = tpu.memref_slice %arg7[%dma_wait3A_355, %dma_wait3A_356] : memref<10240x16xf32, #tpu.memory_space<vmem_shared>> -> memref<10240x16xf32, #tpu.memory_space<vmem_shared>>
    tpu.wait_indirect_dma semaphore(%arg8 : memref<!tpu.dma_semaphore, #tpu.memory_space<semaphore_mem>>) src(%arg5 : memref<80x16xf32, #tpu.memory_space<vmem>>) dst(%dma_wait3A_357 : memref<10240x16xf32, #tpu.memory_space<vmem_shared>>)
    %dma_wait3A_358 = arith.constant 23 : i32
    %dma_wait3A_359 = arith.constant 0 : i32
    %dma_wait3A_360 = tpu.memref_slice %arg4[%dma_wait3A_358, %dma_wait3A_359] : memref<128x80xi32, #tpu.memory_space<vmem>> -> memref<1x80xi32, #tpu.memory_space<vmem>>
    %dma_wait3A_361 = tpu.memref_squeeze %dma_wait3A_360 : memref<1x80xi32, #tpu.memory_space<vmem>> -> memref<80xi32, #tpu.memory_space<vmem>>
    %dma_wait3A_362 = arith.constant 0 : i32
    %dma_wait3A_363 = arith.constant 0 : i32
    %dma_wait3A_364 = tpu.memref_slice %arg7[%dma_wait3A_362, %dma_wait3A_363] : memref<10240x16xf32, #tpu.memory_space<vmem_shared>> -> memref<10240x16xf32, #tpu.memory_space<vmem_shared>>
    tpu.wait_indirect_dma semaphore(%arg8 : memref<!tpu.dma_semaphore, #tpu.memory_space<semaphore_mem>>) src(%arg5 : memref<80x16xf32, #tpu.memory_space<vmem>>) dst(%dma_wait3A_364 : memref<10240x16xf32, #tpu.memory_space<vmem_shared>>)
    %dma_wait3A_365 = arith.constant 24 : i32
    %dma_wait3A_366 = arith.constant 0 : i32
    %dma_wait3A_367 = tpu.memref_slice %arg4[%dma_wait3A_365, %dma_wait3A_366] : memref<128x80xi32, #tpu.memory_space<vmem>> -> memref<1x80xi32, #tpu.memory_space<vmem>>
    %dma_wait3A_368 = tpu.memref_squeeze %dma_wait3A_367 : memref<1x80xi32, #tpu.memory_space<vmem>> -> memref<80xi32, #tpu.memory_space<vmem>>
    %dma_wait3A_369 = arith.constant 0 : i32
    %dma_wait3A_370 = arith.constant 0 : i32
    %dma_wait3A_371 = tpu.memref_slice %arg7[%dma_wait3A_369, %dma_wait3A_370] : memref<10240x16xf32, #tpu.memory_space<vmem_shared>> -> memref<10240x16xf32, #tpu.memory_space<vmem_shared>>
    tpu.wait_indirect_dma semaphore(%arg8 : memref<!tpu.dma_semaphore, #tpu.memory_space<semaphore_mem>>) src(%arg5 : memref<80x16xf32, #tpu.memory_space<vmem>>) dst(%dma_wait3A_371 : memref<10240x16xf32, #tpu.memory_space<vmem_shared>>)
    %dma_start3A_372 = arith.constant 25 : i32
    %dma_start3A_373 = arith.constant 0 : i32
    %dma_start3A_374 = tpu.memref_slice %arg4[%dma_start3A_372, %dma_start3A_373] : memref<128x80xi32, #tpu.memory_space<vmem>> -> memref<1x80xi32, #tpu.memory_space<vmem>>
    %dma_start3A_375 = tpu.memref_squeeze %dma_start3A_374 : memref<1x80xi32, #tpu.memory_space<vmem>> -> memref<80xi32, #tpu.memory_space<vmem>>
    %dma_start3A_376 = arith.constant 0 : i32
    %dma_start3A_377 = arith.constant 0 : i32
    %dma_start3A_378 = tpu.memref_slice %arg7[%dma_start3A_376, %dma_start3A_377] : memref<10240x16xf32, #tpu.memory_space<vmem_shared>> -> memref<10240x16xf32, #tpu.memory_space<vmem_shared>>
    tpu.enqueue_indirect_dma source(%arg5 : memref<80x16xf32, #tpu.memory_space<vmem>>) target(%dma_start3A_378 : memref<10240x16xf32, #tpu.memory_space<vmem_shared>>) offsets(%dma_start3A_375 : memref<80xi32, #tpu.memory_space<vmem>>) semaphore(%arg8 : memref<!tpu.dma_semaphore, #tpu.memory_space<semaphore_mem>>) {add = true}
    %dma_start3A_379 = arith.constant 26 : i32
    %dma_start3A_380 = arith.constant 0 : i32
    %dma_start3A_381 = tpu.memref_slice %arg4[%dma_start3A_379, %dma_start3A_380] : memref<128x80xi32, #tpu.memory_space<vmem>> -> memref<1x80xi32, #tpu.memory_space<vmem>>
    %dma_start3A_382 = tpu.memref_squeeze %dma_start3A_381 : memref<1x80xi32, #tpu.memory_space<vmem>> -> memref<80xi32, #tpu.memory_space<vmem>>
    %dma_start3A_383 = arith.constant 0 : i32
    %dma_start3A_384 = arith.constant 0 : i32
    %dma_start3A_385 = tpu.memref_slice %arg7[%dma_start3A_383, %dma_start3A_384] : memref<10240x16xf32, #tpu.memory_space<vmem_shared>> -> memref<10240x16xf32, #tpu.memory_space<vmem_shared>>
    tpu.enqueue_indirect_dma source(%arg5 : memref<80x16xf32, #tpu.memory_space<vmem>>) target(%dma_start3A_385 : memref<10240x16xf32, #tpu.memory_space<vmem_shared>>) offsets(%dma_start3A_382 : memref<80xi32, #tpu.memory_space<vmem>>) semaphore(%arg8 : memref<!tpu.dma_semaphore, #tpu.memory_space<semaphore_mem>>) {add = true}
    %dma_start3A_386 = arith.constant 27 : i32
    %dma_start3A_387 = arith.constant 0 : i32
    %dma_start3A_388 = tpu.memref_slice %arg4[%dma_start3A_386, %dma_start3A_387] : memref<128x80xi32, #tpu.memory_space<vmem>> -> memref<1x80xi32, #tpu.memory_space<vmem>>
    %dma_start3A_389 = tpu.memref_squeeze %dma_start3A_388 : memref<1x80xi32, #tpu.memory_space<vmem>> -> memref<80xi32, #tpu.memory_space<vmem>>
    %dma_start3A_390 = arith.constant 0 : i32
    %dma_start3A_391 = arith.constant 0 : i32
    %dma_start3A_392 = tpu.memref_slice %arg7[%dma_start3A_390, %dma_start3A_391] : memref<10240x16xf32, #tpu.memory_space<vmem_shared>> -> memref<10240x16xf32, #tpu.memory_space<vmem_shared>>
    tpu.enqueue_indirect_dma source(%arg5 : memref<80x16xf32, #tpu.memory_space<vmem>>) target(%dma_start3A_392 : memref<10240x16xf32, #tpu.memory_space<vmem_shared>>) offsets(%dma_start3A_389 : memref<80xi32, #tpu.memory_space<vmem>>) semaphore(%arg8 : memref<!tpu.dma_semaphore, #tpu.memory_space<semaphore_mem>>) {add = true}
    %dma_start3A_393 = arith.constant 28 : i32
    %dma_start3A_394 = arith.constant 0 : i32
    %dma_start3A_395 = tpu.memref_slice %arg4[%dma_start3A_393, %dma_start3A_394] : memref<128x80xi32, #tpu.memory_space<vmem>> -> memref<1x80xi32, #tpu.memory_space<vmem>>
    %dma_start3A_396 = tpu.memref_squeeze %dma_start3A_395 : memref<1x80xi32, #tpu.memory_space<vmem>> -> memref<80xi32, #tpu.memory_space<vmem>>
    %dma_start3A_397 = arith.constant 0 : i32
    %dma_start3A_398 = arith.constant 0 : i32
    %dma_start3A_399 = tpu.memref_slice %arg7[%dma_start3A_397, %dma_start3A_398] : memref<10240x16xf32, #tpu.memory_space<vmem_shared>> -> memref<10240x16xf32, #tpu.memory_space<vmem_shared>>
    tpu.enqueue_indirect_dma source(%arg5 : memref<80x16xf32, #tpu.memory_space<vmem>>) target(%dma_start3A_399 : memref<10240x16xf32, #tpu.memory_space<vmem_shared>>) offsets(%dma_start3A_396 : memref<80xi32, #tpu.memory_space<vmem>>) semaphore(%arg8 : memref<!tpu.dma_semaphore, #tpu.memory_space<semaphore_mem>>) {add = true}
    %dma_start3A_400 = arith.constant 29 : i32
    %dma_start3A_401 = arith.constant 0 : i32
    %dma_start3A_402 = tpu.memref_slice %arg4[%dma_start3A_400, %dma_start3A_401] : memref<128x80xi32, #tpu.memory_space<vmem>> -> memref<1x80xi32, #tpu.memory_space<vmem>>
    %dma_start3A_403 = tpu.memref_squeeze %dma_start3A_402 : memref<1x80xi32, #tpu.memory_space<vmem>> -> memref<80xi32, #tpu.memory_space<vmem>>
    %dma_start3A_404 = arith.constant 0 : i32
    %dma_start3A_405 = arith.constant 0 : i32
    %dma_start3A_406 = tpu.memref_slice %arg7[%dma_start3A_404, %dma_start3A_405] : memref<10240x16xf32, #tpu.memory_space<vmem_shared>> -> memref<10240x16xf32, #tpu.memory_space<vmem_shared>>
    tpu.enqueue_indirect_dma source(%arg5 : memref<80x16xf32, #tpu.memory_space<vmem>>) target(%dma_start3A_406 : memref<10240x16xf32, #tpu.memory_space<vmem_shared>>) offsets(%dma_start3A_403 : memref<80xi32, #tpu.memory_space<vmem>>) semaphore(%arg8 : memref<!tpu.dma_semaphore, #tpu.memory_space<semaphore_mem>>) {add = true}
    %dma_start3A_407 = arith.constant 30 : i32
    %dma_start3A_408 = arith.constant 0 : i32
    %dma_start3A_409 = tpu.memref_slice %arg4[%dma_start3A_407, %dma_start3A_408] : memref<128x80xi32, #tpu.memory_space<vmem>> -> memref<1x80xi32, #tpu.memory_space<vmem>>
    %dma_start3A_410 = tpu.memref_squeeze %dma_start3A_409 : memref<1x80xi32, #tpu.memory_space<vmem>> -> memref<80xi32, #tpu.memory_space<vmem>>
    %dma_start3A_411 = arith.constant 0 : i32
    %dma_start3A_412 = arith.constant 0 : i32
    %dma_start3A_413 = tpu.memref_slice %arg7[%dma_start3A_411, %dma_start3A_412] : memref<10240x16xf32, #tpu.memory_space<vmem_shared>> -> memref<10240x16xf32, #tpu.memory_space<vmem_shared>>
    tpu.enqueue_indirect_dma source(%arg5 : memref<80x16xf32, #tpu.memory_space<vmem>>) target(%dma_start3A_413 : memref<10240x16xf32, #tpu.memory_space<vmem_shared>>) offsets(%dma_start3A_410 : memref<80xi32, #tpu.memory_space<vmem>>) semaphore(%arg8 : memref<!tpu.dma_semaphore, #tpu.memory_space<semaphore_mem>>) {add = true}
    %dma_start3A_414 = arith.constant 31 : i32
    %dma_start3A_415 = arith.constant 0 : i32
    %dma_start3A_416 = tpu.memref_slice %arg4[%dma_start3A_414, %dma_start3A_415] : memref<128x80xi32, #tpu.memory_space<vmem>> -> memref<1x80xi32, #tpu.memory_space<vmem>>
    %dma_start3A_417 = tpu.memref_squeeze %dma_start3A_416 : memref<1x80xi32, #tpu.memory_space<vmem>> -> memref<80xi32, #tpu.memory_space<vmem>>
    %dma_start3A_418 = arith.constant 0 : i32
    %dma_start3A_419 = arith.constant 0 : i32
    %dma_start3A_420 = tpu.memref_slice %arg7[%dma_start3A_418, %dma_start3A_419] : memref<10240x16xf32, #tpu.memory_space<vmem_shared>> -> memref<10240x16xf32, #tpu.memory_space<vmem_shared>>
    tpu.enqueue_indirect_dma source(%arg5 : memref<80x16xf32, #tpu.memory_space<vmem>>) target(%dma_start3A_420 : memref<10240x16xf32, #tpu.memory_space<vmem_shared>>) offsets(%dma_start3A_417 : memref<80xi32, #tpu.memory_space<vmem>>) semaphore(%arg8 : memref<!tpu.dma_semaphore, #tpu.memory_space<semaphore_mem>>) {add = true}
    %dma_start3A_421 = arith.constant 32 : i32
    %dma_start3A_422 = arith.constant 0 : i32
    %dma_start3A_423 = tpu.memref_slice %arg4[%dma_start3A_421, %dma_start3A_422] : memref<128x80xi32, #tpu.memory_space<vmem>> -> memref<1x80xi32, #tpu.memory_space<vmem>>
    %dma_start3A_424 = tpu.memref_squeeze %dma_start3A_423 : memref<1x80xi32, #tpu.memory_space<vmem>> -> memref<80xi32, #tpu.memory_space<vmem>>
    %dma_start3A_425 = arith.constant 0 : i32
    %dma_start3A_426 = arith.constant 0 : i32
    %dma_start3A_427 = tpu.memref_slice %arg7[%dma_start3A_425, %dma_start3A_426] : memref<10240x16xf32, #tpu.memory_space<vmem_shared>> -> memref<10240x16xf32, #tpu.memory_space<vmem_shared>>
    tpu.enqueue_indirect_dma source(%arg5 : memref<80x16xf32, #tpu.memory_space<vmem>>) target(%dma_start3A_427 : memref<10240x16xf32, #tpu.memory_space<vmem_shared>>) offsets(%dma_start3A_424 : memref<80xi32, #tpu.memory_space<vmem>>) semaphore(%arg8 : memref<!tpu.dma_semaphore, #tpu.memory_space<semaphore_mem>>) {add = true}
    %dma_start3A_428 = arith.constant 33 : i32
    %dma_start3A_429 = arith.constant 0 : i32
    %dma_start3A_430 = tpu.memref_slice %arg4[%dma_start3A_428, %dma_start3A_429] : memref<128x80xi32, #tpu.memory_space<vmem>> -> memref<1x80xi32, #tpu.memory_space<vmem>>
    %dma_start3A_431 = tpu.memref_squeeze %dma_start3A_430 : memref<1x80xi32, #tpu.memory_space<vmem>> -> memref<80xi32, #tpu.memory_space<vmem>>
    %dma_start3A_432 = arith.constant 0 : i32
    %dma_start3A_433 = arith.constant 0 : i32
    %dma_start3A_434 = tpu.memref_slice %arg7[%dma_start3A_432, %dma_start3A_433] : memref<10240x16xf32, #tpu.memory_space<vmem_shared>> -> memref<10240x16xf32, #tpu.memory_space<vmem_shared>>
    tpu.enqueue_indirect_dma source(%arg5 : memref<80x16xf32, #tpu.memory_space<vmem>>) target(%dma_start3A_434 : memref<10240x16xf32, #tpu.memory_space<vmem_shared>>) offsets(%dma_start3A_431 : memref<80xi32, #tpu.memory_space<vmem>>) semaphore(%arg8 : memref<!tpu.dma_semaphore, #tpu.memory_space<semaphore_mem>>) {add = true}
    %dma_start3A_435 = arith.constant 34 : i32
    %dma_start3A_436 = arith.constant 0 : i32
    %dma_start3A_437 = tpu.memref_slice %arg4[%dma_start3A_435, %dma_start3A_436] : memref<128x80xi32, #tpu.memory_space<vmem>> -> memref<1x80xi32, #tpu.memory_space<vmem>>
    %dma_start3A_438 = tpu.memref_squeeze %dma_start3A_437 : memref<1x80xi32, #tpu.memory_space<vmem>> -> memref<80xi32, #tpu.memory_space<vmem>>
    %dma_start3A_439 = arith.constant 0 : i32
    %dma_start3A_440 = arith.constant 0 : i32
    %dma_start3A_441 = tpu.memref_slice %arg7[%dma_start3A_439, %dma_start3A_440] : memref<10240x16xf32, #tpu.memory_space<vmem_shared>> -> memref<10240x16xf32, #tpu.memory_space<vmem_shared>>
    tpu.enqueue_indirect_dma source(%arg5 : memref<80x16xf32, #tpu.memory_space<vmem>>) target(%dma_start3A_441 : memref<10240x16xf32, #tpu.memory_space<vmem_shared>>) offsets(%dma_start3A_438 : memref<80xi32, #tpu.memory_space<vmem>>) semaphore(%arg8 : memref<!tpu.dma_semaphore, #tpu.memory_space<semaphore_mem>>) {add = true}
    %dma_start3A_442 = arith.constant 35 : i32
    %dma_start3A_443 = arith.constant 0 : i32
    %dma_start3A_444 = tpu.memref_slice %arg4[%dma_start3A_442, %dma_start3A_443] : memref<128x80xi32, #tpu.memory_space<vmem>> -> memref<1x80xi32, #tpu.memory_space<vmem>>
    %dma_start3A_445 = tpu.memref_squeeze %dma_start3A_444 : memref<1x80xi32, #tpu.memory_space<vmem>> -> memref<80xi32, #tpu.memory_space<vmem>>
    %dma_start3A_446 = arith.constant 0 : i32
    %dma_start3A_447 = arith.constant 0 : i32
    %dma_start3A_448 = tpu.memref_slice %arg7[%dma_start3A_446, %dma_start3A_447] : memref<10240x16xf32, #tpu.memory_space<vmem_shared>> -> memref<10240x16xf32, #tpu.memory_space<vmem_shared>>
    tpu.enqueue_indirect_dma source(%arg5 : memref<80x16xf32, #tpu.memory_space<vmem>>) target(%dma_start3A_448 : memref<10240x16xf32, #tpu.memory_space<vmem_shared>>) offsets(%dma_start3A_445 : memref<80xi32, #tpu.memory_space<vmem>>) semaphore(%arg8 : memref<!tpu.dma_semaphore, #tpu.memory_space<semaphore_mem>>) {add = true}
    %dma_start3A_449 = arith.constant 36 : i32
    %dma_start3A_450 = arith.constant 0 : i32
    %dma_start3A_451 = tpu.memref_slice %arg4[%dma_start3A_449, %dma_start3A_450] : memref<128x80xi32, #tpu.memory_space<vmem>> -> memref<1x80xi32, #tpu.memory_space<vmem>>
    %dma_start3A_452 = tpu.memref_squeeze %dma_start3A_451 : memref<1x80xi32, #tpu.memory_space<vmem>> -> memref<80xi32, #tpu.memory_space<vmem>>
    %dma_start3A_453 = arith.constant 0 : i32
    %dma_start3A_454 = arith.constant 0 : i32
    %dma_start3A_455 = tpu.memref_slice %arg7[%dma_start3A_453, %dma_start3A_454] : memref<10240x16xf32, #tpu.memory_space<vmem_shared>> -> memref<10240x16xf32, #tpu.memory_space<vmem_shared>>
    tpu.enqueue_indirect_dma source(%arg5 : memref<80x16xf32, #tpu.memory_space<vmem>>) target(%dma_start3A_455 : memref<10240x16xf32, #tpu.memory_space<vmem_shared>>) offsets(%dma_start3A_452 : memref<80xi32, #tpu.memory_space<vmem>>) semaphore(%arg8 : memref<!tpu.dma_semaphore, #tpu.memory_space<semaphore_mem>>) {add = true}
    %dma_start3A_456 = arith.constant 37 : i32
    %dma_start3A_457 = arith.constant 0 : i32
    %dma_start3A_458 = tpu.memref_slice %arg4[%dma_start3A_456, %dma_start3A_457] : memref<128x80xi32, #tpu.memory_space<vmem>> -> memref<1x80xi32, #tpu.memory_space<vmem>>
    %dma_start3A_459 = tpu.memref_squeeze %dma_start3A_458 : memref<1x80xi32, #tpu.memory_space<vmem>> -> memref<80xi32, #tpu.memory_space<vmem>>
    %dma_start3A_460 = arith.constant 0 : i32
    %dma_start3A_461 = arith.constant 0 : i32
    %dma_start3A_462 = tpu.memref_slice %arg7[%dma_start3A_460, %dma_start3A_461] : memref<10240x16xf32, #tpu.memory_space<vmem_shared>> -> memref<10240x16xf32, #tpu.memory_space<vmem_shared>>
    tpu.enqueue_indirect_dma source(%arg5 : memref<80x16xf32, #tpu.memory_space<vmem>>) target(%dma_start3A_462 : memref<10240x16xf32, #tpu.memory_space<vmem_shared>>) offsets(%dma_start3A_459 : memref<80xi32, #tpu.memory_space<vmem>>) semaphore(%arg8 : memref<!tpu.dma_semaphore, #tpu.memory_space<semaphore_mem>>) {add = true}
    %dma_start3A_463 = arith.constant 38 : i32
    %dma_start3A_464 = arith.constant 0 : i32
    %dma_start3A_465 = tpu.memref_slice %arg4[%dma_start3A_463, %dma_start3A_464] : memref<128x80xi32, #tpu.memory_space<vmem>> -> memref<1x80xi32, #tpu.memory_space<vmem>>
    %dma_start3A_466 = tpu.memref_squeeze %dma_start3A_465 : memref<1x80xi32, #tpu.memory_space<vmem>> -> memref<80xi32, #tpu.memory_space<vmem>>
    %dma_start3A_467 = arith.constant 0 : i32
    %dma_start3A_468 = arith.constant 0 : i32
    %dma_start3A_469 = tpu.memref_slice %arg7[%dma_start3A_467, %dma_start3A_468] : memref<10240x16xf32, #tpu.memory_space<vmem_shared>> -> memref<10240x16xf32, #tpu.memory_space<vmem_shared>>
    tpu.enqueue_indirect_dma source(%arg5 : memref<80x16xf32, #tpu.memory_space<vmem>>) target(%dma_start3A_469 : memref<10240x16xf32, #tpu.memory_space<vmem_shared>>) offsets(%dma_start3A_466 : memref<80xi32, #tpu.memory_space<vmem>>) semaphore(%arg8 : memref<!tpu.dma_semaphore, #tpu.memory_space<semaphore_mem>>) {add = true}
    %dma_start3A_470 = arith.constant 39 : i32
    %dma_start3A_471 = arith.constant 0 : i32
    %dma_start3A_472 = tpu.memref_slice %arg4[%dma_start3A_470, %dma_start3A_471] : memref<128x80xi32, #tpu.memory_space<vmem>> -> memref<1x80xi32, #tpu.memory_space<vmem>>
    %dma_start3A_473 = tpu.memref_squeeze %dma_start3A_472 : memref<1x80xi32, #tpu.memory_space<vmem>> -> memref<80xi32, #tpu.memory_space<vmem>>
    %dma_start3A_474 = arith.constant 0 : i32
    %dma_start3A_475 = arith.constant 0 : i32
    %dma_start3A_476 = tpu.memref_slice %arg7[%dma_start3A_474, %dma_start3A_475] : memref<10240x16xf32, #tpu.memory_space<vmem_shared>> -> memref<10240x16xf32, #tpu.memory_space<vmem_shared>>
    tpu.enqueue_indirect_dma source(%arg5 : memref<80x16xf32, #tpu.memory_space<vmem>>) target(%dma_start3A_476 : memref<10240x16xf32, #tpu.memory_space<vmem_shared>>) offsets(%dma_start3A_473 : memref<80xi32, #tpu.memory_space<vmem>>) semaphore(%arg8 : memref<!tpu.dma_semaphore, #tpu.memory_space<semaphore_mem>>) {add = true}
    %dma_start3A_477 = arith.constant 40 : i32
    %dma_start3A_478 = arith.constant 0 : i32
    %dma_start3A_479 = tpu.memref_slice %arg4[%dma_start3A_477, %dma_start3A_478] : memref<128x80xi32, #tpu.memory_space<vmem>> -> memref<1x80xi32, #tpu.memory_space<vmem>>
    %dma_start3A_480 = tpu.memref_squeeze %dma_start3A_479 : memref<1x80xi32, #tpu.memory_space<vmem>> -> memref<80xi32, #tpu.memory_space<vmem>>
    %dma_start3A_481 = arith.constant 0 : i32
    %dma_start3A_482 = arith.constant 0 : i32
    %dma_start3A_483 = tpu.memref_slice %arg7[%dma_start3A_481, %dma_start3A_482] : memref<10240x16xf32, #tpu.memory_space<vmem_shared>> -> memref<10240x16xf32, #tpu.memory_space<vmem_shared>>
    tpu.enqueue_indirect_dma source(%arg5 : memref<80x16xf32, #tpu.memory_space<vmem>>) target(%dma_start3A_483 : memref<10240x16xf32, #tpu.memory_space<vmem_shared>>) offsets(%dma_start3A_480 : memref<80xi32, #tpu.memory_space<vmem>>) semaphore(%arg8 : memref<!tpu.dma_semaphore, #tpu.memory_space<semaphore_mem>>) {add = true}
    %dma_start3A_484 = arith.constant 41 : i32
    %dma_start3A_485 = arith.constant 0 : i32
    %dma_start3A_486 = tpu.memref_slice %arg4[%dma_start3A_484, %dma_start3A_485] : memref<128x80xi32, #tpu.memory_space<vmem>> -> memref<1x80xi32, #tpu.memory_space<vmem>>
    %dma_start3A_487 = tpu.memref_squeeze %dma_start3A_486 : memref<1x80xi32, #tpu.memory_space<vmem>> -> memref<80xi32, #tpu.memory_space<vmem>>
    %dma_start3A_488 = arith.constant 0 : i32
    %dma_start3A_489 = arith.constant 0 : i32
    %dma_start3A_490 = tpu.memref_slice %arg7[%dma_start3A_488, %dma_start3A_489] : memref<10240x16xf32, #tpu.memory_space<vmem_shared>> -> memref<10240x16xf32, #tpu.memory_space<vmem_shared>>
    tpu.enqueue_indirect_dma source(%arg5 : memref<80x16xf32, #tpu.memory_space<vmem>>) target(%dma_start3A_490 : memref<10240x16xf32, #tpu.memory_space<vmem_shared>>) offsets(%dma_start3A_487 : memref<80xi32, #tpu.memory_space<vmem>>) semaphore(%arg8 : memref<!tpu.dma_semaphore, #tpu.memory_space<semaphore_mem>>) {add = true}
    %dma_start3A_491 = arith.constant 42 : i32
    %dma_start3A_492 = arith.constant 0 : i32
    %dma_start3A_493 = tpu.memref_slice %arg4[%dma_start3A_491, %dma_start3A_492] : memref<128x80xi32, #tpu.memory_space<vmem>> -> memref<1x80xi32, #tpu.memory_space<vmem>>
    %dma_start3A_494 = tpu.memref_squeeze %dma_start3A_493 : memref<1x80xi32, #tpu.memory_space<vmem>> -> memref<80xi32, #tpu.memory_space<vmem>>
    %dma_start3A_495 = arith.constant 0 : i32
    %dma_start3A_496 = arith.constant 0 : i32
    %dma_start3A_497 = tpu.memref_slice %arg7[%dma_start3A_495, %dma_start3A_496] : memref<10240x16xf32, #tpu.memory_space<vmem_shared>> -> memref<10240x16xf32, #tpu.memory_space<vmem_shared>>
    tpu.enqueue_indirect_dma source(%arg5 : memref<80x16xf32, #tpu.memory_space<vmem>>) target(%dma_start3A_497 : memref<10240x16xf32, #tpu.memory_space<vmem_shared>>) offsets(%dma_start3A_494 : memref<80xi32, #tpu.memory_space<vmem>>) semaphore(%arg8 : memref<!tpu.dma_semaphore, #tpu.memory_space<semaphore_mem>>) {add = true}
    %dma_start3A_498 = arith.constant 43 : i32
    %dma_start3A_499 = arith.constant 0 : i32
    %dma_start3A_500 = tpu.memref_slice %arg4[%dma_start3A_498, %dma_start3A_499] : memref<128x80xi32, #tpu.memory_space<vmem>> -> memref<1x80xi32, #tpu.memory_space<vmem>>
    %dma_start3A_501 = tpu.memref_squeeze %dma_start3A_500 : memref<1x80xi32, #tpu.memory_space<vmem>> -> memref<80xi32, #tpu.memory_space<vmem>>
    %dma_start3A_502 = arith.constant 0 : i32
    %dma_start3A_503 = arith.constant 0 : i32
    %dma_start3A_504 = tpu.memref_slice %arg7[%dma_start3A_502, %dma_start3A_503] : memref<10240x16xf32, #tpu.memory_space<vmem_shared>> -> memref<10240x16xf32, #tpu.memory_space<vmem_shared>>
    tpu.enqueue_indirect_dma source(%arg5 : memref<80x16xf32, #tpu.memory_space<vmem>>) target(%dma_start3A_504 : memref<10240x16xf32, #tpu.memory_space<vmem_shared>>) offsets(%dma_start3A_501 : memref<80xi32, #tpu.memory_space<vmem>>) semaphore(%arg8 : memref<!tpu.dma_semaphore, #tpu.memory_space<semaphore_mem>>) {add = true}
    %dma_start3A_505 = arith.constant 44 : i32
    %dma_start3A_506 = arith.constant 0 : i32
    %dma_start3A_507 = tpu.memref_slice %arg4[%dma_start3A_505, %dma_start3A_506] : memref<128x80xi32, #tpu.memory_space<vmem>> -> memref<1x80xi32, #tpu.memory_space<vmem>>
    %dma_start3A_508 = tpu.memref_squeeze %dma_start3A_507 : memref<1x80xi32, #tpu.memory_space<vmem>> -> memref<80xi32, #tpu.memory_space<vmem>>
    %dma_start3A_509 = arith.constant 0 : i32
    %dma_start3A_510 = arith.constant 0 : i32
    %dma_start3A_511 = tpu.memref_slice %arg7[%dma_start3A_509, %dma_start3A_510] : memref<10240x16xf32, #tpu.memory_space<vmem_shared>> -> memref<10240x16xf32, #tpu.memory_space<vmem_shared>>
    tpu.enqueue_indirect_dma source(%arg5 : memref<80x16xf32, #tpu.memory_space<vmem>>) target(%dma_start3A_511 : memref<10240x16xf32, #tpu.memory_space<vmem_shared>>) offsets(%dma_start3A_508 : memref<80xi32, #tpu.memory_space<vmem>>) semaphore(%arg8 : memref<!tpu.dma_semaphore, #tpu.memory_space<semaphore_mem>>) {add = true}
    %dma_start3A_512 = arith.constant 45 : i32
    %dma_start3A_513 = arith.constant 0 : i32
    %dma_start3A_514 = tpu.memref_slice %arg4[%dma_start3A_512, %dma_start3A_513] : memref<128x80xi32, #tpu.memory_space<vmem>> -> memref<1x80xi32, #tpu.memory_space<vmem>>
    %dma_start3A_515 = tpu.memref_squeeze %dma_start3A_514 : memref<1x80xi32, #tpu.memory_space<vmem>> -> memref<80xi32, #tpu.memory_space<vmem>>
    %dma_start3A_516 = arith.constant 0 : i32
    %dma_start3A_517 = arith.constant 0 : i32
    %dma_start3A_518 = tpu.memref_slice %arg7[%dma_start3A_516, %dma_start3A_517] : memref<10240x16xf32, #tpu.memory_space<vmem_shared>> -> memref<10240x16xf32, #tpu.memory_space<vmem_shared>>
    tpu.enqueue_indirect_dma source(%arg5 : memref<80x16xf32, #tpu.memory_space<vmem>>) target(%dma_start3A_518 : memref<10240x16xf32, #tpu.memory_space<vmem_shared>>) offsets(%dma_start3A_515 : memref<80xi32, #tpu.memory_space<vmem>>) semaphore(%arg8 : memref<!tpu.dma_semaphore, #tpu.memory_space<semaphore_mem>>) {add = true}
    %dma_start3A_519 = arith.constant 46 : i32
    %dma_start3A_520 = arith.constant 0 : i32
    %dma_start3A_521 = tpu.memref_slice %arg4[%dma_start3A_519, %dma_start3A_520] : memref<128x80xi32, #tpu.memory_space<vmem>> -> memref<1x80xi32, #tpu.memory_space<vmem>>
    %dma_start3A_522 = tpu.memref_squeeze %dma_start3A_521 : memref<1x80xi32, #tpu.memory_space<vmem>> -> memref<80xi32, #tpu.memory_space<vmem>>
    %dma_start3A_523 = arith.constant 0 : i32
    %dma_start3A_524 = arith.constant 0 : i32
    %dma_start3A_525 = tpu.memref_slice %arg7[%dma_start3A_523, %dma_start3A_524] : memref<10240x16xf32, #tpu.memory_space<vmem_shared>> -> memref<10240x16xf32, #tpu.memory_space<vmem_shared>>
    tpu.enqueue_indirect_dma source(%arg5 : memref<80x16xf32, #tpu.memory_space<vmem>>) target(%dma_start3A_525 : memref<10240x16xf32, #tpu.memory_space<vmem_shared>>) offsets(%dma_start3A_522 : memref<80xi32, #tpu.memory_space<vmem>>) semaphore(%arg8 : memref<!tpu.dma_semaphore, #tpu.memory_space<semaphore_mem>>) {add = true}
    %dma_start3A_526 = arith.constant 47 : i32
    %dma_start3A_527 = arith.constant 0 : i32
    %dma_start3A_528 = tpu.memref_slice %arg4[%dma_start3A_526, %dma_start3A_527] : memref<128x80xi32, #tpu.memory_space<vmem>> -> memref<1x80xi32, #tpu.memory_space<vmem>>
    %dma_start3A_529 = tpu.memref_squeeze %dma_start3A_528 : memref<1x80xi32, #tpu.memory_space<vmem>> -> memref<80xi32, #tpu.memory_space<vmem>>
    %dma_start3A_530 = arith.constant 0 : i32
    %dma_start3A_531 = arith.constant 0 : i32
    %dma_start3A_532 = tpu.memref_slice %arg7[%dma_start3A_530, %dma_start3A_531] : memref<10240x16xf32, #tpu.memory_space<vmem_shared>> -> memref<10240x16xf32, #tpu.memory_space<vmem_shared>>
    tpu.enqueue_indirect_dma source(%arg5 : memref<80x16xf32, #tpu.memory_space<vmem>>) target(%dma_start3A_532 : memref<10240x16xf32, #tpu.memory_space<vmem_shared>>) offsets(%dma_start3A_529 : memref<80xi32, #tpu.memory_space<vmem>>) semaphore(%arg8 : memref<!tpu.dma_semaphore, #tpu.memory_space<semaphore_mem>>) {add = true}
    %dma_start3A_533 = arith.constant 48 : i32
    %dma_start3A_534 = arith.constant 0 : i32
    %dma_start3A_535 = tpu.memref_slice %arg4[%dma_start3A_533, %dma_start3A_534] : memref<128x80xi32, #tpu.memory_space<vmem>> -> memref<1x80xi32, #tpu.memory_space<vmem>>
    %dma_start3A_536 = tpu.memref_squeeze %dma_start3A_535 : memref<1x80xi32, #tpu.memory_space<vmem>> -> memref<80xi32, #tpu.memory_space<vmem>>
    %dma_start3A_537 = arith.constant 0 : i32
    %dma_start3A_538 = arith.constant 0 : i32
    %dma_start3A_539 = tpu.memref_slice %arg7[%dma_start3A_537, %dma_start3A_538] : memref<10240x16xf32, #tpu.memory_space<vmem_shared>> -> memref<10240x16xf32, #tpu.memory_space<vmem_shared>>
    tpu.enqueue_indirect_dma source(%arg5 : memref<80x16xf32, #tpu.memory_space<vmem>>) target(%dma_start3A_539 : memref<10240x16xf32, #tpu.memory_space<vmem_shared>>) offsets(%dma_start3A_536 : memref<80xi32, #tpu.memory_space<vmem>>) semaphore(%arg8 : memref<!tpu.dma_semaphore, #tpu.memory_space<semaphore_mem>>) {add = true}
    %dma_start3A_540 = arith.constant 49 : i32
    %dma_start3A_541 = arith.constant 0 : i32
    %dma_start3A_542 = tpu.memref_slice %arg4[%dma_start3A_540, %dma_start3A_541] : memref<128x80xi32, #tpu.memory_space<vmem>> -> memref<1x80xi32, #tpu.memory_space<vmem>>
    %dma_start3A_543 = tpu.memref_squeeze %dma_start3A_542 : memref<1x80xi32, #tpu.memory_space<vmem>> -> memref<80xi32, #tpu.memory_space<vmem>>
    %dma_start3A_544 = arith.constant 0 : i32
    %dma_start3A_545 = arith.constant 0 : i32
    %dma_start3A_546 = tpu.memref_slice %arg7[%dma_start3A_544, %dma_start3A_545] : memref<10240x16xf32, #tpu.memory_space<vmem_shared>> -> memref<10240x16xf32, #tpu.memory_space<vmem_shared>>
    tpu.enqueue_indirect_dma source(%arg5 : memref<80x16xf32, #tpu.memory_space<vmem>>) target(%dma_start3A_546 : memref<10240x16xf32, #tpu.memory_space<vmem_shared>>) offsets(%dma_start3A_543 : memref<80xi32, #tpu.memory_space<vmem>>) semaphore(%arg8 : memref<!tpu.dma_semaphore, #tpu.memory_space<semaphore_mem>>) {add = true}
    %dma_wait3A_547 = arith.constant 25 : i32
    %dma_wait3A_548 = arith.constant 0 : i32
    %dma_wait3A_549 = tpu.memref_slice %arg4[%dma_wait3A_547, %dma_wait3A_548] : memref<128x80xi32, #tpu.memory_space<vmem>> -> memref<1x80xi32, #tpu.memory_space<vmem>>
    %dma_wait3A_550 = tpu.memref_squeeze %dma_wait3A_549 : memref<1x80xi32, #tpu.memory_space<vmem>> -> memref<80xi32, #tpu.memory_space<vmem>>
    %dma_wait3A_551 = arith.constant 0 : i32
    %dma_wait3A_552 = arith.constant 0 : i32
    %dma_wait3A_553 = tpu.memref_slice %arg7[%dma_wait3A_551, %dma_wait3A_552] : memref<10240x16xf32, #tpu.memory_space<vmem_shared>> -> memref<10240x16xf32, #tpu.memory_space<vmem_shared>>
    tpu.wait_indirect_dma semaphore(%arg8 : memref<!tpu.dma_semaphore, #tpu.memory_space<semaphore_mem>>) src(%arg5 : memref<80x16xf32, #tpu.memory_space<vmem>>) dst(%dma_wait3A_553 : memref<10240x16xf32, #tpu.memory_space<vmem_shared>>)
    %dma_wait3A_554 = arith.constant 26 : i32
    %dma_wait3A_555 = arith.constant 0 : i32
    %dma_wait3A_556 = tpu.memref_slice %arg4[%dma_wait3A_554, %dma_wait3A_555] : memref<128x80xi32, #tpu.memory_space<vmem>> -> memref<1x80xi32, #tpu.memory_space<vmem>>
    %dma_wait3A_557 = tpu.memref_squeeze %dma_wait3A_556 : memref<1x80xi32, #tpu.memory_space<vmem>> -> memref<80xi32, #tpu.memory_space<vmem>>
    %dma_wait3A_558 = arith.constant 0 : i32
    %dma_wait3A_559 = arith.constant 0 : i32
    %dma_wait3A_560 = tpu.memref_slice %arg7[%dma_wait3A_558, %dma_wait3A_559] : memref<10240x16xf32, #tpu.memory_space<vmem_shared>> -> memref<10240x16xf32, #tpu.memory_space<vmem_shared>>
    tpu.wait_indirect_dma semaphore(%arg8 : memref<!tpu.dma_semaphore, #tpu.memory_space<semaphore_mem>>) src(%arg5 : memref<80x16xf32, #tpu.memory_space<vmem>>) dst(%dma_wait3A_560 : memref<10240x16xf32, #tpu.memory_space<vmem_shared>>)
    %dma_wait3A_561 = arith.constant 27 : i32
    %dma_wait3A_562 = arith.constant 0 : i32
    %dma_wait3A_563 = tpu.memref_slice %arg4[%dma_wait3A_561, %dma_wait3A_562] : memref<128x80xi32, #tpu.memory_space<vmem>> -> memref<1x80xi32, #tpu.memory_space<vmem>>
    %dma_wait3A_564 = tpu.memref_squeeze %dma_wait3A_563 : memref<1x80xi32, #tpu.memory_space<vmem>> -> memref<80xi32, #tpu.memory_space<vmem>>
    %dma_wait3A_565 = arith.constant 0 : i32
    %dma_wait3A_566 = arith.constant 0 : i32
    %dma_wait3A_567 = tpu.memref_slice %arg7[%dma_wait3A_565, %dma_wait3A_566] : memref<10240x16xf32, #tpu.memory_space<vmem_shared>> -> memref<10240x16xf32, #tpu.memory_space<vmem_shared>>
    tpu.wait_indirect_dma semaphore(%arg8 : memref<!tpu.dma_semaphore, #tpu.memory_space<semaphore_mem>>) src(%arg5 : memref<80x16xf32, #tpu.memory_space<vmem>>) dst(%dma_wait3A_567 : memref<10240x16xf32, #tpu.memory_space<vmem_shared>>)
    %dma_wait3A_568 = arith.constant 28 : i32
    %dma_wait3A_569 = arith.constant 0 : i32
    %dma_wait3A_570 = tpu.memref_slice %arg4[%dma_wait3A_568, %dma_wait3A_569] : memref<128x80xi32, #tpu.memory_space<vmem>> -> memref<1x80xi32, #tpu.memory_space<vmem>>
    %dma_wait3A_571 = tpu.memref_squeeze %dma_wait3A_570 : memref<1x80xi32, #tpu.memory_space<vmem>> -> memref<80xi32, #tpu.memory_space<vmem>>
    %dma_wait3A_572 = arith.constant 0 : i32
    %dma_wait3A_573 = arith.constant 0 : i32
    %dma_wait3A_574 = tpu.memref_slice %arg7[%dma_wait3A_572, %dma_wait3A_573] : memref<10240x16xf32, #tpu.memory_space<vmem_shared>> -> memref<10240x16xf32, #tpu.memory_space<vmem_shared>>
    tpu.wait_indirect_dma semaphore(%arg8 : memref<!tpu.dma_semaphore, #tpu.memory_space<semaphore_mem>>) src(%arg5 : memref<80x16xf32, #tpu.memory_space<vmem>>) dst(%dma_wait3A_574 : memref<10240x16xf32, #tpu.memory_space<vmem_shared>>)
    %dma_wait3A_575 = arith.constant 29 : i32
    %dma_wait3A_576 = arith.constant 0 : i32
    %dma_wait3A_577 = tpu.memref_slice %arg4[%dma_wait3A_575, %dma_wait3A_576] : memref<128x80xi32, #tpu.memory_space<vmem>> -> memref<1x80xi32, #tpu.memory_space<vmem>>
    %dma_wait3A_578 = tpu.memref_squeeze %dma_wait3A_577 : memref<1x80xi32, #tpu.memory_space<vmem>> -> memref<80xi32, #tpu.memory_space<vmem>>
    %dma_wait3A_579 = arith.constant 0 : i32
    %dma_wait3A_580 = arith.constant 0 : i32
    %dma_wait3A_581 = tpu.memref_slice %arg7[%dma_wait3A_579, %dma_wait3A_580] : memref<10240x16xf32, #tpu.memory_space<vmem_shared>> -> memref<10240x16xf32, #tpu.memory_space<vmem_shared>>
    tpu.wait_indirect_dma semaphore(%arg8 : memref<!tpu.dma_semaphore, #tpu.memory_space<semaphore_mem>>) src(%arg5 : memref<80x16xf32, #tpu.memory_space<vmem>>) dst(%dma_wait3A_581 : memref<10240x16xf32, #tpu.memory_space<vmem_shared>>)
    %dma_wait3A_582 = arith.constant 30 : i32
    %dma_wait3A_583 = arith.constant 0 : i32
    %dma_wait3A_584 = tpu.memref_slice %arg4[%dma_wait3A_582, %dma_wait3A_583] : memref<128x80xi32, #tpu.memory_space<vmem>> -> memref<1x80xi32, #tpu.memory_space<vmem>>
    %dma_wait3A_585 = tpu.memref_squeeze %dma_wait3A_584 : memref<1x80xi32, #tpu.memory_space<vmem>> -> memref<80xi32, #tpu.memory_space<vmem>>
    %dma_wait3A_586 = arith.constant 0 : i32
    %dma_wait3A_587 = arith.constant 0 : i32
    %dma_wait3A_588 = tpu.memref_slice %arg7[%dma_wait3A_586, %dma_wait3A_587] : memref<10240x16xf32, #tpu.memory_space<vmem_shared>> -> memref<10240x16xf32, #tpu.memory_space<vmem_shared>>
    tpu.wait_indirect_dma semaphore(%arg8 : memref<!tpu.dma_semaphore, #tpu.memory_space<semaphore_mem>>) src(%arg5 : memref<80x16xf32, #tpu.memory_space<vmem>>) dst(%dma_wait3A_588 : memref<10240x16xf32, #tpu.memory_space<vmem_shared>>)
    %dma_wait3A_589 = arith.constant 31 : i32
    %dma_wait3A_590 = arith.constant 0 : i32
    %dma_wait3A_591 = tpu.memref_slice %arg4[%dma_wait3A_589, %dma_wait3A_590] : memref<128x80xi32, #tpu.memory_space<vmem>> -> memref<1x80xi32, #tpu.memory_space<vmem>>
    %dma_wait3A_592 = tpu.memref_squeeze %dma_wait3A_591 : memref<1x80xi32, #tpu.memory_space<vmem>> -> memref<80xi32, #tpu.memory_space<vmem>>
    %dma_wait3A_593 = arith.constant 0 : i32
    %dma_wait3A_594 = arith.constant 0 : i32
    %dma_wait3A_595 = tpu.memref_slice %arg7[%dma_wait3A_593, %dma_wait3A_594] : memref<10240x16xf32, #tpu.memory_space<vmem_shared>> -> memref<10240x16xf32, #tpu.memory_space<vmem_shared>>
    tpu.wait_indirect_dma semaphore(%arg8 : memref<!tpu.dma_semaphore, #tpu.memory_space<semaphore_mem>>) src(%arg5 : memref<80x16xf32, #tpu.memory_space<vmem>>) dst(%dma_wait3A_595 : memref<10240x16xf32, #tpu.memory_space<vmem_shared>>)
    %dma_wait3A_596 = arith.constant 32 : i32
    %dma_wait3A_597 = arith.constant 0 : i32
    %dma_wait3A_598 = tpu.memref_slice %arg4[%dma_wait3A_596, %dma_wait3A_597] : memref<128x80xi32, #tpu.memory_space<vmem>> -> memref<1x80xi32, #tpu.memory_space<vmem>>
    %dma_wait3A_599 = tpu.memref_squeeze %dma_wait3A_598 : memref<1x80xi32, #tpu.memory_space<vmem>> -> memref<80xi32, #tpu.memory_space<vmem>>
    %dma_wait3A_600 = arith.constant 0 : i32
    %dma_wait3A_601 = arith.constant 0 : i32
    %dma_wait3A_602 = tpu.memref_slice %arg7[%dma_wait3A_600, %dma_wait3A_601] : memref<10240x16xf32, #tpu.memory_space<vmem_shared>> -> memref<10240x16xf32, #tpu.memory_space<vmem_shared>>
    tpu.wait_indirect_dma semaphore(%arg8 : memref<!tpu.dma_semaphore, #tpu.memory_space<semaphore_mem>>) src(%arg5 : memref<80x16xf32, #tpu.memory_space<vmem>>) dst(%dma_wait3A_602 : memref<10240x16xf32, #tpu.memory_space<vmem_shared>>)
    %dma_wait3A_603 = arith.constant 33 : i32
    %dma_wait3A_604 = arith.constant 0 : i32
    %dma_wait3A_605 = tpu.memref_slice %arg4[%dma_wait3A_603, %dma_wait3A_604] : memref<128x80xi32, #tpu.memory_space<vmem>> -> memref<1x80xi32, #tpu.memory_space<vmem>>
    %dma_wait3A_606 = tpu.memref_squeeze %dma_wait3A_605 : memref<1x80xi32, #tpu.memory_space<vmem>> -> memref<80xi32, #tpu.memory_space<vmem>>
    %dma_wait3A_607 = arith.constant 0 : i32
    %dma_wait3A_608 = arith.constant 0 : i32
    %dma_wait3A_609 = tpu.memref_slice %arg7[%dma_wait3A_607, %dma_wait3A_608] : memref<10240x16xf32, #tpu.memory_space<vmem_shared>> -> memref<10240x16xf32, #tpu.memory_space<vmem_shared>>
    tpu.wait_indirect_dma semaphore(%arg8 : memref<!tpu.dma_semaphore, #tpu.memory_space<semaphore_mem>>) src(%arg5 : memref<80x16xf32, #tpu.memory_space<vmem>>) dst(%dma_wait3A_609 : memref<10240x16xf32, #tpu.memory_space<vmem_shared>>)
    %dma_wait3A_610 = arith.constant 34 : i32
    %dma_wait3A_611 = arith.constant 0 : i32
    %dma_wait3A_612 = tpu.memref_slice %arg4[%dma_wait3A_610, %dma_wait3A_611] : memref<128x80xi32, #tpu.memory_space<vmem>> -> memref<1x80xi32, #tpu.memory_space<vmem>>
    %dma_wait3A_613 = tpu.memref_squeeze %dma_wait3A_612 : memref<1x80xi32, #tpu.memory_space<vmem>> -> memref<80xi32, #tpu.memory_space<vmem>>
    %dma_wait3A_614 = arith.constant 0 : i32
    %dma_wait3A_615 = arith.constant 0 : i32
    %dma_wait3A_616 = tpu.memref_slice %arg7[%dma_wait3A_614, %dma_wait3A_615] : memref<10240x16xf32, #tpu.memory_space<vmem_shared>> -> memref<10240x16xf32, #tpu.memory_space<vmem_shared>>
    tpu.wait_indirect_dma semaphore(%arg8 : memref<!tpu.dma_semaphore, #tpu.memory_space<semaphore_mem>>) src(%arg5 : memref<80x16xf32, #tpu.memory_space<vmem>>) dst(%dma_wait3A_616 : memref<10240x16xf32, #tpu.memory_space<vmem_shared>>)
    %dma_wait3A_617 = arith.constant 35 : i32
    %dma_wait3A_618 = arith.constant 0 : i32
    %dma_wait3A_619 = tpu.memref_slice %arg4[%dma_wait3A_617, %dma_wait3A_618] : memref<128x80xi32, #tpu.memory_space<vmem>> -> memref<1x80xi32, #tpu.memory_space<vmem>>
    %dma_wait3A_620 = tpu.memref_squeeze %dma_wait3A_619 : memref<1x80xi32, #tpu.memory_space<vmem>> -> memref<80xi32, #tpu.memory_space<vmem>>
    %dma_wait3A_621 = arith.constant 0 : i32
    %dma_wait3A_622 = arith.constant 0 : i32
    %dma_wait3A_623 = tpu.memref_slice %arg7[%dma_wait3A_621, %dma_wait3A_622] : memref<10240x16xf32, #tpu.memory_space<vmem_shared>> -> memref<10240x16xf32, #tpu.memory_space<vmem_shared>>
    tpu.wait_indirect_dma semaphore(%arg8 : memref<!tpu.dma_semaphore, #tpu.memory_space<semaphore_mem>>) src(%arg5 : memref<80x16xf32, #tpu.memory_space<vmem>>) dst(%dma_wait3A_623 : memref<10240x16xf32, #tpu.memory_space<vmem_shared>>)
    %dma_wait3A_624 = arith.constant 36 : i32
    %dma_wait3A_625 = arith.constant 0 : i32
    %dma_wait3A_626 = tpu.memref_slice %arg4[%dma_wait3A_624, %dma_wait3A_625] : memref<128x80xi32, #tpu.memory_space<vmem>> -> memref<1x80xi32, #tpu.memory_space<vmem>>
    %dma_wait3A_627 = tpu.memref_squeeze %dma_wait3A_626 : memref<1x80xi32, #tpu.memory_space<vmem>> -> memref<80xi32, #tpu.memory_space<vmem>>
    %dma_wait3A_628 = arith.constant 0 : i32
    %dma_wait3A_629 = arith.constant 0 : i32
    %dma_wait3A_630 = tpu.memref_slice %arg7[%dma_wait3A_628, %dma_wait3A_629] : memref<10240x16xf32, #tpu.memory_space<vmem_shared>> -> memref<10240x16xf32, #tpu.memory_space<vmem_shared>>
    tpu.wait_indirect_dma semaphore(%arg8 : memref<!tpu.dma_semaphore, #tpu.memory_space<semaphore_mem>>) src(%arg5 : memref<80x16xf32, #tpu.memory_space<vmem>>) dst(%dma_wait3A_630 : memref<10240x16xf32, #tpu.memory_space<vmem_shared>>)
    %dma_wait3A_631 = arith.constant 37 : i32
    %dma_wait3A_632 = arith.constant 0 : i32
    %dma_wait3A_633 = tpu.memref_slice %arg4[%dma_wait3A_631, %dma_wait3A_632] : memref<128x80xi32, #tpu.memory_space<vmem>> -> memref<1x80xi32, #tpu.memory_space<vmem>>
    %dma_wait3A_634 = tpu.memref_squeeze %dma_wait3A_633 : memref<1x80xi32, #tpu.memory_space<vmem>> -> memref<80xi32, #tpu.memory_space<vmem>>
    %dma_wait3A_635 = arith.constant 0 : i32
    %dma_wait3A_636 = arith.constant 0 : i32
    %dma_wait3A_637 = tpu.memref_slice %arg7[%dma_wait3A_635, %dma_wait3A_636] : memref<10240x16xf32, #tpu.memory_space<vmem_shared>> -> memref<10240x16xf32, #tpu.memory_space<vmem_shared>>
    tpu.wait_indirect_dma semaphore(%arg8 : memref<!tpu.dma_semaphore, #tpu.memory_space<semaphore_mem>>) src(%arg5 : memref<80x16xf32, #tpu.memory_space<vmem>>) dst(%dma_wait3A_637 : memref<10240x16xf32, #tpu.memory_space<vmem_shared>>)
    %dma_wait3A_638 = arith.constant 38 : i32
    %dma_wait3A_639 = arith.constant 0 : i32
    %dma_wait3A_640 = tpu.memref_slice %arg4[%dma_wait3A_638, %dma_wait3A_639] : memref<128x80xi32, #tpu.memory_space<vmem>> -> memref<1x80xi32, #tpu.memory_space<vmem>>
    %dma_wait3A_641 = tpu.memref_squeeze %dma_wait3A_640 : memref<1x80xi32, #tpu.memory_space<vmem>> -> memref<80xi32, #tpu.memory_space<vmem>>
    %dma_wait3A_642 = arith.constant 0 : i32
    %dma_wait3A_643 = arith.constant 0 : i32
    %dma_wait3A_644 = tpu.memref_slice %arg7[%dma_wait3A_642, %dma_wait3A_643] : memref<10240x16xf32, #tpu.memory_space<vmem_shared>> -> memref<10240x16xf32, #tpu.memory_space<vmem_shared>>
    tpu.wait_indirect_dma semaphore(%arg8 : memref<!tpu.dma_semaphore, #tpu.memory_space<semaphore_mem>>) src(%arg5 : memref<80x16xf32, #tpu.memory_space<vmem>>) dst(%dma_wait3A_644 : memref<10240x16xf32, #tpu.memory_space<vmem_shared>>)
    %dma_wait3A_645 = arith.constant 39 : i32
    %dma_wait3A_646 = arith.constant 0 : i32
    %dma_wait3A_647 = tpu.memref_slice %arg4[%dma_wait3A_645, %dma_wait3A_646] : memref<128x80xi32, #tpu.memory_space<vmem>> -> memref<1x80xi32, #tpu.memory_space<vmem>>
    %dma_wait3A_648 = tpu.memref_squeeze %dma_wait3A_647 : memref<1x80xi32, #tpu.memory_space<vmem>> -> memref<80xi32, #tpu.memory_space<vmem>>
    %dma_wait3A_649 = arith.constant 0 : i32
    %dma_wait3A_650 = arith.constant 0 : i32
    %dma_wait3A_651 = tpu.memref_slice %arg7[%dma_wait3A_649, %dma_wait3A_650] : memref<10240x16xf32, #tpu.memory_space<vmem_shared>> -> memref<10240x16xf32, #tpu.memory_space<vmem_shared>>
    tpu.wait_indirect_dma semaphore(%arg8 : memref<!tpu.dma_semaphore, #tpu.memory_space<semaphore_mem>>) src(%arg5 : memref<80x16xf32, #tpu.memory_space<vmem>>) dst(%dma_wait3A_651 : memref<10240x16xf32, #tpu.memory_space<vmem_shared>>)
    %dma_wait3A_652 = arith.constant 40 : i32
    %dma_wait3A_653 = arith.constant 0 : i32
    %dma_wait3A_654 = tpu.memref_slice %arg4[%dma_wait3A_652, %dma_wait3A_653] : memref<128x80xi32, #tpu.memory_space<vmem>> -> memref<1x80xi32, #tpu.memory_space<vmem>>
    %dma_wait3A_655 = tpu.memref_squeeze %dma_wait3A_654 : memref<1x80xi32, #tpu.memory_space<vmem>> -> memref<80xi32, #tpu.memory_space<vmem>>
    %dma_wait3A_656 = arith.constant 0 : i32
    %dma_wait3A_657 = arith.constant 0 : i32
    %dma_wait3A_658 = tpu.memref_slice %arg7[%dma_wait3A_656, %dma_wait3A_657] : memref<10240x16xf32, #tpu.memory_space<vmem_shared>> -> memref<10240x16xf32, #tpu.memory_space<vmem_shared>>
    tpu.wait_indirect_dma semaphore(%arg8 : memref<!tpu.dma_semaphore, #tpu.memory_space<semaphore_mem>>) src(%arg5 : memref<80x16xf32, #tpu.memory_space<vmem>>) dst(%dma_wait3A_658 : memref<10240x16xf32, #tpu.memory_space<vmem_shared>>)
    %dma_wait3A_659 = arith.constant 41 : i32
    %dma_wait3A_660 = arith.constant 0 : i32
    %dma_wait3A_661 = tpu.memref_slice %arg4[%dma_wait3A_659, %dma_wait3A_660] : memref<128x80xi32, #tpu.memory_space<vmem>> -> memref<1x80xi32, #tpu.memory_space<vmem>>
    %dma_wait3A_662 = tpu.memref_squeeze %dma_wait3A_661 : memref<1x80xi32, #tpu.memory_space<vmem>> -> memref<80xi32, #tpu.memory_space<vmem>>
    %dma_wait3A_663 = arith.constant 0 : i32
    %dma_wait3A_664 = arith.constant 0 : i32
    %dma_wait3A_665 = tpu.memref_slice %arg7[%dma_wait3A_663, %dma_wait3A_664] : memref<10240x16xf32, #tpu.memory_space<vmem_shared>> -> memref<10240x16xf32, #tpu.memory_space<vmem_shared>>
    tpu.wait_indirect_dma semaphore(%arg8 : memref<!tpu.dma_semaphore, #tpu.memory_space<semaphore_mem>>) src(%arg5 : memref<80x16xf32, #tpu.memory_space<vmem>>) dst(%dma_wait3A_665 : memref<10240x16xf32, #tpu.memory_space<vmem_shared>>)
    %dma_wait3A_666 = arith.constant 42 : i32
    %dma_wait3A_667 = arith.constant 0 : i32
    %dma_wait3A_668 = tpu.memref_slice %arg4[%dma_wait3A_666, %dma_wait3A_667] : memref<128x80xi32, #tpu.memory_space<vmem>> -> memref<1x80xi32, #tpu.memory_space<vmem>>
    %dma_wait3A_669 = tpu.memref_squeeze %dma_wait3A_668 : memref<1x80xi32, #tpu.memory_space<vmem>> -> memref<80xi32, #tpu.memory_space<vmem>>
    %dma_wait3A_670 = arith.constant 0 : i32
    %dma_wait3A_671 = arith.constant 0 : i32
    %dma_wait3A_672 = tpu.memref_slice %arg7[%dma_wait3A_670, %dma_wait3A_671] : memref<10240x16xf32, #tpu.memory_space<vmem_shared>> -> memref<10240x16xf32, #tpu.memory_space<vmem_shared>>
    tpu.wait_indirect_dma semaphore(%arg8 : memref<!tpu.dma_semaphore, #tpu.memory_space<semaphore_mem>>) src(%arg5 : memref<80x16xf32, #tpu.memory_space<vmem>>) dst(%dma_wait3A_672 : memref<10240x16xf32, #tpu.memory_space<vmem_shared>>)
    %dma_wait3A_673 = arith.constant 43 : i32
    %dma_wait3A_674 = arith.constant 0 : i32
    %dma_wait3A_675 = tpu.memref_slice %arg4[%dma_wait3A_673, %dma_wait3A_674] : memref<128x80xi32, #tpu.memory_space<vmem>> -> memref<1x80xi32, #tpu.memory_space<vmem>>
    %dma_wait3A_676 = tpu.memref_squeeze %dma_wait3A_675 : memref<1x80xi32, #tpu.memory_space<vmem>> -> memref<80xi32, #tpu.memory_space<vmem>>
    %dma_wait3A_677 = arith.constant 0 : i32
    %dma_wait3A_678 = arith.constant 0 : i32
    %dma_wait3A_679 = tpu.memref_slice %arg7[%dma_wait3A_677, %dma_wait3A_678] : memref<10240x16xf32, #tpu.memory_space<vmem_shared>> -> memref<10240x16xf32, #tpu.memory_space<vmem_shared>>
    tpu.wait_indirect_dma semaphore(%arg8 : memref<!tpu.dma_semaphore, #tpu.memory_space<semaphore_mem>>) src(%arg5 : memref<80x16xf32, #tpu.memory_space<vmem>>) dst(%dma_wait3A_679 : memref<10240x16xf32, #tpu.memory_space<vmem_shared>>)
    %dma_wait3A_680 = arith.constant 44 : i32
    %dma_wait3A_681 = arith.constant 0 : i32
    %dma_wait3A_682 = tpu.memref_slice %arg4[%dma_wait3A_680, %dma_wait3A_681] : memref<128x80xi32, #tpu.memory_space<vmem>> -> memref<1x80xi32, #tpu.memory_space<vmem>>
    %dma_wait3A_683 = tpu.memref_squeeze %dma_wait3A_682 : memref<1x80xi32, #tpu.memory_space<vmem>> -> memref<80xi32, #tpu.memory_space<vmem>>
    %dma_wait3A_684 = arith.constant 0 : i32
    %dma_wait3A_685 = arith.constant 0 : i32
    %dma_wait3A_686 = tpu.memref_slice %arg7[%dma_wait3A_684, %dma_wait3A_685] : memref<10240x16xf32, #tpu.memory_space<vmem_shared>> -> memref<10240x16xf32, #tpu.memory_space<vmem_shared>>
    tpu.wait_indirect_dma semaphore(%arg8 : memref<!tpu.dma_semaphore, #tpu.memory_space<semaphore_mem>>) src(%arg5 : memref<80x16xf32, #tpu.memory_space<vmem>>) dst(%dma_wait3A_686 : memref<10240x16xf32, #tpu.memory_space<vmem_shared>>)
    %dma_wait3A_687 = arith.constant 45 : i32
    %dma_wait3A_688 = arith.constant 0 : i32
    %dma_wait3A_689 = tpu.memref_slice %arg4[%dma_wait3A_687, %dma_wait3A_688] : memref<128x80xi32, #tpu.memory_space<vmem>> -> memref<1x80xi32, #tpu.memory_space<vmem>>
    %dma_wait3A_690 = tpu.memref_squeeze %dma_wait3A_689 : memref<1x80xi32, #tpu.memory_space<vmem>> -> memref<80xi32, #tpu.memory_space<vmem>>
    %dma_wait3A_691 = arith.constant 0 : i32
    %dma_wait3A_692 = arith.constant 0 : i32
    %dma_wait3A_693 = tpu.memref_slice %arg7[%dma_wait3A_691, %dma_wait3A_692] : memref<10240x16xf32, #tpu.memory_space<vmem_shared>> -> memref<10240x16xf32, #tpu.memory_space<vmem_shared>>
    tpu.wait_indirect_dma semaphore(%arg8 : memref<!tpu.dma_semaphore, #tpu.memory_space<semaphore_mem>>) src(%arg5 : memref<80x16xf32, #tpu.memory_space<vmem>>) dst(%dma_wait3A_693 : memref<10240x16xf32, #tpu.memory_space<vmem_shared>>)
    %dma_wait3A_694 = arith.constant 46 : i32
    %dma_wait3A_695 = arith.constant 0 : i32
    %dma_wait3A_696 = tpu.memref_slice %arg4[%dma_wait3A_694, %dma_wait3A_695] : memref<128x80xi32, #tpu.memory_space<vmem>> -> memref<1x80xi32, #tpu.memory_space<vmem>>
    %dma_wait3A_697 = tpu.memref_squeeze %dma_wait3A_696 : memref<1x80xi32, #tpu.memory_space<vmem>> -> memref<80xi32, #tpu.memory_space<vmem>>
    %dma_wait3A_698 = arith.constant 0 : i32
    %dma_wait3A_699 = arith.constant 0 : i32
    %dma_wait3A_700 = tpu.memref_slice %arg7[%dma_wait3A_698, %dma_wait3A_699] : memref<10240x16xf32, #tpu.memory_space<vmem_shared>> -> memref<10240x16xf32, #tpu.memory_space<vmem_shared>>
    tpu.wait_indirect_dma semaphore(%arg8 : memref<!tpu.dma_semaphore, #tpu.memory_space<semaphore_mem>>) src(%arg5 : memref<80x16xf32, #tpu.memory_space<vmem>>) dst(%dma_wait3A_700 : memref<10240x16xf32, #tpu.memory_space<vmem_shared>>)
    %dma_wait3A_701 = arith.constant 47 : i32
    %dma_wait3A_702 = arith.constant 0 : i32
    %dma_wait3A_703 = tpu.memref_slice %arg4[%dma_wait3A_701, %dma_wait3A_702] : memref<128x80xi32, #tpu.memory_space<vmem>> -> memref<1x80xi32, #tpu.memory_space<vmem>>
    %dma_wait3A_704 = tpu.memref_squeeze %dma_wait3A_703 : memref<1x80xi32, #tpu.memory_space<vmem>> -> memref<80xi32, #tpu.memory_space<vmem>>
    %dma_wait3A_705 = arith.constant 0 : i32
    %dma_wait3A_706 = arith.constant 0 : i32
    %dma_wait3A_707 = tpu.memref_slice %arg7[%dma_wait3A_705, %dma_wait3A_706] : memref<10240x16xf32, #tpu.memory_space<vmem_shared>> -> memref<10240x16xf32, #tpu.memory_space<vmem_shared>>
    tpu.wait_indirect_dma semaphore(%arg8 : memref<!tpu.dma_semaphore, #tpu.memory_space<semaphore_mem>>) src(%arg5 : memref<80x16xf32, #tpu.memory_space<vmem>>) dst(%dma_wait3A_707 : memref<10240x16xf32, #tpu.memory_space<vmem_shared>>)
    %dma_wait3A_708 = arith.constant 48 : i32
    %dma_wait3A_709 = arith.constant 0 : i32
    %dma_wait3A_710 = tpu.memref_slice %arg4[%dma_wait3A_708, %dma_wait3A_709] : memref<128x80xi32, #tpu.memory_space<vmem>> -> memref<1x80xi32, #tpu.memory_space<vmem>>
    %dma_wait3A_711 = tpu.memref_squeeze %dma_wait3A_710 : memref<1x80xi32, #tpu.memory_space<vmem>> -> memref<80xi32, #tpu.memory_space<vmem>>
    %dma_wait3A_712 = arith.constant 0 : i32
    %dma_wait3A_713 = arith.constant 0 : i32
    %dma_wait3A_714 = tpu.memref_slice %arg7[%dma_wait3A_712, %dma_wait3A_713] : memref<10240x16xf32, #tpu.memory_space<vmem_shared>> -> memref<10240x16xf32, #tpu.memory_space<vmem_shared>>
    tpu.wait_indirect_dma semaphore(%arg8 : memref<!tpu.dma_semaphore, #tpu.memory_space<semaphore_mem>>) src(%arg5 : memref<80x16xf32, #tpu.memory_space<vmem>>) dst(%dma_wait3A_714 : memref<10240x16xf32, #tpu.memory_space<vmem_shared>>)
    %dma_wait3A_715 = arith.constant 49 : i32
    %dma_wait3A_716 = arith.constant 0 : i32
    %dma_wait3A_717 = tpu.memref_slice %arg4[%dma_wait3A_715, %dma_wait3A_716] : memref<128x80xi32, #tpu.memory_space<vmem>> -> memref<1x80xi32, #tpu.memory_space<vmem>>
    %dma_wait3A_718 = tpu.memref_squeeze %dma_wait3A_717 : memref<1x80xi32, #tpu.memory_space<vmem>> -> memref<80xi32, #tpu.memory_space<vmem>>
    %dma_wait3A_719 = arith.constant 0 : i32
    %dma_wait3A_720 = arith.constant 0 : i32
    %dma_wait3A_721 = tpu.memref_slice %arg7[%dma_wait3A_719, %dma_wait3A_720] : memref<10240x16xf32, #tpu.memory_space<vmem_shared>> -> memref<10240x16xf32, #tpu.memory_space<vmem_shared>>
    tpu.wait_indirect_dma semaphore(%arg8 : memref<!tpu.dma_semaphore, #tpu.memory_space<semaphore_mem>>) src(%arg5 : memref<80x16xf32, #tpu.memory_space<vmem>>) dst(%dma_wait3A_721 : memref<10240x16xf32, #tpu.memory_space<vmem_shared>>)
    %dma_start3A_722 = arith.constant 50 : i32
    %dma_start3A_723 = arith.constant 0 : i32
    %dma_start3A_724 = tpu.memref_slice %arg4[%dma_start3A_722, %dma_start3A_723] : memref<128x80xi32, #tpu.memory_space<vmem>> -> memref<1x80xi32, #tpu.memory_space<vmem>>
    %dma_start3A_725 = tpu.memref_squeeze %dma_start3A_724 : memref<1x80xi32, #tpu.memory_space<vmem>> -> memref<80xi32, #tpu.memory_space<vmem>>
    %dma_start3A_726 = arith.constant 0 : i32
    %dma_start3A_727 = arith.constant 0 : i32
    %dma_start3A_728 = tpu.memref_slice %arg7[%dma_start3A_726, %dma_start3A_727] : memref<10240x16xf32, #tpu.memory_space<vmem_shared>> -> memref<10240x16xf32, #tpu.memory_space<vmem_shared>>
    tpu.enqueue_indirect_dma source(%arg5 : memref<80x16xf32, #tpu.memory_space<vmem>>) target(%dma_start3A_728 : memref<10240x16xf32, #tpu.memory_space<vmem_shared>>) offsets(%dma_start3A_725 : memref<80xi32, #tpu.memory_space<vmem>>) semaphore(%arg8 : memref<!tpu.dma_semaphore, #tpu.memory_space<semaphore_mem>>) {add = true}
    %dma_start3A_729 = arith.constant 51 : i32
    %dma_start3A_730 = arith.constant 0 : i32
    %dma_start3A_731 = tpu.memref_slice %arg4[%dma_start3A_729, %dma_start3A_730] : memref<128x80xi32, #tpu.memory_space<vmem>> -> memref<1x80xi32, #tpu.memory_space<vmem>>
    %dma_start3A_732 = tpu.memref_squeeze %dma_start3A_731 : memref<1x80xi32, #tpu.memory_space<vmem>> -> memref<80xi32, #tpu.memory_space<vmem>>
    %dma_start3A_733 = arith.constant 0 : i32
    %dma_start3A_734 = arith.constant 0 : i32
    %dma_start3A_735 = tpu.memref_slice %arg7[%dma_start3A_733, %dma_start3A_734] : memref<10240x16xf32, #tpu.memory_space<vmem_shared>> -> memref<10240x16xf32, #tpu.memory_space<vmem_shared>>
    tpu.enqueue_indirect_dma source(%arg5 : memref<80x16xf32, #tpu.memory_space<vmem>>) target(%dma_start3A_735 : memref<10240x16xf32, #tpu.memory_space<vmem_shared>>) offsets(%dma_start3A_732 : memref<80xi32, #tpu.memory_space<vmem>>) semaphore(%arg8 : memref<!tpu.dma_semaphore, #tpu.memory_space<semaphore_mem>>) {add = true}
    %dma_start3A_736 = arith.constant 52 : i32
    %dma_start3A_737 = arith.constant 0 : i32
    %dma_start3A_738 = tpu.memref_slice %arg4[%dma_start3A_736, %dma_start3A_737] : memref<128x80xi32, #tpu.memory_space<vmem>> -> memref<1x80xi32, #tpu.memory_space<vmem>>
    %dma_start3A_739 = tpu.memref_squeeze %dma_start3A_738 : memref<1x80xi32, #tpu.memory_space<vmem>> -> memref<80xi32, #tpu.memory_space<vmem>>
    %dma_start3A_740 = arith.constant 0 : i32
    %dma_start3A_741 = arith.constant 0 : i32
    %dma_start3A_742 = tpu.memref_slice %arg7[%dma_start3A_740, %dma_start3A_741] : memref<10240x16xf32, #tpu.memory_space<vmem_shared>> -> memref<10240x16xf32, #tpu.memory_space<vmem_shared>>
    tpu.enqueue_indirect_dma source(%arg5 : memref<80x16xf32, #tpu.memory_space<vmem>>) target(%dma_start3A_742 : memref<10240x16xf32, #tpu.memory_space<vmem_shared>>) offsets(%dma_start3A_739 : memref<80xi32, #tpu.memory_space<vmem>>) semaphore(%arg8 : memref<!tpu.dma_semaphore, #tpu.memory_space<semaphore_mem>>) {add = true}
    %dma_start3A_743 = arith.constant 53 : i32
    %dma_start3A_744 = arith.constant 0 : i32
    %dma_start3A_745 = tpu.memref_slice %arg4[%dma_start3A_743, %dma_start3A_744] : memref<128x80xi32, #tpu.memory_space<vmem>> -> memref<1x80xi32, #tpu.memory_space<vmem>>
    %dma_start3A_746 = tpu.memref_squeeze %dma_start3A_745 : memref<1x80xi32, #tpu.memory_space<vmem>> -> memref<80xi32, #tpu.memory_space<vmem>>
    %dma_start3A_747 = arith.constant 0 : i32
    %dma_start3A_748 = arith.constant 0 : i32
    %dma_start3A_749 = tpu.memref_slice %arg7[%dma_start3A_747, %dma_start3A_748] : memref<10240x16xf32, #tpu.memory_space<vmem_shared>> -> memref<10240x16xf32, #tpu.memory_space<vmem_shared>>
    tpu.enqueue_indirect_dma source(%arg5 : memref<80x16xf32, #tpu.memory_space<vmem>>) target(%dma_start3A_749 : memref<10240x16xf32, #tpu.memory_space<vmem_shared>>) offsets(%dma_start3A_746 : memref<80xi32, #tpu.memory_space<vmem>>) semaphore(%arg8 : memref<!tpu.dma_semaphore, #tpu.memory_space<semaphore_mem>>) {add = true}
    %dma_start3A_750 = arith.constant 54 : i32
    %dma_start3A_751 = arith.constant 0 : i32
    %dma_start3A_752 = tpu.memref_slice %arg4[%dma_start3A_750, %dma_start3A_751] : memref<128x80xi32, #tpu.memory_space<vmem>> -> memref<1x80xi32, #tpu.memory_space<vmem>>
    %dma_start3A_753 = tpu.memref_squeeze %dma_start3A_752 : memref<1x80xi32, #tpu.memory_space<vmem>> -> memref<80xi32, #tpu.memory_space<vmem>>
    %dma_start3A_754 = arith.constant 0 : i32
    %dma_start3A_755 = arith.constant 0 : i32
    %dma_start3A_756 = tpu.memref_slice %arg7[%dma_start3A_754, %dma_start3A_755] : memref<10240x16xf32, #tpu.memory_space<vmem_shared>> -> memref<10240x16xf32, #tpu.memory_space<vmem_shared>>
    tpu.enqueue_indirect_dma source(%arg5 : memref<80x16xf32, #tpu.memory_space<vmem>>) target(%dma_start3A_756 : memref<10240x16xf32, #tpu.memory_space<vmem_shared>>) offsets(%dma_start3A_753 : memref<80xi32, #tpu.memory_space<vmem>>) semaphore(%arg8 : memref<!tpu.dma_semaphore, #tpu.memory_space<semaphore_mem>>) {add = true}
    %dma_start3A_757 = arith.constant 55 : i32
    %dma_start3A_758 = arith.constant 0 : i32
    %dma_start3A_759 = tpu.memref_slice %arg4[%dma_start3A_757, %dma_start3A_758] : memref<128x80xi32, #tpu.memory_space<vmem>> -> memref<1x80xi32, #tpu.memory_space<vmem>>
    %dma_start3A_760 = tpu.memref_squeeze %dma_start3A_759 : memref<1x80xi32, #tpu.memory_space<vmem>> -> memref<80xi32, #tpu.memory_space<vmem>>
    %dma_start3A_761 = arith.constant 0 : i32
    %dma_start3A_762 = arith.constant 0 : i32
    %dma_start3A_763 = tpu.memref_slice %arg7[%dma_start3A_761, %dma_start3A_762] : memref<10240x16xf32, #tpu.memory_space<vmem_shared>> -> memref<10240x16xf32, #tpu.memory_space<vmem_shared>>
    tpu.enqueue_indirect_dma source(%arg5 : memref<80x16xf32, #tpu.memory_space<vmem>>) target(%dma_start3A_763 : memref<10240x16xf32, #tpu.memory_space<vmem_shared>>) offsets(%dma_start3A_760 : memref<80xi32, #tpu.memory_space<vmem>>) semaphore(%arg8 : memref<!tpu.dma_semaphore, #tpu.memory_space<semaphore_mem>>) {add = true}
    %dma_start3A_764 = arith.constant 56 : i32
    %dma_start3A_765 = arith.constant 0 : i32
    %dma_start3A_766 = tpu.memref_slice %arg4[%dma_start3A_764, %dma_start3A_765] : memref<128x80xi32, #tpu.memory_space<vmem>> -> memref<1x80xi32, #tpu.memory_space<vmem>>
    %dma_start3A_767 = tpu.memref_squeeze %dma_start3A_766 : memref<1x80xi32, #tpu.memory_space<vmem>> -> memref<80xi32, #tpu.memory_space<vmem>>
    %dma_start3A_768 = arith.constant 0 : i32
    %dma_start3A_769 = arith.constant 0 : i32
    %dma_start3A_770 = tpu.memref_slice %arg7[%dma_start3A_768, %dma_start3A_769] : memref<10240x16xf32, #tpu.memory_space<vmem_shared>> -> memref<10240x16xf32, #tpu.memory_space<vmem_shared>>
    tpu.enqueue_indirect_dma source(%arg5 : memref<80x16xf32, #tpu.memory_space<vmem>>) target(%dma_start3A_770 : memref<10240x16xf32, #tpu.memory_space<vmem_shared>>) offsets(%dma_start3A_767 : memref<80xi32, #tpu.memory_space<vmem>>) semaphore(%arg8 : memref<!tpu.dma_semaphore, #tpu.memory_space<semaphore_mem>>) {add = true}
    %dma_start3A_771 = arith.constant 57 : i32
    %dma_start3A_772 = arith.constant 0 : i32
    %dma_start3A_773 = tpu.memref_slice %arg4[%dma_start3A_771, %dma_start3A_772] : memref<128x80xi32, #tpu.memory_space<vmem>> -> memref<1x80xi32, #tpu.memory_space<vmem>>
    %dma_start3A_774 = tpu.memref_squeeze %dma_start3A_773 : memref<1x80xi32, #tpu.memory_space<vmem>> -> memref<80xi32, #tpu.memory_space<vmem>>
    %dma_start3A_775 = arith.constant 0 : i32
    %dma_start3A_776 = arith.constant 0 : i32
    %dma_start3A_777 = tpu.memref_slice %arg7[%dma_start3A_775, %dma_start3A_776] : memref<10240x16xf32, #tpu.memory_space<vmem_shared>> -> memref<10240x16xf32, #tpu.memory_space<vmem_shared>>
    tpu.enqueue_indirect_dma source(%arg5 : memref<80x16xf32, #tpu.memory_space<vmem>>) target(%dma_start3A_777 : memref<10240x16xf32, #tpu.memory_space<vmem_shared>>) offsets(%dma_start3A_774 : memref<80xi32, #tpu.memory_space<vmem>>) semaphore(%arg8 : memref<!tpu.dma_semaphore, #tpu.memory_space<semaphore_mem>>) {add = true}
    %dma_start3A_778 = arith.constant 58 : i32
    %dma_start3A_779 = arith.constant 0 : i32
    %dma_start3A_780 = tpu.memref_slice %arg4[%dma_start3A_778, %dma_start3A_779] : memref<128x80xi32, #tpu.memory_space<vmem>> -> memref<1x80xi32, #tpu.memory_space<vmem>>
    %dma_start3A_781 = tpu.memref_squeeze %dma_start3A_780 : memref<1x80xi32, #tpu.memory_space<vmem>> -> memref<80xi32, #tpu.memory_space<vmem>>
    %dma_start3A_782 = arith.constant 0 : i32
    %dma_start3A_783 = arith.constant 0 : i32
    %dma_start3A_784 = tpu.memref_slice %arg7[%dma_start3A_782, %dma_start3A_783] : memref<10240x16xf32, #tpu.memory_space<vmem_shared>> -> memref<10240x16xf32, #tpu.memory_space<vmem_shared>>
    tpu.enqueue_indirect_dma source(%arg5 : memref<80x16xf32, #tpu.memory_space<vmem>>) target(%dma_start3A_784 : memref<10240x16xf32, #tpu.memory_space<vmem_shared>>) offsets(%dma_start3A_781 : memref<80xi32, #tpu.memory_space<vmem>>) semaphore(%arg8 : memref<!tpu.dma_semaphore, #tpu.memory_space<semaphore_mem>>) {add = true}
    %dma_start3A_785 = arith.constant 59 : i32
    %dma_start3A_786 = arith.constant 0 : i32
    %dma_start3A_787 = tpu.memref_slice %arg4[%dma_start3A_785, %dma_start3A_786] : memref<128x80xi32, #tpu.memory_space<vmem>> -> memref<1x80xi32, #tpu.memory_space<vmem>>
    %dma_start3A_788 = tpu.memref_squeeze %dma_start3A_787 : memref<1x80xi32, #tpu.memory_space<vmem>> -> memref<80xi32, #tpu.memory_space<vmem>>
    %dma_start3A_789 = arith.constant 0 : i32
    %dma_start3A_790 = arith.constant 0 : i32
    %dma_start3A_791 = tpu.memref_slice %arg7[%dma_start3A_789, %dma_start3A_790] : memref<10240x16xf32, #tpu.memory_space<vmem_shared>> -> memref<10240x16xf32, #tpu.memory_space<vmem_shared>>
    tpu.enqueue_indirect_dma source(%arg5 : memref<80x16xf32, #tpu.memory_space<vmem>>) target(%dma_start3A_791 : memref<10240x16xf32, #tpu.memory_space<vmem_shared>>) offsets(%dma_start3A_788 : memref<80xi32, #tpu.memory_space<vmem>>) semaphore(%arg8 : memref<!tpu.dma_semaphore, #tpu.memory_space<semaphore_mem>>) {add = true}
    %dma_start3A_792 = arith.constant 60 : i32
    %dma_start3A_793 = arith.constant 0 : i32
    %dma_start3A_794 = tpu.memref_slice %arg4[%dma_start3A_792, %dma_start3A_793] : memref<128x80xi32, #tpu.memory_space<vmem>> -> memref<1x80xi32, #tpu.memory_space<vmem>>
    %dma_start3A_795 = tpu.memref_squeeze %dma_start3A_794 : memref<1x80xi32, #tpu.memory_space<vmem>> -> memref<80xi32, #tpu.memory_space<vmem>>
    %dma_start3A_796 = arith.constant 0 : i32
    %dma_start3A_797 = arith.constant 0 : i32
    %dma_start3A_798 = tpu.memref_slice %arg7[%dma_start3A_796, %dma_start3A_797] : memref<10240x16xf32, #tpu.memory_space<vmem_shared>> -> memref<10240x16xf32, #tpu.memory_space<vmem_shared>>
    tpu.enqueue_indirect_dma source(%arg5 : memref<80x16xf32, #tpu.memory_space<vmem>>) target(%dma_start3A_798 : memref<10240x16xf32, #tpu.memory_space<vmem_shared>>) offsets(%dma_start3A_795 : memref<80xi32, #tpu.memory_space<vmem>>) semaphore(%arg8 : memref<!tpu.dma_semaphore, #tpu.memory_space<semaphore_mem>>) {add = true}
    %dma_start3A_799 = arith.constant 61 : i32
    %dma_start3A_800 = arith.constant 0 : i32
    %dma_start3A_801 = tpu.memref_slice %arg4[%dma_start3A_799, %dma_start3A_800] : memref<128x80xi32, #tpu.memory_space<vmem>> -> memref<1x80xi32, #tpu.memory_space<vmem>>
    %dma_start3A_802 = tpu.memref_squeeze %dma_start3A_801 : memref<1x80xi32, #tpu.memory_space<vmem>> -> memref<80xi32, #tpu.memory_space<vmem>>
    %dma_start3A_803 = arith.constant 0 : i32
    %dma_start3A_804 = arith.constant 0 : i32
    %dma_start3A_805 = tpu.memref_slice %arg7[%dma_start3A_803, %dma_start3A_804] : memref<10240x16xf32, #tpu.memory_space<vmem_shared>> -> memref<10240x16xf32, #tpu.memory_space<vmem_shared>>
    tpu.enqueue_indirect_dma source(%arg5 : memref<80x16xf32, #tpu.memory_space<vmem>>) target(%dma_start3A_805 : memref<10240x16xf32, #tpu.memory_space<vmem_shared>>) offsets(%dma_start3A_802 : memref<80xi32, #tpu.memory_space<vmem>>) semaphore(%arg8 : memref<!tpu.dma_semaphore, #tpu.memory_space<semaphore_mem>>) {add = true}
    %dma_start3A_806 = arith.constant 62 : i32
    %dma_start3A_807 = arith.constant 0 : i32
    %dma_start3A_808 = tpu.memref_slice %arg4[%dma_start3A_806, %dma_start3A_807] : memref<128x80xi32, #tpu.memory_space<vmem>> -> memref<1x80xi32, #tpu.memory_space<vmem>>
    %dma_start3A_809 = tpu.memref_squeeze %dma_start3A_808 : memref<1x80xi32, #tpu.memory_space<vmem>> -> memref<80xi32, #tpu.memory_space<vmem>>
    %dma_start3A_810 = arith.constant 0 : i32
    %dma_start3A_811 = arith.constant 0 : i32
    %dma_start3A_812 = tpu.memref_slice %arg7[%dma_start3A_810, %dma_start3A_811] : memref<10240x16xf32, #tpu.memory_space<vmem_shared>> -> memref<10240x16xf32, #tpu.memory_space<vmem_shared>>
    tpu.enqueue_indirect_dma source(%arg5 : memref<80x16xf32, #tpu.memory_space<vmem>>) target(%dma_start3A_812 : memref<10240x16xf32, #tpu.memory_space<vmem_shared>>) offsets(%dma_start3A_809 : memref<80xi32, #tpu.memory_space<vmem>>) semaphore(%arg8 : memref<!tpu.dma_semaphore, #tpu.memory_space<semaphore_mem>>) {add = true}
    %dma_start3A_813 = arith.constant 63 : i32
    %dma_start3A_814 = arith.constant 0 : i32
    %dma_start3A_815 = tpu.memref_slice %arg4[%dma_start3A_813, %dma_start3A_814] : memref<128x80xi32, #tpu.memory_space<vmem>> -> memref<1x80xi32, #tpu.memory_space<vmem>>
    %dma_start3A_816 = tpu.memref_squeeze %dma_start3A_815 : memref<1x80xi32, #tpu.memory_space<vmem>> -> memref<80xi32, #tpu.memory_space<vmem>>
    %dma_start3A_817 = arith.constant 0 : i32
    %dma_start3A_818 = arith.constant 0 : i32
    %dma_start3A_819 = tpu.memref_slice %arg7[%dma_start3A_817, %dma_start3A_818] : memref<10240x16xf32, #tpu.memory_space<vmem_shared>> -> memref<10240x16xf32, #tpu.memory_space<vmem_shared>>
    tpu.enqueue_indirect_dma source(%arg5 : memref<80x16xf32, #tpu.memory_space<vmem>>) target(%dma_start3A_819 : memref<10240x16xf32, #tpu.memory_space<vmem_shared>>) offsets(%dma_start3A_816 : memref<80xi32, #tpu.memory_space<vmem>>) semaphore(%arg8 : memref<!tpu.dma_semaphore, #tpu.memory_space<semaphore_mem>>) {add = true}
    %dma_start3A_820 = arith.constant 64 : i32
    %dma_start3A_821 = arith.constant 0 : i32
    %dma_start3A_822 = tpu.memref_slice %arg4[%dma_start3A_820, %dma_start3A_821] : memref<128x80xi32, #tpu.memory_space<vmem>> -> memref<1x80xi32, #tpu.memory_space<vmem>>
    %dma_start3A_823 = tpu.memref_squeeze %dma_start3A_822 : memref<1x80xi32, #tpu.memory_space<vmem>> -> memref<80xi32, #tpu.memory_space<vmem>>
    %dma_start3A_824 = arith.constant 0 : i32
    %dma_start3A_825 = arith.constant 0 : i32
    %dma_start3A_826 = tpu.memref_slice %arg7[%dma_start3A_824, %dma_start3A_825] : memref<10240x16xf32, #tpu.memory_space<vmem_shared>> -> memref<10240x16xf32, #tpu.memory_space<vmem_shared>>
    tpu.enqueue_indirect_dma source(%arg5 : memref<80x16xf32, #tpu.memory_space<vmem>>) target(%dma_start3A_826 : memref<10240x16xf32, #tpu.memory_space<vmem_shared>>) offsets(%dma_start3A_823 : memref<80xi32, #tpu.memory_space<vmem>>) semaphore(%arg8 : memref<!tpu.dma_semaphore, #tpu.memory_space<semaphore_mem>>) {add = true}
    %dma_start3A_827 = arith.constant 65 : i32
    %dma_start3A_828 = arith.constant 0 : i32
    %dma_start3A_829 = tpu.memref_slice %arg4[%dma_start3A_827, %dma_start3A_828] : memref<128x80xi32, #tpu.memory_space<vmem>> -> memref<1x80xi32, #tpu.memory_space<vmem>>
    %dma_start3A_830 = tpu.memref_squeeze %dma_start3A_829 : memref<1x80xi32, #tpu.memory_space<vmem>> -> memref<80xi32, #tpu.memory_space<vmem>>
    %dma_start3A_831 = arith.constant 0 : i32
    %dma_start3A_832 = arith.constant 0 : i32
    %dma_start3A_833 = tpu.memref_slice %arg7[%dma_start3A_831, %dma_start3A_832] : memref<10240x16xf32, #tpu.memory_space<vmem_shared>> -> memref<10240x16xf32, #tpu.memory_space<vmem_shared>>
    tpu.enqueue_indirect_dma source(%arg5 : memref<80x16xf32, #tpu.memory_space<vmem>>) target(%dma_start3A_833 : memref<10240x16xf32, #tpu.memory_space<vmem_shared>>) offsets(%dma_start3A_830 : memref<80xi32, #tpu.memory_space<vmem>>) semaphore(%arg8 : memref<!tpu.dma_semaphore, #tpu.memory_space<semaphore_mem>>) {add = true}
    %dma_start3A_834 = arith.constant 66 : i32
    %dma_start3A_835 = arith.constant 0 : i32
    %dma_start3A_836 = tpu.memref_slice %arg4[%dma_start3A_834, %dma_start3A_835] : memref<128x80xi32, #tpu.memory_space<vmem>> -> memref<1x80xi32, #tpu.memory_space<vmem>>
    %dma_start3A_837 = tpu.memref_squeeze %dma_start3A_836 : memref<1x80xi32, #tpu.memory_space<vmem>> -> memref<80xi32, #tpu.memory_space<vmem>>
    %dma_start3A_838 = arith.constant 0 : i32
    %dma_start3A_839 = arith.constant 0 : i32
    %dma_start3A_840 = tpu.memref_slice %arg7[%dma_start3A_838, %dma_start3A_839] : memref<10240x16xf32, #tpu.memory_space<vmem_shared>> -> memref<10240x16xf32, #tpu.memory_space<vmem_shared>>
    tpu.enqueue_indirect_dma source(%arg5 : memref<80x16xf32, #tpu.memory_space<vmem>>) target(%dma_start3A_840 : memref<10240x16xf32, #tpu.memory_space<vmem_shared>>) offsets(%dma_start3A_837 : memref<80xi32, #tpu.memory_space<vmem>>) semaphore(%arg8 : memref<!tpu.dma_semaphore, #tpu.memory_space<semaphore_mem>>) {add = true}
    %dma_start3A_841 = arith.constant 67 : i32
    %dma_start3A_842 = arith.constant 0 : i32
    %dma_start3A_843 = tpu.memref_slice %arg4[%dma_start3A_841, %dma_start3A_842] : memref<128x80xi32, #tpu.memory_space<vmem>> -> memref<1x80xi32, #tpu.memory_space<vmem>>
    %dma_start3A_844 = tpu.memref_squeeze %dma_start3A_843 : memref<1x80xi32, #tpu.memory_space<vmem>> -> memref<80xi32, #tpu.memory_space<vmem>>
    %dma_start3A_845 = arith.constant 0 : i32
    %dma_start3A_846 = arith.constant 0 : i32
    %dma_start3A_847 = tpu.memref_slice %arg7[%dma_start3A_845, %dma_start3A_846] : memref<10240x16xf32, #tpu.memory_space<vmem_shared>> -> memref<10240x16xf32, #tpu.memory_space<vmem_shared>>
    tpu.enqueue_indirect_dma source(%arg5 : memref<80x16xf32, #tpu.memory_space<vmem>>) target(%dma_start3A_847 : memref<10240x16xf32, #tpu.memory_space<vmem_shared>>) offsets(%dma_start3A_844 : memref<80xi32, #tpu.memory_space<vmem>>) semaphore(%arg8 : memref<!tpu.dma_semaphore, #tpu.memory_space<semaphore_mem>>) {add = true}
    %dma_start3A_848 = arith.constant 68 : i32
    %dma_start3A_849 = arith.constant 0 : i32
    %dma_start3A_850 = tpu.memref_slice %arg4[%dma_start3A_848, %dma_start3A_849] : memref<128x80xi32, #tpu.memory_space<vmem>> -> memref<1x80xi32, #tpu.memory_space<vmem>>
    %dma_start3A_851 = tpu.memref_squeeze %dma_start3A_850 : memref<1x80xi32, #tpu.memory_space<vmem>> -> memref<80xi32, #tpu.memory_space<vmem>>
    %dma_start3A_852 = arith.constant 0 : i32
    %dma_start3A_853 = arith.constant 0 : i32
    %dma_start3A_854 = tpu.memref_slice %arg7[%dma_start3A_852, %dma_start3A_853] : memref<10240x16xf32, #tpu.memory_space<vmem_shared>> -> memref<10240x16xf32, #tpu.memory_space<vmem_shared>>
    tpu.enqueue_indirect_dma source(%arg5 : memref<80x16xf32, #tpu.memory_space<vmem>>) target(%dma_start3A_854 : memref<10240x16xf32, #tpu.memory_space<vmem_shared>>) offsets(%dma_start3A_851 : memref<80xi32, #tpu.memory_space<vmem>>) semaphore(%arg8 : memref<!tpu.dma_semaphore, #tpu.memory_space<semaphore_mem>>) {add = true}
    %dma_start3A_855 = arith.constant 69 : i32
    %dma_start3A_856 = arith.constant 0 : i32
    %dma_start3A_857 = tpu.memref_slice %arg4[%dma_start3A_855, %dma_start3A_856] : memref<128x80xi32, #tpu.memory_space<vmem>> -> memref<1x80xi32, #tpu.memory_space<vmem>>
    %dma_start3A_858 = tpu.memref_squeeze %dma_start3A_857 : memref<1x80xi32, #tpu.memory_space<vmem>> -> memref<80xi32, #tpu.memory_space<vmem>>
    %dma_start3A_859 = arith.constant 0 : i32
    %dma_start3A_860 = arith.constant 0 : i32
    %dma_start3A_861 = tpu.memref_slice %arg7[%dma_start3A_859, %dma_start3A_860] : memref<10240x16xf32, #tpu.memory_space<vmem_shared>> -> memref<10240x16xf32, #tpu.memory_space<vmem_shared>>
    tpu.enqueue_indirect_dma source(%arg5 : memref<80x16xf32, #tpu.memory_space<vmem>>) target(%dma_start3A_861 : memref<10240x16xf32, #tpu.memory_space<vmem_shared>>) offsets(%dma_start3A_858 : memref<80xi32, #tpu.memory_space<vmem>>) semaphore(%arg8 : memref<!tpu.dma_semaphore, #tpu.memory_space<semaphore_mem>>) {add = true}
    %dma_start3A_862 = arith.constant 70 : i32
    %dma_start3A_863 = arith.constant 0 : i32
    %dma_start3A_864 = tpu.memref_slice %arg4[%dma_start3A_862, %dma_start3A_863] : memref<128x80xi32, #tpu.memory_space<vmem>> -> memref<1x80xi32, #tpu.memory_space<vmem>>
    %dma_start3A_865 = tpu.memref_squeeze %dma_start3A_864 : memref<1x80xi32, #tpu.memory_space<vmem>> -> memref<80xi32, #tpu.memory_space<vmem>>
    %dma_start3A_866 = arith.constant 0 : i32
    %dma_start3A_867 = arith.constant 0 : i32
    %dma_start3A_868 = tpu.memref_slice %arg7[%dma_start3A_866, %dma_start3A_867] : memref<10240x16xf32, #tpu.memory_space<vmem_shared>> -> memref<10240x16xf32, #tpu.memory_space<vmem_shared>>
    tpu.enqueue_indirect_dma source(%arg5 : memref<80x16xf32, #tpu.memory_space<vmem>>) target(%dma_start3A_868 : memref<10240x16xf32, #tpu.memory_space<vmem_shared>>) offsets(%dma_start3A_865 : memref<80xi32, #tpu.memory_space<vmem>>) semaphore(%arg8 : memref<!tpu.dma_semaphore, #tpu.memory_space<semaphore_mem>>) {add = true}
    %dma_start3A_869 = arith.constant 71 : i32
    %dma_start3A_870 = arith.constant 0 : i32
    %dma_start3A_871 = tpu.memref_slice %arg4[%dma_start3A_869, %dma_start3A_870] : memref<128x80xi32, #tpu.memory_space<vmem>> -> memref<1x80xi32, #tpu.memory_space<vmem>>
    %dma_start3A_872 = tpu.memref_squeeze %dma_start3A_871 : memref<1x80xi32, #tpu.memory_space<vmem>> -> memref<80xi32, #tpu.memory_space<vmem>>
    %dma_start3A_873 = arith.constant 0 : i32
    %dma_start3A_874 = arith.constant 0 : i32
    %dma_start3A_875 = tpu.memref_slice %arg7[%dma_start3A_873, %dma_start3A_874] : memref<10240x16xf32, #tpu.memory_space<vmem_shared>> -> memref<10240x16xf32, #tpu.memory_space<vmem_shared>>
    tpu.enqueue_indirect_dma source(%arg5 : memref<80x16xf32, #tpu.memory_space<vmem>>) target(%dma_start3A_875 : memref<10240x16xf32, #tpu.memory_space<vmem_shared>>) offsets(%dma_start3A_872 : memref<80xi32, #tpu.memory_space<vmem>>) semaphore(%arg8 : memref<!tpu.dma_semaphore, #tpu.memory_space<semaphore_mem>>) {add = true}
    %dma_start3A_876 = arith.constant 72 : i32
    %dma_start3A_877 = arith.constant 0 : i32
    %dma_start3A_878 = tpu.memref_slice %arg4[%dma_start3A_876, %dma_start3A_877] : memref<128x80xi32, #tpu.memory_space<vmem>> -> memref<1x80xi32, #tpu.memory_space<vmem>>
    %dma_start3A_879 = tpu.memref_squeeze %dma_start3A_878 : memref<1x80xi32, #tpu.memory_space<vmem>> -> memref<80xi32, #tpu.memory_space<vmem>>
    %dma_start3A_880 = arith.constant 0 : i32
    %dma_start3A_881 = arith.constant 0 : i32
    %dma_start3A_882 = tpu.memref_slice %arg7[%dma_start3A_880, %dma_start3A_881] : memref<10240x16xf32, #tpu.memory_space<vmem_shared>> -> memref<10240x16xf32, #tpu.memory_space<vmem_shared>>
    tpu.enqueue_indirect_dma source(%arg5 : memref<80x16xf32, #tpu.memory_space<vmem>>) target(%dma_start3A_882 : memref<10240x16xf32, #tpu.memory_space<vmem_shared>>) offsets(%dma_start3A_879 : memref<80xi32, #tpu.memory_space<vmem>>) semaphore(%arg8 : memref<!tpu.dma_semaphore, #tpu.memory_space<semaphore_mem>>) {add = true}
    %dma_start3A_883 = arith.constant 73 : i32
    %dma_start3A_884 = arith.constant 0 : i32
    %dma_start3A_885 = tpu.memref_slice %arg4[%dma_start3A_883, %dma_start3A_884] : memref<128x80xi32, #tpu.memory_space<vmem>> -> memref<1x80xi32, #tpu.memory_space<vmem>>
    %dma_start3A_886 = tpu.memref_squeeze %dma_start3A_885 : memref<1x80xi32, #tpu.memory_space<vmem>> -> memref<80xi32, #tpu.memory_space<vmem>>
    %dma_start3A_887 = arith.constant 0 : i32
    %dma_start3A_888 = arith.constant 0 : i32
    %dma_start3A_889 = tpu.memref_slice %arg7[%dma_start3A_887, %dma_start3A_888] : memref<10240x16xf32, #tpu.memory_space<vmem_shared>> -> memref<10240x16xf32, #tpu.memory_space<vmem_shared>>
    tpu.enqueue_indirect_dma source(%arg5 : memref<80x16xf32, #tpu.memory_space<vmem>>) target(%dma_start3A_889 : memref<10240x16xf32, #tpu.memory_space<vmem_shared>>) offsets(%dma_start3A_886 : memref<80xi32, #tpu.memory_space<vmem>>) semaphore(%arg8 : memref<!tpu.dma_semaphore, #tpu.memory_space<semaphore_mem>>) {add = true}
    %dma_start3A_890 = arith.constant 74 : i32
    %dma_start3A_891 = arith.constant 0 : i32
    %dma_start3A_892 = tpu.memref_slice %arg4[%dma_start3A_890, %dma_start3A_891] : memref<128x80xi32, #tpu.memory_space<vmem>> -> memref<1x80xi32, #tpu.memory_space<vmem>>
    %dma_start3A_893 = tpu.memref_squeeze %dma_start3A_892 : memref<1x80xi32, #tpu.memory_space<vmem>> -> memref<80xi32, #tpu.memory_space<vmem>>
    %dma_start3A_894 = arith.constant 0 : i32
    %dma_start3A_895 = arith.constant 0 : i32
    %dma_start3A_896 = tpu.memref_slice %arg7[%dma_start3A_894, %dma_start3A_895] : memref<10240x16xf32, #tpu.memory_space<vmem_shared>> -> memref<10240x16xf32, #tpu.memory_space<vmem_shared>>
    tpu.enqueue_indirect_dma source(%arg5 : memref<80x16xf32, #tpu.memory_space<vmem>>) target(%dma_start3A_896 : memref<10240x16xf32, #tpu.memory_space<vmem_shared>>) offsets(%dma_start3A_893 : memref<80xi32, #tpu.memory_space<vmem>>) semaphore(%arg8 : memref<!tpu.dma_semaphore, #tpu.memory_space<semaphore_mem>>) {add = true}
    %dma_wait3A_897 = arith.constant 50 : i32
    %dma_wait3A_898 = arith.constant 0 : i32
    %dma_wait3A_899 = tpu.memref_slice %arg4[%dma_wait3A_897, %dma_wait3A_898] : memref<128x80xi32, #tpu.memory_space<vmem>> -> memref<1x80xi32, #tpu.memory_space<vmem>>
    %dma_wait3A_900 = tpu.memref_squeeze %dma_wait3A_899 : memref<1x80xi32, #tpu.memory_space<vmem>> -> memref<80xi32, #tpu.memory_space<vmem>>
    %dma_wait3A_901 = arith.constant 0 : i32
    %dma_wait3A_902 = arith.constant 0 : i32
    %dma_wait3A_903 = tpu.memref_slice %arg7[%dma_wait3A_901, %dma_wait3A_902] : memref<10240x16xf32, #tpu.memory_space<vmem_shared>> -> memref<10240x16xf32, #tpu.memory_space<vmem_shared>>
    tpu.wait_indirect_dma semaphore(%arg8 : memref<!tpu.dma_semaphore, #tpu.memory_space<semaphore_mem>>) src(%arg5 : memref<80x16xf32, #tpu.memory_space<vmem>>) dst(%dma_wait3A_903 : memref<10240x16xf32, #tpu.memory_space<vmem_shared>>)
    %dma_wait3A_904 = arith.constant 51 : i32
    %dma_wait3A_905 = arith.constant 0 : i32
    %dma_wait3A_906 = tpu.memref_slice %arg4[%dma_wait3A_904, %dma_wait3A_905] : memref<128x80xi32, #tpu.memory_space<vmem>> -> memref<1x80xi32, #tpu.memory_space<vmem>>
    %dma_wait3A_907 = tpu.memref_squeeze %dma_wait3A_906 : memref<1x80xi32, #tpu.memory_space<vmem>> -> memref<80xi32, #tpu.memory_space<vmem>>
    %dma_wait3A_908 = arith.constant 0 : i32
    %dma_wait3A_909 = arith.constant 0 : i32
    %dma_wait3A_910 = tpu.memref_slice %arg7[%dma_wait3A_908, %dma_wait3A_909] : memref<10240x16xf32, #tpu.memory_space<vmem_shared>> -> memref<10240x16xf32, #tpu.memory_space<vmem_shared>>
    tpu.wait_indirect_dma semaphore(%arg8 : memref<!tpu.dma_semaphore, #tpu.memory_space<semaphore_mem>>) src(%arg5 : memref<80x16xf32, #tpu.memory_space<vmem>>) dst(%dma_wait3A_910 : memref<10240x16xf32, #tpu.memory_space<vmem_shared>>)
    %dma_wait3A_911 = arith.constant 52 : i32
    %dma_wait3A_912 = arith.constant 0 : i32
    %dma_wait3A_913 = tpu.memref_slice %arg4[%dma_wait3A_911, %dma_wait3A_912] : memref<128x80xi32, #tpu.memory_space<vmem>> -> memref<1x80xi32, #tpu.memory_space<vmem>>
    %dma_wait3A_914 = tpu.memref_squeeze %dma_wait3A_913 : memref<1x80xi32, #tpu.memory_space<vmem>> -> memref<80xi32, #tpu.memory_space<vmem>>
    %dma_wait3A_915 = arith.constant 0 : i32
    %dma_wait3A_916 = arith.constant 0 : i32
    %dma_wait3A_917 = tpu.memref_slice %arg7[%dma_wait3A_915, %dma_wait3A_916] : memref<10240x16xf32, #tpu.memory_space<vmem_shared>> -> memref<10240x16xf32, #tpu.memory_space<vmem_shared>>
    tpu.wait_indirect_dma semaphore(%arg8 : memref<!tpu.dma_semaphore, #tpu.memory_space<semaphore_mem>>) src(%arg5 : memref<80x16xf32, #tpu.memory_space<vmem>>) dst(%dma_wait3A_917 : memref<10240x16xf32, #tpu.memory_space<vmem_shared>>)
    %dma_wait3A_918 = arith.constant 53 : i32
    %dma_wait3A_919 = arith.constant 0 : i32
    %dma_wait3A_920 = tpu.memref_slice %arg4[%dma_wait3A_918, %dma_wait3A_919] : memref<128x80xi32, #tpu.memory_space<vmem>> -> memref<1x80xi32, #tpu.memory_space<vmem>>
    %dma_wait3A_921 = tpu.memref_squeeze %dma_wait3A_920 : memref<1x80xi32, #tpu.memory_space<vmem>> -> memref<80xi32, #tpu.memory_space<vmem>>
    %dma_wait3A_922 = arith.constant 0 : i32
    %dma_wait3A_923 = arith.constant 0 : i32
    %dma_wait3A_924 = tpu.memref_slice %arg7[%dma_wait3A_922, %dma_wait3A_923] : memref<10240x16xf32, #tpu.memory_space<vmem_shared>> -> memref<10240x16xf32, #tpu.memory_space<vmem_shared>>
    tpu.wait_indirect_dma semaphore(%arg8 : memref<!tpu.dma_semaphore, #tpu.memory_space<semaphore_mem>>) src(%arg5 : memref<80x16xf32, #tpu.memory_space<vmem>>) dst(%dma_wait3A_924 : memref<10240x16xf32, #tpu.memory_space<vmem_shared>>)
    %dma_wait3A_925 = arith.constant 54 : i32
    %dma_wait3A_926 = arith.constant 0 : i32
    %dma_wait3A_927 = tpu.memref_slice %arg4[%dma_wait3A_925, %dma_wait3A_926] : memref<128x80xi32, #tpu.memory_space<vmem>> -> memref<1x80xi32, #tpu.memory_space<vmem>>
    %dma_wait3A_928 = tpu.memref_squeeze %dma_wait3A_927 : memref<1x80xi32, #tpu.memory_space<vmem>> -> memref<80xi32, #tpu.memory_space<vmem>>
    %dma_wait3A_929 = arith.constant 0 : i32
    %dma_wait3A_930 = arith.constant 0 : i32
    %dma_wait3A_931 = tpu.memref_slice %arg7[%dma_wait3A_929, %dma_wait3A_930] : memref<10240x16xf32, #tpu.memory_space<vmem_shared>> -> memref<10240x16xf32, #tpu.memory_space<vmem_shared>>
    tpu.wait_indirect_dma semaphore(%arg8 : memref<!tpu.dma_semaphore, #tpu.memory_space<semaphore_mem>>) src(%arg5 : memref<80x16xf32, #tpu.memory_space<vmem>>) dst(%dma_wait3A_931 : memref<10240x16xf32, #tpu.memory_space<vmem_shared>>)
    %dma_wait3A_932 = arith.constant 55 : i32
    %dma_wait3A_933 = arith.constant 0 : i32
    %dma_wait3A_934 = tpu.memref_slice %arg4[%dma_wait3A_932, %dma_wait3A_933] : memref<128x80xi32, #tpu.memory_space<vmem>> -> memref<1x80xi32, #tpu.memory_space<vmem>>
    %dma_wait3A_935 = tpu.memref_squeeze %dma_wait3A_934 : memref<1x80xi32, #tpu.memory_space<vmem>> -> memref<80xi32, #tpu.memory_space<vmem>>
    %dma_wait3A_936 = arith.constant 0 : i32
    %dma_wait3A_937 = arith.constant 0 : i32
    %dma_wait3A_938 = tpu.memref_slice %arg7[%dma_wait3A_936, %dma_wait3A_937] : memref<10240x16xf32, #tpu.memory_space<vmem_shared>> -> memref<10240x16xf32, #tpu.memory_space<vmem_shared>>
    tpu.wait_indirect_dma semaphore(%arg8 : memref<!tpu.dma_semaphore, #tpu.memory_space<semaphore_mem>>) src(%arg5 : memref<80x16xf32, #tpu.memory_space<vmem>>) dst(%dma_wait3A_938 : memref<10240x16xf32, #tpu.memory_space<vmem_shared>>)
    %dma_wait3A_939 = arith.constant 56 : i32
    %dma_wait3A_940 = arith.constant 0 : i32
    %dma_wait3A_941 = tpu.memref_slice %arg4[%dma_wait3A_939, %dma_wait3A_940] : memref<128x80xi32, #tpu.memory_space<vmem>> -> memref<1x80xi32, #tpu.memory_space<vmem>>
    %dma_wait3A_942 = tpu.memref_squeeze %dma_wait3A_941 : memref<1x80xi32, #tpu.memory_space<vmem>> -> memref<80xi32, #tpu.memory_space<vmem>>
    %dma_wait3A_943 = arith.constant 0 : i32
    %dma_wait3A_944 = arith.constant 0 : i32
    %dma_wait3A_945 = tpu.memref_slice %arg7[%dma_wait3A_943, %dma_wait3A_944] : memref<10240x16xf32, #tpu.memory_space<vmem_shared>> -> memref<10240x16xf32, #tpu.memory_space<vmem_shared>>
    tpu.wait_indirect_dma semaphore(%arg8 : memref<!tpu.dma_semaphore, #tpu.memory_space<semaphore_mem>>) src(%arg5 : memref<80x16xf32, #tpu.memory_space<vmem>>) dst(%dma_wait3A_945 : memref<10240x16xf32, #tpu.memory_space<vmem_shared>>)
    %dma_wait3A_946 = arith.constant 57 : i32
    %dma_wait3A_947 = arith.constant 0 : i32
    %dma_wait3A_948 = tpu.memref_slice %arg4[%dma_wait3A_946, %dma_wait3A_947] : memref<128x80xi32, #tpu.memory_space<vmem>> -> memref<1x80xi32, #tpu.memory_space<vmem>>
    %dma_wait3A_949 = tpu.memref_squeeze %dma_wait3A_948 : memref<1x80xi32, #tpu.memory_space<vmem>> -> memref<80xi32, #tpu.memory_space<vmem>>
    %dma_wait3A_950 = arith.constant 0 : i32
    %dma_wait3A_951 = arith.constant 0 : i32
    %dma_wait3A_952 = tpu.memref_slice %arg7[%dma_wait3A_950, %dma_wait3A_951] : memref<10240x16xf32, #tpu.memory_space<vmem_shared>> -> memref<10240x16xf32, #tpu.memory_space<vmem_shared>>
    tpu.wait_indirect_dma semaphore(%arg8 : memref<!tpu.dma_semaphore, #tpu.memory_space<semaphore_mem>>) src(%arg5 : memref<80x16xf32, #tpu.memory_space<vmem>>) dst(%dma_wait3A_952 : memref<10240x16xf32, #tpu.memory_space<vmem_shared>>)
    %dma_wait3A_953 = arith.constant 58 : i32
    %dma_wait3A_954 = arith.constant 0 : i32
    %dma_wait3A_955 = tpu.memref_slice %arg4[%dma_wait3A_953, %dma_wait3A_954] : memref<128x80xi32, #tpu.memory_space<vmem>> -> memref<1x80xi32, #tpu.memory_space<vmem>>
    %dma_wait3A_956 = tpu.memref_squeeze %dma_wait3A_955 : memref<1x80xi32, #tpu.memory_space<vmem>> -> memref<80xi32, #tpu.memory_space<vmem>>
    %dma_wait3A_957 = arith.constant 0 : i32
    %dma_wait3A_958 = arith.constant 0 : i32
    %dma_wait3A_959 = tpu.memref_slice %arg7[%dma_wait3A_957, %dma_wait3A_958] : memref<10240x16xf32, #tpu.memory_space<vmem_shared>> -> memref<10240x16xf32, #tpu.memory_space<vmem_shared>>
    tpu.wait_indirect_dma semaphore(%arg8 : memref<!tpu.dma_semaphore, #tpu.memory_space<semaphore_mem>>) src(%arg5 : memref<80x16xf32, #tpu.memory_space<vmem>>) dst(%dma_wait3A_959 : memref<10240x16xf32, #tpu.memory_space<vmem_shared>>)
    %dma_wait3A_960 = arith.constant 59 : i32
    %dma_wait3A_961 = arith.constant 0 : i32
    %dma_wait3A_962 = tpu.memref_slice %arg4[%dma_wait3A_960, %dma_wait3A_961] : memref<128x80xi32, #tpu.memory_space<vmem>> -> memref<1x80xi32, #tpu.memory_space<vmem>>
    %dma_wait3A_963 = tpu.memref_squeeze %dma_wait3A_962 : memref<1x80xi32, #tpu.memory_space<vmem>> -> memref<80xi32, #tpu.memory_space<vmem>>
    %dma_wait3A_964 = arith.constant 0 : i32
    %dma_wait3A_965 = arith.constant 0 : i32
    %dma_wait3A_966 = tpu.memref_slice %arg7[%dma_wait3A_964, %dma_wait3A_965] : memref<10240x16xf32, #tpu.memory_space<vmem_shared>> -> memref<10240x16xf32, #tpu.memory_space<vmem_shared>>
    tpu.wait_indirect_dma semaphore(%arg8 : memref<!tpu.dma_semaphore, #tpu.memory_space<semaphore_mem>>) src(%arg5 : memref<80x16xf32, #tpu.memory_space<vmem>>) dst(%dma_wait3A_966 : memref<10240x16xf32, #tpu.memory_space<vmem_shared>>)
    %dma_wait3A_967 = arith.constant 60 : i32
    %dma_wait3A_968 = arith.constant 0 : i32
    %dma_wait3A_969 = tpu.memref_slice %arg4[%dma_wait3A_967, %dma_wait3A_968] : memref<128x80xi32, #tpu.memory_space<vmem>> -> memref<1x80xi32, #tpu.memory_space<vmem>>
    %dma_wait3A_970 = tpu.memref_squeeze %dma_wait3A_969 : memref<1x80xi32, #tpu.memory_space<vmem>> -> memref<80xi32, #tpu.memory_space<vmem>>
    %dma_wait3A_971 = arith.constant 0 : i32
    %dma_wait3A_972 = arith.constant 0 : i32
    %dma_wait3A_973 = tpu.memref_slice %arg7[%dma_wait3A_971, %dma_wait3A_972] : memref<10240x16xf32, #tpu.memory_space<vmem_shared>> -> memref<10240x16xf32, #tpu.memory_space<vmem_shared>>
    tpu.wait_indirect_dma semaphore(%arg8 : memref<!tpu.dma_semaphore, #tpu.memory_space<semaphore_mem>>) src(%arg5 : memref<80x16xf32, #tpu.memory_space<vmem>>) dst(%dma_wait3A_973 : memref<10240x16xf32, #tpu.memory_space<vmem_shared>>)
    %dma_wait3A_974 = arith.constant 61 : i32
    %dma_wait3A_975 = arith.constant 0 : i32
    %dma_wait3A_976 = tpu.memref_slice %arg4[%dma_wait3A_974, %dma_wait3A_975] : memref<128x80xi32, #tpu.memory_space<vmem>> -> memref<1x80xi32, #tpu.memory_space<vmem>>
    %dma_wait3A_977 = tpu.memref_squeeze %dma_wait3A_976 : memref<1x80xi32, #tpu.memory_space<vmem>> -> memref<80xi32, #tpu.memory_space<vmem>>
    %dma_wait3A_978 = arith.constant 0 : i32
    %dma_wait3A_979 = arith.constant 0 : i32
    %dma_wait3A_980 = tpu.memref_slice %arg7[%dma_wait3A_978, %dma_wait3A_979] : memref<10240x16xf32, #tpu.memory_space<vmem_shared>> -> memref<10240x16xf32, #tpu.memory_space<vmem_shared>>
    tpu.wait_indirect_dma semaphore(%arg8 : memref<!tpu.dma_semaphore, #tpu.memory_space<semaphore_mem>>) src(%arg5 : memref<80x16xf32, #tpu.memory_space<vmem>>) dst(%dma_wait3A_980 : memref<10240x16xf32, #tpu.memory_space<vmem_shared>>)
    %dma_wait3A_981 = arith.constant 62 : i32
    %dma_wait3A_982 = arith.constant 0 : i32
    %dma_wait3A_983 = tpu.memref_slice %arg4[%dma_wait3A_981, %dma_wait3A_982] : memref<128x80xi32, #tpu.memory_space<vmem>> -> memref<1x80xi32, #tpu.memory_space<vmem>>
    %dma_wait3A_984 = tpu.memref_squeeze %dma_wait3A_983 : memref<1x80xi32, #tpu.memory_space<vmem>> -> memref<80xi32, #tpu.memory_space<vmem>>
    %dma_wait3A_985 = arith.constant 0 : i32
    %dma_wait3A_986 = arith.constant 0 : i32
    %dma_wait3A_987 = tpu.memref_slice %arg7[%dma_wait3A_985, %dma_wait3A_986] : memref<10240x16xf32, #tpu.memory_space<vmem_shared>> -> memref<10240x16xf32, #tpu.memory_space<vmem_shared>>
    tpu.wait_indirect_dma semaphore(%arg8 : memref<!tpu.dma_semaphore, #tpu.memory_space<semaphore_mem>>) src(%arg5 : memref<80x16xf32, #tpu.memory_space<vmem>>) dst(%dma_wait3A_987 : memref<10240x16xf32, #tpu.memory_space<vmem_shared>>)
    %dma_wait3A_988 = arith.constant 63 : i32
    %dma_wait3A_989 = arith.constant 0 : i32
    %dma_wait3A_990 = tpu.memref_slice %arg4[%dma_wait3A_988, %dma_wait3A_989] : memref<128x80xi32, #tpu.memory_space<vmem>> -> memref<1x80xi32, #tpu.memory_space<vmem>>
    %dma_wait3A_991 = tpu.memref_squeeze %dma_wait3A_990 : memref<1x80xi32, #tpu.memory_space<vmem>> -> memref<80xi32, #tpu.memory_space<vmem>>
    %dma_wait3A_992 = arith.constant 0 : i32
    %dma_wait3A_993 = arith.constant 0 : i32
    %dma_wait3A_994 = tpu.memref_slice %arg7[%dma_wait3A_992, %dma_wait3A_993] : memref<10240x16xf32, #tpu.memory_space<vmem_shared>> -> memref<10240x16xf32, #tpu.memory_space<vmem_shared>>
    tpu.wait_indirect_dma semaphore(%arg8 : memref<!tpu.dma_semaphore, #tpu.memory_space<semaphore_mem>>) src(%arg5 : memref<80x16xf32, #tpu.memory_space<vmem>>) dst(%dma_wait3A_994 : memref<10240x16xf32, #tpu.memory_space<vmem_shared>>)
    %dma_wait3A_995 = arith.constant 64 : i32
    %dma_wait3A_996 = arith.constant 0 : i32
    %dma_wait3A_997 = tpu.memref_slice %arg4[%dma_wait3A_995, %dma_wait3A_996] : memref<128x80xi32, #tpu.memory_space<vmem>> -> memref<1x80xi32, #tpu.memory_space<vmem>>
    %dma_wait3A_998 = tpu.memref_squeeze %dma_wait3A_997 : memref<1x80xi32, #tpu.memory_space<vmem>> -> memref<80xi32, #tpu.memory_space<vmem>>
    %dma_wait3A_999 = arith.constant 0 : i32
    %dma_wait3A_1000 = arith.constant 0 : i32
    %dma_wait3A_1001 = tpu.memref_slice %arg7[%dma_wait3A_999, %dma_wait3A_1000] : memref<10240x16xf32, #tpu.memory_space<vmem_shared>> -> memref<10240x16xf32, #tpu.memory_space<vmem_shared>>
    tpu.wait_indirect_dma semaphore(%arg8 : memref<!tpu.dma_semaphore, #tpu.memory_space<semaphore_mem>>) src(%arg5 : memref<80x16xf32, #tpu.memory_space<vmem>>) dst(%dma_wait3A_1001 : memref<10240x16xf32, #tpu.memory_space<vmem_shared>>)
    %dma_wait3A_1002 = arith.constant 65 : i32
    %dma_wait3A_1003 = arith.constant 0 : i32
    %dma_wait3A_1004 = tpu.memref_slice %arg4[%dma_wait3A_1002, %dma_wait3A_1003] : memref<128x80xi32, #tpu.memory_space<vmem>> -> memref<1x80xi32, #tpu.memory_space<vmem>>
    %dma_wait3A_1005 = tpu.memref_squeeze %dma_wait3A_1004 : memref<1x80xi32, #tpu.memory_space<vmem>> -> memref<80xi32, #tpu.memory_space<vmem>>
    %dma_wait3A_1006 = arith.constant 0 : i32
    %dma_wait3A_1007 = arith.constant 0 : i32
    %dma_wait3A_1008 = tpu.memref_slice %arg7[%dma_wait3A_1006, %dma_wait3A_1007] : memref<10240x16xf32, #tpu.memory_space<vmem_shared>> -> memref<10240x16xf32, #tpu.memory_space<vmem_shared>>
    tpu.wait_indirect_dma semaphore(%arg8 : memref<!tpu.dma_semaphore, #tpu.memory_space<semaphore_mem>>) src(%arg5 : memref<80x16xf32, #tpu.memory_space<vmem>>) dst(%dma_wait3A_1008 : memref<10240x16xf32, #tpu.memory_space<vmem_shared>>)
    %dma_wait3A_1009 = arith.constant 66 : i32
    %dma_wait3A_1010 = arith.constant 0 : i32
    %dma_wait3A_1011 = tpu.memref_slice %arg4[%dma_wait3A_1009, %dma_wait3A_1010] : memref<128x80xi32, #tpu.memory_space<vmem>> -> memref<1x80xi32, #tpu.memory_space<vmem>>
    %dma_wait3A_1012 = tpu.memref_squeeze %dma_wait3A_1011 : memref<1x80xi32, #tpu.memory_space<vmem>> -> memref<80xi32, #tpu.memory_space<vmem>>
    %dma_wait3A_1013 = arith.constant 0 : i32
    %dma_wait3A_1014 = arith.constant 0 : i32
    %dma_wait3A_1015 = tpu.memref_slice %arg7[%dma_wait3A_1013, %dma_wait3A_1014] : memref<10240x16xf32, #tpu.memory_space<vmem_shared>> -> memref<10240x16xf32, #tpu.memory_space<vmem_shared>>
    tpu.wait_indirect_dma semaphore(%arg8 : memref<!tpu.dma_semaphore, #tpu.memory_space<semaphore_mem>>) src(%arg5 : memref<80x16xf32, #tpu.memory_space<vmem>>) dst(%dma_wait3A_1015 : memref<10240x16xf32, #tpu.memory_space<vmem_shared>>)
    %dma_wait3A_1016 = arith.constant 67 : i32
    %dma_wait3A_1017 = arith.constant 0 : i32
    %dma_wait3A_1018 = tpu.memref_slice %arg4[%dma_wait3A_1016, %dma_wait3A_1017] : memref<128x80xi32, #tpu.memory_space<vmem>> -> memref<1x80xi32, #tpu.memory_space<vmem>>
    %dma_wait3A_1019 = tpu.memref_squeeze %dma_wait3A_1018 : memref<1x80xi32, #tpu.memory_space<vmem>> -> memref<80xi32, #tpu.memory_space<vmem>>
    %dma_wait3A_1020 = arith.constant 0 : i32
    %dma_wait3A_1021 = arith.constant 0 : i32
    %dma_wait3A_1022 = tpu.memref_slice %arg7[%dma_wait3A_1020, %dma_wait3A_1021] : memref<10240x16xf32, #tpu.memory_space<vmem_shared>> -> memref<10240x16xf32, #tpu.memory_space<vmem_shared>>
    tpu.wait_indirect_dma semaphore(%arg8 : memref<!tpu.dma_semaphore, #tpu.memory_space<semaphore_mem>>) src(%arg5 : memref<80x16xf32, #tpu.memory_space<vmem>>) dst(%dma_wait3A_1022 : memref<10240x16xf32, #tpu.memory_space<vmem_shared>>)
    %dma_wait3A_1023 = arith.constant 68 : i32
    %dma_wait3A_1024 = arith.constant 0 : i32
    %dma_wait3A_1025 = tpu.memref_slice %arg4[%dma_wait3A_1023, %dma_wait3A_1024] : memref<128x80xi32, #tpu.memory_space<vmem>> -> memref<1x80xi32, #tpu.memory_space<vmem>>
    %dma_wait3A_1026 = tpu.memref_squeeze %dma_wait3A_1025 : memref<1x80xi32, #tpu.memory_space<vmem>> -> memref<80xi32, #tpu.memory_space<vmem>>
    %dma_wait3A_1027 = arith.constant 0 : i32
    %dma_wait3A_1028 = arith.constant 0 : i32
    %dma_wait3A_1029 = tpu.memref_slice %arg7[%dma_wait3A_1027, %dma_wait3A_1028] : memref<10240x16xf32, #tpu.memory_space<vmem_shared>> -> memref<10240x16xf32, #tpu.memory_space<vmem_shared>>
    tpu.wait_indirect_dma semaphore(%arg8 : memref<!tpu.dma_semaphore, #tpu.memory_space<semaphore_mem>>) src(%arg5 : memref<80x16xf32, #tpu.memory_space<vmem>>) dst(%dma_wait3A_1029 : memref<10240x16xf32, #tpu.memory_space<vmem_shared>>)
    %dma_wait3A_1030 = arith.constant 69 : i32
    %dma_wait3A_1031 = arith.constant 0 : i32
    %dma_wait3A_1032 = tpu.memref_slice %arg4[%dma_wait3A_1030, %dma_wait3A_1031] : memref<128x80xi32, #tpu.memory_space<vmem>> -> memref<1x80xi32, #tpu.memory_space<vmem>>
    %dma_wait3A_1033 = tpu.memref_squeeze %dma_wait3A_1032 : memref<1x80xi32, #tpu.memory_space<vmem>> -> memref<80xi32, #tpu.memory_space<vmem>>
    %dma_wait3A_1034 = arith.constant 0 : i32
    %dma_wait3A_1035 = arith.constant 0 : i32
    %dma_wait3A_1036 = tpu.memref_slice %arg7[%dma_wait3A_1034, %dma_wait3A_1035] : memref<10240x16xf32, #tpu.memory_space<vmem_shared>> -> memref<10240x16xf32, #tpu.memory_space<vmem_shared>>
    tpu.wait_indirect_dma semaphore(%arg8 : memref<!tpu.dma_semaphore, #tpu.memory_space<semaphore_mem>>) src(%arg5 : memref<80x16xf32, #tpu.memory_space<vmem>>) dst(%dma_wait3A_1036 : memref<10240x16xf32, #tpu.memory_space<vmem_shared>>)
    %dma_wait3A_1037 = arith.constant 70 : i32
    %dma_wait3A_1038 = arith.constant 0 : i32
    %dma_wait3A_1039 = tpu.memref_slice %arg4[%dma_wait3A_1037, %dma_wait3A_1038] : memref<128x80xi32, #tpu.memory_space<vmem>> -> memref<1x80xi32, #tpu.memory_space<vmem>>
    %dma_wait3A_1040 = tpu.memref_squeeze %dma_wait3A_1039 : memref<1x80xi32, #tpu.memory_space<vmem>> -> memref<80xi32, #tpu.memory_space<vmem>>
    %dma_wait3A_1041 = arith.constant 0 : i32
    %dma_wait3A_1042 = arith.constant 0 : i32
    %dma_wait3A_1043 = tpu.memref_slice %arg7[%dma_wait3A_1041, %dma_wait3A_1042] : memref<10240x16xf32, #tpu.memory_space<vmem_shared>> -> memref<10240x16xf32, #tpu.memory_space<vmem_shared>>
    tpu.wait_indirect_dma semaphore(%arg8 : memref<!tpu.dma_semaphore, #tpu.memory_space<semaphore_mem>>) src(%arg5 : memref<80x16xf32, #tpu.memory_space<vmem>>) dst(%dma_wait3A_1043 : memref<10240x16xf32, #tpu.memory_space<vmem_shared>>)
    %dma_wait3A_1044 = arith.constant 71 : i32
    %dma_wait3A_1045 = arith.constant 0 : i32
    %dma_wait3A_1046 = tpu.memref_slice %arg4[%dma_wait3A_1044, %dma_wait3A_1045] : memref<128x80xi32, #tpu.memory_space<vmem>> -> memref<1x80xi32, #tpu.memory_space<vmem>>
    %dma_wait3A_1047 = tpu.memref_squeeze %dma_wait3A_1046 : memref<1x80xi32, #tpu.memory_space<vmem>> -> memref<80xi32, #tpu.memory_space<vmem>>
    %dma_wait3A_1048 = arith.constant 0 : i32
    %dma_wait3A_1049 = arith.constant 0 : i32
    %dma_wait3A_1050 = tpu.memref_slice %arg7[%dma_wait3A_1048, %dma_wait3A_1049] : memref<10240x16xf32, #tpu.memory_space<vmem_shared>> -> memref<10240x16xf32, #tpu.memory_space<vmem_shared>>
    tpu.wait_indirect_dma semaphore(%arg8 : memref<!tpu.dma_semaphore, #tpu.memory_space<semaphore_mem>>) src(%arg5 : memref<80x16xf32, #tpu.memory_space<vmem>>) dst(%dma_wait3A_1050 : memref<10240x16xf32, #tpu.memory_space<vmem_shared>>)
    %dma_wait3A_1051 = arith.constant 72 : i32
    %dma_wait3A_1052 = arith.constant 0 : i32
    %dma_wait3A_1053 = tpu.memref_slice %arg4[%dma_wait3A_1051, %dma_wait3A_1052] : memref<128x80xi32, #tpu.memory_space<vmem>> -> memref<1x80xi32, #tpu.memory_space<vmem>>
    %dma_wait3A_1054 = tpu.memref_squeeze %dma_wait3A_1053 : memref<1x80xi32, #tpu.memory_space<vmem>> -> memref<80xi32, #tpu.memory_space<vmem>>
    %dma_wait3A_1055 = arith.constant 0 : i32
    %dma_wait3A_1056 = arith.constant 0 : i32
    %dma_wait3A_1057 = tpu.memref_slice %arg7[%dma_wait3A_1055, %dma_wait3A_1056] : memref<10240x16xf32, #tpu.memory_space<vmem_shared>> -> memref<10240x16xf32, #tpu.memory_space<vmem_shared>>
    tpu.wait_indirect_dma semaphore(%arg8 : memref<!tpu.dma_semaphore, #tpu.memory_space<semaphore_mem>>) src(%arg5 : memref<80x16xf32, #tpu.memory_space<vmem>>) dst(%dma_wait3A_1057 : memref<10240x16xf32, #tpu.memory_space<vmem_shared>>)
    %dma_wait3A_1058 = arith.constant 73 : i32
    %dma_wait3A_1059 = arith.constant 0 : i32
    %dma_wait3A_1060 = tpu.memref_slice %arg4[%dma_wait3A_1058, %dma_wait3A_1059] : memref<128x80xi32, #tpu.memory_space<vmem>> -> memref<1x80xi32, #tpu.memory_space<vmem>>
    %dma_wait3A_1061 = tpu.memref_squeeze %dma_wait3A_1060 : memref<1x80xi32, #tpu.memory_space<vmem>> -> memref<80xi32, #tpu.memory_space<vmem>>
    %dma_wait3A_1062 = arith.constant 0 : i32
    %dma_wait3A_1063 = arith.constant 0 : i32
    %dma_wait3A_1064 = tpu.memref_slice %arg7[%dma_wait3A_1062, %dma_wait3A_1063] : memref<10240x16xf32, #tpu.memory_space<vmem_shared>> -> memref<10240x16xf32, #tpu.memory_space<vmem_shared>>
    tpu.wait_indirect_dma semaphore(%arg8 : memref<!tpu.dma_semaphore, #tpu.memory_space<semaphore_mem>>) src(%arg5 : memref<80x16xf32, #tpu.memory_space<vmem>>) dst(%dma_wait3A_1064 : memref<10240x16xf32, #tpu.memory_space<vmem_shared>>)
    %dma_wait3A_1065 = arith.constant 74 : i32
    %dma_wait3A_1066 = arith.constant 0 : i32
    %dma_wait3A_1067 = tpu.memref_slice %arg4[%dma_wait3A_1065, %dma_wait3A_1066] : memref<128x80xi32, #tpu.memory_space<vmem>> -> memref<1x80xi32, #tpu.memory_space<vmem>>
    %dma_wait3A_1068 = tpu.memref_squeeze %dma_wait3A_1067 : memref<1x80xi32, #tpu.memory_space<vmem>> -> memref<80xi32, #tpu.memory_space<vmem>>
    %dma_wait3A_1069 = arith.constant 0 : i32
    %dma_wait3A_1070 = arith.constant 0 : i32
    %dma_wait3A_1071 = tpu.memref_slice %arg7[%dma_wait3A_1069, %dma_wait3A_1070] : memref<10240x16xf32, #tpu.memory_space<vmem_shared>> -> memref<10240x16xf32, #tpu.memory_space<vmem_shared>>
    tpu.wait_indirect_dma semaphore(%arg8 : memref<!tpu.dma_semaphore, #tpu.memory_space<semaphore_mem>>) src(%arg5 : memref<80x16xf32, #tpu.memory_space<vmem>>) dst(%dma_wait3A_1071 : memref<10240x16xf32, #tpu.memory_space<vmem_shared>>)
    %dma_start3A_1072 = arith.constant 75 : i32
    %dma_start3A_1073 = arith.constant 0 : i32
    %dma_start3A_1074 = tpu.memref_slice %arg4[%dma_start3A_1072, %dma_start3A_1073] : memref<128x80xi32, #tpu.memory_space<vmem>> -> memref<1x80xi32, #tpu.memory_space<vmem>>
    %dma_start3A_1075 = tpu.memref_squeeze %dma_start3A_1074 : memref<1x80xi32, #tpu.memory_space<vmem>> -> memref<80xi32, #tpu.memory_space<vmem>>
    %dma_start3A_1076 = arith.constant 0 : i32
    %dma_start3A_1077 = arith.constant 0 : i32
    %dma_start3A_1078 = tpu.memref_slice %arg7[%dma_start3A_1076, %dma_start3A_1077] : memref<10240x16xf32, #tpu.memory_space<vmem_shared>> -> memref<10240x16xf32, #tpu.memory_space<vmem_shared>>
    tpu.enqueue_indirect_dma source(%arg5 : memref<80x16xf32, #tpu.memory_space<vmem>>) target(%dma_start3A_1078 : memref<10240x16xf32, #tpu.memory_space<vmem_shared>>) offsets(%dma_start3A_1075 : memref<80xi32, #tpu.memory_space<vmem>>) semaphore(%arg8 : memref<!tpu.dma_semaphore, #tpu.memory_space<semaphore_mem>>) {add = true}
    %dma_start3A_1079 = arith.constant 76 : i32
    %dma_start3A_1080 = arith.constant 0 : i32
    %dma_start3A_1081 = tpu.memref_slice %arg4[%dma_start3A_1079, %dma_start3A_1080] : memref<128x80xi32, #tpu.memory_space<vmem>> -> memref<1x80xi32, #tpu.memory_space<vmem>>
    %dma_start3A_1082 = tpu.memref_squeeze %dma_start3A_1081 : memref<1x80xi32, #tpu.memory_space<vmem>> -> memref<80xi32, #tpu.memory_space<vmem>>
    %dma_start3A_1083 = arith.constant 0 : i32
    %dma_start3A_1084 = arith.constant 0 : i32
    %dma_start3A_1085 = tpu.memref_slice %arg7[%dma_start3A_1083, %dma_start3A_1084] : memref<10240x16xf32, #tpu.memory_space<vmem_shared>> -> memref<10240x16xf32, #tpu.memory_space<vmem_shared>>
    tpu.enqueue_indirect_dma source(%arg5 : memref<80x16xf32, #tpu.memory_space<vmem>>) target(%dma_start3A_1085 : memref<10240x16xf32, #tpu.memory_space<vmem_shared>>) offsets(%dma_start3A_1082 : memref<80xi32, #tpu.memory_space<vmem>>) semaphore(%arg8 : memref<!tpu.dma_semaphore, #tpu.memory_space<semaphore_mem>>) {add = true}
    %dma_start3A_1086 = arith.constant 77 : i32
    %dma_start3A_1087 = arith.constant 0 : i32
    %dma_start3A_1088 = tpu.memref_slice %arg4[%dma_start3A_1086, %dma_start3A_1087] : memref<128x80xi32, #tpu.memory_space<vmem>> -> memref<1x80xi32, #tpu.memory_space<vmem>>
    %dma_start3A_1089 = tpu.memref_squeeze %dma_start3A_1088 : memref<1x80xi32, #tpu.memory_space<vmem>> -> memref<80xi32, #tpu.memory_space<vmem>>
    %dma_start3A_1090 = arith.constant 0 : i32
    %dma_start3A_1091 = arith.constant 0 : i32
    %dma_start3A_1092 = tpu.memref_slice %arg7[%dma_start3A_1090, %dma_start3A_1091] : memref<10240x16xf32, #tpu.memory_space<vmem_shared>> -> memref<10240x16xf32, #tpu.memory_space<vmem_shared>>
    tpu.enqueue_indirect_dma source(%arg5 : memref<80x16xf32, #tpu.memory_space<vmem>>) target(%dma_start3A_1092 : memref<10240x16xf32, #tpu.memory_space<vmem_shared>>) offsets(%dma_start3A_1089 : memref<80xi32, #tpu.memory_space<vmem>>) semaphore(%arg8 : memref<!tpu.dma_semaphore, #tpu.memory_space<semaphore_mem>>) {add = true}
    %dma_start3A_1093 = arith.constant 78 : i32
    %dma_start3A_1094 = arith.constant 0 : i32
    %dma_start3A_1095 = tpu.memref_slice %arg4[%dma_start3A_1093, %dma_start3A_1094] : memref<128x80xi32, #tpu.memory_space<vmem>> -> memref<1x80xi32, #tpu.memory_space<vmem>>
    %dma_start3A_1096 = tpu.memref_squeeze %dma_start3A_1095 : memref<1x80xi32, #tpu.memory_space<vmem>> -> memref<80xi32, #tpu.memory_space<vmem>>
    %dma_start3A_1097 = arith.constant 0 : i32
    %dma_start3A_1098 = arith.constant 0 : i32
    %dma_start3A_1099 = tpu.memref_slice %arg7[%dma_start3A_1097, %dma_start3A_1098] : memref<10240x16xf32, #tpu.memory_space<vmem_shared>> -> memref<10240x16xf32, #tpu.memory_space<vmem_shared>>
    tpu.enqueue_indirect_dma source(%arg5 : memref<80x16xf32, #tpu.memory_space<vmem>>) target(%dma_start3A_1099 : memref<10240x16xf32, #tpu.memory_space<vmem_shared>>) offsets(%dma_start3A_1096 : memref<80xi32, #tpu.memory_space<vmem>>) semaphore(%arg8 : memref<!tpu.dma_semaphore, #tpu.memory_space<semaphore_mem>>) {add = true}
    %dma_start3A_1100 = arith.constant 79 : i32
    %dma_start3A_1101 = arith.constant 0 : i32
    %dma_start3A_1102 = tpu.memref_slice %arg4[%dma_start3A_1100, %dma_start3A_1101] : memref<128x80xi32, #tpu.memory_space<vmem>> -> memref<1x80xi32, #tpu.memory_space<vmem>>
    %dma_start3A_1103 = tpu.memref_squeeze %dma_start3A_1102 : memref<1x80xi32, #tpu.memory_space<vmem>> -> memref<80xi32, #tpu.memory_space<vmem>>
    %dma_start3A_1104 = arith.constant 0 : i32
    %dma_start3A_1105 = arith.constant 0 : i32
    %dma_start3A_1106 = tpu.memref_slice %arg7[%dma_start3A_1104, %dma_start3A_1105] : memref<10240x16xf32, #tpu.memory_space<vmem_shared>> -> memref<10240x16xf32, #tpu.memory_space<vmem_shared>>
    tpu.enqueue_indirect_dma source(%arg5 : memref<80x16xf32, #tpu.memory_space<vmem>>) target(%dma_start3A_1106 : memref<10240x16xf32, #tpu.memory_space<vmem_shared>>) offsets(%dma_start3A_1103 : memref<80xi32, #tpu.memory_space<vmem>>) semaphore(%arg8 : memref<!tpu.dma_semaphore, #tpu.memory_space<semaphore_mem>>) {add = true}
    %dma_start3A_1107 = arith.constant 80 : i32
    %dma_start3A_1108 = arith.constant 0 : i32
    %dma_start3A_1109 = tpu.memref_slice %arg4[%dma_start3A_1107, %dma_start3A_1108] : memref<128x80xi32, #tpu.memory_space<vmem>> -> memref<1x80xi32, #tpu.memory_space<vmem>>
    %dma_start3A_1110 = tpu.memref_squeeze %dma_start3A_1109 : memref<1x80xi32, #tpu.memory_space<vmem>> -> memref<80xi32, #tpu.memory_space<vmem>>
    %dma_start3A_1111 = arith.constant 0 : i32
    %dma_start3A_1112 = arith.constant 0 : i32
    %dma_start3A_1113 = tpu.memref_slice %arg7[%dma_start3A_1111, %dma_start3A_1112] : memref<10240x16xf32, #tpu.memory_space<vmem_shared>> -> memref<10240x16xf32, #tpu.memory_space<vmem_shared>>
    tpu.enqueue_indirect_dma source(%arg5 : memref<80x16xf32, #tpu.memory_space<vmem>>) target(%dma_start3A_1113 : memref<10240x16xf32, #tpu.memory_space<vmem_shared>>) offsets(%dma_start3A_1110 : memref<80xi32, #tpu.memory_space<vmem>>) semaphore(%arg8 : memref<!tpu.dma_semaphore, #tpu.memory_space<semaphore_mem>>) {add = true}
    %dma_start3A_1114 = arith.constant 81 : i32
    %dma_start3A_1115 = arith.constant 0 : i32
    %dma_start3A_1116 = tpu.memref_slice %arg4[%dma_start3A_1114, %dma_start3A_1115] : memref<128x80xi32, #tpu.memory_space<vmem>> -> memref<1x80xi32, #tpu.memory_space<vmem>>
    %dma_start3A_1117 = tpu.memref_squeeze %dma_start3A_1116 : memref<1x80xi32, #tpu.memory_space<vmem>> -> memref<80xi32, #tpu.memory_space<vmem>>
    %dma_start3A_1118 = arith.constant 0 : i32
    %dma_start3A_1119 = arith.constant 0 : i32
    %dma_start3A_1120 = tpu.memref_slice %arg7[%dma_start3A_1118, %dma_start3A_1119] : memref<10240x16xf32, #tpu.memory_space<vmem_shared>> -> memref<10240x16xf32, #tpu.memory_space<vmem_shared>>
    tpu.enqueue_indirect_dma source(%arg5 : memref<80x16xf32, #tpu.memory_space<vmem>>) target(%dma_start3A_1120 : memref<10240x16xf32, #tpu.memory_space<vmem_shared>>) offsets(%dma_start3A_1117 : memref<80xi32, #tpu.memory_space<vmem>>) semaphore(%arg8 : memref<!tpu.dma_semaphore, #tpu.memory_space<semaphore_mem>>) {add = true}
    %dma_start3A_1121 = arith.constant 82 : i32
    %dma_start3A_1122 = arith.constant 0 : i32
    %dma_start3A_1123 = tpu.memref_slice %arg4[%dma_start3A_1121, %dma_start3A_1122] : memref<128x80xi32, #tpu.memory_space<vmem>> -> memref<1x80xi32, #tpu.memory_space<vmem>>
    %dma_start3A_1124 = tpu.memref_squeeze %dma_start3A_1123 : memref<1x80xi32, #tpu.memory_space<vmem>> -> memref<80xi32, #tpu.memory_space<vmem>>
    %dma_start3A_1125 = arith.constant 0 : i32
    %dma_start3A_1126 = arith.constant 0 : i32
    %dma_start3A_1127 = tpu.memref_slice %arg7[%dma_start3A_1125, %dma_start3A_1126] : memref<10240x16xf32, #tpu.memory_space<vmem_shared>> -> memref<10240x16xf32, #tpu.memory_space<vmem_shared>>
    tpu.enqueue_indirect_dma source(%arg5 : memref<80x16xf32, #tpu.memory_space<vmem>>) target(%dma_start3A_1127 : memref<10240x16xf32, #tpu.memory_space<vmem_shared>>) offsets(%dma_start3A_1124 : memref<80xi32, #tpu.memory_space<vmem>>) semaphore(%arg8 : memref<!tpu.dma_semaphore, #tpu.memory_space<semaphore_mem>>) {add = true}
    %dma_start3A_1128 = arith.constant 83 : i32
    %dma_start3A_1129 = arith.constant 0 : i32
    %dma_start3A_1130 = tpu.memref_slice %arg4[%dma_start3A_1128, %dma_start3A_1129] : memref<128x80xi32, #tpu.memory_space<vmem>> -> memref<1x80xi32, #tpu.memory_space<vmem>>
    %dma_start3A_1131 = tpu.memref_squeeze %dma_start3A_1130 : memref<1x80xi32, #tpu.memory_space<vmem>> -> memref<80xi32, #tpu.memory_space<vmem>>
    %dma_start3A_1132 = arith.constant 0 : i32
    %dma_start3A_1133 = arith.constant 0 : i32
    %dma_start3A_1134 = tpu.memref_slice %arg7[%dma_start3A_1132, %dma_start3A_1133] : memref<10240x16xf32, #tpu.memory_space<vmem_shared>> -> memref<10240x16xf32, #tpu.memory_space<vmem_shared>>
    tpu.enqueue_indirect_dma source(%arg5 : memref<80x16xf32, #tpu.memory_space<vmem>>) target(%dma_start3A_1134 : memref<10240x16xf32, #tpu.memory_space<vmem_shared>>) offsets(%dma_start3A_1131 : memref<80xi32, #tpu.memory_space<vmem>>) semaphore(%arg8 : memref<!tpu.dma_semaphore, #tpu.memory_space<semaphore_mem>>) {add = true}
    %dma_start3A_1135 = arith.constant 84 : i32
    %dma_start3A_1136 = arith.constant 0 : i32
    %dma_start3A_1137 = tpu.memref_slice %arg4[%dma_start3A_1135, %dma_start3A_1136] : memref<128x80xi32, #tpu.memory_space<vmem>> -> memref<1x80xi32, #tpu.memory_space<vmem>>
    %dma_start3A_1138 = tpu.memref_squeeze %dma_start3A_1137 : memref<1x80xi32, #tpu.memory_space<vmem>> -> memref<80xi32, #tpu.memory_space<vmem>>
    %dma_start3A_1139 = arith.constant 0 : i32
    %dma_start3A_1140 = arith.constant 0 : i32
    %dma_start3A_1141 = tpu.memref_slice %arg7[%dma_start3A_1139, %dma_start3A_1140] : memref<10240x16xf32, #tpu.memory_space<vmem_shared>> -> memref<10240x16xf32, #tpu.memory_space<vmem_shared>>
    tpu.enqueue_indirect_dma source(%arg5 : memref<80x16xf32, #tpu.memory_space<vmem>>) target(%dma_start3A_1141 : memref<10240x16xf32, #tpu.memory_space<vmem_shared>>) offsets(%dma_start3A_1138 : memref<80xi32, #tpu.memory_space<vmem>>) semaphore(%arg8 : memref<!tpu.dma_semaphore, #tpu.memory_space<semaphore_mem>>) {add = true}
    %dma_start3A_1142 = arith.constant 85 : i32
    %dma_start3A_1143 = arith.constant 0 : i32
    %dma_start3A_1144 = tpu.memref_slice %arg4[%dma_start3A_1142, %dma_start3A_1143] : memref<128x80xi32, #tpu.memory_space<vmem>> -> memref<1x80xi32, #tpu.memory_space<vmem>>
    %dma_start3A_1145 = tpu.memref_squeeze %dma_start3A_1144 : memref<1x80xi32, #tpu.memory_space<vmem>> -> memref<80xi32, #tpu.memory_space<vmem>>
    %dma_start3A_1146 = arith.constant 0 : i32
    %dma_start3A_1147 = arith.constant 0 : i32
    %dma_start3A_1148 = tpu.memref_slice %arg7[%dma_start3A_1146, %dma_start3A_1147] : memref<10240x16xf32, #tpu.memory_space<vmem_shared>> -> memref<10240x16xf32, #tpu.memory_space<vmem_shared>>
    tpu.enqueue_indirect_dma source(%arg5 : memref<80x16xf32, #tpu.memory_space<vmem>>) target(%dma_start3A_1148 : memref<10240x16xf32, #tpu.memory_space<vmem_shared>>) offsets(%dma_start3A_1145 : memref<80xi32, #tpu.memory_space<vmem>>) semaphore(%arg8 : memref<!tpu.dma_semaphore, #tpu.memory_space<semaphore_mem>>) {add = true}
    %dma_start3A_1149 = arith.constant 86 : i32
    %dma_start3A_1150 = arith.constant 0 : i32
    %dma_start3A_1151 = tpu.memref_slice %arg4[%dma_start3A_1149, %dma_start3A_1150] : memref<128x80xi32, #tpu.memory_space<vmem>> -> memref<1x80xi32, #tpu.memory_space<vmem>>
    %dma_start3A_1152 = tpu.memref_squeeze %dma_start3A_1151 : memref<1x80xi32, #tpu.memory_space<vmem>> -> memref<80xi32, #tpu.memory_space<vmem>>
    %dma_start3A_1153 = arith.constant 0 : i32
    %dma_start3A_1154 = arith.constant 0 : i32
    %dma_start3A_1155 = tpu.memref_slice %arg7[%dma_start3A_1153, %dma_start3A_1154] : memref<10240x16xf32, #tpu.memory_space<vmem_shared>> -> memref<10240x16xf32, #tpu.memory_space<vmem_shared>>
    tpu.enqueue_indirect_dma source(%arg5 : memref<80x16xf32, #tpu.memory_space<vmem>>) target(%dma_start3A_1155 : memref<10240x16xf32, #tpu.memory_space<vmem_shared>>) offsets(%dma_start3A_1152 : memref<80xi32, #tpu.memory_space<vmem>>) semaphore(%arg8 : memref<!tpu.dma_semaphore, #tpu.memory_space<semaphore_mem>>) {add = true}
    %dma_start3A_1156 = arith.constant 87 : i32
    %dma_start3A_1157 = arith.constant 0 : i32
    %dma_start3A_1158 = tpu.memref_slice %arg4[%dma_start3A_1156, %dma_start3A_1157] : memref<128x80xi32, #tpu.memory_space<vmem>> -> memref<1x80xi32, #tpu.memory_space<vmem>>
    %dma_start3A_1159 = tpu.memref_squeeze %dma_start3A_1158 : memref<1x80xi32, #tpu.memory_space<vmem>> -> memref<80xi32, #tpu.memory_space<vmem>>
    %dma_start3A_1160 = arith.constant 0 : i32
    %dma_start3A_1161 = arith.constant 0 : i32
    %dma_start3A_1162 = tpu.memref_slice %arg7[%dma_start3A_1160, %dma_start3A_1161] : memref<10240x16xf32, #tpu.memory_space<vmem_shared>> -> memref<10240x16xf32, #tpu.memory_space<vmem_shared>>
    tpu.enqueue_indirect_dma source(%arg5 : memref<80x16xf32, #tpu.memory_space<vmem>>) target(%dma_start3A_1162 : memref<10240x16xf32, #tpu.memory_space<vmem_shared>>) offsets(%dma_start3A_1159 : memref<80xi32, #tpu.memory_space<vmem>>) semaphore(%arg8 : memref<!tpu.dma_semaphore, #tpu.memory_space<semaphore_mem>>) {add = true}
    %dma_start3A_1163 = arith.constant 88 : i32
    %dma_start3A_1164 = arith.constant 0 : i32
    %dma_start3A_1165 = tpu.memref_slice %arg4[%dma_start3A_1163, %dma_start3A_1164] : memref<128x80xi32, #tpu.memory_space<vmem>> -> memref<1x80xi32, #tpu.memory_space<vmem>>
    %dma_start3A_1166 = tpu.memref_squeeze %dma_start3A_1165 : memref<1x80xi32, #tpu.memory_space<vmem>> -> memref<80xi32, #tpu.memory_space<vmem>>
    %dma_start3A_1167 = arith.constant 0 : i32
    %dma_start3A_1168 = arith.constant 0 : i32
    %dma_start3A_1169 = tpu.memref_slice %arg7[%dma_start3A_1167, %dma_start3A_1168] : memref<10240x16xf32, #tpu.memory_space<vmem_shared>> -> memref<10240x16xf32, #tpu.memory_space<vmem_shared>>
    tpu.enqueue_indirect_dma source(%arg5 : memref<80x16xf32, #tpu.memory_space<vmem>>) target(%dma_start3A_1169 : memref<10240x16xf32, #tpu.memory_space<vmem_shared>>) offsets(%dma_start3A_1166 : memref<80xi32, #tpu.memory_space<vmem>>) semaphore(%arg8 : memref<!tpu.dma_semaphore, #tpu.memory_space<semaphore_mem>>) {add = true}
    %dma_start3A_1170 = arith.constant 89 : i32
    %dma_start3A_1171 = arith.constant 0 : i32
    %dma_start3A_1172 = tpu.memref_slice %arg4[%dma_start3A_1170, %dma_start3A_1171] : memref<128x80xi32, #tpu.memory_space<vmem>> -> memref<1x80xi32, #tpu.memory_space<vmem>>
    %dma_start3A_1173 = tpu.memref_squeeze %dma_start3A_1172 : memref<1x80xi32, #tpu.memory_space<vmem>> -> memref<80xi32, #tpu.memory_space<vmem>>
    %dma_start3A_1174 = arith.constant 0 : i32
    %dma_start3A_1175 = arith.constant 0 : i32
    %dma_start3A_1176 = tpu.memref_slice %arg7[%dma_start3A_1174, %dma_start3A_1175] : memref<10240x16xf32, #tpu.memory_space<vmem_shared>> -> memref<10240x16xf32, #tpu.memory_space<vmem_shared>>
    tpu.enqueue_indirect_dma source(%arg5 : memref<80x16xf32, #tpu.memory_space<vmem>>) target(%dma_start3A_1176 : memref<10240x16xf32, #tpu.memory_space<vmem_shared>>) offsets(%dma_start3A_1173 : memref<80xi32, #tpu.memory_space<vmem>>) semaphore(%arg8 : memref<!tpu.dma_semaphore, #tpu.memory_space<semaphore_mem>>) {add = true}
    %dma_start3A_1177 = arith.constant 90 : i32
    %dma_start3A_1178 = arith.constant 0 : i32
    %dma_start3A_1179 = tpu.memref_slice %arg4[%dma_start3A_1177, %dma_start3A_1178] : memref<128x80xi32, #tpu.memory_space<vmem>> -> memref<1x80xi32, #tpu.memory_space<vmem>>
    %dma_start3A_1180 = tpu.memref_squeeze %dma_start3A_1179 : memref<1x80xi32, #tpu.memory_space<vmem>> -> memref<80xi32, #tpu.memory_space<vmem>>
    %dma_start3A_1181 = arith.constant 0 : i32
    %dma_start3A_1182 = arith.constant 0 : i32
    %dma_start3A_1183 = tpu.memref_slice %arg7[%dma_start3A_1181, %dma_start3A_1182] : memref<10240x16xf32, #tpu.memory_space<vmem_shared>> -> memref<10240x16xf32, #tpu.memory_space<vmem_shared>>
    tpu.enqueue_indirect_dma source(%arg5 : memref<80x16xf32, #tpu.memory_space<vmem>>) target(%dma_start3A_1183 : memref<10240x16xf32, #tpu.memory_space<vmem_shared>>) offsets(%dma_start3A_1180 : memref<80xi32, #tpu.memory_space<vmem>>) semaphore(%arg8 : memref<!tpu.dma_semaphore, #tpu.memory_space<semaphore_mem>>) {add = true}
    %dma_start3A_1184 = arith.constant 91 : i32
    %dma_start3A_1185 = arith.constant 0 : i32
    %dma_start3A_1186 = tpu.memref_slice %arg4[%dma_start3A_1184, %dma_start3A_1185] : memref<128x80xi32, #tpu.memory_space<vmem>> -> memref<1x80xi32, #tpu.memory_space<vmem>>
    %dma_start3A_1187 = tpu.memref_squeeze %dma_start3A_1186 : memref<1x80xi32, #tpu.memory_space<vmem>> -> memref<80xi32, #tpu.memory_space<vmem>>
    %dma_start3A_1188 = arith.constant 0 : i32
    %dma_start3A_1189 = arith.constant 0 : i32
    %dma_start3A_1190 = tpu.memref_slice %arg7[%dma_start3A_1188, %dma_start3A_1189] : memref<10240x16xf32, #tpu.memory_space<vmem_shared>> -> memref<10240x16xf32, #tpu.memory_space<vmem_shared>>
    tpu.enqueue_indirect_dma source(%arg5 : memref<80x16xf32, #tpu.memory_space<vmem>>) target(%dma_start3A_1190 : memref<10240x16xf32, #tpu.memory_space<vmem_shared>>) offsets(%dma_start3A_1187 : memref<80xi32, #tpu.memory_space<vmem>>) semaphore(%arg8 : memref<!tpu.dma_semaphore, #tpu.memory_space<semaphore_mem>>) {add = true}
    %dma_start3A_1191 = arith.constant 92 : i32
    %dma_start3A_1192 = arith.constant 0 : i32
    %dma_start3A_1193 = tpu.memref_slice %arg4[%dma_start3A_1191, %dma_start3A_1192] : memref<128x80xi32, #tpu.memory_space<vmem>> -> memref<1x80xi32, #tpu.memory_space<vmem>>
    %dma_start3A_1194 = tpu.memref_squeeze %dma_start3A_1193 : memref<1x80xi32, #tpu.memory_space<vmem>> -> memref<80xi32, #tpu.memory_space<vmem>>
    %dma_start3A_1195 = arith.constant 0 : i32
    %dma_start3A_1196 = arith.constant 0 : i32
    %dma_start3A_1197 = tpu.memref_slice %arg7[%dma_start3A_1195, %dma_start3A_1196] : memref<10240x16xf32, #tpu.memory_space<vmem_shared>> -> memref<10240x16xf32, #tpu.memory_space<vmem_shared>>
    tpu.enqueue_indirect_dma source(%arg5 : memref<80x16xf32, #tpu.memory_space<vmem>>) target(%dma_start3A_1197 : memref<10240x16xf32, #tpu.memory_space<vmem_shared>>) offsets(%dma_start3A_1194 : memref<80xi32, #tpu.memory_space<vmem>>) semaphore(%arg8 : memref<!tpu.dma_semaphore, #tpu.memory_space<semaphore_mem>>) {add = true}
    %dma_start3A_1198 = arith.constant 93 : i32
    %dma_start3A_1199 = arith.constant 0 : i32
    %dma_start3A_1200 = tpu.memref_slice %arg4[%dma_start3A_1198, %dma_start3A_1199] : memref<128x80xi32, #tpu.memory_space<vmem>> -> memref<1x80xi32, #tpu.memory_space<vmem>>
    %dma_start3A_1201 = tpu.memref_squeeze %dma_start3A_1200 : memref<1x80xi32, #tpu.memory_space<vmem>> -> memref<80xi32, #tpu.memory_space<vmem>>
    %dma_start3A_1202 = arith.constant 0 : i32
    %dma_start3A_1203 = arith.constant 0 : i32
    %dma_start3A_1204 = tpu.memref_slice %arg7[%dma_start3A_1202, %dma_start3A_1203] : memref<10240x16xf32, #tpu.memory_space<vmem_shared>> -> memref<10240x16xf32, #tpu.memory_space<vmem_shared>>
    tpu.enqueue_indirect_dma source(%arg5 : memref<80x16xf32, #tpu.memory_space<vmem>>) target(%dma_start3A_1204 : memref<10240x16xf32, #tpu.memory_space<vmem_shared>>) offsets(%dma_start3A_1201 : memref<80xi32, #tpu.memory_space<vmem>>) semaphore(%arg8 : memref<!tpu.dma_semaphore, #tpu.memory_space<semaphore_mem>>) {add = true}
    %dma_start3A_1205 = arith.constant 94 : i32
    %dma_start3A_1206 = arith.constant 0 : i32
    %dma_start3A_1207 = tpu.memref_slice %arg4[%dma_start3A_1205, %dma_start3A_1206] : memref<128x80xi32, #tpu.memory_space<vmem>> -> memref<1x80xi32, #tpu.memory_space<vmem>>
    %dma_start3A_1208 = tpu.memref_squeeze %dma_start3A_1207 : memref<1x80xi32, #tpu.memory_space<vmem>> -> memref<80xi32, #tpu.memory_space<vmem>>
    %dma_start3A_1209 = arith.constant 0 : i32
    %dma_start3A_1210 = arith.constant 0 : i32
    %dma_start3A_1211 = tpu.memref_slice %arg7[%dma_start3A_1209, %dma_start3A_1210] : memref<10240x16xf32, #tpu.memory_space<vmem_shared>> -> memref<10240x16xf32, #tpu.memory_space<vmem_shared>>
    tpu.enqueue_indirect_dma source(%arg5 : memref<80x16xf32, #tpu.memory_space<vmem>>) target(%dma_start3A_1211 : memref<10240x16xf32, #tpu.memory_space<vmem_shared>>) offsets(%dma_start3A_1208 : memref<80xi32, #tpu.memory_space<vmem>>) semaphore(%arg8 : memref<!tpu.dma_semaphore, #tpu.memory_space<semaphore_mem>>) {add = true}
    %dma_start3A_1212 = arith.constant 95 : i32
    %dma_start3A_1213 = arith.constant 0 : i32
    %dma_start3A_1214 = tpu.memref_slice %arg4[%dma_start3A_1212, %dma_start3A_1213] : memref<128x80xi32, #tpu.memory_space<vmem>> -> memref<1x80xi32, #tpu.memory_space<vmem>>
    %dma_start3A_1215 = tpu.memref_squeeze %dma_start3A_1214 : memref<1x80xi32, #tpu.memory_space<vmem>> -> memref<80xi32, #tpu.memory_space<vmem>>
    %dma_start3A_1216 = arith.constant 0 : i32
    %dma_start3A_1217 = arith.constant 0 : i32
    %dma_start3A_1218 = tpu.memref_slice %arg7[%dma_start3A_1216, %dma_start3A_1217] : memref<10240x16xf32, #tpu.memory_space<vmem_shared>> -> memref<10240x16xf32, #tpu.memory_space<vmem_shared>>
    tpu.enqueue_indirect_dma source(%arg5 : memref<80x16xf32, #tpu.memory_space<vmem>>) target(%dma_start3A_1218 : memref<10240x16xf32, #tpu.memory_space<vmem_shared>>) offsets(%dma_start3A_1215 : memref<80xi32, #tpu.memory_space<vmem>>) semaphore(%arg8 : memref<!tpu.dma_semaphore, #tpu.memory_space<semaphore_mem>>) {add = true}
    %dma_start3A_1219 = arith.constant 96 : i32
    %dma_start3A_1220 = arith.constant 0 : i32
    %dma_start3A_1221 = tpu.memref_slice %arg4[%dma_start3A_1219, %dma_start3A_1220] : memref<128x80xi32, #tpu.memory_space<vmem>> -> memref<1x80xi32, #tpu.memory_space<vmem>>
    %dma_start3A_1222 = tpu.memref_squeeze %dma_start3A_1221 : memref<1x80xi32, #tpu.memory_space<vmem>> -> memref<80xi32, #tpu.memory_space<vmem>>
    %dma_start3A_1223 = arith.constant 0 : i32
    %dma_start3A_1224 = arith.constant 0 : i32
    %dma_start3A_1225 = tpu.memref_slice %arg7[%dma_start3A_1223, %dma_start3A_1224] : memref<10240x16xf32, #tpu.memory_space<vmem_shared>> -> memref<10240x16xf32, #tpu.memory_space<vmem_shared>>
    tpu.enqueue_indirect_dma source(%arg5 : memref<80x16xf32, #tpu.memory_space<vmem>>) target(%dma_start3A_1225 : memref<10240x16xf32, #tpu.memory_space<vmem_shared>>) offsets(%dma_start3A_1222 : memref<80xi32, #tpu.memory_space<vmem>>) semaphore(%arg8 : memref<!tpu.dma_semaphore, #tpu.memory_space<semaphore_mem>>) {add = true}
    %dma_start3A_1226 = arith.constant 97 : i32
    %dma_start3A_1227 = arith.constant 0 : i32
    %dma_start3A_1228 = tpu.memref_slice %arg4[%dma_start3A_1226, %dma_start3A_1227] : memref<128x80xi32, #tpu.memory_space<vmem>> -> memref<1x80xi32, #tpu.memory_space<vmem>>
    %dma_start3A_1229 = tpu.memref_squeeze %dma_start3A_1228 : memref<1x80xi32, #tpu.memory_space<vmem>> -> memref<80xi32, #tpu.memory_space<vmem>>
    %dma_start3A_1230 = arith.constant 0 : i32
    %dma_start3A_1231 = arith.constant 0 : i32
    %dma_start3A_1232 = tpu.memref_slice %arg7[%dma_start3A_1230, %dma_start3A_1231] : memref<10240x16xf32, #tpu.memory_space<vmem_shared>> -> memref<10240x16xf32, #tpu.memory_space<vmem_shared>>
    tpu.enqueue_indirect_dma source(%arg5 : memref<80x16xf32, #tpu.memory_space<vmem>>) target(%dma_start3A_1232 : memref<10240x16xf32, #tpu.memory_space<vmem_shared>>) offsets(%dma_start3A_1229 : memref<80xi32, #tpu.memory_space<vmem>>) semaphore(%arg8 : memref<!tpu.dma_semaphore, #tpu.memory_space<semaphore_mem>>) {add = true}
    %dma_start3A_1233 = arith.constant 98 : i32
    %dma_start3A_1234 = arith.constant 0 : i32
    %dma_start3A_1235 = tpu.memref_slice %arg4[%dma_start3A_1233, %dma_start3A_1234] : memref<128x80xi32, #tpu.memory_space<vmem>> -> memref<1x80xi32, #tpu.memory_space<vmem>>
    %dma_start3A_1236 = tpu.memref_squeeze %dma_start3A_1235 : memref<1x80xi32, #tpu.memory_space<vmem>> -> memref<80xi32, #tpu.memory_space<vmem>>
    %dma_start3A_1237 = arith.constant 0 : i32
    %dma_start3A_1238 = arith.constant 0 : i32
    %dma_start3A_1239 = tpu.memref_slice %arg7[%dma_start3A_1237, %dma_start3A_1238] : memref<10240x16xf32, #tpu.memory_space<vmem_shared>> -> memref<10240x16xf32, #tpu.memory_space<vmem_shared>>
    tpu.enqueue_indirect_dma source(%arg5 : memref<80x16xf32, #tpu.memory_space<vmem>>) target(%dma_start3A_1239 : memref<10240x16xf32, #tpu.memory_space<vmem_shared>>) offsets(%dma_start3A_1236 : memref<80xi32, #tpu.memory_space<vmem>>) semaphore(%arg8 : memref<!tpu.dma_semaphore, #tpu.memory_space<semaphore_mem>>) {add = true}
    %dma_start3A_1240 = arith.constant 99 : i32
    %dma_start3A_1241 = arith.constant 0 : i32
    %dma_start3A_1242 = tpu.memref_slice %arg4[%dma_start3A_1240, %dma_start3A_1241] : memref<128x80xi32, #tpu.memory_space<vmem>> -> memref<1x80xi32, #tpu.memory_space<vmem>>
    %dma_start3A_1243 = tpu.memref_squeeze %dma_start3A_1242 : memref<1x80xi32, #tpu.memory_space<vmem>> -> memref<80xi32, #tpu.memory_space<vmem>>
    %dma_start3A_1244 = arith.constant 0 : i32
    %dma_start3A_1245 = arith.constant 0 : i32
    %dma_start3A_1246 = tpu.memref_slice %arg7[%dma_start3A_1244, %dma_start3A_1245] : memref<10240x16xf32, #tpu.memory_space<vmem_shared>> -> memref<10240x16xf32, #tpu.memory_space<vmem_shared>>
    tpu.enqueue_indirect_dma source(%arg5 : memref<80x16xf32, #tpu.memory_space<vmem>>) target(%dma_start3A_1246 : memref<10240x16xf32, #tpu.memory_space<vmem_shared>>) offsets(%dma_start3A_1243 : memref<80xi32, #tpu.memory_space<vmem>>) semaphore(%arg8 : memref<!tpu.dma_semaphore, #tpu.memory_space<semaphore_mem>>) {add = true}
    %dma_wait3A_1247 = arith.constant 75 : i32
    %dma_wait3A_1248 = arith.constant 0 : i32
    %dma_wait3A_1249 = tpu.memref_slice %arg4[%dma_wait3A_1247, %dma_wait3A_1248] : memref<128x80xi32, #tpu.memory_space<vmem>> -> memref<1x80xi32, #tpu.memory_space<vmem>>
    %dma_wait3A_1250 = tpu.memref_squeeze %dma_wait3A_1249 : memref<1x80xi32, #tpu.memory_space<vmem>> -> memref<80xi32, #tpu.memory_space<vmem>>
    %dma_wait3A_1251 = arith.constant 0 : i32
    %dma_wait3A_1252 = arith.constant 0 : i32
    %dma_wait3A_1253 = tpu.memref_slice %arg7[%dma_wait3A_1251, %dma_wait3A_1252] : memref<10240x16xf32, #tpu.memory_space<vmem_shared>> -> memref<10240x16xf32, #tpu.memory_space<vmem_shared>>
    tpu.wait_indirect_dma semaphore(%arg8 : memref<!tpu.dma_semaphore, #tpu.memory_space<semaphore_mem>>) src(%arg5 : memref<80x16xf32, #tpu.memory_space<vmem>>) dst(%dma_wait3A_1253 : memref<10240x16xf32, #tpu.memory_space<vmem_shared>>)
    %dma_wait3A_1254 = arith.constant 76 : i32
    %dma_wait3A_1255 = arith.constant 0 : i32
    %dma_wait3A_1256 = tpu.memref_slice %arg4[%dma_wait3A_1254, %dma_wait3A_1255] : memref<128x80xi32, #tpu.memory_space<vmem>> -> memref<1x80xi32, #tpu.memory_space<vmem>>
    %dma_wait3A_1257 = tpu.memref_squeeze %dma_wait3A_1256 : memref<1x80xi32, #tpu.memory_space<vmem>> -> memref<80xi32, #tpu.memory_space<vmem>>
    %dma_wait3A_1258 = arith.constant 0 : i32
    %dma_wait3A_1259 = arith.constant 0 : i32
    %dma_wait3A_1260 = tpu.memref_slice %arg7[%dma_wait3A_1258, %dma_wait3A_1259] : memref<10240x16xf32, #tpu.memory_space<vmem_shared>> -> memref<10240x16xf32, #tpu.memory_space<vmem_shared>>
    tpu.wait_indirect_dma semaphore(%arg8 : memref<!tpu.dma_semaphore, #tpu.memory_space<semaphore_mem>>) src(%arg5 : memref<80x16xf32, #tpu.memory_space<vmem>>) dst(%dma_wait3A_1260 : memref<10240x16xf32, #tpu.memory_space<vmem_shared>>)
    %dma_wait3A_1261 = arith.constant 77 : i32
    %dma_wait3A_1262 = arith.constant 0 : i32
    %dma_wait3A_1263 = tpu.memref_slice %arg4[%dma_wait3A_1261, %dma_wait3A_1262] : memref<128x80xi32, #tpu.memory_space<vmem>> -> memref<1x80xi32, #tpu.memory_space<vmem>>
    %dma_wait3A_1264 = tpu.memref_squeeze %dma_wait3A_1263 : memref<1x80xi32, #tpu.memory_space<vmem>> -> memref<80xi32, #tpu.memory_space<vmem>>
    %dma_wait3A_1265 = arith.constant 0 : i32
    %dma_wait3A_1266 = arith.constant 0 : i32
    %dma_wait3A_1267 = tpu.memref_slice %arg7[%dma_wait3A_1265, %dma_wait3A_1266] : memref<10240x16xf32, #tpu.memory_space<vmem_shared>> -> memref<10240x16xf32, #tpu.memory_space<vmem_shared>>
    tpu.wait_indirect_dma semaphore(%arg8 : memref<!tpu.dma_semaphore, #tpu.memory_space<semaphore_mem>>) src(%arg5 : memref<80x16xf32, #tpu.memory_space<vmem>>) dst(%dma_wait3A_1267 : memref<10240x16xf32, #tpu.memory_space<vmem_shared>>)
    %dma_wait3A_1268 = arith.constant 78 : i32
    %dma_wait3A_1269 = arith.constant 0 : i32
    %dma_wait3A_1270 = tpu.memref_slice %arg4[%dma_wait3A_1268, %dma_wait3A_1269] : memref<128x80xi32, #tpu.memory_space<vmem>> -> memref<1x80xi32, #tpu.memory_space<vmem>>
    %dma_wait3A_1271 = tpu.memref_squeeze %dma_wait3A_1270 : memref<1x80xi32, #tpu.memory_space<vmem>> -> memref<80xi32, #tpu.memory_space<vmem>>
    %dma_wait3A_1272 = arith.constant 0 : i32
    %dma_wait3A_1273 = arith.constant 0 : i32
    %dma_wait3A_1274 = tpu.memref_slice %arg7[%dma_wait3A_1272, %dma_wait3A_1273] : memref<10240x16xf32, #tpu.memory_space<vmem_shared>> -> memref<10240x16xf32, #tpu.memory_space<vmem_shared>>
    tpu.wait_indirect_dma semaphore(%arg8 : memref<!tpu.dma_semaphore, #tpu.memory_space<semaphore_mem>>) src(%arg5 : memref<80x16xf32, #tpu.memory_space<vmem>>) dst(%dma_wait3A_1274 : memref<10240x16xf32, #tpu.memory_space<vmem_shared>>)
    %dma_wait3A_1275 = arith.constant 79 : i32
    %dma_wait3A_1276 = arith.constant 0 : i32
    %dma_wait3A_1277 = tpu.memref_slice %arg4[%dma_wait3A_1275, %dma_wait3A_1276] : memref<128x80xi32, #tpu.memory_space<vmem>> -> memref<1x80xi32, #tpu.memory_space<vmem>>
    %dma_wait3A_1278 = tpu.memref_squeeze %dma_wait3A_1277 : memref<1x80xi32, #tpu.memory_space<vmem>> -> memref<80xi32, #tpu.memory_space<vmem>>
    %dma_wait3A_1279 = arith.constant 0 : i32
    %dma_wait3A_1280 = arith.constant 0 : i32
    %dma_wait3A_1281 = tpu.memref_slice %arg7[%dma_wait3A_1279, %dma_wait3A_1280] : memref<10240x16xf32, #tpu.memory_space<vmem_shared>> -> memref<10240x16xf32, #tpu.memory_space<vmem_shared>>
    tpu.wait_indirect_dma semaphore(%arg8 : memref<!tpu.dma_semaphore, #tpu.memory_space<semaphore_mem>>) src(%arg5 : memref<80x16xf32, #tpu.memory_space<vmem>>) dst(%dma_wait3A_1281 : memref<10240x16xf32, #tpu.memory_space<vmem_shared>>)
    %dma_wait3A_1282 = arith.constant 80 : i32
    %dma_wait3A_1283 = arith.constant 0 : i32
    %dma_wait3A_1284 = tpu.memref_slice %arg4[%dma_wait3A_1282, %dma_wait3A_1283] : memref<128x80xi32, #tpu.memory_space<vmem>> -> memref<1x80xi32, #tpu.memory_space<vmem>>
    %dma_wait3A_1285 = tpu.memref_squeeze %dma_wait3A_1284 : memref<1x80xi32, #tpu.memory_space<vmem>> -> memref<80xi32, #tpu.memory_space<vmem>>
    %dma_wait3A_1286 = arith.constant 0 : i32
    %dma_wait3A_1287 = arith.constant 0 : i32
    %dma_wait3A_1288 = tpu.memref_slice %arg7[%dma_wait3A_1286, %dma_wait3A_1287] : memref<10240x16xf32, #tpu.memory_space<vmem_shared>> -> memref<10240x16xf32, #tpu.memory_space<vmem_shared>>
    tpu.wait_indirect_dma semaphore(%arg8 : memref<!tpu.dma_semaphore, #tpu.memory_space<semaphore_mem>>) src(%arg5 : memref<80x16xf32, #tpu.memory_space<vmem>>) dst(%dma_wait3A_1288 : memref<10240x16xf32, #tpu.memory_space<vmem_shared>>)
    %dma_wait3A_1289 = arith.constant 81 : i32
    %dma_wait3A_1290 = arith.constant 0 : i32
    %dma_wait3A_1291 = tpu.memref_slice %arg4[%dma_wait3A_1289, %dma_wait3A_1290] : memref<128x80xi32, #tpu.memory_space<vmem>> -> memref<1x80xi32, #tpu.memory_space<vmem>>
    %dma_wait3A_1292 = tpu.memref_squeeze %dma_wait3A_1291 : memref<1x80xi32, #tpu.memory_space<vmem>> -> memref<80xi32, #tpu.memory_space<vmem>>
    %dma_wait3A_1293 = arith.constant 0 : i32
    %dma_wait3A_1294 = arith.constant 0 : i32
    %dma_wait3A_1295 = tpu.memref_slice %arg7[%dma_wait3A_1293, %dma_wait3A_1294] : memref<10240x16xf32, #tpu.memory_space<vmem_shared>> -> memref<10240x16xf32, #tpu.memory_space<vmem_shared>>
    tpu.wait_indirect_dma semaphore(%arg8 : memref<!tpu.dma_semaphore, #tpu.memory_space<semaphore_mem>>) src(%arg5 : memref<80x16xf32, #tpu.memory_space<vmem>>) dst(%dma_wait3A_1295 : memref<10240x16xf32, #tpu.memory_space<vmem_shared>>)
    %dma_wait3A_1296 = arith.constant 82 : i32
    %dma_wait3A_1297 = arith.constant 0 : i32
    %dma_wait3A_1298 = tpu.memref_slice %arg4[%dma_wait3A_1296, %dma_wait3A_1297] : memref<128x80xi32, #tpu.memory_space<vmem>> -> memref<1x80xi32, #tpu.memory_space<vmem>>
    %dma_wait3A_1299 = tpu.memref_squeeze %dma_wait3A_1298 : memref<1x80xi32, #tpu.memory_space<vmem>> -> memref<80xi32, #tpu.memory_space<vmem>>
    %dma_wait3A_1300 = arith.constant 0 : i32
    %dma_wait3A_1301 = arith.constant 0 : i32
    %dma_wait3A_1302 = tpu.memref_slice %arg7[%dma_wait3A_1300, %dma_wait3A_1301] : memref<10240x16xf32, #tpu.memory_space<vmem_shared>> -> memref<10240x16xf32, #tpu.memory_space<vmem_shared>>
    tpu.wait_indirect_dma semaphore(%arg8 : memref<!tpu.dma_semaphore, #tpu.memory_space<semaphore_mem>>) src(%arg5 : memref<80x16xf32, #tpu.memory_space<vmem>>) dst(%dma_wait3A_1302 : memref<10240x16xf32, #tpu.memory_space<vmem_shared>>)
    %dma_wait3A_1303 = arith.constant 83 : i32
    %dma_wait3A_1304 = arith.constant 0 : i32
    %dma_wait3A_1305 = tpu.memref_slice %arg4[%dma_wait3A_1303, %dma_wait3A_1304] : memref<128x80xi32, #tpu.memory_space<vmem>> -> memref<1x80xi32, #tpu.memory_space<vmem>>
    %dma_wait3A_1306 = tpu.memref_squeeze %dma_wait3A_1305 : memref<1x80xi32, #tpu.memory_space<vmem>> -> memref<80xi32, #tpu.memory_space<vmem>>
    %dma_wait3A_1307 = arith.constant 0 : i32
    %dma_wait3A_1308 = arith.constant 0 : i32
    %dma_wait3A_1309 = tpu.memref_slice %arg7[%dma_wait3A_1307, %dma_wait3A_1308] : memref<10240x16xf32, #tpu.memory_space<vmem_shared>> -> memref<10240x16xf32, #tpu.memory_space<vmem_shared>>
    tpu.wait_indirect_dma semaphore(%arg8 : memref<!tpu.dma_semaphore, #tpu.memory_space<semaphore_mem>>) src(%arg5 : memref<80x16xf32, #tpu.memory_space<vmem>>) dst(%dma_wait3A_1309 : memref<10240x16xf32, #tpu.memory_space<vmem_shared>>)
    %dma_wait3A_1310 = arith.constant 84 : i32
    %dma_wait3A_1311 = arith.constant 0 : i32
    %dma_wait3A_1312 = tpu.memref_slice %arg4[%dma_wait3A_1310, %dma_wait3A_1311] : memref<128x80xi32, #tpu.memory_space<vmem>> -> memref<1x80xi32, #tpu.memory_space<vmem>>
    %dma_wait3A_1313 = tpu.memref_squeeze %dma_wait3A_1312 : memref<1x80xi32, #tpu.memory_space<vmem>> -> memref<80xi32, #tpu.memory_space<vmem>>
    %dma_wait3A_1314 = arith.constant 0 : i32
    %dma_wait3A_1315 = arith.constant 0 : i32
    %dma_wait3A_1316 = tpu.memref_slice %arg7[%dma_wait3A_1314, %dma_wait3A_1315] : memref<10240x16xf32, #tpu.memory_space<vmem_shared>> -> memref<10240x16xf32, #tpu.memory_space<vmem_shared>>
    tpu.wait_indirect_dma semaphore(%arg8 : memref<!tpu.dma_semaphore, #tpu.memory_space<semaphore_mem>>) src(%arg5 : memref<80x16xf32, #tpu.memory_space<vmem>>) dst(%dma_wait3A_1316 : memref<10240x16xf32, #tpu.memory_space<vmem_shared>>)
    %dma_wait3A_1317 = arith.constant 85 : i32
    %dma_wait3A_1318 = arith.constant 0 : i32
    %dma_wait3A_1319 = tpu.memref_slice %arg4[%dma_wait3A_1317, %dma_wait3A_1318] : memref<128x80xi32, #tpu.memory_space<vmem>> -> memref<1x80xi32, #tpu.memory_space<vmem>>
    %dma_wait3A_1320 = tpu.memref_squeeze %dma_wait3A_1319 : memref<1x80xi32, #tpu.memory_space<vmem>> -> memref<80xi32, #tpu.memory_space<vmem>>
    %dma_wait3A_1321 = arith.constant 0 : i32
    %dma_wait3A_1322 = arith.constant 0 : i32
    %dma_wait3A_1323 = tpu.memref_slice %arg7[%dma_wait3A_1321, %dma_wait3A_1322] : memref<10240x16xf32, #tpu.memory_space<vmem_shared>> -> memref<10240x16xf32, #tpu.memory_space<vmem_shared>>
    tpu.wait_indirect_dma semaphore(%arg8 : memref<!tpu.dma_semaphore, #tpu.memory_space<semaphore_mem>>) src(%arg5 : memref<80x16xf32, #tpu.memory_space<vmem>>) dst(%dma_wait3A_1323 : memref<10240x16xf32, #tpu.memory_space<vmem_shared>>)
    %dma_wait3A_1324 = arith.constant 86 : i32
    %dma_wait3A_1325 = arith.constant 0 : i32
    %dma_wait3A_1326 = tpu.memref_slice %arg4[%dma_wait3A_1324, %dma_wait3A_1325] : memref<128x80xi32, #tpu.memory_space<vmem>> -> memref<1x80xi32, #tpu.memory_space<vmem>>
    %dma_wait3A_1327 = tpu.memref_squeeze %dma_wait3A_1326 : memref<1x80xi32, #tpu.memory_space<vmem>> -> memref<80xi32, #tpu.memory_space<vmem>>
    %dma_wait3A_1328 = arith.constant 0 : i32
    %dma_wait3A_1329 = arith.constant 0 : i32
    %dma_wait3A_1330 = tpu.memref_slice %arg7[%dma_wait3A_1328, %dma_wait3A_1329] : memref<10240x16xf32, #tpu.memory_space<vmem_shared>> -> memref<10240x16xf32, #tpu.memory_space<vmem_shared>>
    tpu.wait_indirect_dma semaphore(%arg8 : memref<!tpu.dma_semaphore, #tpu.memory_space<semaphore_mem>>) src(%arg5 : memref<80x16xf32, #tpu.memory_space<vmem>>) dst(%dma_wait3A_1330 : memref<10240x16xf32, #tpu.memory_space<vmem_shared>>)
    %dma_wait3A_1331 = arith.constant 87 : i32
    %dma_wait3A_1332 = arith.constant 0 : i32
    %dma_wait3A_1333 = tpu.memref_slice %arg4[%dma_wait3A_1331, %dma_wait3A_1332] : memref<128x80xi32, #tpu.memory_space<vmem>> -> memref<1x80xi32, #tpu.memory_space<vmem>>
    %dma_wait3A_1334 = tpu.memref_squeeze %dma_wait3A_1333 : memref<1x80xi32, #tpu.memory_space<vmem>> -> memref<80xi32, #tpu.memory_space<vmem>>
    %dma_wait3A_1335 = arith.constant 0 : i32
    %dma_wait3A_1336 = arith.constant 0 : i32
    %dma_wait3A_1337 = tpu.memref_slice %arg7[%dma_wait3A_1335, %dma_wait3A_1336] : memref<10240x16xf32, #tpu.memory_space<vmem_shared>> -> memref<10240x16xf32, #tpu.memory_space<vmem_shared>>
    tpu.wait_indirect_dma semaphore(%arg8 : memref<!tpu.dma_semaphore, #tpu.memory_space<semaphore_mem>>) src(%arg5 : memref<80x16xf32, #tpu.memory_space<vmem>>) dst(%dma_wait3A_1337 : memref<10240x16xf32, #tpu.memory_space<vmem_shared>>)
    %dma_wait3A_1338 = arith.constant 88 : i32
    %dma_wait3A_1339 = arith.constant 0 : i32
    %dma_wait3A_1340 = tpu.memref_slice %arg4[%dma_wait3A_1338, %dma_wait3A_1339] : memref<128x80xi32, #tpu.memory_space<vmem>> -> memref<1x80xi32, #tpu.memory_space<vmem>>
    %dma_wait3A_1341 = tpu.memref_squeeze %dma_wait3A_1340 : memref<1x80xi32, #tpu.memory_space<vmem>> -> memref<80xi32, #tpu.memory_space<vmem>>
    %dma_wait3A_1342 = arith.constant 0 : i32
    %dma_wait3A_1343 = arith.constant 0 : i32
    %dma_wait3A_1344 = tpu.memref_slice %arg7[%dma_wait3A_1342, %dma_wait3A_1343] : memref<10240x16xf32, #tpu.memory_space<vmem_shared>> -> memref<10240x16xf32, #tpu.memory_space<vmem_shared>>
    tpu.wait_indirect_dma semaphore(%arg8 : memref<!tpu.dma_semaphore, #tpu.memory_space<semaphore_mem>>) src(%arg5 : memref<80x16xf32, #tpu.memory_space<vmem>>) dst(%dma_wait3A_1344 : memref<10240x16xf32, #tpu.memory_space<vmem_shared>>)
    %dma_wait3A_1345 = arith.constant 89 : i32
    %dma_wait3A_1346 = arith.constant 0 : i32
    %dma_wait3A_1347 = tpu.memref_slice %arg4[%dma_wait3A_1345, %dma_wait3A_1346] : memref<128x80xi32, #tpu.memory_space<vmem>> -> memref<1x80xi32, #tpu.memory_space<vmem>>
    %dma_wait3A_1348 = tpu.memref_squeeze %dma_wait3A_1347 : memref<1x80xi32, #tpu.memory_space<vmem>> -> memref<80xi32, #tpu.memory_space<vmem>>
    %dma_wait3A_1349 = arith.constant 0 : i32
    %dma_wait3A_1350 = arith.constant 0 : i32
    %dma_wait3A_1351 = tpu.memref_slice %arg7[%dma_wait3A_1349, %dma_wait3A_1350] : memref<10240x16xf32, #tpu.memory_space<vmem_shared>> -> memref<10240x16xf32, #tpu.memory_space<vmem_shared>>
    tpu.wait_indirect_dma semaphore(%arg8 : memref<!tpu.dma_semaphore, #tpu.memory_space<semaphore_mem>>) src(%arg5 : memref<80x16xf32, #tpu.memory_space<vmem>>) dst(%dma_wait3A_1351 : memref<10240x16xf32, #tpu.memory_space<vmem_shared>>)
    %dma_wait3A_1352 = arith.constant 90 : i32
    %dma_wait3A_1353 = arith.constant 0 : i32
    %dma_wait3A_1354 = tpu.memref_slice %arg4[%dma_wait3A_1352, %dma_wait3A_1353] : memref<128x80xi32, #tpu.memory_space<vmem>> -> memref<1x80xi32, #tpu.memory_space<vmem>>
    %dma_wait3A_1355 = tpu.memref_squeeze %dma_wait3A_1354 : memref<1x80xi32, #tpu.memory_space<vmem>> -> memref<80xi32, #tpu.memory_space<vmem>>
    %dma_wait3A_1356 = arith.constant 0 : i32
    %dma_wait3A_1357 = arith.constant 0 : i32
    %dma_wait3A_1358 = tpu.memref_slice %arg7[%dma_wait3A_1356, %dma_wait3A_1357] : memref<10240x16xf32, #tpu.memory_space<vmem_shared>> -> memref<10240x16xf32, #tpu.memory_space<vmem_shared>>
    tpu.wait_indirect_dma semaphore(%arg8 : memref<!tpu.dma_semaphore, #tpu.memory_space<semaphore_mem>>) src(%arg5 : memref<80x16xf32, #tpu.memory_space<vmem>>) dst(%dma_wait3A_1358 : memref<10240x16xf32, #tpu.memory_space<vmem_shared>>)
    %dma_wait3A_1359 = arith.constant 91 : i32
    %dma_wait3A_1360 = arith.constant 0 : i32
    %dma_wait3A_1361 = tpu.memref_slice %arg4[%dma_wait3A_1359, %dma_wait3A_1360] : memref<128x80xi32, #tpu.memory_space<vmem>> -> memref<1x80xi32, #tpu.memory_space<vmem>>
    %dma_wait3A_1362 = tpu.memref_squeeze %dma_wait3A_1361 : memref<1x80xi32, #tpu.memory_space<vmem>> -> memref<80xi32, #tpu.memory_space<vmem>>
    %dma_wait3A_1363 = arith.constant 0 : i32
    %dma_wait3A_1364 = arith.constant 0 : i32
    %dma_wait3A_1365 = tpu.memref_slice %arg7[%dma_wait3A_1363, %dma_wait3A_1364] : memref<10240x16xf32, #tpu.memory_space<vmem_shared>> -> memref<10240x16xf32, #tpu.memory_space<vmem_shared>>
    tpu.wait_indirect_dma semaphore(%arg8 : memref<!tpu.dma_semaphore, #tpu.memory_space<semaphore_mem>>) src(%arg5 : memref<80x16xf32, #tpu.memory_space<vmem>>) dst(%dma_wait3A_1365 : memref<10240x16xf32, #tpu.memory_space<vmem_shared>>)
    %dma_wait3A_1366 = arith.constant 92 : i32
    %dma_wait3A_1367 = arith.constant 0 : i32
    %dma_wait3A_1368 = tpu.memref_slice %arg4[%dma_wait3A_1366, %dma_wait3A_1367] : memref<128x80xi32, #tpu.memory_space<vmem>> -> memref<1x80xi32, #tpu.memory_space<vmem>>
    %dma_wait3A_1369 = tpu.memref_squeeze %dma_wait3A_1368 : memref<1x80xi32, #tpu.memory_space<vmem>> -> memref<80xi32, #tpu.memory_space<vmem>>
    %dma_wait3A_1370 = arith.constant 0 : i32
    %dma_wait3A_1371 = arith.constant 0 : i32
    %dma_wait3A_1372 = tpu.memref_slice %arg7[%dma_wait3A_1370, %dma_wait3A_1371] : memref<10240x16xf32, #tpu.memory_space<vmem_shared>> -> memref<10240x16xf32, #tpu.memory_space<vmem_shared>>
    tpu.wait_indirect_dma semaphore(%arg8 : memref<!tpu.dma_semaphore, #tpu.memory_space<semaphore_mem>>) src(%arg5 : memref<80x16xf32, #tpu.memory_space<vmem>>) dst(%dma_wait3A_1372 : memref<10240x16xf32, #tpu.memory_space<vmem_shared>>)
    %dma_wait3A_1373 = arith.constant 93 : i32
    %dma_wait3A_1374 = arith.constant 0 : i32
    %dma_wait3A_1375 = tpu.memref_slice %arg4[%dma_wait3A_1373, %dma_wait3A_1374] : memref<128x80xi32, #tpu.memory_space<vmem>> -> memref<1x80xi32, #tpu.memory_space<vmem>>
    %dma_wait3A_1376 = tpu.memref_squeeze %dma_wait3A_1375 : memref<1x80xi32, #tpu.memory_space<vmem>> -> memref<80xi32, #tpu.memory_space<vmem>>
    %dma_wait3A_1377 = arith.constant 0 : i32
    %dma_wait3A_1378 = arith.constant 0 : i32
    %dma_wait3A_1379 = tpu.memref_slice %arg7[%dma_wait3A_1377, %dma_wait3A_1378] : memref<10240x16xf32, #tpu.memory_space<vmem_shared>> -> memref<10240x16xf32, #tpu.memory_space<vmem_shared>>
    tpu.wait_indirect_dma semaphore(%arg8 : memref<!tpu.dma_semaphore, #tpu.memory_space<semaphore_mem>>) src(%arg5 : memref<80x16xf32, #tpu.memory_space<vmem>>) dst(%dma_wait3A_1379 : memref<10240x16xf32, #tpu.memory_space<vmem_shared>>)
    %dma_wait3A_1380 = arith.constant 94 : i32
    %dma_wait3A_1381 = arith.constant 0 : i32
    %dma_wait3A_1382 = tpu.memref_slice %arg4[%dma_wait3A_1380, %dma_wait3A_1381] : memref<128x80xi32, #tpu.memory_space<vmem>> -> memref<1x80xi32, #tpu.memory_space<vmem>>
    %dma_wait3A_1383 = tpu.memref_squeeze %dma_wait3A_1382 : memref<1x80xi32, #tpu.memory_space<vmem>> -> memref<80xi32, #tpu.memory_space<vmem>>
    %dma_wait3A_1384 = arith.constant 0 : i32
    %dma_wait3A_1385 = arith.constant 0 : i32
    %dma_wait3A_1386 = tpu.memref_slice %arg7[%dma_wait3A_1384, %dma_wait3A_1385] : memref<10240x16xf32, #tpu.memory_space<vmem_shared>> -> memref<10240x16xf32, #tpu.memory_space<vmem_shared>>
    tpu.wait_indirect_dma semaphore(%arg8 : memref<!tpu.dma_semaphore, #tpu.memory_space<semaphore_mem>>) src(%arg5 : memref<80x16xf32, #tpu.memory_space<vmem>>) dst(%dma_wait3A_1386 : memref<10240x16xf32, #tpu.memory_space<vmem_shared>>)
    %dma_wait3A_1387 = arith.constant 95 : i32
    %dma_wait3A_1388 = arith.constant 0 : i32
    %dma_wait3A_1389 = tpu.memref_slice %arg4[%dma_wait3A_1387, %dma_wait3A_1388] : memref<128x80xi32, #tpu.memory_space<vmem>> -> memref<1x80xi32, #tpu.memory_space<vmem>>
    %dma_wait3A_1390 = tpu.memref_squeeze %dma_wait3A_1389 : memref<1x80xi32, #tpu.memory_space<vmem>> -> memref<80xi32, #tpu.memory_space<vmem>>
    %dma_wait3A_1391 = arith.constant 0 : i32
    %dma_wait3A_1392 = arith.constant 0 : i32
    %dma_wait3A_1393 = tpu.memref_slice %arg7[%dma_wait3A_1391, %dma_wait3A_1392] : memref<10240x16xf32, #tpu.memory_space<vmem_shared>> -> memref<10240x16xf32, #tpu.memory_space<vmem_shared>>
    tpu.wait_indirect_dma semaphore(%arg8 : memref<!tpu.dma_semaphore, #tpu.memory_space<semaphore_mem>>) src(%arg5 : memref<80x16xf32, #tpu.memory_space<vmem>>) dst(%dma_wait3A_1393 : memref<10240x16xf32, #tpu.memory_space<vmem_shared>>)
    %dma_wait3A_1394 = arith.constant 96 : i32
    %dma_wait3A_1395 = arith.constant 0 : i32
    %dma_wait3A_1396 = tpu.memref_slice %arg4[%dma_wait3A_1394, %dma_wait3A_1395] : memref<128x80xi32, #tpu.memory_space<vmem>> -> memref<1x80xi32, #tpu.memory_space<vmem>>
    %dma_wait3A_1397 = tpu.memref_squeeze %dma_wait3A_1396 : memref<1x80xi32, #tpu.memory_space<vmem>> -> memref<80xi32, #tpu.memory_space<vmem>>
    %dma_wait3A_1398 = arith.constant 0 : i32
    %dma_wait3A_1399 = arith.constant 0 : i32
    %dma_wait3A_1400 = tpu.memref_slice %arg7[%dma_wait3A_1398, %dma_wait3A_1399] : memref<10240x16xf32, #tpu.memory_space<vmem_shared>> -> memref<10240x16xf32, #tpu.memory_space<vmem_shared>>
    tpu.wait_indirect_dma semaphore(%arg8 : memref<!tpu.dma_semaphore, #tpu.memory_space<semaphore_mem>>) src(%arg5 : memref<80x16xf32, #tpu.memory_space<vmem>>) dst(%dma_wait3A_1400 : memref<10240x16xf32, #tpu.memory_space<vmem_shared>>)
    %dma_wait3A_1401 = arith.constant 97 : i32
    %dma_wait3A_1402 = arith.constant 0 : i32
    %dma_wait3A_1403 = tpu.memref_slice %arg4[%dma_wait3A_1401, %dma_wait3A_1402] : memref<128x80xi32, #tpu.memory_space<vmem>> -> memref<1x80xi32, #tpu.memory_space<vmem>>
    %dma_wait3A_1404 = tpu.memref_squeeze %dma_wait3A_1403 : memref<1x80xi32, #tpu.memory_space<vmem>> -> memref<80xi32, #tpu.memory_space<vmem>>
    %dma_wait3A_1405 = arith.constant 0 : i32
    %dma_wait3A_1406 = arith.constant 0 : i32
    %dma_wait3A_1407 = tpu.memref_slice %arg7[%dma_wait3A_1405, %dma_wait3A_1406] : memref<10240x16xf32, #tpu.memory_space<vmem_shared>> -> memref<10240x16xf32, #tpu.memory_space<vmem_shared>>
    tpu.wait_indirect_dma semaphore(%arg8 : memref<!tpu.dma_semaphore, #tpu.memory_space<semaphore_mem>>) src(%arg5 : memref<80x16xf32, #tpu.memory_space<vmem>>) dst(%dma_wait3A_1407 : memref<10240x16xf32, #tpu.memory_space<vmem_shared>>)
    %dma_wait3A_1408 = arith.constant 98 : i32
    %dma_wait3A_1409 = arith.constant 0 : i32
    %dma_wait3A_1410 = tpu.memref_slice %arg4[%dma_wait3A_1408, %dma_wait3A_1409] : memref<128x80xi32, #tpu.memory_space<vmem>> -> memref<1x80xi32, #tpu.memory_space<vmem>>
    %dma_wait3A_1411 = tpu.memref_squeeze %dma_wait3A_1410 : memref<1x80xi32, #tpu.memory_space<vmem>> -> memref<80xi32, #tpu.memory_space<vmem>>
    %dma_wait3A_1412 = arith.constant 0 : i32
    %dma_wait3A_1413 = arith.constant 0 : i32
    %dma_wait3A_1414 = tpu.memref_slice %arg7[%dma_wait3A_1412, %dma_wait3A_1413] : memref<10240x16xf32, #tpu.memory_space<vmem_shared>> -> memref<10240x16xf32, #tpu.memory_space<vmem_shared>>
    tpu.wait_indirect_dma semaphore(%arg8 : memref<!tpu.dma_semaphore, #tpu.memory_space<semaphore_mem>>) src(%arg5 : memref<80x16xf32, #tpu.memory_space<vmem>>) dst(%dma_wait3A_1414 : memref<10240x16xf32, #tpu.memory_space<vmem_shared>>)
    %dma_wait3A_1415 = arith.constant 99 : i32
    %dma_wait3A_1416 = arith.constant 0 : i32
    %dma_wait3A_1417 = tpu.memref_slice %arg4[%dma_wait3A_1415, %dma_wait3A_1416] : memref<128x80xi32, #tpu.memory_space<vmem>> -> memref<1x80xi32, #tpu.memory_space<vmem>>
    %dma_wait3A_1418 = tpu.memref_squeeze %dma_wait3A_1417 : memref<1x80xi32, #tpu.memory_space<vmem>> -> memref<80xi32, #tpu.memory_space<vmem>>
    %dma_wait3A_1419 = arith.constant 0 : i32
    %dma_wait3A_1420 = arith.constant 0 : i32
    %dma_wait3A_1421 = tpu.memref_slice %arg7[%dma_wait3A_1419, %dma_wait3A_1420] : memref<10240x16xf32, #tpu.memory_space<vmem_shared>> -> memref<10240x16xf32, #tpu.memory_space<vmem_shared>>
    tpu.wait_indirect_dma semaphore(%arg8 : memref<!tpu.dma_semaphore, #tpu.memory_space<semaphore_mem>>) src(%arg5 : memref<80x16xf32, #tpu.memory_space<vmem>>) dst(%dma_wait3A_1421 : memref<10240x16xf32, #tpu.memory_space<vmem_shared>>)
    %dma_start3A_1422 = arith.constant 100 : i32
    %dma_start3A_1423 = arith.constant 0 : i32
    %dma_start3A_1424 = tpu.memref_slice %arg4[%dma_start3A_1422, %dma_start3A_1423] : memref<128x80xi32, #tpu.memory_space<vmem>> -> memref<1x80xi32, #tpu.memory_space<vmem>>
    %dma_start3A_1425 = tpu.memref_squeeze %dma_start3A_1424 : memref<1x80xi32, #tpu.memory_space<vmem>> -> memref<80xi32, #tpu.memory_space<vmem>>
    %dma_start3A_1426 = arith.constant 0 : i32
    %dma_start3A_1427 = arith.constant 0 : i32
    %dma_start3A_1428 = tpu.memref_slice %arg7[%dma_start3A_1426, %dma_start3A_1427] : memref<10240x16xf32, #tpu.memory_space<vmem_shared>> -> memref<10240x16xf32, #tpu.memory_space<vmem_shared>>
    tpu.enqueue_indirect_dma source(%arg5 : memref<80x16xf32, #tpu.memory_space<vmem>>) target(%dma_start3A_1428 : memref<10240x16xf32, #tpu.memory_space<vmem_shared>>) offsets(%dma_start3A_1425 : memref<80xi32, #tpu.memory_space<vmem>>) semaphore(%arg8 : memref<!tpu.dma_semaphore, #tpu.memory_space<semaphore_mem>>) {add = true}
    %dma_start3A_1429 = arith.constant 101 : i32
    %dma_start3A_1430 = arith.constant 0 : i32
    %dma_start3A_1431 = tpu.memref_slice %arg4[%dma_start3A_1429, %dma_start3A_1430] : memref<128x80xi32, #tpu.memory_space<vmem>> -> memref<1x80xi32, #tpu.memory_space<vmem>>
    %dma_start3A_1432 = tpu.memref_squeeze %dma_start3A_1431 : memref<1x80xi32, #tpu.memory_space<vmem>> -> memref<80xi32, #tpu.memory_space<vmem>>
    %dma_start3A_1433 = arith.constant 0 : i32
    %dma_start3A_1434 = arith.constant 0 : i32
    %dma_start3A_1435 = tpu.memref_slice %arg7[%dma_start3A_1433, %dma_start3A_1434] : memref<10240x16xf32, #tpu.memory_space<vmem_shared>> -> memref<10240x16xf32, #tpu.memory_space<vmem_shared>>
    tpu.enqueue_indirect_dma source(%arg5 : memref<80x16xf32, #tpu.memory_space<vmem>>) target(%dma_start3A_1435 : memref<10240x16xf32, #tpu.memory_space<vmem_shared>>) offsets(%dma_start3A_1432 : memref<80xi32, #tpu.memory_space<vmem>>) semaphore(%arg8 : memref<!tpu.dma_semaphore, #tpu.memory_space<semaphore_mem>>) {add = true}
    %dma_start3A_1436 = arith.constant 102 : i32
    %dma_start3A_1437 = arith.constant 0 : i32
    %dma_start3A_1438 = tpu.memref_slice %arg4[%dma_start3A_1436, %dma_start3A_1437] : memref<128x80xi32, #tpu.memory_space<vmem>> -> memref<1x80xi32, #tpu.memory_space<vmem>>
    %dma_start3A_1439 = tpu.memref_squeeze %dma_start3A_1438 : memref<1x80xi32, #tpu.memory_space<vmem>> -> memref<80xi32, #tpu.memory_space<vmem>>
    %dma_start3A_1440 = arith.constant 0 : i32
    %dma_start3A_1441 = arith.constant 0 : i32
    %dma_start3A_1442 = tpu.memref_slice %arg7[%dma_start3A_1440, %dma_start3A_1441] : memref<10240x16xf32, #tpu.memory_space<vmem_shared>> -> memref<10240x16xf32, #tpu.memory_space<vmem_shared>>
    tpu.enqueue_indirect_dma source(%arg5 : memref<80x16xf32, #tpu.memory_space<vmem>>) target(%dma_start3A_1442 : memref<10240x16xf32, #tpu.memory_space<vmem_shared>>) offsets(%dma_start3A_1439 : memref<80xi32, #tpu.memory_space<vmem>>) semaphore(%arg8 : memref<!tpu.dma_semaphore, #tpu.memory_space<semaphore_mem>>) {add = true}
    %dma_start3A_1443 = arith.constant 103 : i32
    %dma_start3A_1444 = arith.constant 0 : i32
    %dma_start3A_1445 = tpu.memref_slice %arg4[%dma_start3A_1443, %dma_start3A_1444] : memref<128x80xi32, #tpu.memory_space<vmem>> -> memref<1x80xi32, #tpu.memory_space<vmem>>
    %dma_start3A_1446 = tpu.memref_squeeze %dma_start3A_1445 : memref<1x80xi32, #tpu.memory_space<vmem>> -> memref<80xi32, #tpu.memory_space<vmem>>
    %dma_start3A_1447 = arith.constant 0 : i32
    %dma_start3A_1448 = arith.constant 0 : i32
    %dma_start3A_1449 = tpu.memref_slice %arg7[%dma_start3A_1447, %dma_start3A_1448] : memref<10240x16xf32, #tpu.memory_space<vmem_shared>> -> memref<10240x16xf32, #tpu.memory_space<vmem_shared>>
    tpu.enqueue_indirect_dma source(%arg5 : memref<80x16xf32, #tpu.memory_space<vmem>>) target(%dma_start3A_1449 : memref<10240x16xf32, #tpu.memory_space<vmem_shared>>) offsets(%dma_start3A_1446 : memref<80xi32, #tpu.memory_space<vmem>>) semaphore(%arg8 : memref<!tpu.dma_semaphore, #tpu.memory_space<semaphore_mem>>) {add = true}
    %dma_start3A_1450 = arith.constant 104 : i32
    %dma_start3A_1451 = arith.constant 0 : i32
    %dma_start3A_1452 = tpu.memref_slice %arg4[%dma_start3A_1450, %dma_start3A_1451] : memref<128x80xi32, #tpu.memory_space<vmem>> -> memref<1x80xi32, #tpu.memory_space<vmem>>
    %dma_start3A_1453 = tpu.memref_squeeze %dma_start3A_1452 : memref<1x80xi32, #tpu.memory_space<vmem>> -> memref<80xi32, #tpu.memory_space<vmem>>
    %dma_start3A_1454 = arith.constant 0 : i32
    %dma_start3A_1455 = arith.constant 0 : i32
    %dma_start3A_1456 = tpu.memref_slice %arg7[%dma_start3A_1454, %dma_start3A_1455] : memref<10240x16xf32, #tpu.memory_space<vmem_shared>> -> memref<10240x16xf32, #tpu.memory_space<vmem_shared>>
    tpu.enqueue_indirect_dma source(%arg5 : memref<80x16xf32, #tpu.memory_space<vmem>>) target(%dma_start3A_1456 : memref<10240x16xf32, #tpu.memory_space<vmem_shared>>) offsets(%dma_start3A_1453 : memref<80xi32, #tpu.memory_space<vmem>>) semaphore(%arg8 : memref<!tpu.dma_semaphore, #tpu.memory_space<semaphore_mem>>) {add = true}
    %dma_start3A_1457 = arith.constant 105 : i32
    %dma_start3A_1458 = arith.constant 0 : i32
    %dma_start3A_1459 = tpu.memref_slice %arg4[%dma_start3A_1457, %dma_start3A_1458] : memref<128x80xi32, #tpu.memory_space<vmem>> -> memref<1x80xi32, #tpu.memory_space<vmem>>
    %dma_start3A_1460 = tpu.memref_squeeze %dma_start3A_1459 : memref<1x80xi32, #tpu.memory_space<vmem>> -> memref<80xi32, #tpu.memory_space<vmem>>
    %dma_start3A_1461 = arith.constant 0 : i32
    %dma_start3A_1462 = arith.constant 0 : i32
    %dma_start3A_1463 = tpu.memref_slice %arg7[%dma_start3A_1461, %dma_start3A_1462] : memref<10240x16xf32, #tpu.memory_space<vmem_shared>> -> memref<10240x16xf32, #tpu.memory_space<vmem_shared>>
    tpu.enqueue_indirect_dma source(%arg5 : memref<80x16xf32, #tpu.memory_space<vmem>>) target(%dma_start3A_1463 : memref<10240x16xf32, #tpu.memory_space<vmem_shared>>) offsets(%dma_start3A_1460 : memref<80xi32, #tpu.memory_space<vmem>>) semaphore(%arg8 : memref<!tpu.dma_semaphore, #tpu.memory_space<semaphore_mem>>) {add = true}
    %dma_start3A_1464 = arith.constant 106 : i32
    %dma_start3A_1465 = arith.constant 0 : i32
    %dma_start3A_1466 = tpu.memref_slice %arg4[%dma_start3A_1464, %dma_start3A_1465] : memref<128x80xi32, #tpu.memory_space<vmem>> -> memref<1x80xi32, #tpu.memory_space<vmem>>
    %dma_start3A_1467 = tpu.memref_squeeze %dma_start3A_1466 : memref<1x80xi32, #tpu.memory_space<vmem>> -> memref<80xi32, #tpu.memory_space<vmem>>
    %dma_start3A_1468 = arith.constant 0 : i32
    %dma_start3A_1469 = arith.constant 0 : i32
    %dma_start3A_1470 = tpu.memref_slice %arg7[%dma_start3A_1468, %dma_start3A_1469] : memref<10240x16xf32, #tpu.memory_space<vmem_shared>> -> memref<10240x16xf32, #tpu.memory_space<vmem_shared>>
    tpu.enqueue_indirect_dma source(%arg5 : memref<80x16xf32, #tpu.memory_space<vmem>>) target(%dma_start3A_1470 : memref<10240x16xf32, #tpu.memory_space<vmem_shared>>) offsets(%dma_start3A_1467 : memref<80xi32, #tpu.memory_space<vmem>>) semaphore(%arg8 : memref<!tpu.dma_semaphore, #tpu.memory_space<semaphore_mem>>) {add = true}
    %dma_start3A_1471 = arith.constant 107 : i32
    %dma_start3A_1472 = arith.constant 0 : i32
    %dma_start3A_1473 = tpu.memref_slice %arg4[%dma_start3A_1471, %dma_start3A_1472] : memref<128x80xi32, #tpu.memory_space<vmem>> -> memref<1x80xi32, #tpu.memory_space<vmem>>
    %dma_start3A_1474 = tpu.memref_squeeze %dma_start3A_1473 : memref<1x80xi32, #tpu.memory_space<vmem>> -> memref<80xi32, #tpu.memory_space<vmem>>
    %dma_start3A_1475 = arith.constant 0 : i32
    %dma_start3A_1476 = arith.constant 0 : i32
    %dma_start3A_1477 = tpu.memref_slice %arg7[%dma_start3A_1475, %dma_start3A_1476] : memref<10240x16xf32, #tpu.memory_space<vmem_shared>> -> memref<10240x16xf32, #tpu.memory_space<vmem_shared>>
    tpu.enqueue_indirect_dma source(%arg5 : memref<80x16xf32, #tpu.memory_space<vmem>>) target(%dma_start3A_1477 : memref<10240x16xf32, #tpu.memory_space<vmem_shared>>) offsets(%dma_start3A_1474 : memref<80xi32, #tpu.memory_space<vmem>>) semaphore(%arg8 : memref<!tpu.dma_semaphore, #tpu.memory_space<semaphore_mem>>) {add = true}
    %dma_start3A_1478 = arith.constant 108 : i32
    %dma_start3A_1479 = arith.constant 0 : i32
    %dma_start3A_1480 = tpu.memref_slice %arg4[%dma_start3A_1478, %dma_start3A_1479] : memref<128x80xi32, #tpu.memory_space<vmem>> -> memref<1x80xi32, #tpu.memory_space<vmem>>
    %dma_start3A_1481 = tpu.memref_squeeze %dma_start3A_1480 : memref<1x80xi32, #tpu.memory_space<vmem>> -> memref<80xi32, #tpu.memory_space<vmem>>
    %dma_start3A_1482 = arith.constant 0 : i32
    %dma_start3A_1483 = arith.constant 0 : i32
    %dma_start3A_1484 = tpu.memref_slice %arg7[%dma_start3A_1482, %dma_start3A_1483] : memref<10240x16xf32, #tpu.memory_space<vmem_shared>> -> memref<10240x16xf32, #tpu.memory_space<vmem_shared>>
    tpu.enqueue_indirect_dma source(%arg5 : memref<80x16xf32, #tpu.memory_space<vmem>>) target(%dma_start3A_1484 : memref<10240x16xf32, #tpu.memory_space<vmem_shared>>) offsets(%dma_start3A_1481 : memref<80xi32, #tpu.memory_space<vmem>>) semaphore(%arg8 : memref<!tpu.dma_semaphore, #tpu.memory_space<semaphore_mem>>) {add = true}
    %dma_start3A_1485 = arith.constant 109 : i32
    %dma_start3A_1486 = arith.constant 0 : i32
    %dma_start3A_1487 = tpu.memref_slice %arg4[%dma_start3A_1485, %dma_start3A_1486] : memref<128x80xi32, #tpu.memory_space<vmem>> -> memref<1x80xi32, #tpu.memory_space<vmem>>
    %dma_start3A_1488 = tpu.memref_squeeze %dma_start3A_1487 : memref<1x80xi32, #tpu.memory_space<vmem>> -> memref<80xi32, #tpu.memory_space<vmem>>
    %dma_start3A_1489 = arith.constant 0 : i32
    %dma_start3A_1490 = arith.constant 0 : i32
    %dma_start3A_1491 = tpu.memref_slice %arg7[%dma_start3A_1489, %dma_start3A_1490] : memref<10240x16xf32, #tpu.memory_space<vmem_shared>> -> memref<10240x16xf32, #tpu.memory_space<vmem_shared>>
    tpu.enqueue_indirect_dma source(%arg5 : memref<80x16xf32, #tpu.memory_space<vmem>>) target(%dma_start3A_1491 : memref<10240x16xf32, #tpu.memory_space<vmem_shared>>) offsets(%dma_start3A_1488 : memref<80xi32, #tpu.memory_space<vmem>>) semaphore(%arg8 : memref<!tpu.dma_semaphore, #tpu.memory_space<semaphore_mem>>) {add = true}
    %dma_start3A_1492 = arith.constant 110 : i32
    %dma_start3A_1493 = arith.constant 0 : i32
    %dma_start3A_1494 = tpu.memref_slice %arg4[%dma_start3A_1492, %dma_start3A_1493] : memref<128x80xi32, #tpu.memory_space<vmem>> -> memref<1x80xi32, #tpu.memory_space<vmem>>
    %dma_start3A_1495 = tpu.memref_squeeze %dma_start3A_1494 : memref<1x80xi32, #tpu.memory_space<vmem>> -> memref<80xi32, #tpu.memory_space<vmem>>
    %dma_start3A_1496 = arith.constant 0 : i32
    %dma_start3A_1497 = arith.constant 0 : i32
    %dma_start3A_1498 = tpu.memref_slice %arg7[%dma_start3A_1496, %dma_start3A_1497] : memref<10240x16xf32, #tpu.memory_space<vmem_shared>> -> memref<10240x16xf32, #tpu.memory_space<vmem_shared>>
    tpu.enqueue_indirect_dma source(%arg5 : memref<80x16xf32, #tpu.memory_space<vmem>>) target(%dma_start3A_1498 : memref<10240x16xf32, #tpu.memory_space<vmem_shared>>) offsets(%dma_start3A_1495 : memref<80xi32, #tpu.memory_space<vmem>>) semaphore(%arg8 : memref<!tpu.dma_semaphore, #tpu.memory_space<semaphore_mem>>) {add = true}
    %dma_start3A_1499 = arith.constant 111 : i32
    %dma_start3A_1500 = arith.constant 0 : i32
    %dma_start3A_1501 = tpu.memref_slice %arg4[%dma_start3A_1499, %dma_start3A_1500] : memref<128x80xi32, #tpu.memory_space<vmem>> -> memref<1x80xi32, #tpu.memory_space<vmem>>
    %dma_start3A_1502 = tpu.memref_squeeze %dma_start3A_1501 : memref<1x80xi32, #tpu.memory_space<vmem>> -> memref<80xi32, #tpu.memory_space<vmem>>
    %dma_start3A_1503 = arith.constant 0 : i32
    %dma_start3A_1504 = arith.constant 0 : i32
    %dma_start3A_1505 = tpu.memref_slice %arg7[%dma_start3A_1503, %dma_start3A_1504] : memref<10240x16xf32, #tpu.memory_space<vmem_shared>> -> memref<10240x16xf32, #tpu.memory_space<vmem_shared>>
    tpu.enqueue_indirect_dma source(%arg5 : memref<80x16xf32, #tpu.memory_space<vmem>>) target(%dma_start3A_1505 : memref<10240x16xf32, #tpu.memory_space<vmem_shared>>) offsets(%dma_start3A_1502 : memref<80xi32, #tpu.memory_space<vmem>>) semaphore(%arg8 : memref<!tpu.dma_semaphore, #tpu.memory_space<semaphore_mem>>) {add = true}
    %dma_start3A_1506 = arith.constant 112 : i32
    %dma_start3A_1507 = arith.constant 0 : i32
    %dma_start3A_1508 = tpu.memref_slice %arg4[%dma_start3A_1506, %dma_start3A_1507] : memref<128x80xi32, #tpu.memory_space<vmem>> -> memref<1x80xi32, #tpu.memory_space<vmem>>
    %dma_start3A_1509 = tpu.memref_squeeze %dma_start3A_1508 : memref<1x80xi32, #tpu.memory_space<vmem>> -> memref<80xi32, #tpu.memory_space<vmem>>
    %dma_start3A_1510 = arith.constant 0 : i32
    %dma_start3A_1511 = arith.constant 0 : i32
    %dma_start3A_1512 = tpu.memref_slice %arg7[%dma_start3A_1510, %dma_start3A_1511] : memref<10240x16xf32, #tpu.memory_space<vmem_shared>> -> memref<10240x16xf32, #tpu.memory_space<vmem_shared>>
    tpu.enqueue_indirect_dma source(%arg5 : memref<80x16xf32, #tpu.memory_space<vmem>>) target(%dma_start3A_1512 : memref<10240x16xf32, #tpu.memory_space<vmem_shared>>) offsets(%dma_start3A_1509 : memref<80xi32, #tpu.memory_space<vmem>>) semaphore(%arg8 : memref<!tpu.dma_semaphore, #tpu.memory_space<semaphore_mem>>) {add = true}
    %dma_start3A_1513 = arith.constant 113 : i32
    %dma_start3A_1514 = arith.constant 0 : i32
    %dma_start3A_1515 = tpu.memref_slice %arg4[%dma_start3A_1513, %dma_start3A_1514] : memref<128x80xi32, #tpu.memory_space<vmem>> -> memref<1x80xi32, #tpu.memory_space<vmem>>
    %dma_start3A_1516 = tpu.memref_squeeze %dma_start3A_1515 : memref<1x80xi32, #tpu.memory_space<vmem>> -> memref<80xi32, #tpu.memory_space<vmem>>
    %dma_start3A_1517 = arith.constant 0 : i32
    %dma_start3A_1518 = arith.constant 0 : i32
    %dma_start3A_1519 = tpu.memref_slice %arg7[%dma_start3A_1517, %dma_start3A_1518] : memref<10240x16xf32, #tpu.memory_space<vmem_shared>> -> memref<10240x16xf32, #tpu.memory_space<vmem_shared>>
    tpu.enqueue_indirect_dma source(%arg5 : memref<80x16xf32, #tpu.memory_space<vmem>>) target(%dma_start3A_1519 : memref<10240x16xf32, #tpu.memory_space<vmem_shared>>) offsets(%dma_start3A_1516 : memref<80xi32, #tpu.memory_space<vmem>>) semaphore(%arg8 : memref<!tpu.dma_semaphore, #tpu.memory_space<semaphore_mem>>) {add = true}
    %dma_start3A_1520 = arith.constant 114 : i32
    %dma_start3A_1521 = arith.constant 0 : i32
    %dma_start3A_1522 = tpu.memref_slice %arg4[%dma_start3A_1520, %dma_start3A_1521] : memref<128x80xi32, #tpu.memory_space<vmem>> -> memref<1x80xi32, #tpu.memory_space<vmem>>
    %dma_start3A_1523 = tpu.memref_squeeze %dma_start3A_1522 : memref<1x80xi32, #tpu.memory_space<vmem>> -> memref<80xi32, #tpu.memory_space<vmem>>
    %dma_start3A_1524 = arith.constant 0 : i32
    %dma_start3A_1525 = arith.constant 0 : i32
    %dma_start3A_1526 = tpu.memref_slice %arg7[%dma_start3A_1524, %dma_start3A_1525] : memref<10240x16xf32, #tpu.memory_space<vmem_shared>> -> memref<10240x16xf32, #tpu.memory_space<vmem_shared>>
    tpu.enqueue_indirect_dma source(%arg5 : memref<80x16xf32, #tpu.memory_space<vmem>>) target(%dma_start3A_1526 : memref<10240x16xf32, #tpu.memory_space<vmem_shared>>) offsets(%dma_start3A_1523 : memref<80xi32, #tpu.memory_space<vmem>>) semaphore(%arg8 : memref<!tpu.dma_semaphore, #tpu.memory_space<semaphore_mem>>) {add = true}
    %dma_start3A_1527 = arith.constant 115 : i32
    %dma_start3A_1528 = arith.constant 0 : i32
    %dma_start3A_1529 = tpu.memref_slice %arg4[%dma_start3A_1527, %dma_start3A_1528] : memref<128x80xi32, #tpu.memory_space<vmem>> -> memref<1x80xi32, #tpu.memory_space<vmem>>
    %dma_start3A_1530 = tpu.memref_squeeze %dma_start3A_1529 : memref<1x80xi32, #tpu.memory_space<vmem>> -> memref<80xi32, #tpu.memory_space<vmem>>
    %dma_start3A_1531 = arith.constant 0 : i32
    %dma_start3A_1532 = arith.constant 0 : i32
    %dma_start3A_1533 = tpu.memref_slice %arg7[%dma_start3A_1531, %dma_start3A_1532] : memref<10240x16xf32, #tpu.memory_space<vmem_shared>> -> memref<10240x16xf32, #tpu.memory_space<vmem_shared>>
    tpu.enqueue_indirect_dma source(%arg5 : memref<80x16xf32, #tpu.memory_space<vmem>>) target(%dma_start3A_1533 : memref<10240x16xf32, #tpu.memory_space<vmem_shared>>) offsets(%dma_start3A_1530 : memref<80xi32, #tpu.memory_space<vmem>>) semaphore(%arg8 : memref<!tpu.dma_semaphore, #tpu.memory_space<semaphore_mem>>) {add = true}
    %dma_start3A_1534 = arith.constant 116 : i32
    %dma_start3A_1535 = arith.constant 0 : i32
    %dma_start3A_1536 = tpu.memref_slice %arg4[%dma_start3A_1534, %dma_start3A_1535] : memref<128x80xi32, #tpu.memory_space<vmem>> -> memref<1x80xi32, #tpu.memory_space<vmem>>
    %dma_start3A_1537 = tpu.memref_squeeze %dma_start3A_1536 : memref<1x80xi32, #tpu.memory_space<vmem>> -> memref<80xi32, #tpu.memory_space<vmem>>
    %dma_start3A_1538 = arith.constant 0 : i32
    %dma_start3A_1539 = arith.constant 0 : i32
    %dma_start3A_1540 = tpu.memref_slice %arg7[%dma_start3A_1538, %dma_start3A_1539] : memref<10240x16xf32, #tpu.memory_space<vmem_shared>> -> memref<10240x16xf32, #tpu.memory_space<vmem_shared>>
    tpu.enqueue_indirect_dma source(%arg5 : memref<80x16xf32, #tpu.memory_space<vmem>>) target(%dma_start3A_1540 : memref<10240x16xf32, #tpu.memory_space<vmem_shared>>) offsets(%dma_start3A_1537 : memref<80xi32, #tpu.memory_space<vmem>>) semaphore(%arg8 : memref<!tpu.dma_semaphore, #tpu.memory_space<semaphore_mem>>) {add = true}
    %dma_start3A_1541 = arith.constant 117 : i32
    %dma_start3A_1542 = arith.constant 0 : i32
    %dma_start3A_1543 = tpu.memref_slice %arg4[%dma_start3A_1541, %dma_start3A_1542] : memref<128x80xi32, #tpu.memory_space<vmem>> -> memref<1x80xi32, #tpu.memory_space<vmem>>
    %dma_start3A_1544 = tpu.memref_squeeze %dma_start3A_1543 : memref<1x80xi32, #tpu.memory_space<vmem>> -> memref<80xi32, #tpu.memory_space<vmem>>
    %dma_start3A_1545 = arith.constant 0 : i32
    %dma_start3A_1546 = arith.constant 0 : i32
    %dma_start3A_1547 = tpu.memref_slice %arg7[%dma_start3A_1545, %dma_start3A_1546] : memref<10240x16xf32, #tpu.memory_space<vmem_shared>> -> memref<10240x16xf32, #tpu.memory_space<vmem_shared>>
    tpu.enqueue_indirect_dma source(%arg5 : memref<80x16xf32, #tpu.memory_space<vmem>>) target(%dma_start3A_1547 : memref<10240x16xf32, #tpu.memory_space<vmem_shared>>) offsets(%dma_start3A_1544 : memref<80xi32, #tpu.memory_space<vmem>>) semaphore(%arg8 : memref<!tpu.dma_semaphore, #tpu.memory_space<semaphore_mem>>) {add = true}
    %dma_start3A_1548 = arith.constant 118 : i32
    %dma_start3A_1549 = arith.constant 0 : i32
    %dma_start3A_1550 = tpu.memref_slice %arg4[%dma_start3A_1548, %dma_start3A_1549] : memref<128x80xi32, #tpu.memory_space<vmem>> -> memref<1x80xi32, #tpu.memory_space<vmem>>
    %dma_start3A_1551 = tpu.memref_squeeze %dma_start3A_1550 : memref<1x80xi32, #tpu.memory_space<vmem>> -> memref<80xi32, #tpu.memory_space<vmem>>
    %dma_start3A_1552 = arith.constant 0 : i32
    %dma_start3A_1553 = arith.constant 0 : i32
    %dma_start3A_1554 = tpu.memref_slice %arg7[%dma_start3A_1552, %dma_start3A_1553] : memref<10240x16xf32, #tpu.memory_space<vmem_shared>> -> memref<10240x16xf32, #tpu.memory_space<vmem_shared>>
    tpu.enqueue_indirect_dma source(%arg5 : memref<80x16xf32, #tpu.memory_space<vmem>>) target(%dma_start3A_1554 : memref<10240x16xf32, #tpu.memory_space<vmem_shared>>) offsets(%dma_start3A_1551 : memref<80xi32, #tpu.memory_space<vmem>>) semaphore(%arg8 : memref<!tpu.dma_semaphore, #tpu.memory_space<semaphore_mem>>) {add = true}
    %dma_start3A_1555 = arith.constant 119 : i32
    %dma_start3A_1556 = arith.constant 0 : i32
    %dma_start3A_1557 = tpu.memref_slice %arg4[%dma_start3A_1555, %dma_start3A_1556] : memref<128x80xi32, #tpu.memory_space<vmem>> -> memref<1x80xi32, #tpu.memory_space<vmem>>
    %dma_start3A_1558 = tpu.memref_squeeze %dma_start3A_1557 : memref<1x80xi32, #tpu.memory_space<vmem>> -> memref<80xi32, #tpu.memory_space<vmem>>
    %dma_start3A_1559 = arith.constant 0 : i32
    %dma_start3A_1560 = arith.constant 0 : i32
    %dma_start3A_1561 = tpu.memref_slice %arg7[%dma_start3A_1559, %dma_start3A_1560] : memref<10240x16xf32, #tpu.memory_space<vmem_shared>> -> memref<10240x16xf32, #tpu.memory_space<vmem_shared>>
    tpu.enqueue_indirect_dma source(%arg5 : memref<80x16xf32, #tpu.memory_space<vmem>>) target(%dma_start3A_1561 : memref<10240x16xf32, #tpu.memory_space<vmem_shared>>) offsets(%dma_start3A_1558 : memref<80xi32, #tpu.memory_space<vmem>>) semaphore(%arg8 : memref<!tpu.dma_semaphore, #tpu.memory_space<semaphore_mem>>) {add = true}
    %dma_start3A_1562 = arith.constant 120 : i32
    %dma_start3A_1563 = arith.constant 0 : i32
    %dma_start3A_1564 = tpu.memref_slice %arg4[%dma_start3A_1562, %dma_start3A_1563] : memref<128x80xi32, #tpu.memory_space<vmem>> -> memref<1x80xi32, #tpu.memory_space<vmem>>
    %dma_start3A_1565 = tpu.memref_squeeze %dma_start3A_1564 : memref<1x80xi32, #tpu.memory_space<vmem>> -> memref<80xi32, #tpu.memory_space<vmem>>
    %dma_start3A_1566 = arith.constant 0 : i32
    %dma_start3A_1567 = arith.constant 0 : i32
    %dma_start3A_1568 = tpu.memref_slice %arg7[%dma_start3A_1566, %dma_start3A_1567] : memref<10240x16xf32, #tpu.memory_space<vmem_shared>> -> memref<10240x16xf32, #tpu.memory_space<vmem_shared>>
    tpu.enqueue_indirect_dma source(%arg5 : memref<80x16xf32, #tpu.memory_space<vmem>>) target(%dma_start3A_1568 : memref<10240x16xf32, #tpu.memory_space<vmem_shared>>) offsets(%dma_start3A_1565 : memref<80xi32, #tpu.memory_space<vmem>>) semaphore(%arg8 : memref<!tpu.dma_semaphore, #tpu.memory_space<semaphore_mem>>) {add = true}
    %dma_start3A_1569 = arith.constant 121 : i32
    %dma_start3A_1570 = arith.constant 0 : i32
    %dma_start3A_1571 = tpu.memref_slice %arg4[%dma_start3A_1569, %dma_start3A_1570] : memref<128x80xi32, #tpu.memory_space<vmem>> -> memref<1x80xi32, #tpu.memory_space<vmem>>
    %dma_start3A_1572 = tpu.memref_squeeze %dma_start3A_1571 : memref<1x80xi32, #tpu.memory_space<vmem>> -> memref<80xi32, #tpu.memory_space<vmem>>
    %dma_start3A_1573 = arith.constant 0 : i32
    %dma_start3A_1574 = arith.constant 0 : i32
    %dma_start3A_1575 = tpu.memref_slice %arg7[%dma_start3A_1573, %dma_start3A_1574] : memref<10240x16xf32, #tpu.memory_space<vmem_shared>> -> memref<10240x16xf32, #tpu.memory_space<vmem_shared>>
    tpu.enqueue_indirect_dma source(%arg5 : memref<80x16xf32, #tpu.memory_space<vmem>>) target(%dma_start3A_1575 : memref<10240x16xf32, #tpu.memory_space<vmem_shared>>) offsets(%dma_start3A_1572 : memref<80xi32, #tpu.memory_space<vmem>>) semaphore(%arg8 : memref<!tpu.dma_semaphore, #tpu.memory_space<semaphore_mem>>) {add = true}
    %dma_start3A_1576 = arith.constant 122 : i32
    %dma_start3A_1577 = arith.constant 0 : i32
    %dma_start3A_1578 = tpu.memref_slice %arg4[%dma_start3A_1576, %dma_start3A_1577] : memref<128x80xi32, #tpu.memory_space<vmem>> -> memref<1x80xi32, #tpu.memory_space<vmem>>
    %dma_start3A_1579 = tpu.memref_squeeze %dma_start3A_1578 : memref<1x80xi32, #tpu.memory_space<vmem>> -> memref<80xi32, #tpu.memory_space<vmem>>
    %dma_start3A_1580 = arith.constant 0 : i32
    %dma_start3A_1581 = arith.constant 0 : i32
    %dma_start3A_1582 = tpu.memref_slice %arg7[%dma_start3A_1580, %dma_start3A_1581] : memref<10240x16xf32, #tpu.memory_space<vmem_shared>> -> memref<10240x16xf32, #tpu.memory_space<vmem_shared>>
    tpu.enqueue_indirect_dma source(%arg5 : memref<80x16xf32, #tpu.memory_space<vmem>>) target(%dma_start3A_1582 : memref<10240x16xf32, #tpu.memory_space<vmem_shared>>) offsets(%dma_start3A_1579 : memref<80xi32, #tpu.memory_space<vmem>>) semaphore(%arg8 : memref<!tpu.dma_semaphore, #tpu.memory_space<semaphore_mem>>) {add = true}
    %dma_start3A_1583 = arith.constant 123 : i32
    %dma_start3A_1584 = arith.constant 0 : i32
    %dma_start3A_1585 = tpu.memref_slice %arg4[%dma_start3A_1583, %dma_start3A_1584] : memref<128x80xi32, #tpu.memory_space<vmem>> -> memref<1x80xi32, #tpu.memory_space<vmem>>
    %dma_start3A_1586 = tpu.memref_squeeze %dma_start3A_1585 : memref<1x80xi32, #tpu.memory_space<vmem>> -> memref<80xi32, #tpu.memory_space<vmem>>
    %dma_start3A_1587 = arith.constant 0 : i32
    %dma_start3A_1588 = arith.constant 0 : i32
    %dma_start3A_1589 = tpu.memref_slice %arg7[%dma_start3A_1587, %dma_start3A_1588] : memref<10240x16xf32, #tpu.memory_space<vmem_shared>> -> memref<10240x16xf32, #tpu.memory_space<vmem_shared>>
    tpu.enqueue_indirect_dma source(%arg5 : memref<80x16xf32, #tpu.memory_space<vmem>>) target(%dma_start3A_1589 : memref<10240x16xf32, #tpu.memory_space<vmem_shared>>) offsets(%dma_start3A_1586 : memref<80xi32, #tpu.memory_space<vmem>>) semaphore(%arg8 : memref<!tpu.dma_semaphore, #tpu.memory_space<semaphore_mem>>) {add = true}
    %dma_start3A_1590 = arith.constant 124 : i32
    %dma_start3A_1591 = arith.constant 0 : i32
    %dma_start3A_1592 = tpu.memref_slice %arg4[%dma_start3A_1590, %dma_start3A_1591] : memref<128x80xi32, #tpu.memory_space<vmem>> -> memref<1x80xi32, #tpu.memory_space<vmem>>
    %dma_start3A_1593 = tpu.memref_squeeze %dma_start3A_1592 : memref<1x80xi32, #tpu.memory_space<vmem>> -> memref<80xi32, #tpu.memory_space<vmem>>
    %dma_start3A_1594 = arith.constant 0 : i32
    %dma_start3A_1595 = arith.constant 0 : i32
    %dma_start3A_1596 = tpu.memref_slice %arg7[%dma_start3A_1594, %dma_start3A_1595] : memref<10240x16xf32, #tpu.memory_space<vmem_shared>> -> memref<10240x16xf32, #tpu.memory_space<vmem_shared>>
    tpu.enqueue_indirect_dma source(%arg5 : memref<80x16xf32, #tpu.memory_space<vmem>>) target(%dma_start3A_1596 : memref<10240x16xf32, #tpu.memory_space<vmem_shared>>) offsets(%dma_start3A_1593 : memref<80xi32, #tpu.memory_space<vmem>>) semaphore(%arg8 : memref<!tpu.dma_semaphore, #tpu.memory_space<semaphore_mem>>) {add = true}
    %dma_wait3A_1597 = arith.constant 100 : i32
    %dma_wait3A_1598 = arith.constant 0 : i32
    %dma_wait3A_1599 = tpu.memref_slice %arg4[%dma_wait3A_1597, %dma_wait3A_1598] : memref<128x80xi32, #tpu.memory_space<vmem>> -> memref<1x80xi32, #tpu.memory_space<vmem>>
    %dma_wait3A_1600 = tpu.memref_squeeze %dma_wait3A_1599 : memref<1x80xi32, #tpu.memory_space<vmem>> -> memref<80xi32, #tpu.memory_space<vmem>>
    %dma_wait3A_1601 = arith.constant 0 : i32
    %dma_wait3A_1602 = arith.constant 0 : i32
    %dma_wait3A_1603 = tpu.memref_slice %arg7[%dma_wait3A_1601, %dma_wait3A_1602] : memref<10240x16xf32, #tpu.memory_space<vmem_shared>> -> memref<10240x16xf32, #tpu.memory_space<vmem_shared>>
    tpu.wait_indirect_dma semaphore(%arg8 : memref<!tpu.dma_semaphore, #tpu.memory_space<semaphore_mem>>) src(%arg5 : memref<80x16xf32, #tpu.memory_space<vmem>>) dst(%dma_wait3A_1603 : memref<10240x16xf32, #tpu.memory_space<vmem_shared>>)
    %dma_wait3A_1604 = arith.constant 101 : i32
    %dma_wait3A_1605 = arith.constant 0 : i32
    %dma_wait3A_1606 = tpu.memref_slice %arg4[%dma_wait3A_1604, %dma_wait3A_1605] : memref<128x80xi32, #tpu.memory_space<vmem>> -> memref<1x80xi32, #tpu.memory_space<vmem>>
    %dma_wait3A_1607 = tpu.memref_squeeze %dma_wait3A_1606 : memref<1x80xi32, #tpu.memory_space<vmem>> -> memref<80xi32, #tpu.memory_space<vmem>>
    %dma_wait3A_1608 = arith.constant 0 : i32
    %dma_wait3A_1609 = arith.constant 0 : i32
    %dma_wait3A_1610 = tpu.memref_slice %arg7[%dma_wait3A_1608, %dma_wait3A_1609] : memref<10240x16xf32, #tpu.memory_space<vmem_shared>> -> memref<10240x16xf32, #tpu.memory_space<vmem_shared>>
    tpu.wait_indirect_dma semaphore(%arg8 : memref<!tpu.dma_semaphore, #tpu.memory_space<semaphore_mem>>) src(%arg5 : memref<80x16xf32, #tpu.memory_space<vmem>>) dst(%dma_wait3A_1610 : memref<10240x16xf32, #tpu.memory_space<vmem_shared>>)
    %dma_wait3A_1611 = arith.constant 102 : i32
    %dma_wait3A_1612 = arith.constant 0 : i32
    %dma_wait3A_1613 = tpu.memref_slice %arg4[%dma_wait3A_1611, %dma_wait3A_1612] : memref<128x80xi32, #tpu.memory_space<vmem>> -> memref<1x80xi32, #tpu.memory_space<vmem>>
    %dma_wait3A_1614 = tpu.memref_squeeze %dma_wait3A_1613 : memref<1x80xi32, #tpu.memory_space<vmem>> -> memref<80xi32, #tpu.memory_space<vmem>>
    %dma_wait3A_1615 = arith.constant 0 : i32
    %dma_wait3A_1616 = arith.constant 0 : i32
    %dma_wait3A_1617 = tpu.memref_slice %arg7[%dma_wait3A_1615, %dma_wait3A_1616] : memref<10240x16xf32, #tpu.memory_space<vmem_shared>> -> memref<10240x16xf32, #tpu.memory_space<vmem_shared>>
    tpu.wait_indirect_dma semaphore(%arg8 : memref<!tpu.dma_semaphore, #tpu.memory_space<semaphore_mem>>) src(%arg5 : memref<80x16xf32, #tpu.memory_space<vmem>>) dst(%dma_wait3A_1617 : memref<10240x16xf32, #tpu.memory_space<vmem_shared>>)
    %dma_wait3A_1618 = arith.constant 103 : i32
    %dma_wait3A_1619 = arith.constant 0 : i32
    %dma_wait3A_1620 = tpu.memref_slice %arg4[%dma_wait3A_1618, %dma_wait3A_1619] : memref<128x80xi32, #tpu.memory_space<vmem>> -> memref<1x80xi32, #tpu.memory_space<vmem>>
    %dma_wait3A_1621 = tpu.memref_squeeze %dma_wait3A_1620 : memref<1x80xi32, #tpu.memory_space<vmem>> -> memref<80xi32, #tpu.memory_space<vmem>>
    %dma_wait3A_1622 = arith.constant 0 : i32
    %dma_wait3A_1623 = arith.constant 0 : i32
    %dma_wait3A_1624 = tpu.memref_slice %arg7[%dma_wait3A_1622, %dma_wait3A_1623] : memref<10240x16xf32, #tpu.memory_space<vmem_shared>> -> memref<10240x16xf32, #tpu.memory_space<vmem_shared>>
    tpu.wait_indirect_dma semaphore(%arg8 : memref<!tpu.dma_semaphore, #tpu.memory_space<semaphore_mem>>) src(%arg5 : memref<80x16xf32, #tpu.memory_space<vmem>>) dst(%dma_wait3A_1624 : memref<10240x16xf32, #tpu.memory_space<vmem_shared>>)
    %dma_wait3A_1625 = arith.constant 104 : i32
    %dma_wait3A_1626 = arith.constant 0 : i32
    %dma_wait3A_1627 = tpu.memref_slice %arg4[%dma_wait3A_1625, %dma_wait3A_1626] : memref<128x80xi32, #tpu.memory_space<vmem>> -> memref<1x80xi32, #tpu.memory_space<vmem>>
    %dma_wait3A_1628 = tpu.memref_squeeze %dma_wait3A_1627 : memref<1x80xi32, #tpu.memory_space<vmem>> -> memref<80xi32, #tpu.memory_space<vmem>>
    %dma_wait3A_1629 = arith.constant 0 : i32
    %dma_wait3A_1630 = arith.constant 0 : i32
    %dma_wait3A_1631 = tpu.memref_slice %arg7[%dma_wait3A_1629, %dma_wait3A_1630] : memref<10240x16xf32, #tpu.memory_space<vmem_shared>> -> memref<10240x16xf32, #tpu.memory_space<vmem_shared>>
    tpu.wait_indirect_dma semaphore(%arg8 : memref<!tpu.dma_semaphore, #tpu.memory_space<semaphore_mem>>) src(%arg5 : memref<80x16xf32, #tpu.memory_space<vmem>>) dst(%dma_wait3A_1631 : memref<10240x16xf32, #tpu.memory_space<vmem_shared>>)
    %dma_wait3A_1632 = arith.constant 105 : i32
    %dma_wait3A_1633 = arith.constant 0 : i32
    %dma_wait3A_1634 = tpu.memref_slice %arg4[%dma_wait3A_1632, %dma_wait3A_1633] : memref<128x80xi32, #tpu.memory_space<vmem>> -> memref<1x80xi32, #tpu.memory_space<vmem>>
    %dma_wait3A_1635 = tpu.memref_squeeze %dma_wait3A_1634 : memref<1x80xi32, #tpu.memory_space<vmem>> -> memref<80xi32, #tpu.memory_space<vmem>>
    %dma_wait3A_1636 = arith.constant 0 : i32
    %dma_wait3A_1637 = arith.constant 0 : i32
    %dma_wait3A_1638 = tpu.memref_slice %arg7[%dma_wait3A_1636, %dma_wait3A_1637] : memref<10240x16xf32, #tpu.memory_space<vmem_shared>> -> memref<10240x16xf32, #tpu.memory_space<vmem_shared>>
    tpu.wait_indirect_dma semaphore(%arg8 : memref<!tpu.dma_semaphore, #tpu.memory_space<semaphore_mem>>) src(%arg5 : memref<80x16xf32, #tpu.memory_space<vmem>>) dst(%dma_wait3A_1638 : memref<10240x16xf32, #tpu.memory_space<vmem_shared>>)
    %dma_wait3A_1639 = arith.constant 106 : i32
    %dma_wait3A_1640 = arith.constant 0 : i32
    %dma_wait3A_1641 = tpu.memref_slice %arg4[%dma_wait3A_1639, %dma_wait3A_1640] : memref<128x80xi32, #tpu.memory_space<vmem>> -> memref<1x80xi32, #tpu.memory_space<vmem>>
    %dma_wait3A_1642 = tpu.memref_squeeze %dma_wait3A_1641 : memref<1x80xi32, #tpu.memory_space<vmem>> -> memref<80xi32, #tpu.memory_space<vmem>>
    %dma_wait3A_1643 = arith.constant 0 : i32
    %dma_wait3A_1644 = arith.constant 0 : i32
    %dma_wait3A_1645 = tpu.memref_slice %arg7[%dma_wait3A_1643, %dma_wait3A_1644] : memref<10240x16xf32, #tpu.memory_space<vmem_shared>> -> memref<10240x16xf32, #tpu.memory_space<vmem_shared>>
    tpu.wait_indirect_dma semaphore(%arg8 : memref<!tpu.dma_semaphore, #tpu.memory_space<semaphore_mem>>) src(%arg5 : memref<80x16xf32, #tpu.memory_space<vmem>>) dst(%dma_wait3A_1645 : memref<10240x16xf32, #tpu.memory_space<vmem_shared>>)
    %dma_wait3A_1646 = arith.constant 107 : i32
    %dma_wait3A_1647 = arith.constant 0 : i32
    %dma_wait3A_1648 = tpu.memref_slice %arg4[%dma_wait3A_1646, %dma_wait3A_1647] : memref<128x80xi32, #tpu.memory_space<vmem>> -> memref<1x80xi32, #tpu.memory_space<vmem>>
    %dma_wait3A_1649 = tpu.memref_squeeze %dma_wait3A_1648 : memref<1x80xi32, #tpu.memory_space<vmem>> -> memref<80xi32, #tpu.memory_space<vmem>>
    %dma_wait3A_1650 = arith.constant 0 : i32
    %dma_wait3A_1651 = arith.constant 0 : i32
    %dma_wait3A_1652 = tpu.memref_slice %arg7[%dma_wait3A_1650, %dma_wait3A_1651] : memref<10240x16xf32, #tpu.memory_space<vmem_shared>> -> memref<10240x16xf32, #tpu.memory_space<vmem_shared>>
    tpu.wait_indirect_dma semaphore(%arg8 : memref<!tpu.dma_semaphore, #tpu.memory_space<semaphore_mem>>) src(%arg5 : memref<80x16xf32, #tpu.memory_space<vmem>>) dst(%dma_wait3A_1652 : memref<10240x16xf32, #tpu.memory_space<vmem_shared>>)
    %dma_wait3A_1653 = arith.constant 108 : i32
    %dma_wait3A_1654 = arith.constant 0 : i32
    %dma_wait3A_1655 = tpu.memref_slice %arg4[%dma_wait3A_1653, %dma_wait3A_1654] : memref<128x80xi32, #tpu.memory_space<vmem>> -> memref<1x80xi32, #tpu.memory_space<vmem>>
    %dma_wait3A_1656 = tpu.memref_squeeze %dma_wait3A_1655 : memref<1x80xi32, #tpu.memory_space<vmem>> -> memref<80xi32, #tpu.memory_space<vmem>>
    %dma_wait3A_1657 = arith.constant 0 : i32
    %dma_wait3A_1658 = arith.constant 0 : i32
    %dma_wait3A_1659 = tpu.memref_slice %arg7[%dma_wait3A_1657, %dma_wait3A_1658] : memref<10240x16xf32, #tpu.memory_space<vmem_shared>> -> memref<10240x16xf32, #tpu.memory_space<vmem_shared>>
    tpu.wait_indirect_dma semaphore(%arg8 : memref<!tpu.dma_semaphore, #tpu.memory_space<semaphore_mem>>) src(%arg5 : memref<80x16xf32, #tpu.memory_space<vmem>>) dst(%dma_wait3A_1659 : memref<10240x16xf32, #tpu.memory_space<vmem_shared>>)
    %dma_wait3A_1660 = arith.constant 109 : i32
    %dma_wait3A_1661 = arith.constant 0 : i32
    %dma_wait3A_1662 = tpu.memref_slice %arg4[%dma_wait3A_1660, %dma_wait3A_1661] : memref<128x80xi32, #tpu.memory_space<vmem>> -> memref<1x80xi32, #tpu.memory_space<vmem>>
    %dma_wait3A_1663 = tpu.memref_squeeze %dma_wait3A_1662 : memref<1x80xi32, #tpu.memory_space<vmem>> -> memref<80xi32, #tpu.memory_space<vmem>>
    %dma_wait3A_1664 = arith.constant 0 : i32
    %dma_wait3A_1665 = arith.constant 0 : i32
    %dma_wait3A_1666 = tpu.memref_slice %arg7[%dma_wait3A_1664, %dma_wait3A_1665] : memref<10240x16xf32, #tpu.memory_space<vmem_shared>> -> memref<10240x16xf32, #tpu.memory_space<vmem_shared>>
    tpu.wait_indirect_dma semaphore(%arg8 : memref<!tpu.dma_semaphore, #tpu.memory_space<semaphore_mem>>) src(%arg5 : memref<80x16xf32, #tpu.memory_space<vmem>>) dst(%dma_wait3A_1666 : memref<10240x16xf32, #tpu.memory_space<vmem_shared>>)
    %dma_wait3A_1667 = arith.constant 110 : i32
    %dma_wait3A_1668 = arith.constant 0 : i32
    %dma_wait3A_1669 = tpu.memref_slice %arg4[%dma_wait3A_1667, %dma_wait3A_1668] : memref<128x80xi32, #tpu.memory_space<vmem>> -> memref<1x80xi32, #tpu.memory_space<vmem>>
    %dma_wait3A_1670 = tpu.memref_squeeze %dma_wait3A_1669 : memref<1x80xi32, #tpu.memory_space<vmem>> -> memref<80xi32, #tpu.memory_space<vmem>>
    %dma_wait3A_1671 = arith.constant 0 : i32
    %dma_wait3A_1672 = arith.constant 0 : i32
    %dma_wait3A_1673 = tpu.memref_slice %arg7[%dma_wait3A_1671, %dma_wait3A_1672] : memref<10240x16xf32, #tpu.memory_space<vmem_shared>> -> memref<10240x16xf32, #tpu.memory_space<vmem_shared>>
    tpu.wait_indirect_dma semaphore(%arg8 : memref<!tpu.dma_semaphore, #tpu.memory_space<semaphore_mem>>) src(%arg5 : memref<80x16xf32, #tpu.memory_space<vmem>>) dst(%dma_wait3A_1673 : memref<10240x16xf32, #tpu.memory_space<vmem_shared>>)
    %dma_wait3A_1674 = arith.constant 111 : i32
    %dma_wait3A_1675 = arith.constant 0 : i32
    %dma_wait3A_1676 = tpu.memref_slice %arg4[%dma_wait3A_1674, %dma_wait3A_1675] : memref<128x80xi32, #tpu.memory_space<vmem>> -> memref<1x80xi32, #tpu.memory_space<vmem>>
    %dma_wait3A_1677 = tpu.memref_squeeze %dma_wait3A_1676 : memref<1x80xi32, #tpu.memory_space<vmem>> -> memref<80xi32, #tpu.memory_space<vmem>>
    %dma_wait3A_1678 = arith.constant 0 : i32
    %dma_wait3A_1679 = arith.constant 0 : i32
    %dma_wait3A_1680 = tpu.memref_slice %arg7[%dma_wait3A_1678, %dma_wait3A_1679] : memref<10240x16xf32, #tpu.memory_space<vmem_shared>> -> memref<10240x16xf32, #tpu.memory_space<vmem_shared>>
    tpu.wait_indirect_dma semaphore(%arg8 : memref<!tpu.dma_semaphore, #tpu.memory_space<semaphore_mem>>) src(%arg5 : memref<80x16xf32, #tpu.memory_space<vmem>>) dst(%dma_wait3A_1680 : memref<10240x16xf32, #tpu.memory_space<vmem_shared>>)
    %dma_wait3A_1681 = arith.constant 112 : i32
    %dma_wait3A_1682 = arith.constant 0 : i32
    %dma_wait3A_1683 = tpu.memref_slice %arg4[%dma_wait3A_1681, %dma_wait3A_1682] : memref<128x80xi32, #tpu.memory_space<vmem>> -> memref<1x80xi32, #tpu.memory_space<vmem>>
    %dma_wait3A_1684 = tpu.memref_squeeze %dma_wait3A_1683 : memref<1x80xi32, #tpu.memory_space<vmem>> -> memref<80xi32, #tpu.memory_space<vmem>>
    %dma_wait3A_1685 = arith.constant 0 : i32
    %dma_wait3A_1686 = arith.constant 0 : i32
    %dma_wait3A_1687 = tpu.memref_slice %arg7[%dma_wait3A_1685, %dma_wait3A_1686] : memref<10240x16xf32, #tpu.memory_space<vmem_shared>> -> memref<10240x16xf32, #tpu.memory_space<vmem_shared>>
    tpu.wait_indirect_dma semaphore(%arg8 : memref<!tpu.dma_semaphore, #tpu.memory_space<semaphore_mem>>) src(%arg5 : memref<80x16xf32, #tpu.memory_space<vmem>>) dst(%dma_wait3A_1687 : memref<10240x16xf32, #tpu.memory_space<vmem_shared>>)
    %dma_wait3A_1688 = arith.constant 113 : i32
    %dma_wait3A_1689 = arith.constant 0 : i32
    %dma_wait3A_1690 = tpu.memref_slice %arg4[%dma_wait3A_1688, %dma_wait3A_1689] : memref<128x80xi32, #tpu.memory_space<vmem>> -> memref<1x80xi32, #tpu.memory_space<vmem>>
    %dma_wait3A_1691 = tpu.memref_squeeze %dma_wait3A_1690 : memref<1x80xi32, #tpu.memory_space<vmem>> -> memref<80xi32, #tpu.memory_space<vmem>>
    %dma_wait3A_1692 = arith.constant 0 : i32
    %dma_wait3A_1693 = arith.constant 0 : i32
    %dma_wait3A_1694 = tpu.memref_slice %arg7[%dma_wait3A_1692, %dma_wait3A_1693] : memref<10240x16xf32, #tpu.memory_space<vmem_shared>> -> memref<10240x16xf32, #tpu.memory_space<vmem_shared>>
    tpu.wait_indirect_dma semaphore(%arg8 : memref<!tpu.dma_semaphore, #tpu.memory_space<semaphore_mem>>) src(%arg5 : memref<80x16xf32, #tpu.memory_space<vmem>>) dst(%dma_wait3A_1694 : memref<10240x16xf32, #tpu.memory_space<vmem_shared>>)
    %dma_wait3A_1695 = arith.constant 114 : i32
    %dma_wait3A_1696 = arith.constant 0 : i32
    %dma_wait3A_1697 = tpu.memref_slice %arg4[%dma_wait3A_1695, %dma_wait3A_1696] : memref<128x80xi32, #tpu.memory_space<vmem>> -> memref<1x80xi32, #tpu.memory_space<vmem>>
    %dma_wait3A_1698 = tpu.memref_squeeze %dma_wait3A_1697 : memref<1x80xi32, #tpu.memory_space<vmem>> -> memref<80xi32, #tpu.memory_space<vmem>>
    %dma_wait3A_1699 = arith.constant 0 : i32
    %dma_wait3A_1700 = arith.constant 0 : i32
    %dma_wait3A_1701 = tpu.memref_slice %arg7[%dma_wait3A_1699, %dma_wait3A_1700] : memref<10240x16xf32, #tpu.memory_space<vmem_shared>> -> memref<10240x16xf32, #tpu.memory_space<vmem_shared>>
    tpu.wait_indirect_dma semaphore(%arg8 : memref<!tpu.dma_semaphore, #tpu.memory_space<semaphore_mem>>) src(%arg5 : memref<80x16xf32, #tpu.memory_space<vmem>>) dst(%dma_wait3A_1701 : memref<10240x16xf32, #tpu.memory_space<vmem_shared>>)
    %dma_wait3A_1702 = arith.constant 115 : i32
    %dma_wait3A_1703 = arith.constant 0 : i32
    %dma_wait3A_1704 = tpu.memref_slice %arg4[%dma_wait3A_1702, %dma_wait3A_1703] : memref<128x80xi32, #tpu.memory_space<vmem>> -> memref<1x80xi32, #tpu.memory_space<vmem>>
    %dma_wait3A_1705 = tpu.memref_squeeze %dma_wait3A_1704 : memref<1x80xi32, #tpu.memory_space<vmem>> -> memref<80xi32, #tpu.memory_space<vmem>>
    %dma_wait3A_1706 = arith.constant 0 : i32
    %dma_wait3A_1707 = arith.constant 0 : i32
    %dma_wait3A_1708 = tpu.memref_slice %arg7[%dma_wait3A_1706, %dma_wait3A_1707] : memref<10240x16xf32, #tpu.memory_space<vmem_shared>> -> memref<10240x16xf32, #tpu.memory_space<vmem_shared>>
    tpu.wait_indirect_dma semaphore(%arg8 : memref<!tpu.dma_semaphore, #tpu.memory_space<semaphore_mem>>) src(%arg5 : memref<80x16xf32, #tpu.memory_space<vmem>>) dst(%dma_wait3A_1708 : memref<10240x16xf32, #tpu.memory_space<vmem_shared>>)
    %dma_wait3A_1709 = arith.constant 116 : i32
    %dma_wait3A_1710 = arith.constant 0 : i32
    %dma_wait3A_1711 = tpu.memref_slice %arg4[%dma_wait3A_1709, %dma_wait3A_1710] : memref<128x80xi32, #tpu.memory_space<vmem>> -> memref<1x80xi32, #tpu.memory_space<vmem>>
    %dma_wait3A_1712 = tpu.memref_squeeze %dma_wait3A_1711 : memref<1x80xi32, #tpu.memory_space<vmem>> -> memref<80xi32, #tpu.memory_space<vmem>>
    %dma_wait3A_1713 = arith.constant 0 : i32
    %dma_wait3A_1714 = arith.constant 0 : i32
    %dma_wait3A_1715 = tpu.memref_slice %arg7[%dma_wait3A_1713, %dma_wait3A_1714] : memref<10240x16xf32, #tpu.memory_space<vmem_shared>> -> memref<10240x16xf32, #tpu.memory_space<vmem_shared>>
    tpu.wait_indirect_dma semaphore(%arg8 : memref<!tpu.dma_semaphore, #tpu.memory_space<semaphore_mem>>) src(%arg5 : memref<80x16xf32, #tpu.memory_space<vmem>>) dst(%dma_wait3A_1715 : memref<10240x16xf32, #tpu.memory_space<vmem_shared>>)
    %dma_wait3A_1716 = arith.constant 117 : i32
    %dma_wait3A_1717 = arith.constant 0 : i32
    %dma_wait3A_1718 = tpu.memref_slice %arg4[%dma_wait3A_1716, %dma_wait3A_1717] : memref<128x80xi32, #tpu.memory_space<vmem>> -> memref<1x80xi32, #tpu.memory_space<vmem>>
    %dma_wait3A_1719 = tpu.memref_squeeze %dma_wait3A_1718 : memref<1x80xi32, #tpu.memory_space<vmem>> -> memref<80xi32, #tpu.memory_space<vmem>>
    %dma_wait3A_1720 = arith.constant 0 : i32
    %dma_wait3A_1721 = arith.constant 0 : i32
    %dma_wait3A_1722 = tpu.memref_slice %arg7[%dma_wait3A_1720, %dma_wait3A_1721] : memref<10240x16xf32, #tpu.memory_space<vmem_shared>> -> memref<10240x16xf32, #tpu.memory_space<vmem_shared>>
    tpu.wait_indirect_dma semaphore(%arg8 : memref<!tpu.dma_semaphore, #tpu.memory_space<semaphore_mem>>) src(%arg5 : memref<80x16xf32, #tpu.memory_space<vmem>>) dst(%dma_wait3A_1722 : memref<10240x16xf32, #tpu.memory_space<vmem_shared>>)
    %dma_wait3A_1723 = arith.constant 118 : i32
    %dma_wait3A_1724 = arith.constant 0 : i32
    %dma_wait3A_1725 = tpu.memref_slice %arg4[%dma_wait3A_1723, %dma_wait3A_1724] : memref<128x80xi32, #tpu.memory_space<vmem>> -> memref<1x80xi32, #tpu.memory_space<vmem>>
    %dma_wait3A_1726 = tpu.memref_squeeze %dma_wait3A_1725 : memref<1x80xi32, #tpu.memory_space<vmem>> -> memref<80xi32, #tpu.memory_space<vmem>>
    %dma_wait3A_1727 = arith.constant 0 : i32
    %dma_wait3A_1728 = arith.constant 0 : i32
    %dma_wait3A_1729 = tpu.memref_slice %arg7[%dma_wait3A_1727, %dma_wait3A_1728] : memref<10240x16xf32, #tpu.memory_space<vmem_shared>> -> memref<10240x16xf32, #tpu.memory_space<vmem_shared>>
    tpu.wait_indirect_dma semaphore(%arg8 : memref<!tpu.dma_semaphore, #tpu.memory_space<semaphore_mem>>) src(%arg5 : memref<80x16xf32, #tpu.memory_space<vmem>>) dst(%dma_wait3A_1729 : memref<10240x16xf32, #tpu.memory_space<vmem_shared>>)
    %dma_wait3A_1730 = arith.constant 119 : i32
    %dma_wait3A_1731 = arith.constant 0 : i32
    %dma_wait3A_1732 = tpu.memref_slice %arg4[%dma_wait3A_1730, %dma_wait3A_1731] : memref<128x80xi32, #tpu.memory_space<vmem>> -> memref<1x80xi32, #tpu.memory_space<vmem>>
    %dma_wait3A_1733 = tpu.memref_squeeze %dma_wait3A_1732 : memref<1x80xi32, #tpu.memory_space<vmem>> -> memref<80xi32, #tpu.memory_space<vmem>>
    %dma_wait3A_1734 = arith.constant 0 : i32
    %dma_wait3A_1735 = arith.constant 0 : i32
    %dma_wait3A_1736 = tpu.memref_slice %arg7[%dma_wait3A_1734, %dma_wait3A_1735] : memref<10240x16xf32, #tpu.memory_space<vmem_shared>> -> memref<10240x16xf32, #tpu.memory_space<vmem_shared>>
    tpu.wait_indirect_dma semaphore(%arg8 : memref<!tpu.dma_semaphore, #tpu.memory_space<semaphore_mem>>) src(%arg5 : memref<80x16xf32, #tpu.memory_space<vmem>>) dst(%dma_wait3A_1736 : memref<10240x16xf32, #tpu.memory_space<vmem_shared>>)
    %dma_wait3A_1737 = arith.constant 120 : i32
    %dma_wait3A_1738 = arith.constant 0 : i32
    %dma_wait3A_1739 = tpu.memref_slice %arg4[%dma_wait3A_1737, %dma_wait3A_1738] : memref<128x80xi32, #tpu.memory_space<vmem>> -> memref<1x80xi32, #tpu.memory_space<vmem>>
    %dma_wait3A_1740 = tpu.memref_squeeze %dma_wait3A_1739 : memref<1x80xi32, #tpu.memory_space<vmem>> -> memref<80xi32, #tpu.memory_space<vmem>>
    %dma_wait3A_1741 = arith.constant 0 : i32
    %dma_wait3A_1742 = arith.constant 0 : i32
    %dma_wait3A_1743 = tpu.memref_slice %arg7[%dma_wait3A_1741, %dma_wait3A_1742] : memref<10240x16xf32, #tpu.memory_space<vmem_shared>> -> memref<10240x16xf32, #tpu.memory_space<vmem_shared>>
    tpu.wait_indirect_dma semaphore(%arg8 : memref<!tpu.dma_semaphore, #tpu.memory_space<semaphore_mem>>) src(%arg5 : memref<80x16xf32, #tpu.memory_space<vmem>>) dst(%dma_wait3A_1743 : memref<10240x16xf32, #tpu.memory_space<vmem_shared>>)
    %dma_wait3A_1744 = arith.constant 121 : i32
    %dma_wait3A_1745 = arith.constant 0 : i32
    %dma_wait3A_1746 = tpu.memref_slice %arg4[%dma_wait3A_1744, %dma_wait3A_1745] : memref<128x80xi32, #tpu.memory_space<vmem>> -> memref<1x80xi32, #tpu.memory_space<vmem>>
    %dma_wait3A_1747 = tpu.memref_squeeze %dma_wait3A_1746 : memref<1x80xi32, #tpu.memory_space<vmem>> -> memref<80xi32, #tpu.memory_space<vmem>>
    %dma_wait3A_1748 = arith.constant 0 : i32
    %dma_wait3A_1749 = arith.constant 0 : i32
    %dma_wait3A_1750 = tpu.memref_slice %arg7[%dma_wait3A_1748, %dma_wait3A_1749] : memref<10240x16xf32, #tpu.memory_space<vmem_shared>> -> memref<10240x16xf32, #tpu.memory_space<vmem_shared>>
    tpu.wait_indirect_dma semaphore(%arg8 : memref<!tpu.dma_semaphore, #tpu.memory_space<semaphore_mem>>) src(%arg5 : memref<80x16xf32, #tpu.memory_space<vmem>>) dst(%dma_wait3A_1750 : memref<10240x16xf32, #tpu.memory_space<vmem_shared>>)
    %dma_wait3A_1751 = arith.constant 122 : i32
    %dma_wait3A_1752 = arith.constant 0 : i32
    %dma_wait3A_1753 = tpu.memref_slice %arg4[%dma_wait3A_1751, %dma_wait3A_1752] : memref<128x80xi32, #tpu.memory_space<vmem>> -> memref<1x80xi32, #tpu.memory_space<vmem>>
    %dma_wait3A_1754 = tpu.memref_squeeze %dma_wait3A_1753 : memref<1x80xi32, #tpu.memory_space<vmem>> -> memref<80xi32, #tpu.memory_space<vmem>>
    %dma_wait3A_1755 = arith.constant 0 : i32
    %dma_wait3A_1756 = arith.constant 0 : i32
    %dma_wait3A_1757 = tpu.memref_slice %arg7[%dma_wait3A_1755, %dma_wait3A_1756] : memref<10240x16xf32, #tpu.memory_space<vmem_shared>> -> memref<10240x16xf32, #tpu.memory_space<vmem_shared>>
    tpu.wait_indirect_dma semaphore(%arg8 : memref<!tpu.dma_semaphore, #tpu.memory_space<semaphore_mem>>) src(%arg5 : memref<80x16xf32, #tpu.memory_space<vmem>>) dst(%dma_wait3A_1757 : memref<10240x16xf32, #tpu.memory_space<vmem_shared>>)
    %dma_wait3A_1758 = arith.constant 123 : i32
    %dma_wait3A_1759 = arith.constant 0 : i32
    %dma_wait3A_1760 = tpu.memref_slice %arg4[%dma_wait3A_1758, %dma_wait3A_1759] : memref<128x80xi32, #tpu.memory_space<vmem>> -> memref<1x80xi32, #tpu.memory_space<vmem>>
    %dma_wait3A_1761 = tpu.memref_squeeze %dma_wait3A_1760 : memref<1x80xi32, #tpu.memory_space<vmem>> -> memref<80xi32, #tpu.memory_space<vmem>>
    %dma_wait3A_1762 = arith.constant 0 : i32
    %dma_wait3A_1763 = arith.constant 0 : i32
    %dma_wait3A_1764 = tpu.memref_slice %arg7[%dma_wait3A_1762, %dma_wait3A_1763] : memref<10240x16xf32, #tpu.memory_space<vmem_shared>> -> memref<10240x16xf32, #tpu.memory_space<vmem_shared>>
    tpu.wait_indirect_dma semaphore(%arg8 : memref<!tpu.dma_semaphore, #tpu.memory_space<semaphore_mem>>) src(%arg5 : memref<80x16xf32, #tpu.memory_space<vmem>>) dst(%dma_wait3A_1764 : memref<10240x16xf32, #tpu.memory_space<vmem_shared>>)
    %dma_wait3A_1765 = arith.constant 124 : i32
    %dma_wait3A_1766 = arith.constant 0 : i32
    %dma_wait3A_1767 = tpu.memref_slice %arg4[%dma_wait3A_1765, %dma_wait3A_1766] : memref<128x80xi32, #tpu.memory_space<vmem>> -> memref<1x80xi32, #tpu.memory_space<vmem>>
    %dma_wait3A_1768 = tpu.memref_squeeze %dma_wait3A_1767 : memref<1x80xi32, #tpu.memory_space<vmem>> -> memref<80xi32, #tpu.memory_space<vmem>>
    %dma_wait3A_1769 = arith.constant 0 : i32
    %dma_wait3A_1770 = arith.constant 0 : i32
    %dma_wait3A_1771 = tpu.memref_slice %arg7[%dma_wait3A_1769, %dma_wait3A_1770] : memref<10240x16xf32, #tpu.memory_space<vmem_shared>> -> memref<10240x16xf32, #tpu.memory_space<vmem_shared>>
    tpu.wait_indirect_dma semaphore(%arg8 : memref<!tpu.dma_semaphore, #tpu.memory_space<semaphore_mem>>) src(%arg5 : memref<80x16xf32, #tpu.memory_space<vmem>>) dst(%dma_wait3A_1771 : memref<10240x16xf32, #tpu.memory_space<vmem_shared>>)
    %barrier3A_1772 = arith.constant 0 : index
    tpu.barrier barrier_id(%barrier3A_1772)
    %eq3A = arith.constant 0 : i32
    %eq3A_1773 = arith.cmpi eq, %arg0, %eq3A : i32
    %convert_element_type3A = arith.extui %eq3A_1773 : i1 to i32
    %cond3A = arith.constant 0 : i32
    %cond3A_1774 = arith.cmpi ne, %convert_element_type3A, %cond3A : i32
    scf.if %cond3A_1774 {
      "tpu.region"() ({
        %run_scoped3A = tpu.sem_alloc : memref<!tpu.dma_semaphore, #tpu.memory_space<semaphore_mem>>
        %dma_start3A_1775 = arith.constant 0 : i32
        %dma_start3A_1776 = tpu.memref_slice %arg3[%mul3A_0, %dma_start3A_1775] : memref<10240x16xf32, #tpu.memory_space<hbm>> -> memref<640x16xf32, #tpu.memory_space<hbm>>
        %dma_start3A_1777 = arith.constant 0 : i32
        %dma_start3A_1778 = tpu.memref_slice %arg7[%mul3A_0, %dma_start3A_1777] : memref<10240x16xf32, #tpu.memory_space<vmem_shared>> -> memref<640x16xf32, #tpu.memory_space<vmem_shared>>
        tpu.enqueue_dma source(%dma_start3A_1778 : memref<640x16xf32, #tpu.memory_space<vmem_shared>>) target(%dma_start3A_1776 : memref<640x16xf32, #tpu.memory_space<hbm>>) target_semaphore(%run_scoped3A : memref<!tpu.dma_semaphore, #tpu.memory_space<semaphore_mem>>)
        %dma_wait3A_1779 = arith.constant 0 : i32
        %dma_wait3A_1780 = tpu.memref_slice %arg3[%mul3A_0, %dma_wait3A_1779] : memref<10240x16xf32, #tpu.memory_space<hbm>> -> memref<640x16xf32, #tpu.memory_space<hbm>>
        %dma_wait3A_1781 = arith.constant 0 : i32
        %dma_wait3A_1782 = tpu.memref_slice %arg7[%mul3A_0, %dma_wait3A_1781] : memref<10240x16xf32, #tpu.memory_space<vmem_shared>> -> memref<640x16xf32, #tpu.memory_space<vmem_shared>>
        tpu.wait_dma2 semaphore(%run_scoped3A : memref<!tpu.dma_semaphore, #tpu.memory_space<semaphore_mem>>) src(%dma_wait3A_1782 : memref<640x16xf32, #tpu.memory_space<vmem_shared>>) dst(%dma_wait3A_1780 : memref<640x16xf32, #tpu.memory_space<hbm>>)
        tpu.yield
      }) : () -> ()
    } else {
    }
    return
  }
}

#map = affine_map<(d0, d1) -> (0, 0)>
#map1 = affine_map<(d0, d1) -> (0, 0, 0)>
module attributes {stable_mosaic.version = 14 : i64} {
  func.func @_pool_body(%arg0: i32, %arg1: i32, %arg2: memref<160000x256xf32, #tpu.memory_space<hbm>>, %arg3: memref<16x128x80xi32, #tpu.memory_space<hbm>>, %arg4: memref<10240x16xf32, #tpu.memory_space<hbm>>, %arg5: memref<10000x256xf32, #tpu.memory_space<hbm>>, %arg6: memref<3x80x128xf32, #tpu.memory_space<vmem>>, %arg7: memref<8x80xi32, #tpu.memory_space<vmem>>, %arg8: memref<40x128xf32, #tpu.memory_space<vmem>>, %arg9: memref<40x16xf32, #tpu.memory_space<vmem>>, %arg10: memref<10240x128xf32, #tpu.memory_space<vmem_shared>>, %arg11: memref<!tpu.dma_semaphore, #tpu.memory_space<semaphore_mem>>, %arg12: memref<!tpu.dma_semaphore, #tpu.memory_space<semaphore_mem>>) attributes {dimension_semantics = [#tpu.dimension_semantics<core_parallel>, #tpu.dimension_semantics<subcore_parallel>], iteration_bounds = array<i64: 2, 16>, scalar_prefetch = 0 : i64, scratch_operands = 7 : i64, tpu.core_type = #tpu.core_type<sc_vector_subcore>, window_params = [{transform_indices = #map}, {transform_indices = #map1}, {transform_indices = #map}, {transform_indices = #map}]} {
    %mul3A = arith.constant 128 : i32
    %mul3A_0 = arith.muli %arg0, %mul3A : i32
    %mul3A_1 = arith.constant 10000 : i32
    %mul3A_2 = arith.muli %arg1, %mul3A_1 : i32
    %mul3A_3 = arith.constant 640 : i32
    %mul3A_4 = arith.muli %arg1, %mul3A_3 : i32
    %broadcast_in_dim3A = arith.constant 0.000000e+00 : f32
    %broadcast_in_dim3A_5 = vector.broadcast %broadcast_in_dim3A : f32 to vector<16xf32>
    %broadcast_in_dim3A_6 = arith.constant 1.000000e+00 : f32
    %broadcast_in_dim3A_7 = vector.broadcast %broadcast_in_dim3A_6 : f32 to vector<16xf32>
    %scan3A = arith.constant 0 : i32
    %scan3A_8 = arith.constant 0 : i32
    %scan3A_9 = arith.constant 40 : i32
    %scan3A_10 = arith.addi %scan3A_8, %scan3A_9 : i32
    %scan3A_11 = arith.constant 1 : i32
    scf.for %scan3A_122 = %scan3A_8 to %scan3A_10 step %scan3A_11  : i32 {
      %swap3A = arith.index_cast %scan3A_122 : i32 to index
      %swap3A_123 = arith.constant 0 : index
      %swap3A_124 = tpu.vector_load %arg8[%swap3A, %swap3A_123] {strides = array<i32>} : memref<40x128xf32, #tpu.memory_space<vmem>>, vector<1x16xf32>,
      %swap3A_125 = vector.shape_cast %swap3A_124 : vector<1x16xf32> to vector<16xf32>
      %swap3A_126 = vector.shape_cast %broadcast_in_dim3A_5 : vector<16xf32> to vector<1x16xf32>
      tpu.vector_store %arg8[%swap3A, %swap3A_123], %swap3A_126 {strides = array<i32>} : memref<40x128xf32, #tpu.memory_space<vmem>>, vector<1x16xf32>,
      %swap3A_127 = arith.index_cast %scan3A_122 : i32 to index
      %swap3A_128 = arith.constant 16 : index
      %swap3A_129 = tpu.vector_load %arg8[%swap3A_127, %swap3A_128] {strides = array<i32>} : memref<40x128xf32, #tpu.memory_space<vmem>>, vector<1x16xf32>,
      %swap3A_130 = vector.shape_cast %swap3A_129 : vector<1x16xf32> to vector<16xf32>
      %swap3A_131 = vector.shape_cast %broadcast_in_dim3A_5 : vector<16xf32> to vector<1x16xf32>
      tpu.vector_store %arg8[%swap3A_127, %swap3A_128], %swap3A_131 {strides = array<i32>} : memref<40x128xf32, #tpu.memory_space<vmem>>, vector<1x16xf32>,
      %swap3A_132 = arith.index_cast %scan3A_122 : i32 to index
      %swap3A_133 = arith.constant 32 : index
      %swap3A_134 = tpu.vector_load %arg8[%swap3A_132, %swap3A_133] {strides = array<i32>} : memref<40x128xf32, #tpu.memory_space<vmem>>, vector<1x16xf32>,
      %swap3A_135 = vector.shape_cast %swap3A_134 : vector<1x16xf32> to vector<16xf32>
      %swap3A_136 = vector.shape_cast %broadcast_in_dim3A_5 : vector<16xf32> to vector<1x16xf32>
      tpu.vector_store %arg8[%swap3A_132, %swap3A_133], %swap3A_136 {strides = array<i32>} : memref<40x128xf32, #tpu.memory_space<vmem>>, vector<1x16xf32>,
      %swap3A_137 = arith.index_cast %scan3A_122 : i32 to index
      %swap3A_138 = arith.constant 48 : index
      %swap3A_139 = tpu.vector_load %arg8[%swap3A_137, %swap3A_138] {strides = array<i32>} : memref<40x128xf32, #tpu.memory_space<vmem>>, vector<1x16xf32>,
      %swap3A_140 = vector.shape_cast %swap3A_139 : vector<1x16xf32> to vector<16xf32>
      %swap3A_141 = vector.shape_cast %broadcast_in_dim3A_5 : vector<16xf32> to vector<1x16xf32>
      tpu.vector_store %arg8[%swap3A_137, %swap3A_138], %swap3A_141 {strides = array<i32>} : memref<40x128xf32, #tpu.memory_space<vmem>>, vector<1x16xf32>,
      %swap3A_142 = arith.index_cast %scan3A_122 : i32 to index
      %swap3A_143 = arith.constant 64 : index
      %swap3A_144 = tpu.vector_load %arg8[%swap3A_142, %swap3A_143] {strides = array<i32>} : memref<40x128xf32, #tpu.memory_space<vmem>>, vector<1x16xf32>,
      %swap3A_145 = vector.shape_cast %swap3A_144 : vector<1x16xf32> to vector<16xf32>
      %swap3A_146 = vector.shape_cast %broadcast_in_dim3A_5 : vector<16xf32> to vector<1x16xf32>
      tpu.vector_store %arg8[%swap3A_142, %swap3A_143], %swap3A_146 {strides = array<i32>} : memref<40x128xf32, #tpu.memory_space<vmem>>, vector<1x16xf32>,
      %swap3A_147 = arith.index_cast %scan3A_122 : i32 to index
      %swap3A_148 = arith.constant 80 : index
      %swap3A_149 = tpu.vector_load %arg8[%swap3A_147, %swap3A_148] {strides = array<i32>} : memref<40x128xf32, #tpu.memory_space<vmem>>, vector<1x16xf32>,
      %swap3A_150 = vector.shape_cast %swap3A_149 : vector<1x16xf32> to vector<16xf32>
      %swap3A_151 = vector.shape_cast %broadcast_in_dim3A_5 : vector<16xf32> to vector<1x16xf32>
      tpu.vector_store %arg8[%swap3A_147, %swap3A_148], %swap3A_151 {strides = array<i32>} : memref<40x128xf32, #tpu.memory_space<vmem>>, vector<1x16xf32>,
      %swap3A_152 = arith.index_cast %scan3A_122 : i32 to index
      %swap3A_153 = arith.constant 96 : index
      %swap3A_154 = tpu.vector_load %arg8[%swap3A_152, %swap3A_153] {strides = array<i32>} : memref<40x128xf32, #tpu.memory_space<vmem>>, vector<1x16xf32>,
      %swap3A_155 = vector.shape_cast %swap3A_154 : vector<1x16xf32> to vector<16xf32>
      %swap3A_156 = vector.shape_cast %broadcast_in_dim3A_5 : vector<16xf32> to vector<1x16xf32>
      tpu.vector_store %arg8[%swap3A_152, %swap3A_153], %swap3A_156 {strides = array<i32>} : memref<40x128xf32, #tpu.memory_space<vmem>>, vector<1x16xf32>,
      %swap3A_157 = arith.index_cast %scan3A_122 : i32 to index
      %swap3A_158 = arith.constant 112 : index
      %swap3A_159 = tpu.vector_load %arg8[%swap3A_157, %swap3A_158] {strides = array<i32>} : memref<40x128xf32, #tpu.memory_space<vmem>>, vector<1x16xf32>,
      %swap3A_160 = vector.shape_cast %swap3A_159 : vector<1x16xf32> to vector<16xf32>
      %swap3A_161 = vector.shape_cast %broadcast_in_dim3A_5 : vector<16xf32> to vector<1x16xf32>
      tpu.vector_store %arg8[%swap3A_157, %swap3A_158], %swap3A_161 {strides = array<i32>} : memref<40x128xf32, #tpu.memory_space<vmem>>, vector<1x16xf32>,
    }
    %scan3A_12 = arith.constant 40 : i32
    %add3A = arith.constant 0 : i32
    %add3A_13 = arith.addi %mul3A_4, %add3A : i32
    %multiple_of3A = tpu.assume_multiple %add3A_13, 8 : i32
    "tpu.region"() ({
      %run_scoped3A = tpu.sem_alloc : memref<!tpu.dma_semaphore, #tpu.memory_space<semaphore_mem>>
      %dma_start3A_122 = arith.constant 0 : i32
      %dma_start3A_123 = tpu.memref_slice %arg10[%multiple_of3A, %dma_start3A_122] : memref<10240x128xf32, #tpu.memory_space<vmem_shared>> -> memref<40x128xf32, #tpu.memory_space<vmem_shared>>
      %dma_start3A_124 = arith.constant 0 : i32
      %dma_start3A_125 = tpu.memref_slice %arg10[%multiple_of3A, %dma_start3A_124] : memref<10240x128xf32, #tpu.memory_space<vmem_shared>> -> memref<40x128xf32, #tpu.memory_space<vmem_shared>>
      tpu.enqueue_dma source(%arg8 : memref<40x128xf32, #tpu.memory_space<vmem>>) target(%dma_start3A_125 : memref<40x128xf32, #tpu.memory_space<vmem_shared>>) target_semaphore(%run_scoped3A : memref<!tpu.dma_semaphore, #tpu.memory_space<semaphore_mem>>)
      %dma_wait3A_126 = arith.constant 0 : i32
      %dma_wait3A_127 = tpu.memref_slice %arg10[%multiple_of3A, %dma_wait3A_126] : memref<10240x128xf32, #tpu.memory_space<vmem_shared>> -> memref<40x128xf32, #tpu.memory_space<vmem_shared>>
      %dma_wait3A_128 = arith.constant 0 : i32
      %dma_wait3A_129 = tpu.memref_slice %arg10[%multiple_of3A, %dma_wait3A_128] : memref<10240x128xf32, #tpu.memory_space<vmem_shared>> -> memref<40x128xf32, #tpu.memory_space<vmem_shared>>
      tpu.wait_dma2 semaphore(%run_scoped3A : memref<!tpu.dma_semaphore, #tpu.memory_space<semaphore_mem>>) src(%arg8 : memref<40x128xf32, #tpu.memory_space<vmem>>) dst(%dma_wait3A_129 : memref<40x128xf32, #tpu.memory_space<vmem_shared>>)
      tpu.yield
    }) : () -> ()
    %add3A_14 = arith.constant 40 : i32
    %add3A_15 = arith.addi %mul3A_4, %add3A_14 : i32
    %multiple_of3A_16 = tpu.assume_multiple %add3A_15, 8 : i32
    "tpu.region"() ({
      %run_scoped3A = tpu.sem_alloc : memref<!tpu.dma_semaphore, #tpu.memory_space<semaphore_mem>>
      %dma_start3A_122 = arith.constant 0 : i32
      %dma_start3A_123 = tpu.memref_slice %arg10[%multiple_of3A_16, %dma_start3A_122] : memref<10240x128xf32, #tpu.memory_space<vmem_shared>> -> memref<40x128xf32, #tpu.memory_space<vmem_shared>>
      %dma_start3A_124 = arith.constant 0 : i32
      %dma_start3A_125 = tpu.memref_slice %arg10[%multiple_of3A_16, %dma_start3A_124] : memref<10240x128xf32, #tpu.memory_space<vmem_shared>> -> memref<40x128xf32, #tpu.memory_space<vmem_shared>>
      tpu.enqueue_dma source(%arg8 : memref<40x128xf32, #tpu.memory_space<vmem>>) target(%dma_start3A_125 : memref<40x128xf32, #tpu.memory_space<vmem_shared>>) target_semaphore(%run_scoped3A : memref<!tpu.dma_semaphore, #tpu.memory_space<semaphore_mem>>)
      %dma_wait3A_126 = arith.constant 0 : i32
      %dma_wait3A_127 = tpu.memref_slice %arg10[%multiple_of3A_16, %dma_wait3A_126] : memref<10240x128xf32, #tpu.memory_space<vmem_shared>> -> memref<40x128xf32, #tpu.memory_space<vmem_shared>>
      %dma_wait3A_128 = arith.constant 0 : i32
      %dma_wait3A_129 = tpu.memref_slice %arg10[%multiple_of3A_16, %dma_wait3A_128] : memref<10240x128xf32, #tpu.memory_space<vmem_shared>> -> memref<40x128xf32, #tpu.memory_space<vmem_shared>>
      tpu.wait_dma2 semaphore(%run_scoped3A : memref<!tpu.dma_semaphore, #tpu.memory_space<semaphore_mem>>) src(%arg8 : memref<40x128xf32, #tpu.memory_space<vmem>>) dst(%dma_wait3A_129 : memref<40x128xf32, #tpu.memory_space<vmem_shared>>)
      tpu.yield
    }) : () -> ()
    %add3A_17 = arith.constant 80 : i32
    %add3A_18 = arith.addi %mul3A_4, %add3A_17 : i32
    %multiple_of3A_19 = tpu.assume_multiple %add3A_18, 8 : i32
    "tpu.region"() ({
      %run_scoped3A = tpu.sem_alloc : memref<!tpu.dma_semaphore, #tpu.memory_space<semaphore_mem>>
      %dma_start3A_122 = arith.constant 0 : i32
      %dma_start3A_123 = tpu.memref_slice %arg10[%multiple_of3A_19, %dma_start3A_122] : memref<10240x128xf32, #tpu.memory_space<vmem_shared>> -> memref<40x128xf32, #tpu.memory_space<vmem_shared>>
      %dma_start3A_124 = arith.constant 0 : i32
      %dma_start3A_125 = tpu.memref_slice %arg10[%multiple_of3A_19, %dma_start3A_124] : memref<10240x128xf32, #tpu.memory_space<vmem_shared>> -> memref<40x128xf32, #tpu.memory_space<vmem_shared>>
      tpu.enqueue_dma source(%arg8 : memref<40x128xf32, #tpu.memory_space<vmem>>) target(%dma_start3A_125 : memref<40x128xf32, #tpu.memory_space<vmem_shared>>) target_semaphore(%run_scoped3A : memref<!tpu.dma_semaphore, #tpu.memory_space<semaphore_mem>>)
      %dma_wait3A_126 = arith.constant 0 : i32
      %dma_wait3A_127 = tpu.memref_slice %arg10[%multiple_of3A_19, %dma_wait3A_126] : memref<10240x128xf32, #tpu.memory_space<vmem_shared>> -> memref<40x128xf32, #tpu.memory_space<vmem_shared>>
      %dma_wait3A_128 = arith.constant 0 : i32
      %dma_wait3A_129 = tpu.memref_slice %arg10[%multiple_of3A_19, %dma_wait3A_128] : memref<10240x128xf32, #tpu.memory_space<vmem_shared>> -> memref<40x128xf32, #tpu.memory_space<vmem_shared>>
      tpu.wait_dma2 semaphore(%run_scoped3A : memref<!tpu.dma_semaphore, #tpu.memory_space<semaphore_mem>>) src(%arg8 : memref<40x128xf32, #tpu.memory_space<vmem>>) dst(%dma_wait3A_129 : memref<40x128xf32, #tpu.memory_space<vmem_shared>>)
      tpu.yield
    }) : () -> ()
    %add3A_20 = arith.constant 120 : i32
    %add3A_21 = arith.addi %mul3A_4, %add3A_20 : i32
    %multiple_of3A_22 = tpu.assume_multiple %add3A_21, 8 : i32
    "tpu.region"() ({
      %run_scoped3A = tpu.sem_alloc : memref<!tpu.dma_semaphore, #tpu.memory_space<semaphore_mem>>
      %dma_start3A_122 = arith.constant 0 : i32
      %dma_start3A_123 = tpu.memref_slice %arg10[%multiple_of3A_22, %dma_start3A_122] : memref<10240x128xf32, #tpu.memory_space<vmem_shared>> -> memref<40x128xf32, #tpu.memory_space<vmem_shared>>
      %dma_start3A_124 = arith.constant 0 : i32
      %dma_start3A_125 = tpu.memref_slice %arg10[%multiple_of3A_22, %dma_start3A_124] : memref<10240x128xf32, #tpu.memory_space<vmem_shared>> -> memref<40x128xf32, #tpu.memory_space<vmem_shared>>
      tpu.enqueue_dma source(%arg8 : memref<40x128xf32, #tpu.memory_space<vmem>>) target(%dma_start3A_125 : memref<40x128xf32, #tpu.memory_space<vmem_shared>>) target_semaphore(%run_scoped3A : memref<!tpu.dma_semaphore, #tpu.memory_space<semaphore_mem>>)
      %dma_wait3A_126 = arith.constant 0 : i32
      %dma_wait3A_127 = tpu.memref_slice %arg10[%multiple_of3A_22, %dma_wait3A_126] : memref<10240x128xf32, #tpu.memory_space<vmem_shared>> -> memref<40x128xf32, #tpu.memory_space<vmem_shared>>
      %dma_wait3A_128 = arith.constant 0 : i32
      %dma_wait3A_129 = tpu.memref_slice %arg10[%multiple_of3A_22, %dma_wait3A_128] : memref<10240x128xf32, #tpu.memory_space<vmem_shared>> -> memref<40x128xf32, #tpu.memory_space<vmem_shared>>
      tpu.wait_dma2 semaphore(%run_scoped3A : memref<!tpu.dma_semaphore, #tpu.memory_space<semaphore_mem>>) src(%arg8 : memref<40x128xf32, #tpu.memory_space<vmem>>) dst(%dma_wait3A_129 : memref<40x128xf32, #tpu.memory_space<vmem_shared>>)
      tpu.yield
    }) : () -> ()
    %add3A_23 = arith.constant 160 : i32
    %add3A_24 = arith.addi %mul3A_4, %add3A_23 : i32
    %multiple_of3A_25 = tpu.assume_multiple %add3A_24, 8 : i32
    "tpu.region"() ({
      %run_scoped3A = tpu.sem_alloc : memref<!tpu.dma_semaphore, #tpu.memory_space<semaphore_mem>>
      %dma_start3A_122 = arith.constant 0 : i32
      %dma_start3A_123 = tpu.memref_slice %arg10[%multiple_of3A_25, %dma_start3A_122] : memref<10240x128xf32, #tpu.memory_space<vmem_shared>> -> memref<40x128xf32, #tpu.memory_space<vmem_shared>>
      %dma_start3A_124 = arith.constant 0 : i32
      %dma_start3A_125 = tpu.memref_slice %arg10[%multiple_of3A_25, %dma_start3A_124] : memref<10240x128xf32, #tpu.memory_space<vmem_shared>> -> memref<40x128xf32, #tpu.memory_space<vmem_shared>>
      tpu.enqueue_dma source(%arg8 : memref<40x128xf32, #tpu.memory_space<vmem>>) target(%dma_start3A_125 : memref<40x128xf32, #tpu.memory_space<vmem_shared>>) target_semaphore(%run_scoped3A : memref<!tpu.dma_semaphore, #tpu.memory_space<semaphore_mem>>)
      %dma_wait3A_126 = arith.constant 0 : i32
      %dma_wait3A_127 = tpu.memref_slice %arg10[%multiple_of3A_25, %dma_wait3A_126] : memref<10240x128xf32, #tpu.memory_space<vmem_shared>> -> memref<40x128xf32, #tpu.memory_space<vmem_shared>>
      %dma_wait3A_128 = arith.constant 0 : i32
      %dma_wait3A_129 = tpu.memref_slice %arg10[%multiple_of3A_25, %dma_wait3A_128] : memref<10240x128xf32, #tpu.memory_space<vmem_shared>> -> memref<40x128xf32, #tpu.memory_space<vmem_shared>>
      tpu.wait_dma2 semaphore(%run_scoped3A : memref<!tpu.dma_semaphore, #tpu.memory_space<semaphore_mem>>) src(%arg8 : memref<40x128xf32, #tpu.memory_space<vmem>>) dst(%dma_wait3A_129 : memref<40x128xf32, #tpu.memory_space<vmem_shared>>)
      tpu.yield
    }) : () -> ()
    %add3A_26 = arith.constant 200 : i32
    %add3A_27 = arith.addi %mul3A_4, %add3A_26 : i32
    %multiple_of3A_28 = tpu.assume_multiple %add3A_27, 8 : i32
    "tpu.region"() ({
      %run_scoped3A = tpu.sem_alloc : memref<!tpu.dma_semaphore, #tpu.memory_space<semaphore_mem>>
      %dma_start3A_122 = arith.constant 0 : i32
      %dma_start3A_123 = tpu.memref_slice %arg10[%multiple_of3A_28, %dma_start3A_122] : memref<10240x128xf32, #tpu.memory_space<vmem_shared>> -> memref<40x128xf32, #tpu.memory_space<vmem_shared>>
      %dma_start3A_124 = arith.constant 0 : i32
      %dma_start3A_125 = tpu.memref_slice %arg10[%multiple_of3A_28, %dma_start3A_124] : memref<10240x128xf32, #tpu.memory_space<vmem_shared>> -> memref<40x128xf32, #tpu.memory_space<vmem_shared>>
      tpu.enqueue_dma source(%arg8 : memref<40x128xf32, #tpu.memory_space<vmem>>) target(%dma_start3A_125 : memref<40x128xf32, #tpu.memory_space<vmem_shared>>) target_semaphore(%run_scoped3A : memref<!tpu.dma_semaphore, #tpu.memory_space<semaphore_mem>>)
      %dma_wait3A_126 = arith.constant 0 : i32
      %dma_wait3A_127 = tpu.memref_slice %arg10[%multiple_of3A_28, %dma_wait3A_126] : memref<10240x128xf32, #tpu.memory_space<vmem_shared>> -> memref<40x128xf32, #tpu.memory_space<vmem_shared>>
      %dma_wait3A_128 = arith.constant 0 : i32
      %dma_wait3A_129 = tpu.memref_slice %arg10[%multiple_of3A_28, %dma_wait3A_128] : memref<10240x128xf32, #tpu.memory_space<vmem_shared>> -> memref<40x128xf32, #tpu.memory_space<vmem_shared>>
      tpu.wait_dma2 semaphore(%run_scoped3A : memref<!tpu.dma_semaphore, #tpu.memory_space<semaphore_mem>>) src(%arg8 : memref<40x128xf32, #tpu.memory_space<vmem>>) dst(%dma_wait3A_129 : memref<40x128xf32, #tpu.memory_space<vmem_shared>>)
      tpu.yield
    }) : () -> ()
    %add3A_29 = arith.constant 240 : i32
    %add3A_30 = arith.addi %mul3A_4, %add3A_29 : i32
    %multiple_of3A_31 = tpu.assume_multiple %add3A_30, 8 : i32
    "tpu.region"() ({
      %run_scoped3A = tpu.sem_alloc : memref<!tpu.dma_semaphore, #tpu.memory_space<semaphore_mem>>
      %dma_start3A_122 = arith.constant 0 : i32
      %dma_start3A_123 = tpu.memref_slice %arg10[%multiple_of3A_31, %dma_start3A_122] : memref<10240x128xf32, #tpu.memory_space<vmem_shared>> -> memref<40x128xf32, #tpu.memory_space<vmem_shared>>
      %dma_start3A_124 = arith.constant 0 : i32
      %dma_start3A_125 = tpu.memref_slice %arg10[%multiple_of3A_31, %dma_start3A_124] : memref<10240x128xf32, #tpu.memory_space<vmem_shared>> -> memref<40x128xf32, #tpu.memory_space<vmem_shared>>
      tpu.enqueue_dma source(%arg8 : memref<40x128xf32, #tpu.memory_space<vmem>>) target(%dma_start3A_125 : memref<40x128xf32, #tpu.memory_space<vmem_shared>>) target_semaphore(%run_scoped3A : memref<!tpu.dma_semaphore, #tpu.memory_space<semaphore_mem>>)
      %dma_wait3A_126 = arith.constant 0 : i32
      %dma_wait3A_127 = tpu.memref_slice %arg10[%multiple_of3A_31, %dma_wait3A_126] : memref<10240x128xf32, #tpu.memory_space<vmem_shared>> -> memref<40x128xf32, #tpu.memory_space<vmem_shared>>
      %dma_wait3A_128 = arith.constant 0 : i32
      %dma_wait3A_129 = tpu.memref_slice %arg10[%multiple_of3A_31, %dma_wait3A_128] : memref<10240x128xf32, #tpu.memory_space<vmem_shared>> -> memref<40x128xf32, #tpu.memory_space<vmem_shared>>
      tpu.wait_dma2 semaphore(%run_scoped3A : memref<!tpu.dma_semaphore, #tpu.memory_space<semaphore_mem>>) src(%arg8 : memref<40x128xf32, #tpu.memory_space<vmem>>) dst(%dma_wait3A_129 : memref<40x128xf32, #tpu.memory_space<vmem_shared>>)
      tpu.yield
    }) : () -> ()
    %add3A_32 = arith.constant 280 : i32
    %add3A_33 = arith.addi %mul3A_4, %add3A_32 : i32
    %multiple_of3A_34 = tpu.assume_multiple %add3A_33, 8 : i32
    "tpu.region"() ({
      %run_scoped3A = tpu.sem_alloc : memref<!tpu.dma_semaphore, #tpu.memory_space<semaphore_mem>>
      %dma_start3A_122 = arith.constant 0 : i32
      %dma_start3A_123 = tpu.memref_slice %arg10[%multiple_of3A_34, %dma_start3A_122] : memref<10240x128xf32, #tpu.memory_space<vmem_shared>> -> memref<40x128xf32, #tpu.memory_space<vmem_shared>>
      %dma_start3A_124 = arith.constant 0 : i32
      %dma_start3A_125 = tpu.memref_slice %arg10[%multiple_of3A_34, %dma_start3A_124] : memref<10240x128xf32, #tpu.memory_space<vmem_shared>> -> memref<40x128xf32, #tpu.memory_space<vmem_shared>>
      tpu.enqueue_dma source(%arg8 : memref<40x128xf32, #tpu.memory_space<vmem>>) target(%dma_start3A_125 : memref<40x128xf32, #tpu.memory_space<vmem_shared>>) target_semaphore(%run_scoped3A : memref<!tpu.dma_semaphore, #tpu.memory_space<semaphore_mem>>)
      %dma_wait3A_126 = arith.constant 0 : i32
      %dma_wait3A_127 = tpu.memref_slice %arg10[%multiple_of3A_34, %dma_wait3A_126] : memref<10240x128xf32, #tpu.memory_space<vmem_shared>> -> memref<40x128xf32, #tpu.memory_space<vmem_shared>>
      %dma_wait3A_128 = arith.constant 0 : i32
      %dma_wait3A_129 = tpu.memref_slice %arg10[%multiple_of3A_34, %dma_wait3A_128] : memref<10240x128xf32, #tpu.memory_space<vmem_shared>> -> memref<40x128xf32, #tpu.memory_space<vmem_shared>>
      tpu.wait_dma2 semaphore(%run_scoped3A : memref<!tpu.dma_semaphore, #tpu.memory_space<semaphore_mem>>) src(%arg8 : memref<40x128xf32, #tpu.memory_space<vmem>>) dst(%dma_wait3A_129 : memref<40x128xf32, #tpu.memory_space<vmem_shared>>)
      tpu.yield
    }) : () -> ()
    %add3A_35 = arith.constant 320 : i32
    %add3A_36 = arith.addi %mul3A_4, %add3A_35 : i32
    %multiple_of3A_37 = tpu.assume_multiple %add3A_36, 8 : i32
    "tpu.region"() ({
      %run_scoped3A = tpu.sem_alloc : memref<!tpu.dma_semaphore, #tpu.memory_space<semaphore_mem>>
      %dma_start3A_122 = arith.constant 0 : i32
      %dma_start3A_123 = tpu.memref_slice %arg10[%multiple_of3A_37, %dma_start3A_122] : memref<10240x128xf32, #tpu.memory_space<vmem_shared>> -> memref<40x128xf32, #tpu.memory_space<vmem_shared>>
      %dma_start3A_124 = arith.constant 0 : i32
      %dma_start3A_125 = tpu.memref_slice %arg10[%multiple_of3A_37, %dma_start3A_124] : memref<10240x128xf32, #tpu.memory_space<vmem_shared>> -> memref<40x128xf32, #tpu.memory_space<vmem_shared>>
      tpu.enqueue_dma source(%arg8 : memref<40x128xf32, #tpu.memory_space<vmem>>) target(%dma_start3A_125 : memref<40x128xf32, #tpu.memory_space<vmem_shared>>) target_semaphore(%run_scoped3A : memref<!tpu.dma_semaphore, #tpu.memory_space<semaphore_mem>>)
      %dma_wait3A_126 = arith.constant 0 : i32
      %dma_wait3A_127 = tpu.memref_slice %arg10[%multiple_of3A_37, %dma_wait3A_126] : memref<10240x128xf32, #tpu.memory_space<vmem_shared>> -> memref<40x128xf32, #tpu.memory_space<vmem_shared>>
      %dma_wait3A_128 = arith.constant 0 : i32
      %dma_wait3A_129 = tpu.memref_slice %arg10[%multiple_of3A_37, %dma_wait3A_128] : memref<10240x128xf32, #tpu.memory_space<vmem_shared>> -> memref<40x128xf32, #tpu.memory_space<vmem_shared>>
      tpu.wait_dma2 semaphore(%run_scoped3A : memref<!tpu.dma_semaphore, #tpu.memory_space<semaphore_mem>>) src(%arg8 : memref<40x128xf32, #tpu.memory_space<vmem>>) dst(%dma_wait3A_129 : memref<40x128xf32, #tpu.memory_space<vmem_shared>>)
      tpu.yield
    }) : () -> ()
    %add3A_38 = arith.constant 360 : i32
    %add3A_39 = arith.addi %mul3A_4, %add3A_38 : i32
    %multiple_of3A_40 = tpu.assume_multiple %add3A_39, 8 : i32
    "tpu.region"() ({
      %run_scoped3A = tpu.sem_alloc : memref<!tpu.dma_semaphore, #tpu.memory_space<semaphore_mem>>
      %dma_start3A_122 = arith.constant 0 : i32
      %dma_start3A_123 = tpu.memref_slice %arg10[%multiple_of3A_40, %dma_start3A_122] : memref<10240x128xf32, #tpu.memory_space<vmem_shared>> -> memref<40x128xf32, #tpu.memory_space<vmem_shared>>
      %dma_start3A_124 = arith.constant 0 : i32
      %dma_start3A_125 = tpu.memref_slice %arg10[%multiple_of3A_40, %dma_start3A_124] : memref<10240x128xf32, #tpu.memory_space<vmem_shared>> -> memref<40x128xf32, #tpu.memory_space<vmem_shared>>
      tpu.enqueue_dma source(%arg8 : memref<40x128xf32, #tpu.memory_space<vmem>>) target(%dma_start3A_125 : memref<40x128xf32, #tpu.memory_space<vmem_shared>>) target_semaphore(%run_scoped3A : memref<!tpu.dma_semaphore, #tpu.memory_space<semaphore_mem>>)
      %dma_wait3A_126 = arith.constant 0 : i32
      %dma_wait3A_127 = tpu.memref_slice %arg10[%multiple_of3A_40, %dma_wait3A_126] : memref<10240x128xf32, #tpu.memory_space<vmem_shared>> -> memref<40x128xf32, #tpu.memory_space<vmem_shared>>
      %dma_wait3A_128 = arith.constant 0 : i32
      %dma_wait3A_129 = tpu.memref_slice %arg10[%multiple_of3A_40, %dma_wait3A_128] : memref<10240x128xf32, #tpu.memory_space<vmem_shared>> -> memref<40x128xf32, #tpu.memory_space<vmem_shared>>
      tpu.wait_dma2 semaphore(%run_scoped3A : memref<!tpu.dma_semaphore, #tpu.memory_space<semaphore_mem>>) src(%arg8 : memref<40x128xf32, #tpu.memory_space<vmem>>) dst(%dma_wait3A_129 : memref<40x128xf32, #tpu.memory_space<vmem_shared>>)
      tpu.yield
    }) : () -> ()
    %add3A_41 = arith.constant 400 : i32
    %add3A_42 = arith.addi %mul3A_4, %add3A_41 : i32
    %multiple_of3A_43 = tpu.assume_multiple %add3A_42, 8 : i32
    "tpu.region"() ({
      %run_scoped3A = tpu.sem_alloc : memref<!tpu.dma_semaphore, #tpu.memory_space<semaphore_mem>>
      %dma_start3A_122 = arith.constant 0 : i32
      %dma_start3A_123 = tpu.memref_slice %arg10[%multiple_of3A_43, %dma_start3A_122] : memref<10240x128xf32, #tpu.memory_space<vmem_shared>> -> memref<40x128xf32, #tpu.memory_space<vmem_shared>>
      %dma_start3A_124 = arith.constant 0 : i32
      %dma_start3A_125 = tpu.memref_slice %arg10[%multiple_of3A_43, %dma_start3A_124] : memref<10240x128xf32, #tpu.memory_space<vmem_shared>> -> memref<40x128xf32, #tpu.memory_space<vmem_shared>>
      tpu.enqueue_dma source(%arg8 : memref<40x128xf32, #tpu.memory_space<vmem>>) target(%dma_start3A_125 : memref<40x128xf32, #tpu.memory_space<vmem_shared>>) target_semaphore(%run_scoped3A : memref<!tpu.dma_semaphore, #tpu.memory_space<semaphore_mem>>)
      %dma_wait3A_126 = arith.constant 0 : i32
      %dma_wait3A_127 = tpu.memref_slice %arg10[%multiple_of3A_43, %dma_wait3A_126] : memref<10240x128xf32, #tpu.memory_space<vmem_shared>> -> memref<40x128xf32, #tpu.memory_space<vmem_shared>>
      %dma_wait3A_128 = arith.constant 0 : i32
      %dma_wait3A_129 = tpu.memref_slice %arg10[%multiple_of3A_43, %dma_wait3A_128] : memref<10240x128xf32, #tpu.memory_space<vmem_shared>> -> memref<40x128xf32, #tpu.memory_space<vmem_shared>>
      tpu.wait_dma2 semaphore(%run_scoped3A : memref<!tpu.dma_semaphore, #tpu.memory_space<semaphore_mem>>) src(%arg8 : memref<40x128xf32, #tpu.memory_space<vmem>>) dst(%dma_wait3A_129 : memref<40x128xf32, #tpu.memory_space<vmem_shared>>)
      tpu.yield
    }) : () -> ()
    %add3A_44 = arith.constant 440 : i32
    %add3A_45 = arith.addi %mul3A_4, %add3A_44 : i32
    %multiple_of3A_46 = tpu.assume_multiple %add3A_45, 8 : i32
    "tpu.region"() ({
      %run_scoped3A = tpu.sem_alloc : memref<!tpu.dma_semaphore, #tpu.memory_space<semaphore_mem>>
      %dma_start3A_122 = arith.constant 0 : i32
      %dma_start3A_123 = tpu.memref_slice %arg10[%multiple_of3A_46, %dma_start3A_122] : memref<10240x128xf32, #tpu.memory_space<vmem_shared>> -> memref<40x128xf32, #tpu.memory_space<vmem_shared>>
      %dma_start3A_124 = arith.constant 0 : i32
      %dma_start3A_125 = tpu.memref_slice %arg10[%multiple_of3A_46, %dma_start3A_124] : memref<10240x128xf32, #tpu.memory_space<vmem_shared>> -> memref<40x128xf32, #tpu.memory_space<vmem_shared>>
      tpu.enqueue_dma source(%arg8 : memref<40x128xf32, #tpu.memory_space<vmem>>) target(%dma_start3A_125 : memref<40x128xf32, #tpu.memory_space<vmem_shared>>) target_semaphore(%run_scoped3A : memref<!tpu.dma_semaphore, #tpu.memory_space<semaphore_mem>>)
      %dma_wait3A_126 = arith.constant 0 : i32
      %dma_wait3A_127 = tpu.memref_slice %arg10[%multiple_of3A_46, %dma_wait3A_126] : memref<10240x128xf32, #tpu.memory_space<vmem_shared>> -> memref<40x128xf32, #tpu.memory_space<vmem_shared>>
      %dma_wait3A_128 = arith.constant 0 : i32
      %dma_wait3A_129 = tpu.memref_slice %arg10[%multiple_of3A_46, %dma_wait3A_128] : memref<10240x128xf32, #tpu.memory_space<vmem_shared>> -> memref<40x128xf32, #tpu.memory_space<vmem_shared>>
      tpu.wait_dma2 semaphore(%run_scoped3A : memref<!tpu.dma_semaphore, #tpu.memory_space<semaphore_mem>>) src(%arg8 : memref<40x128xf32, #tpu.memory_space<vmem>>) dst(%dma_wait3A_129 : memref<40x128xf32, #tpu.memory_space<vmem_shared>>)
      tpu.yield
    }) : () -> ()
    %add3A_47 = arith.constant 480 : i32
    %add3A_48 = arith.addi %mul3A_4, %add3A_47 : i32
    %multiple_of3A_49 = tpu.assume_multiple %add3A_48, 8 : i32
    "tpu.region"() ({
      %run_scoped3A = tpu.sem_alloc : memref<!tpu.dma_semaphore, #tpu.memory_space<semaphore_mem>>
      %dma_start3A_122 = arith.constant 0 : i32
      %dma_start3A_123 = tpu.memref_slice %arg10[%multiple_of3A_49, %dma_start3A_122] : memref<10240x128xf32, #tpu.memory_space<vmem_shared>> -> memref<40x128xf32, #tpu.memory_space<vmem_shared>>
      %dma_start3A_124 = arith.constant 0 : i32
      %dma_start3A_125 = tpu.memref_slice %arg10[%multiple_of3A_49, %dma_start3A_124] : memref<10240x128xf32, #tpu.memory_space<vmem_shared>> -> memref<40x128xf32, #tpu.memory_space<vmem_shared>>
      tpu.enqueue_dma source(%arg8 : memref<40x128xf32, #tpu.memory_space<vmem>>) target(%dma_start3A_125 : memref<40x128xf32, #tpu.memory_space<vmem_shared>>) target_semaphore(%run_scoped3A : memref<!tpu.dma_semaphore, #tpu.memory_space<semaphore_mem>>)
      %dma_wait3A_126 = arith.constant 0 : i32
      %dma_wait3A_127 = tpu.memref_slice %arg10[%multiple_of3A_49, %dma_wait3A_126] : memref<10240x128xf32, #tpu.memory_space<vmem_shared>> -> memref<40x128xf32, #tpu.memory_space<vmem_shared>>
      %dma_wait3A_128 = arith.constant 0 : i32
      %dma_wait3A_129 = tpu.memref_slice %arg10[%multiple_of3A_49, %dma_wait3A_128] : memref<10240x128xf32, #tpu.memory_space<vmem_shared>> -> memref<40x128xf32, #tpu.memory_space<vmem_shared>>
      tpu.wait_dma2 semaphore(%run_scoped3A : memref<!tpu.dma_semaphore, #tpu.memory_space<semaphore_mem>>) src(%arg8 : memref<40x128xf32, #tpu.memory_space<vmem>>) dst(%dma_wait3A_129 : memref<40x128xf32, #tpu.memory_space<vmem_shared>>)
      tpu.yield
    }) : () -> ()
    %add3A_50 = arith.constant 520 : i32
    %add3A_51 = arith.addi %mul3A_4, %add3A_50 : i32
    %multiple_of3A_52 = tpu.assume_multiple %add3A_51, 8 : i32
    "tpu.region"() ({
      %run_scoped3A = tpu.sem_alloc : memref<!tpu.dma_semaphore, #tpu.memory_space<semaphore_mem>>
      %dma_start3A_122 = arith.constant 0 : i32
      %dma_start3A_123 = tpu.memref_slice %arg10[%multiple_of3A_52, %dma_start3A_122] : memref<10240x128xf32, #tpu.memory_space<vmem_shared>> -> memref<40x128xf32, #tpu.memory_space<vmem_shared>>
      %dma_start3A_124 = arith.constant 0 : i32
      %dma_start3A_125 = tpu.memref_slice %arg10[%multiple_of3A_52, %dma_start3A_124] : memref<10240x128xf32, #tpu.memory_space<vmem_shared>> -> memref<40x128xf32, #tpu.memory_space<vmem_shared>>
      tpu.enqueue_dma source(%arg8 : memref<40x128xf32, #tpu.memory_space<vmem>>) target(%dma_start3A_125 : memref<40x128xf32, #tpu.memory_space<vmem_shared>>) target_semaphore(%run_scoped3A : memref<!tpu.dma_semaphore, #tpu.memory_space<semaphore_mem>>)
      %dma_wait3A_126 = arith.constant 0 : i32
      %dma_wait3A_127 = tpu.memref_slice %arg10[%multiple_of3A_52, %dma_wait3A_126] : memref<10240x128xf32, #tpu.memory_space<vmem_shared>> -> memref<40x128xf32, #tpu.memory_space<vmem_shared>>
      %dma_wait3A_128 = arith.constant 0 : i32
      %dma_wait3A_129 = tpu.memref_slice %arg10[%multiple_of3A_52, %dma_wait3A_128] : memref<10240x128xf32, #tpu.memory_space<vmem_shared>> -> memref<40x128xf32, #tpu.memory_space<vmem_shared>>
      tpu.wait_dma2 semaphore(%run_scoped3A : memref<!tpu.dma_semaphore, #tpu.memory_space<semaphore_mem>>) src(%arg8 : memref<40x128xf32, #tpu.memory_space<vmem>>) dst(%dma_wait3A_129 : memref<40x128xf32, #tpu.memory_space<vmem_shared>>)
      tpu.yield
    }) : () -> ()
    %add3A_53 = arith.constant 560 : i32
    %add3A_54 = arith.addi %mul3A_4, %add3A_53 : i32
    %multiple_of3A_55 = tpu.assume_multiple %add3A_54, 8 : i32
    "tpu.region"() ({
      %run_scoped3A = tpu.sem_alloc : memref<!tpu.dma_semaphore, #tpu.memory_space<semaphore_mem>>
      %dma_start3A_122 = arith.constant 0 : i32
      %dma_start3A_123 = tpu.memref_slice %arg10[%multiple_of3A_55, %dma_start3A_122] : memref<10240x128xf32, #tpu.memory_space<vmem_shared>> -> memref<40x128xf32, #tpu.memory_space<vmem_shared>>
      %dma_start3A_124 = arith.constant 0 : i32
      %dma_start3A_125 = tpu.memref_slice %arg10[%multiple_of3A_55, %dma_start3A_124] : memref<10240x128xf32, #tpu.memory_space<vmem_shared>> -> memref<40x128xf32, #tpu.memory_space<vmem_shared>>
      tpu.enqueue_dma source(%arg8 : memref<40x128xf32, #tpu.memory_space<vmem>>) target(%dma_start3A_125 : memref<40x128xf32, #tpu.memory_space<vmem_shared>>) target_semaphore(%run_scoped3A : memref<!tpu.dma_semaphore, #tpu.memory_space<semaphore_mem>>)
      %dma_wait3A_126 = arith.constant 0 : i32
      %dma_wait3A_127 = tpu.memref_slice %arg10[%multiple_of3A_55, %dma_wait3A_126] : memref<10240x128xf32, #tpu.memory_space<vmem_shared>> -> memref<40x128xf32, #tpu.memory_space<vmem_shared>>
      %dma_wait3A_128 = arith.constant 0 : i32
      %dma_wait3A_129 = tpu.memref_slice %arg10[%multiple_of3A_55, %dma_wait3A_128] : memref<10240x128xf32, #tpu.memory_space<vmem_shared>> -> memref<40x128xf32, #tpu.memory_space<vmem_shared>>
      tpu.wait_dma2 semaphore(%run_scoped3A : memref<!tpu.dma_semaphore, #tpu.memory_space<semaphore_mem>>) src(%arg8 : memref<40x128xf32, #tpu.memory_space<vmem>>) dst(%dma_wait3A_129 : memref<40x128xf32, #tpu.memory_space<vmem_shared>>)
      tpu.yield
    }) : () -> ()
    %add3A_56 = arith.constant 600 : i32
    %add3A_57 = arith.addi %mul3A_4, %add3A_56 : i32
    %multiple_of3A_58 = tpu.assume_multiple %add3A_57, 8 : i32
    "tpu.region"() ({
      %run_scoped3A = tpu.sem_alloc : memref<!tpu.dma_semaphore, #tpu.memory_space<semaphore_mem>>
      %dma_start3A_122 = arith.constant 0 : i32
      %dma_start3A_123 = tpu.memref_slice %arg10[%multiple_of3A_58, %dma_start3A_122] : memref<10240x128xf32, #tpu.memory_space<vmem_shared>> -> memref<40x128xf32, #tpu.memory_space<vmem_shared>>
      %dma_start3A_124 = arith.constant 0 : i32
      %dma_start3A_125 = tpu.memref_slice %arg10[%multiple_of3A_58, %dma_start3A_124] : memref<10240x128xf32, #tpu.memory_space<vmem_shared>> -> memref<40x128xf32, #tpu.memory_space<vmem_shared>>
      tpu.enqueue_dma source(%arg8 : memref<40x128xf32, #tpu.memory_space<vmem>>) target(%dma_start3A_125 : memref<40x128xf32, #tpu.memory_space<vmem_shared>>) target_semaphore(%run_scoped3A : memref<!tpu.dma_semaphore, #tpu.memory_space<semaphore_mem>>)
      %dma_wait3A_126 = arith.constant 0 : i32
      %dma_wait3A_127 = tpu.memref_slice %arg10[%multiple_of3A_58, %dma_wait3A_126] : memref<10240x128xf32, #tpu.memory_space<vmem_shared>> -> memref<40x128xf32, #tpu.memory_space<vmem_shared>>
      %dma_wait3A_128 = arith.constant 0 : i32
      %dma_wait3A_129 = tpu.memref_slice %arg10[%multiple_of3A_58, %dma_wait3A_128] : memref<10240x128xf32, #tpu.memory_space<vmem_shared>> -> memref<40x128xf32, #tpu.memory_space<vmem_shared>>
      tpu.wait_dma2 semaphore(%run_scoped3A : memref<!tpu.dma_semaphore, #tpu.memory_space<semaphore_mem>>) src(%arg8 : memref<40x128xf32, #tpu.memory_space<vmem>>) dst(%dma_wait3A_129 : memref<40x128xf32, #tpu.memory_space<vmem_shared>>)
      tpu.yield
    }) : () -> ()
    %barrier3A = arith.constant 0 : index
    tpu.barrier barrier_id(%barrier3A)
    %rem3A = arith.constant 0 : i32
    %rem3A_59 = arith.constant 3 : i32
    %rem3A_60 = arith.remsi %rem3A, %rem3A_59 : i32
    %add3A_61 = arith.constant 0 : i32
    %add3A_62 = arith.addi %mul3A_2, %add3A_61 : i32
    %multiple_of3A_63 = tpu.assume_multiple %add3A_62, 8 : i32
    %dma_start3A = arith.constant 0 : i32
    %dma_start3A_64 = arith.constant 0 : i32
    %dma_start3A_65 = tpu.memref_slice %arg6[%rem3A_60, %dma_start3A, %dma_start3A_64] : memref<3x80x128xf32, #tpu.memory_space<vmem>> -> memref<1x80x128xf32, #tpu.memory_space<vmem>>
    %dma_start3A_66 = tpu.memref_squeeze %dma_start3A_65 : memref<1x80x128xf32, #tpu.memory_space<vmem>> -> memref<80x128xf32, #tpu.memory_space<vmem>>
    %dma_start3A_67 = tpu.memref_slice %arg2[%multiple_of3A_63, %mul3A_0] : memref<160000x256xf32, #tpu.memory_space<hbm>> -> memref<80x128xf32, #tpu.memory_space<hbm>>
    %dma_start3A_68 = arith.constant 0 : i32
    %dma_start3A_69 = arith.constant 0 : i32
    %dma_start3A_70 = tpu.memref_slice %arg6[%rem3A_60, %dma_start3A_68, %dma_start3A_69] : memref<3x80x128xf32, #tpu.memory_space<vmem>> -> memref<1x80x128xf32, #tpu.memory_space<vmem>>
    %dma_start3A_71 = tpu.memref_squeeze %dma_start3A_70 : memref<1x80x128xf32, #tpu.memory_space<vmem>> -> memref<80x128xf32, #tpu.memory_space<vmem>>
    %dma_start3A_72 = tpu.memref_slice %arg2[%multiple_of3A_63, %mul3A_0] : memref<160000x256xf32, #tpu.memory_space<hbm>> -> memref<80x128xf32, #tpu.memory_space<hbm>>
    tpu.enqueue_dma source(%dma_start3A_72 : memref<80x128xf32, #tpu.memory_space<hbm>>) target(%dma_start3A_71 : memref<80x128xf32, #tpu.memory_space<vmem>>) target_semaphore(%arg11 : memref<!tpu.dma_semaphore, #tpu.memory_space<semaphore_mem>>)
    %rem3A_73 = arith.constant 1 : i32
    %rem3A_74 = arith.constant 3 : i32
    %rem3A_75 = arith.remsi %rem3A_73, %rem3A_74 : i32
    %add3A_76 = arith.constant 80 : i32
    %add3A_77 = arith.addi %mul3A_2, %add3A_76 : i32
    %multiple_of3A_78 = tpu.assume_multiple %add3A_77, 8 : i32
    %dma_start3A_79 = arith.constant 0 : i32
    %dma_start3A_80 = arith.constant 0 : i32
    %dma_start3A_81 = tpu.memref_slice %arg6[%rem3A_75, %dma_start3A_79, %dma_start3A_80] : memref<3x80x128xf32, #tpu.memory_space<vmem>> -> memref<1x80x128xf32, #tpu.memory_space<vmem>>
    %dma_start3A_82 = tpu.memref_squeeze %dma_start3A_81 : memref<1x80x128xf32, #tpu.memory_space<vmem>> -> memref<80x128xf32, #tpu.memory_space<vmem>>
    %dma_start3A_83 = tpu.memref_slice %arg2[%multiple_of3A_78, %mul3A_0] : memref<160000x256xf32, #tpu.memory_space<hbm>> -> memref<80x128xf32, #tpu.memory_space<hbm>>
    %dma_start3A_84 = arith.constant 0 : i32
    %dma_start3A_85 = arith.constant 0 : i32
    %dma_start3A_86 = tpu.memref_slice %arg6[%rem3A_75, %dma_start3A_84, %dma_start3A_85] : memref<3x80x128xf32, #tpu.memory_space<vmem>> -> memref<1x80x128xf32, #tpu.memory_space<vmem>>
    %dma_start3A_87 = tpu.memref_squeeze %dma_start3A_86 : memref<1x80x128xf32, #tpu.memory_space<vmem>> -> memref<80x128xf32, #tpu.memory_space<vmem>>
    %dma_start3A_88 = tpu.memref_slice %arg2[%multiple_of3A_78, %mul3A_0] : memref<160000x256xf32, #tpu.memory_space<hbm>> -> memref<80x128xf32, #tpu.memory_space<hbm>>
    tpu.enqueue_dma source(%dma_start3A_88 : memref<80x128xf32, #tpu.memory_space<hbm>>) target(%dma_start3A_87 : memref<80x128xf32, #tpu.memory_space<vmem>>) target_semaphore(%arg11 : memref<!tpu.dma_semaphore, #tpu.memory_space<semaphore_mem>>)
    %scan3A_89 = arith.constant 0 : i32
    %scan3A_90 = arith.constant 0 : i32
    %scan3A_91 = arith.constant 125 : i32
    %scan3A_92 = arith.addi %scan3A_90, %scan3A_91 : i32
    %scan3A_93 = arith.constant 1 : i32
    scf.for %scan3A_122 = %scan3A_90 to %scan3A_92 step %scan3A_93  : i32 {
      %rem3A_123 = arith.constant 3 : i32
      %rem3A_124 = arith.remsi %scan3A_122, %rem3A_123 : i32
      %ge3A = arith.constant 1 : i32
      %ge3A_125 = arith.cmpi sge, %scan3A_122, %ge3A : i32
      %convert_element_type3A = arith.extui %ge3A_125 : i1 to i32
      %cond3A = arith.constant 0 : i32
      %cond3A_126 = arith.cmpi ne, %convert_element_type3A, %cond3A : i32
      scf.if %cond3A_126 {
        %sub3A = arith.constant 1 : i32
        %sub3A_166 = arith.subi %scan3A_122, %sub3A : i32
        %rem3A_167 = arith.constant 3 : i32
        %rem3A_168 = arith.remsi %sub3A_166, %rem3A_167 : i32
        %sub3A_169 = arith.constant 1 : i32
        %sub3A_170 = arith.subi %scan3A_122, %sub3A_169 : i32
        %rem3A_171 = arith.constant 8 : i32
        %rem3A_172 = arith.remsi %sub3A_170, %rem3A_171 : i32
        %dma_wait3A_173 = arith.constant 0 : i32
        %dma_wait3A_174 = arith.constant 0 : i32
        %dma_wait3A_175 = tpu.memref_slice %arg6[%rem3A_168, %dma_wait3A_173, %dma_wait3A_174] : memref<3x80x128xf32, #tpu.memory_space<vmem>> -> memref<1x80x128xf32, #tpu.memory_space<vmem>>
        %dma_wait3A_176 = tpu.memref_squeeze %dma_wait3A_175 : memref<1x80x128xf32, #tpu.memory_space<vmem>> -> memref<80x128xf32, #tpu.memory_space<vmem>>
        %dma_wait3A_177 = arith.constant 0 : i32
        %dma_wait3A_178 = tpu.memref_slice %arg7[%rem3A_172, %dma_wait3A_177] : memref<8x80xi32, #tpu.memory_space<vmem>> -> memref<1x80xi32, #tpu.memory_space<vmem>>
        %dma_wait3A_179 = tpu.memref_squeeze %dma_wait3A_178 : memref<1x80xi32, #tpu.memory_space<vmem>> -> memref<80xi32, #tpu.memory_space<vmem>>
        %dma_wait3A_180 = arith.constant 0 : i32
        %dma_wait3A_181 = arith.constant 0 : i32
        %dma_wait3A_182 = tpu.memref_slice %arg10[%dma_wait3A_180, %dma_wait3A_181] : memref<10240x128xf32, #tpu.memory_space<vmem_shared>> -> memref<10240x128xf32, #tpu.memory_space<vmem_shared>>
        tpu.wait_indirect_dma semaphore(%arg12 : memref<!tpu.dma_semaphore, #tpu.memory_space<semaphore_mem>>) src(%dma_wait3A_176 : memref<80x128xf32, #tpu.memory_space<vmem>>) dst(%dma_wait3A_182 : memref<10240x128xf32, #tpu.memory_space<vmem_shared>>)
      } else {
      }
      %rem3A_127 = arith.constant 8 : i32
      %rem3A_128 = arith.remsi %scan3A_122, %rem3A_127 : i32
      %eq3A_129 = arith.constant 0 : i32
      %eq3A_130 = arith.cmpi eq, %rem3A_128, %eq3A_129 : i32
      %convert_element_type3A_131 = arith.extui %eq3A_130 : i1 to i32
      %cond3A_132 = arith.constant 0 : i32
      %cond3A_133 = arith.cmpi ne, %convert_element_type3A_131, %cond3A_132 : i32
      scf.if %cond3A_133 {
        %multiple_of3A_166 = tpu.assume_multiple %scan3A_122, 8 : i32
        "tpu.region"() ({
          %run_scoped3A = tpu.sem_alloc : memref<!tpu.dma_semaphore, #tpu.memory_space<semaphore_mem>>
          %dma_start3A_167 = arith.constant 0 : i32
          %dma_start3A_168 = arith.constant 0 : i32
          %dma_start3A_169 = tpu.memref_slice %arg3[%arg1, %dma_start3A_167, %dma_start3A_168] : memref<16x128x80xi32, #tpu.memory_space<hbm>> -> memref<1x128x80xi32, #tpu.memory_space<hbm>>
          %dma_start3A_170 = tpu.memref_squeeze %dma_start3A_169 : memref<1x128x80xi32, #tpu.memory_space<hbm>> -> memref<128x80xi32, #tpu.memory_space<hbm>>
          %dma_start3A_171 = arith.constant 0 : i32
          %dma_start3A_172 = tpu.memref_slice %dma_start3A_170[%multiple_of3A_166, %dma_start3A_171] : memref<128x80xi32, #tpu.memory_space<hbm>> -> memref<8x80xi32, #tpu.memory_space<hbm>>
          %dma_start3A_173 = arith.constant 0 : i32
          %dma_start3A_174 = arith.constant 0 : i32
          %dma_start3A_175 = tpu.memref_slice %arg3[%arg1, %dma_start3A_173, %dma_start3A_174] : memref<16x128x80xi32, #tpu.memory_space<hbm>> -> memref<1x128x80xi32, #tpu.memory_space<hbm>>
          %dma_start3A_176 = tpu.memref_squeeze %dma_start3A_175 : memref<1x128x80xi32, #tpu.memory_space<hbm>> -> memref<128x80xi32, #tpu.memory_space<hbm>>
          %dma_start3A_177 = arith.constant 0 : i32
          %dma_start3A_178 = tpu.memref_slice %dma_start3A_176[%multiple_of3A_166, %dma_start3A_177] : memref<128x80xi32, #tpu.memory_space<hbm>> -> memref<8x80xi32, #tpu.memory_space<hbm>>
          tpu.enqueue_dma source(%dma_start3A_178 : memref<8x80xi32, #tpu.memory_space<hbm>>) target(%arg7 : memref<8x80xi32, #tpu.memory_space<vmem>>) target_semaphore(%run_scoped3A : memref<!tpu.dma_semaphore, #tpu.memory_space<semaphore_mem>>)
          %dma_wait3A_179 = arith.constant 0 : i32
          %dma_wait3A_180 = arith.constant 0 : i32
          %dma_wait3A_181 = tpu.memref_slice %arg3[%arg1, %dma_wait3A_179, %dma_wait3A_180] : memref<16x128x80xi32, #tpu.memory_space<hbm>> -> memref<1x128x80xi32, #tpu.memory_space<hbm>>
          %dma_wait3A_182 = tpu.memref_squeeze %dma_wait3A_181 : memref<1x128x80xi32, #tpu.memory_space<hbm>> -> memref<128x80xi32, #tpu.memory_space<hbm>>
          %dma_wait3A_183 = arith.constant 0 : i32
          %dma_wait3A_184 = tpu.memref_slice %dma_wait3A_182[%multiple_of3A_166, %dma_wait3A_183] : memref<128x80xi32, #tpu.memory_space<hbm>> -> memref<8x80xi32, #tpu.memory_space<hbm>>
          %dma_wait3A_185 = arith.constant 0 : i32
          %dma_wait3A_186 = arith.constant 0 : i32
          %dma_wait3A_187 = tpu.memref_slice %arg3[%arg1, %dma_wait3A_185, %dma_wait3A_186] : memref<16x128x80xi32, #tpu.memory_space<hbm>> -> memref<1x128x80xi32, #tpu.memory_space<hbm>>
          %dma_wait3A_188 = tpu.memref_squeeze %dma_wait3A_187 : memref<1x128x80xi32, #tpu.memory_space<hbm>> -> memref<128x80xi32, #tpu.memory_space<hbm>>
          %dma_wait3A_189 = arith.constant 0 : i32
          %dma_wait3A_190 = tpu.memref_slice %dma_wait3A_188[%multiple_of3A_166, %dma_wait3A_189] : memref<128x80xi32, #tpu.memory_space<hbm>> -> memref<8x80xi32, #tpu.memory_space<hbm>>
          tpu.wait_dma2 semaphore(%run_scoped3A : memref<!tpu.dma_semaphore, #tpu.memory_space<semaphore_mem>>) src(%dma_wait3A_190 : memref<8x80xi32, #tpu.memory_space<hbm>>) dst(%arg7 : memref<8x80xi32, #tpu.memory_space<vmem>>)
          tpu.yield
        }) : () -> ()
      } else {
      }
      %mul3A_134 = arith.constant 80 : i32
      %mul3A_135 = arith.muli %scan3A_122, %mul3A_134 : i32
      %add3A_136 = arith.addi %mul3A_2, %mul3A_135 : i32
      %multiple_of3A_137 = tpu.assume_multiple %add3A_136, 8 : i32
      %dma_wait3A_138 = arith.constant 0 : i32
      %dma_wait3A_139 = arith.constant 0 : i32
      %dma_wait3A_140 = tpu.memref_slice %arg6[%rem3A_124, %dma_wait3A_138, %dma_wait3A_139] : memref<3x80x128xf32, #tpu.memory_space<vmem>> -> memref<1x80x128xf32, #tpu.memory_space<vmem>>
      %dma_wait3A_141 = tpu.memref_squeeze %dma_wait3A_140 : memref<1x80x128xf32, #tpu.memory_space<vmem>> -> memref<80x128xf32, #tpu.memory_space<vmem>>
      %dma_wait3A_142 = tpu.memref_slice %arg2[%multiple_of3A_137, %mul3A_0] : memref<160000x256xf32, #tpu.memory_space<hbm>> -> memref<80x128xf32, #tpu.memory_space<hbm>>
      %dma_wait3A_143 = arith.constant 0 : i32
      %dma_wait3A_144 = arith.constant 0 : i32
      %dma_wait3A_145 = tpu.memref_slice %arg6[%rem3A_124, %dma_wait3A_143, %dma_wait3A_144] : memref<3x80x128xf32, #tpu.memory_space<vmem>> -> memref<1x80x128xf32, #tpu.memory_space<vmem>>
      %dma_wait3A_146 = tpu.memref_squeeze %dma_wait3A_145 : memref<1x80x128xf32, #tpu.memory_space<vmem>> -> memref<80x128xf32, #tpu.memory_space<vmem>>
      %dma_wait3A_147 = tpu.memref_slice %arg2[%multiple_of3A_137, %mul3A_0] : memref<160000x256xf32, #tpu.memory_space<hbm>> -> memref<80x128xf32, #tpu.memory_space<hbm>>
      tpu.wait_dma2 semaphore(%arg11 : memref<!tpu.dma_semaphore, #tpu.memory_space<semaphore_mem>>) src(%dma_wait3A_147 : memref<80x128xf32, #tpu.memory_space<hbm>>) dst(%dma_wait3A_146 : memref<80x128xf32, #tpu.memory_space<vmem>>)
      %add3A_148 = arith.constant 2 : i32
      %add3A_149 = arith.addi %scan3A_122, %add3A_148 : i32
      %lt3A = arith.constant 125 : i32
      %lt3A_150 = arith.cmpi slt, %add3A_149, %lt3A : i32
      %convert_element_type3A_151 = arith.extui %lt3A_150 : i1 to i32
      %cond3A_152 = arith.constant 0 : i32
      %cond3A_153 = arith.cmpi ne, %convert_element_type3A_151, %cond3A_152 : i32
      scf.if %cond3A_153 {
        %add3A_166 = arith.constant 2 : i32
        %add3A_167 = arith.addi %scan3A_122, %add3A_166 : i32
        %rem3A_168 = arith.constant 3 : i32
        %rem3A_169 = arith.remsi %add3A_167, %rem3A_168 : i32
        %mul3A_170 = arith.constant 80 : i32
        %mul3A_171 = arith.muli %add3A_167, %mul3A_170 : i32
        %add3A_172 = arith.addi %mul3A_2, %mul3A_171 : i32
        %multiple_of3A_173 = tpu.assume_multiple %add3A_172, 8 : i32
        %dma_start3A_174 = arith.constant 0 : i32
        %dma_start3A_175 = arith.constant 0 : i32
        %dma_start3A_176 = tpu.memref_slice %arg6[%rem3A_169, %dma_start3A_174, %dma_start3A_175] : memref<3x80x128xf32, #tpu.memory_space<vmem>> -> memref<1x80x128xf32, #tpu.memory_space<vmem>>
        %dma_start3A_177 = tpu.memref_squeeze %dma_start3A_176 : memref<1x80x128xf32, #tpu.memory_space<vmem>> -> memref<80x128xf32, #tpu.memory_space<vmem>>
        %dma_start3A_178 = tpu.memref_slice %arg2[%multiple_of3A_173, %mul3A_0] : memref<160000x256xf32, #tpu.memory_space<hbm>> -> memref<80x128xf32, #tpu.memory_space<hbm>>
        %dma_start3A_179 = arith.constant 0 : i32
        %dma_start3A_180 = arith.constant 0 : i32
        %dma_start3A_181 = tpu.memref_slice %arg6[%rem3A_169, %dma_start3A_179, %dma_start3A_180] : memref<3x80x128xf32, #tpu.memory_space<vmem>> -> memref<1x80x128xf32, #tpu.memory_space<vmem>>
        %dma_start3A_182 = tpu.memref_squeeze %dma_start3A_181 : memref<1x80x128xf32, #tpu.memory_space<vmem>> -> memref<80x128xf32, #tpu.memory_space<vmem>>
        %dma_start3A_183 = tpu.memref_slice %arg2[%multiple_of3A_173, %mul3A_0] : memref<160000x256xf32, #tpu.memory_space<hbm>> -> memref<80x128xf32, #tpu.memory_space<hbm>>
        tpu.enqueue_dma source(%dma_start3A_183 : memref<80x128xf32, #tpu.memory_space<hbm>>) target(%dma_start3A_182 : memref<80x128xf32, #tpu.memory_space<vmem>>) target_semaphore(%arg11 : memref<!tpu.dma_semaphore, #tpu.memory_space<semaphore_mem>>)
      } else {
      }
      %rem3A_154 = arith.constant 8 : i32
      %rem3A_155 = arith.remsi %scan3A_122, %rem3A_154 : i32
      %dma_start3A_156 = arith.constant 0 : i32
      %dma_start3A_157 = arith.constant 0 : i32
      %dma_start3A_158 = tpu.memref_slice %arg6[%rem3A_124, %dma_start3A_156, %dma_start3A_157] : memref<3x80x128xf32, #tpu.memory_space<vmem>> -> memref<1x80x128xf32, #tpu.memory_space<vmem>>
      %dma_start3A_159 = tpu.memref_squeeze %dma_start3A_158 : memref<1x80x128xf32, #tpu.memory_space<vmem>> -> memref<80x128xf32, #tpu.memory_space<vmem>>
      %dma_start3A_160 = arith.constant 0 : i32
      %dma_start3A_161 = tpu.memref_slice %arg7[%rem3A_155, %dma_start3A_160] : memref<8x80xi32, #tpu.memory_space<vmem>> -> memref<1x80xi32, #tpu.memory_space<vmem>>
      %dma_start3A_162 = tpu.memref_squeeze %dma_start3A_161 : memref<1x80xi32, #tpu.memory_space<vmem>> -> memref<80xi32, #tpu.memory_space<vmem>>
      %dma_start3A_163 = arith.constant 0 : i32
      %dma_start3A_164 = arith.constant 0 : i32
      %dma_start3A_165 = tpu.memref_slice %arg10[%dma_start3A_163, %dma_start3A_164] : memref<10240x128xf32, #tpu.memory_space<vmem_shared>> -> memref<10240x128xf32, #tpu.memory_space<vmem_shared>>
      tpu.enqueue_indirect_dma source(%dma_start3A_159 : memref<80x128xf32, #tpu.memory_space<vmem>>) target(%dma_start3A_165 : memref<10240x128xf32, #tpu.memory_space<vmem_shared>>) offsets(%dma_start3A_162 : memref<80xi32, #tpu.memory_space<vmem>>) semaphore(%arg12 : memref<!tpu.dma_semaphore, #tpu.memory_space<semaphore_mem>>) {add = true}
    }
    %scan3A_94 = arith.constant 125 : i32
    %rem3A_95 = arith.constant 124 : i32
    %rem3A_96 = arith.constant 3 : i32
    %rem3A_97 = arith.remsi %rem3A_95, %rem3A_96 : i32
    %rem3A_98 = arith.constant 124 : i32
    %rem3A_99 = arith.constant 8 : i32
    %rem3A_100 = arith.remsi %rem3A_98, %rem3A_99 : i32
    %dma_wait3A = arith.constant 0 : i32
    %dma_wait3A_101 = arith.constant 0 : i32
    %dma_wait3A_102 = tpu.memref_slice %arg6[%rem3A_97, %dma_wait3A, %dma_wait3A_101] : memref<3x80x128xf32, #tpu.memory_space<vmem>> -> memref<1x80x128xf32, #tpu.memory_space<vmem>>
    %dma_wait3A_103 = tpu.memref_squeeze %dma_wait3A_102 : memref<1x80x128xf32, #tpu.memory_space<vmem>> -> memref<80x128xf32, #tpu.memory_space<vmem>>
    %dma_wait3A_104 = arith.constant 0 : i32
    %dma_wait3A_105 = tpu.memref_slice %arg7[%rem3A_100, %dma_wait3A_104] : memref<8x80xi32, #tpu.memory_space<vmem>> -> memref<1x80xi32, #tpu.memory_space<vmem>>
    %dma_wait3A_106 = tpu.memref_squeeze %dma_wait3A_105 : memref<1x80xi32, #tpu.memory_space<vmem>> -> memref<80xi32, #tpu.memory_space<vmem>>
    %dma_wait3A_107 = arith.constant 0 : i32
    %dma_wait3A_108 = arith.constant 0 : i32
    %dma_wait3A_109 = tpu.memref_slice %arg10[%dma_wait3A_107, %dma_wait3A_108] : memref<10240x128xf32, #tpu.memory_space<vmem_shared>> -> memref<10240x128xf32, #tpu.memory_space<vmem_shared>>
    tpu.wait_indirect_dma semaphore(%arg12 : memref<!tpu.dma_semaphore, #tpu.memory_space<semaphore_mem>>) src(%dma_wait3A_103 : memref<80x128xf32, #tpu.memory_space<vmem>>) dst(%dma_wait3A_109 : memref<10240x128xf32, #tpu.memory_space<vmem_shared>>)
    %barrier3A_110 = arith.constant 0 : index
    tpu.barrier barrier_id(%barrier3A_110)
    %eq3A = arith.constant 15 : i32
    %eq3A_111 = arith.cmpi eq, %arg1, %eq3A : i32
    %jit3A = arith.constant 10 : i32
    %jit3A_112 = arith.constant 16 : i32
    %select_n3A = arith.select %eq3A_111, %jit3A, %jit3A_112 : i32
    %while3A = arith.constant 0 : i32
    %while3A_113 = arith.constant 0 : i32
    %while3A_114 = arith.subi %select_n3A, %while3A_113 : i32
    %while3A_115 = arith.addi %while3A_113, %while3A_114 : i32
    %while3A_116 = arith.constant 1 : i32
    %while3A_117 = arith.divsi %while3A_114, %while3A_116 : i32
    %while3A_118 = arith.muli %while3A_117, %while3A_116 : i32
    %while3A_119 = arith.addi %while3A_113, %while3A_118 : i32
    %while3A_120 = arith.constant 1 : i32
    scf.for %while3A_122 = %while3A_113 to %while3A_119 step %while3A_120  : i32 {
      %mul3A_123 = arith.constant 40 : i32
      %mul3A_124 = arith.muli %while3A_122, %mul3A_123 : i32
      %add3A_125 = arith.addi %mul3A_4, %mul3A_124 : i32
      %multiple_of3A_126 = tpu.assume_multiple %add3A_125, 8 : i32
      "tpu.region"() ({
        %run_scoped3A = tpu.sem_alloc : memref<!tpu.dma_semaphore, #tpu.memory_space<semaphore_mem>>
        %dma_start3A_133 = arith.constant 0 : i32
        %dma_start3A_134 = tpu.memref_slice %arg10[%multiple_of3A_126, %dma_start3A_133] : memref<10240x128xf32, #tpu.memory_space<vmem_shared>> -> memref<40x128xf32, #tpu.memory_space<vmem_shared>>
        %dma_start3A_135 = arith.constant 0 : i32
        %dma_start3A_136 = tpu.memref_slice %arg10[%multiple_of3A_126, %dma_start3A_135] : memref<10240x128xf32, #tpu.memory_space<vmem_shared>> -> memref<40x128xf32, #tpu.memory_space<vmem_shared>>
        tpu.enqueue_dma source(%dma_start3A_136 : memref<40x128xf32, #tpu.memory_space<vmem_shared>>) target(%arg8 : memref<40x128xf32, #tpu.memory_space<vmem>>) target_semaphore(%run_scoped3A : memref<!tpu.dma_semaphore, #tpu.memory_space<semaphore_mem>>)
        %dma_wait3A_137 = arith.constant 0 : i32
        %dma_wait3A_138 = tpu.memref_slice %arg10[%multiple_of3A_126, %dma_wait3A_137] : memref<10240x128xf32, #tpu.memory_space<vmem_shared>> -> memref<40x128xf32, #tpu.memory_space<vmem_shared>>
        %dma_wait3A_139 = arith.constant 0 : i32
        %dma_wait3A_140 = tpu.memref_slice %arg10[%multiple_of3A_126, %dma_wait3A_139] : memref<10240x128xf32, #tpu.memory_space<vmem_shared>> -> memref<40x128xf32, #tpu.memory_space<vmem_shared>>
        tpu.wait_dma2 semaphore(%run_scoped3A : memref<!tpu.dma_semaphore, #tpu.memory_space<semaphore_mem>>) src(%dma_wait3A_140 : memref<40x128xf32, #tpu.memory_space<vmem_shared>>) dst(%arg8 : memref<40x128xf32, #tpu.memory_space<vmem>>)
        tpu.yield
      }) : () -> ()
      "tpu.region"() ({
        %run_scoped3A = tpu.sem_alloc : memref<!tpu.dma_semaphore, #tpu.memory_space<semaphore_mem>>
        %dma_start3A_133 = arith.constant 0 : i32
        %dma_start3A_134 = tpu.memref_slice %arg4[%multiple_of3A_126, %dma_start3A_133] : memref<10240x16xf32, #tpu.memory_space<hbm>> -> memref<40x16xf32, #tpu.memory_space<hbm>>
        %dma_start3A_135 = arith.constant 0 : i32
        %dma_start3A_136 = tpu.memref_slice %arg4[%multiple_of3A_126, %dma_start3A_135] : memref<10240x16xf32, #tpu.memory_space<hbm>> -> memref<40x16xf32, #tpu.memory_space<hbm>>
        tpu.enqueue_dma source(%dma_start3A_136 : memref<40x16xf32, #tpu.memory_space<hbm>>) target(%arg9 : memref<40x16xf32, #tpu.memory_space<vmem>>) target_semaphore(%run_scoped3A : memref<!tpu.dma_semaphore, #tpu.memory_space<semaphore_mem>>)
        %dma_wait3A_137 = arith.constant 0 : i32
        %dma_wait3A_138 = tpu.memref_slice %arg4[%multiple_of3A_126, %dma_wait3A_137] : memref<10240x16xf32, #tpu.memory_space<hbm>> -> memref<40x16xf32, #tpu.memory_space<hbm>>
        %dma_wait3A_139 = arith.constant 0 : i32
        %dma_wait3A_140 = tpu.memref_slice %arg4[%multiple_of3A_126, %dma_wait3A_139] : memref<10240x16xf32, #tpu.memory_space<hbm>> -> memref<40x16xf32, #tpu.memory_space<hbm>>
        tpu.wait_dma2 semaphore(%run_scoped3A : memref<!tpu.dma_semaphore, #tpu.memory_space<semaphore_mem>>) src(%dma_wait3A_140 : memref<40x16xf32, #tpu.memory_space<hbm>>) dst(%arg9 : memref<40x16xf32, #tpu.memory_space<vmem>>)
        tpu.yield
      }) : () -> ()
      %scan3A_127 = arith.constant 0 : i32
      %scan3A_128 = arith.constant 0 : i32
      %scan3A_129 = arith.constant 40 : i32
      %scan3A_130 = arith.addi %scan3A_128, %scan3A_129 : i32
      %scan3A_131 = arith.constant 1 : i32
      scf.for %scan3A_133 = %scan3A_128 to %scan3A_130 step %scan3A_131  : i32 {
        %get3A = arith.index_cast %scan3A_133 : i32 to index
        %get3A_134 = arith.constant 0 : index
        %get3A_135 = tpu.vector_load %arg9[%get3A, %get3A_134] {strides = array<i32>} : memref<40x16xf32, #tpu.memory_space<vmem>>, vector<1x16xf32>,
        %get3A_136 = vector.shape_cast %get3A_135 : vector<1x16xf32> to vector<16xf32>
        %max3A = arith.maximumf %get3A_136, %broadcast_in_dim3A_7 : vector<16xf32>
        %div3A = arith.divf %broadcast_in_dim3A_7, %max3A : vector<16xf32>
        %slice3A = vector.extract_strided_slice %div3A {offsets = [0], sizes = [1], strides = [1]} : vector<16xf32> to vector<1xf32>
        %squeeze3A = vector.extract %slice3A[0] : f32 from vector<1xf32>
        %get3A_137 = arith.index_cast %scan3A_133 : i32 to index
        %get3A_138 = arith.constant 0 : index
        %get3A_139 = tpu.vector_load %arg8[%get3A_137, %get3A_138] {strides = array<i32>} : memref<40x128xf32, #tpu.memory_space<vmem>>, vector<1x16xf32>,
        %get3A_140 = vector.shape_cast %get3A_139 : vector<1x16xf32> to vector<16xf32>
        %mul3A_141 = vector.broadcast %squeeze3A : f32 to vector<16xf32>
        %mul3A_142 = arith.mulf %get3A_140, %mul3A_141 : vector<16xf32>
        %swap3A = arith.index_cast %scan3A_133 : i32 to index
        %swap3A_143 = arith.constant 0 : index
        %swap3A_144 = tpu.vector_load %arg8[%swap3A, %swap3A_143] {strides = array<i32>} : memref<40x128xf32, #tpu.memory_space<vmem>>, vector<1x16xf32>,
        %swap3A_145 = vector.shape_cast %swap3A_144 : vector<1x16xf32> to vector<16xf32>
        %swap3A_146 = vector.shape_cast %mul3A_142 : vector<16xf32> to vector<1x16xf32>
        tpu.vector_store %arg8[%swap3A, %swap3A_143], %swap3A_146 {strides = array<i32>} : memref<40x128xf32, #tpu.memory_space<vmem>>, vector<1x16xf32>,
        %get3A_147 = arith.index_cast %scan3A_133 : i32 to index
        %get3A_148 = arith.constant 16 : index
        %get3A_149 = tpu.vector_load %arg8[%get3A_147, %get3A_148] {strides = array<i32>} : memref<40x128xf32, #tpu.memory_space<vmem>>, vector<1x16xf32>,
        %get3A_150 = vector.shape_cast %get3A_149 : vector<1x16xf32> to vector<16xf32>
        %mul3A_151 = vector.broadcast %squeeze3A : f32 to vector<16xf32>
        %mul3A_152 = arith.mulf %get3A_150, %mul3A_151 : vector<16xf32>
        %swap3A_153 = arith.index_cast %scan3A_133 : i32 to index
        %swap3A_154 = arith.constant 16 : index
        %swap3A_155 = tpu.vector_load %arg8[%swap3A_153, %swap3A_154] {strides = array<i32>} : memref<40x128xf32, #tpu.memory_space<vmem>>, vector<1x16xf32>,
        %swap3A_156 = vector.shape_cast %swap3A_155 : vector<1x16xf32> to vector<16xf32>
        %swap3A_157 = vector.shape_cast %mul3A_152 : vector<16xf32> to vector<1x16xf32>
        tpu.vector_store %arg8[%swap3A_153, %swap3A_154], %swap3A_157 {strides = array<i32>} : memref<40x128xf32, #tpu.memory_space<vmem>>, vector<1x16xf32>,
        %get3A_158 = arith.index_cast %scan3A_133 : i32 to index
        %get3A_159 = arith.constant 32 : index
        %get3A_160 = tpu.vector_load %arg8[%get3A_158, %get3A_159] {strides = array<i32>} : memref<40x128xf32, #tpu.memory_space<vmem>>, vector<1x16xf32>,
        %get3A_161 = vector.shape_cast %get3A_160 : vector<1x16xf32> to vector<16xf32>
        %mul3A_162 = vector.broadcast %squeeze3A : f32 to vector<16xf32>
        %mul3A_163 = arith.mulf %get3A_161, %mul3A_162 : vector<16xf32>
        %swap3A_164 = arith.index_cast %scan3A_133 : i32 to index
        %swap3A_165 = arith.constant 32 : index
        %swap3A_166 = tpu.vector_load %arg8[%swap3A_164, %swap3A_165] {strides = array<i32>} : memref<40x128xf32, #tpu.memory_space<vmem>>, vector<1x16xf32>,
        %swap3A_167 = vector.shape_cast %swap3A_166 : vector<1x16xf32> to vector<16xf32>
        %swap3A_168 = vector.shape_cast %mul3A_163 : vector<16xf32> to vector<1x16xf32>
        tpu.vector_store %arg8[%swap3A_164, %swap3A_165], %swap3A_168 {strides = array<i32>} : memref<40x128xf32, #tpu.memory_space<vmem>>, vector<1x16xf32>,
        %get3A_169 = arith.index_cast %scan3A_133 : i32 to index
        %get3A_170 = arith.constant 48 : index
        %get3A_171 = tpu.vector_load %arg8[%get3A_169, %get3A_170] {strides = array<i32>} : memref<40x128xf32, #tpu.memory_space<vmem>>, vector<1x16xf32>,
        %get3A_172 = vector.shape_cast %get3A_171 : vector<1x16xf32> to vector<16xf32>
        %mul3A_173 = vector.broadcast %squeeze3A : f32 to vector<16xf32>
        %mul3A_174 = arith.mulf %get3A_172, %mul3A_173 : vector<16xf32>
        %swap3A_175 = arith.index_cast %scan3A_133 : i32 to index
        %swap3A_176 = arith.constant 48 : index
        %swap3A_177 = tpu.vector_load %arg8[%swap3A_175, %swap3A_176] {strides = array<i32>} : memref<40x128xf32, #tpu.memory_space<vmem>>, vector<1x16xf32>,
        %swap3A_178 = vector.shape_cast %swap3A_177 : vector<1x16xf32> to vector<16xf32>
        %swap3A_179 = vector.shape_cast %mul3A_174 : vector<16xf32> to vector<1x16xf32>
        tpu.vector_store %arg8[%swap3A_175, %swap3A_176], %swap3A_179 {strides = array<i32>} : memref<40x128xf32, #tpu.memory_space<vmem>>, vector<1x16xf32>,
        %get3A_180 = arith.index_cast %scan3A_133 : i32 to index
        %get3A_181 = arith.constant 64 : index
        %get3A_182 = tpu.vector_load %arg8[%get3A_180, %get3A_181] {strides = array<i32>} : memref<40x128xf32, #tpu.memory_space<vmem>>, vector<1x16xf32>,
        %get3A_183 = vector.shape_cast %get3A_182 : vector<1x16xf32> to vector<16xf32>
        %mul3A_184 = vector.broadcast %squeeze3A : f32 to vector<16xf32>
        %mul3A_185 = arith.mulf %get3A_183, %mul3A_184 : vector<16xf32>
        %swap3A_186 = arith.index_cast %scan3A_133 : i32 to index
        %swap3A_187 = arith.constant 64 : index
        %swap3A_188 = tpu.vector_load %arg8[%swap3A_186, %swap3A_187] {strides = array<i32>} : memref<40x128xf32, #tpu.memory_space<vmem>>, vector<1x16xf32>,
        %swap3A_189 = vector.shape_cast %swap3A_188 : vector<1x16xf32> to vector<16xf32>
        %swap3A_190 = vector.shape_cast %mul3A_185 : vector<16xf32> to vector<1x16xf32>
        tpu.vector_store %arg8[%swap3A_186, %swap3A_187], %swap3A_190 {strides = array<i32>} : memref<40x128xf32, #tpu.memory_space<vmem>>, vector<1x16xf32>,
        %get3A_191 = arith.index_cast %scan3A_133 : i32 to index
        %get3A_192 = arith.constant 80 : index
        %get3A_193 = tpu.vector_load %arg8[%get3A_191, %get3A_192] {strides = array<i32>} : memref<40x128xf32, #tpu.memory_space<vmem>>, vector<1x16xf32>,
        %get3A_194 = vector.shape_cast %get3A_193 : vector<1x16xf32> to vector<16xf32>
        %mul3A_195 = vector.broadcast %squeeze3A : f32 to vector<16xf32>
        %mul3A_196 = arith.mulf %get3A_194, %mul3A_195 : vector<16xf32>
        %swap3A_197 = arith.index_cast %scan3A_133 : i32 to index
        %swap3A_198 = arith.constant 80 : index
        %swap3A_199 = tpu.vector_load %arg8[%swap3A_197, %swap3A_198] {strides = array<i32>} : memref<40x128xf32, #tpu.memory_space<vmem>>, vector<1x16xf32>,
        %swap3A_200 = vector.shape_cast %swap3A_199 : vector<1x16xf32> to vector<16xf32>
        %swap3A_201 = vector.shape_cast %mul3A_196 : vector<16xf32> to vector<1x16xf32>
        tpu.vector_store %arg8[%swap3A_197, %swap3A_198], %swap3A_201 {strides = array<i32>} : memref<40x128xf32, #tpu.memory_space<vmem>>, vector<1x16xf32>,
        %get3A_202 = arith.index_cast %scan3A_133 : i32 to index
        %get3A_203 = arith.constant 96 : index
        %get3A_204 = tpu.vector_load %arg8[%get3A_202, %get3A_203] {strides = array<i32>} : memref<40x128xf32, #tpu.memory_space<vmem>>, vector<1x16xf32>,
        %get3A_205 = vector.shape_cast %get3A_204 : vector<1x16xf32> to vector<16xf32>
        %mul3A_206 = vector.broadcast %squeeze3A : f32 to vector<16xf32>
        %mul3A_207 = arith.mulf %get3A_205, %mul3A_206 : vector<16xf32>
        %swap3A_208 = arith.index_cast %scan3A_133 : i32 to index
        %swap3A_209 = arith.constant 96 : index
        %swap3A_210 = tpu.vector_load %arg8[%swap3A_208, %swap3A_209] {strides = array<i32>} : memref<40x128xf32, #tpu.memory_space<vmem>>, vector<1x16xf32>,
        %swap3A_211 = vector.shape_cast %swap3A_210 : vector<1x16xf32> to vector<16xf32>
        %swap3A_212 = vector.shape_cast %mul3A_207 : vector<16xf32> to vector<1x16xf32>
        tpu.vector_store %arg8[%swap3A_208, %swap3A_209], %swap3A_212 {strides = array<i32>} : memref<40x128xf32, #tpu.memory_space<vmem>>, vector<1x16xf32>,
        %get3A_213 = arith.index_cast %scan3A_133 : i32 to index
        %get3A_214 = arith.constant 112 : index
        %get3A_215 = tpu.vector_load %arg8[%get3A_213, %get3A_214] {strides = array<i32>} : memref<40x128xf32, #tpu.memory_space<vmem>>, vector<1x16xf32>,
        %get3A_216 = vector.shape_cast %get3A_215 : vector<1x16xf32> to vector<16xf32>
        %mul3A_217 = vector.broadcast %squeeze3A : f32 to vector<16xf32>
        %mul3A_218 = arith.mulf %get3A_216, %mul3A_217 : vector<16xf32>
        %swap3A_219 = arith.index_cast %scan3A_133 : i32 to index
        %swap3A_220 = arith.constant 112 : index
        %swap3A_221 = tpu.vector_load %arg8[%swap3A_219, %swap3A_220] {strides = array<i32>} : memref<40x128xf32, #tpu.memory_space<vmem>>, vector<1x16xf32>,
        %swap3A_222 = vector.shape_cast %swap3A_221 : vector<1x16xf32> to vector<16xf32>
        %swap3A_223 = vector.shape_cast %mul3A_218 : vector<16xf32> to vector<1x16xf32>
        tpu.vector_store %arg8[%swap3A_219, %swap3A_220], %swap3A_223 {strides = array<i32>} : memref<40x128xf32, #tpu.memory_space<vmem>>, vector<1x16xf32>,
      }
      %scan3A_132 = arith.constant 40 : i32
      "tpu.region"() ({
        %run_scoped3A = tpu.sem_alloc : memref<!tpu.dma_semaphore, #tpu.memory_space<semaphore_mem>>
        %dma_start3A_133 = tpu.memref_slice %arg5[%multiple_of3A_126, %mul3A_0] : memref<10000x256xf32, #tpu.memory_space<hbm>> -> memref<40x128xf32, #tpu.memory_space<hbm>>
        %dma_start3A_134 = tpu.memref_slice %arg5[%multiple_of3A_126, %mul3A_0] : memref<10000x256xf32, #tpu.memory_space<hbm>> -> memref<40x128xf32, #tpu.memory_space<hbm>>
        tpu.enqueue_dma source(%arg8 : memref<40x128xf32, #tpu.memory_space<vmem>>) target(%dma_start3A_134 : memref<40x128xf32, #tpu.memory_space<hbm>>) target_semaphore(%run_scoped3A : memref<!tpu.dma_semaphore, #tpu.memory_space<semaphore_mem>>)
        %dma_wait3A_135 = tpu.memref_slice %arg5[%multiple_of3A_126, %mul3A_0] : memref<10000x256xf32, #tpu.memory_space<hbm>> -> memref<40x128xf32, #tpu.memory_space<hbm>>
        %dma_wait3A_136 = tpu.memref_slice %arg5[%multiple_of3A_126, %mul3A_0] : memref<10000x256xf32, #tpu.memory_space<hbm>> -> memref<40x128xf32, #tpu.memory_space<hbm>>
        tpu.wait_dma2 semaphore(%run_scoped3A : memref<!tpu.dma_semaphore, #tpu.memory_space<semaphore_mem>>) src(%arg8 : memref<40x128xf32, #tpu.memory_space<vmem>>) dst(%dma_wait3A_136 : memref<40x128xf32, #tpu.memory_space<hbm>>)
        tpu.yield
      }) : () -> ()
    }
    %while3A_121 = arith.constant 1 : i32
    scf.for %while3A_122 = %while3A_119 to %while3A_115 step %while3A_121  : i32 {
      %mul3A_123 = arith.constant 40 : i32
      %mul3A_124 = arith.muli %while3A_122, %mul3A_123 : i32
      %add3A_125 = arith.addi %mul3A_4, %mul3A_124 : i32
      %multiple_of3A_126 = tpu.assume_multiple %add3A_125, 8 : i32
      "tpu.region"() ({
        %run_scoped3A = tpu.sem_alloc : memref<!tpu.dma_semaphore, #tpu.memory_space<semaphore_mem>>
        %dma_start3A_133 = arith.constant 0 : i32
        %dma_start3A_134 = tpu.memref_slice %arg10[%multiple_of3A_126, %dma_start3A_133] : memref<10240x128xf32, #tpu.memory_space<vmem_shared>> -> memref<40x128xf32, #tpu.memory_space<vmem_shared>>
        %dma_start3A_135 = arith.constant 0 : i32
        %dma_start3A_136 = tpu.memref_slice %arg10[%multiple_of3A_126, %dma_start3A_135] : memref<10240x128xf32, #tpu.memory_space<vmem_shared>> -> memref<40x128xf32, #tpu.memory_space<vmem_shared>>
        tpu.enqueue_dma source(%dma_start3A_136 : memref<40x128xf32, #tpu.memory_space<vmem_shared>>) target(%arg8 : memref<40x128xf32, #tpu.memory_space<vmem>>) target_semaphore(%run_scoped3A : memref<!tpu.dma_semaphore, #tpu.memory_space<semaphore_mem>>)
        %dma_wait3A_137 = arith.constant 0 : i32
        %dma_wait3A_138 = tpu.memref_slice %arg10[%multiple_of3A_126, %dma_wait3A_137] : memref<10240x128xf32, #tpu.memory_space<vmem_shared>> -> memref<40x128xf32, #tpu.memory_space<vmem_shared>>
        %dma_wait3A_139 = arith.constant 0 : i32
        %dma_wait3A_140 = tpu.memref_slice %arg10[%multiple_of3A_126, %dma_wait3A_139] : memref<10240x128xf32, #tpu.memory_space<vmem_shared>> -> memref<40x128xf32, #tpu.memory_space<vmem_shared>>
        tpu.wait_dma2 semaphore(%run_scoped3A : memref<!tpu.dma_semaphore, #tpu.memory_space<semaphore_mem>>) src(%dma_wait3A_140 : memref<40x128xf32, #tpu.memory_space<vmem_shared>>) dst(%arg8 : memref<40x128xf32, #tpu.memory_space<vmem>>)
        tpu.yield
      }) : () -> ()
      "tpu.region"() ({
        %run_scoped3A = tpu.sem_alloc : memref<!tpu.dma_semaphore, #tpu.memory_space<semaphore_mem>>
        %dma_start3A_133 = arith.constant 0 : i32
        %dma_start3A_134 = tpu.memref_slice %arg4[%multiple_of3A_126, %dma_start3A_133] : memref<10240x16xf32, #tpu.memory_space<hbm>> -> memref<40x16xf32, #tpu.memory_space<hbm>>
        %dma_start3A_135 = arith.constant 0 : i32
        %dma_start3A_136 = tpu.memref_slice %arg4[%multiple_of3A_126, %dma_start3A_135] : memref<10240x16xf32, #tpu.memory_space<hbm>> -> memref<40x16xf32, #tpu.memory_space<hbm>>
        tpu.enqueue_dma source(%dma_start3A_136 : memref<40x16xf32, #tpu.memory_space<hbm>>) target(%arg9 : memref<40x16xf32, #tpu.memory_space<vmem>>) target_semaphore(%run_scoped3A : memref<!tpu.dma_semaphore, #tpu.memory_space<semaphore_mem>>)
        %dma_wait3A_137 = arith.constant 0 : i32
        %dma_wait3A_138 = tpu.memref_slice %arg4[%multiple_of3A_126, %dma_wait3A_137] : memref<10240x16xf32, #tpu.memory_space<hbm>> -> memref<40x16xf32, #tpu.memory_space<hbm>>
        %dma_wait3A_139 = arith.constant 0 : i32
        %dma_wait3A_140 = tpu.memref_slice %arg4[%multiple_of3A_126, %dma_wait3A_139] : memref<10240x16xf32, #tpu.memory_space<hbm>> -> memref<40x16xf32, #tpu.memory_space<hbm>>
        tpu.wait_dma2 semaphore(%run_scoped3A : memref<!tpu.dma_semaphore, #tpu.memory_space<semaphore_mem>>) src(%dma_wait3A_140 : memref<40x16xf32, #tpu.memory_space<hbm>>) dst(%arg9 : memref<40x16xf32, #tpu.memory_space<vmem>>)
        tpu.yield
      }) : () -> ()
      %scan3A_127 = arith.constant 0 : i32
      %scan3A_128 = arith.constant 0 : i32
      %scan3A_129 = arith.constant 40 : i32
      %scan3A_130 = arith.addi %scan3A_128, %scan3A_129 : i32
      %scan3A_131 = arith.constant 1 : i32
      scf.for %scan3A_133 = %scan3A_128 to %scan3A_130 step %scan3A_131  : i32 {
        %get3A = arith.index_cast %scan3A_133 : i32 to index
        %get3A_134 = arith.constant 0 : index
        %get3A_135 = tpu.vector_load %arg9[%get3A, %get3A_134] {strides = array<i32>} : memref<40x16xf32, #tpu.memory_space<vmem>>, vector<1x16xf32>,
        %get3A_136 = vector.shape_cast %get3A_135 : vector<1x16xf32> to vector<16xf32>
        %max3A = arith.maximumf %get3A_136, %broadcast_in_dim3A_7 : vector<16xf32>
        %div3A = arith.divf %broadcast_in_dim3A_7, %max3A : vector<16xf32>
        %slice3A = vector.extract_strided_slice %div3A {offsets = [0], sizes = [1], strides = [1]} : vector<16xf32> to vector<1xf32>
        %squeeze3A = vector.extract %slice3A[0] : f32 from vector<1xf32>
        %get3A_137 = arith.index_cast %scan3A_133 : i32 to index
        %get3A_138 = arith.constant 0 : index
        %get3A_139 = tpu.vector_load %arg8[%get3A_137, %get3A_138] {strides = array<i32>} : memref<40x128xf32, #tpu.memory_space<vmem>>, vector<1x16xf32>,
        %get3A_140 = vector.shape_cast %get3A_139 : vector<1x16xf32> to vector<16xf32>
        %mul3A_141 = vector.broadcast %squeeze3A : f32 to vector<16xf32>
        %mul3A_142 = arith.mulf %get3A_140, %mul3A_141 : vector<16xf32>
        %swap3A = arith.index_cast %scan3A_133 : i32 to index
        %swap3A_143 = arith.constant 0 : index
        %swap3A_144 = tpu.vector_load %arg8[%swap3A, %swap3A_143] {strides = array<i32>} : memref<40x128xf32, #tpu.memory_space<vmem>>, vector<1x16xf32>,
        %swap3A_145 = vector.shape_cast %swap3A_144 : vector<1x16xf32> to vector<16xf32>
        %swap3A_146 = vector.shape_cast %mul3A_142 : vector<16xf32> to vector<1x16xf32>
        tpu.vector_store %arg8[%swap3A, %swap3A_143], %swap3A_146 {strides = array<i32>} : memref<40x128xf32, #tpu.memory_space<vmem>>, vector<1x16xf32>,
        %get3A_147 = arith.index_cast %scan3A_133 : i32 to index
        %get3A_148 = arith.constant 16 : index
        %get3A_149 = tpu.vector_load %arg8[%get3A_147, %get3A_148] {strides = array<i32>} : memref<40x128xf32, #tpu.memory_space<vmem>>, vector<1x16xf32>,
        %get3A_150 = vector.shape_cast %get3A_149 : vector<1x16xf32> to vector<16xf32>
        %mul3A_151 = vector.broadcast %squeeze3A : f32 to vector<16xf32>
        %mul3A_152 = arith.mulf %get3A_150, %mul3A_151 : vector<16xf32>
        %swap3A_153 = arith.index_cast %scan3A_133 : i32 to index
        %swap3A_154 = arith.constant 16 : index
        %swap3A_155 = tpu.vector_load %arg8[%swap3A_153, %swap3A_154] {strides = array<i32>} : memref<40x128xf32, #tpu.memory_space<vmem>>, vector<1x16xf32>,
        %swap3A_156 = vector.shape_cast %swap3A_155 : vector<1x16xf32> to vector<16xf32>
        %swap3A_157 = vector.shape_cast %mul3A_152 : vector<16xf32> to vector<1x16xf32>
        tpu.vector_store %arg8[%swap3A_153, %swap3A_154], %swap3A_157 {strides = array<i32>} : memref<40x128xf32, #tpu.memory_space<vmem>>, vector<1x16xf32>,
        %get3A_158 = arith.index_cast %scan3A_133 : i32 to index
        %get3A_159 = arith.constant 32 : index
        %get3A_160 = tpu.vector_load %arg8[%get3A_158, %get3A_159] {strides = array<i32>} : memref<40x128xf32, #tpu.memory_space<vmem>>, vector<1x16xf32>,
        %get3A_161 = vector.shape_cast %get3A_160 : vector<1x16xf32> to vector<16xf32>
        %mul3A_162 = vector.broadcast %squeeze3A : f32 to vector<16xf32>
        %mul3A_163 = arith.mulf %get3A_161, %mul3A_162 : vector<16xf32>
        %swap3A_164 = arith.index_cast %scan3A_133 : i32 to index
        %swap3A_165 = arith.constant 32 : index
        %swap3A_166 = tpu.vector_load %arg8[%swap3A_164, %swap3A_165] {strides = array<i32>} : memref<40x128xf32, #tpu.memory_space<vmem>>, vector<1x16xf32>,
        %swap3A_167 = vector.shape_cast %swap3A_166 : vector<1x16xf32> to vector<16xf32>
        %swap3A_168 = vector.shape_cast %mul3A_163 : vector<16xf32> to vector<1x16xf32>
        tpu.vector_store %arg8[%swap3A_164, %swap3A_165], %swap3A_168 {strides = array<i32>} : memref<40x128xf32, #tpu.memory_space<vmem>>, vector<1x16xf32>,
        %get3A_169 = arith.index_cast %scan3A_133 : i32 to index
        %get3A_170 = arith.constant 48 : index
        %get3A_171 = tpu.vector_load %arg8[%get3A_169, %get3A_170] {strides = array<i32>} : memref<40x128xf32, #tpu.memory_space<vmem>>, vector<1x16xf32>,
        %get3A_172 = vector.shape_cast %get3A_171 : vector<1x16xf32> to vector<16xf32>
        %mul3A_173 = vector.broadcast %squeeze3A : f32 to vector<16xf32>
        %mul3A_174 = arith.mulf %get3A_172, %mul3A_173 : vector<16xf32>
        %swap3A_175 = arith.index_cast %scan3A_133 : i32 to index
        %swap3A_176 = arith.constant 48 : index
        %swap3A_177 = tpu.vector_load %arg8[%swap3A_175, %swap3A_176] {strides = array<i32>} : memref<40x128xf32, #tpu.memory_space<vmem>>, vector<1x16xf32>,
        %swap3A_178 = vector.shape_cast %swap3A_177 : vector<1x16xf32> to vector<16xf32>
        %swap3A_179 = vector.shape_cast %mul3A_174 : vector<16xf32> to vector<1x16xf32>
        tpu.vector_store %arg8[%swap3A_175, %swap3A_176], %swap3A_179 {strides = array<i32>} : memref<40x128xf32, #tpu.memory_space<vmem>>, vector<1x16xf32>,
        %get3A_180 = arith.index_cast %scan3A_133 : i32 to index
        %get3A_181 = arith.constant 64 : index
        %get3A_182 = tpu.vector_load %arg8[%get3A_180, %get3A_181] {strides = array<i32>} : memref<40x128xf32, #tpu.memory_space<vmem>>, vector<1x16xf32>,
        %get3A_183 = vector.shape_cast %get3A_182 : vector<1x16xf32> to vector<16xf32>
        %mul3A_184 = vector.broadcast %squeeze3A : f32 to vector<16xf32>
        %mul3A_185 = arith.mulf %get3A_183, %mul3A_184 : vector<16xf32>
        %swap3A_186 = arith.index_cast %scan3A_133 : i32 to index
        %swap3A_187 = arith.constant 64 : index
        %swap3A_188 = tpu.vector_load %arg8[%swap3A_186, %swap3A_187] {strides = array<i32>} : memref<40x128xf32, #tpu.memory_space<vmem>>, vector<1x16xf32>,
        %swap3A_189 = vector.shape_cast %swap3A_188 : vector<1x16xf32> to vector<16xf32>
        %swap3A_190 = vector.shape_cast %mul3A_185 : vector<16xf32> to vector<1x16xf32>
        tpu.vector_store %arg8[%swap3A_186, %swap3A_187], %swap3A_190 {strides = array<i32>} : memref<40x128xf32, #tpu.memory_space<vmem>>, vector<1x16xf32>,
        %get3A_191 = arith.index_cast %scan3A_133 : i32 to index
        %get3A_192 = arith.constant 80 : index
        %get3A_193 = tpu.vector_load %arg8[%get3A_191, %get3A_192] {strides = array<i32>} : memref<40x128xf32, #tpu.memory_space<vmem>>, vector<1x16xf32>,
        %get3A_194 = vector.shape_cast %get3A_193 : vector<1x16xf32> to vector<16xf32>
        %mul3A_195 = vector.broadcast %squeeze3A : f32 to vector<16xf32>
        %mul3A_196 = arith.mulf %get3A_194, %mul3A_195 : vector<16xf32>
        %swap3A_197 = arith.index_cast %scan3A_133 : i32 to index
        %swap3A_198 = arith.constant 80 : index
        %swap3A_199 = tpu.vector_load %arg8[%swap3A_197, %swap3A_198] {strides = array<i32>} : memref<40x128xf32, #tpu.memory_space<vmem>>, vector<1x16xf32>,
        %swap3A_200 = vector.shape_cast %swap3A_199 : vector<1x16xf32> to vector<16xf32>
        %swap3A_201 = vector.shape_cast %mul3A_196 : vector<16xf32> to vector<1x16xf32>
        tpu.vector_store %arg8[%swap3A_197, %swap3A_198], %swap3A_201 {strides = array<i32>} : memref<40x128xf32, #tpu.memory_space<vmem>>, vector<1x16xf32>,
        %get3A_202 = arith.index_cast %scan3A_133 : i32 to index
        %get3A_203 = arith.constant 96 : index
        %get3A_204 = tpu.vector_load %arg8[%get3A_202, %get3A_203] {strides = array<i32>} : memref<40x128xf32, #tpu.memory_space<vmem>>, vector<1x16xf32>,
        %get3A_205 = vector.shape_cast %get3A_204 : vector<1x16xf32> to vector<16xf32>
        %mul3A_206 = vector.broadcast %squeeze3A : f32 to vector<16xf32>
        %mul3A_207 = arith.mulf %get3A_205, %mul3A_206 : vector<16xf32>
        %swap3A_208 = arith.index_cast %scan3A_133 : i32 to index
        %swap3A_209 = arith.constant 96 : index
        %swap3A_210 = tpu.vector_load %arg8[%swap3A_208, %swap3A_209] {strides = array<i32>} : memref<40x128xf32, #tpu.memory_space<vmem>>, vector<1x16xf32>,
        %swap3A_211 = vector.shape_cast %swap3A_210 : vector<1x16xf32> to vector<16xf32>
        %swap3A_212 = vector.shape_cast %mul3A_207 : vector<16xf32> to vector<1x16xf32>
        tpu.vector_store %arg8[%swap3A_208, %swap3A_209], %swap3A_212 {strides = array<i32>} : memref<40x128xf32, #tpu.memory_space<vmem>>, vector<1x16xf32>,
        %get3A_213 = arith.index_cast %scan3A_133 : i32 to index
        %get3A_214 = arith.constant 112 : index
        %get3A_215 = tpu.vector_load %arg8[%get3A_213, %get3A_214] {strides = array<i32>} : memref<40x128xf32, #tpu.memory_space<vmem>>, vector<1x16xf32>,
        %get3A_216 = vector.shape_cast %get3A_215 : vector<1x16xf32> to vector<16xf32>
        %mul3A_217 = vector.broadcast %squeeze3A : f32 to vector<16xf32>
        %mul3A_218 = arith.mulf %get3A_216, %mul3A_217 : vector<16xf32>
        %swap3A_219 = arith.index_cast %scan3A_133 : i32 to index
        %swap3A_220 = arith.constant 112 : index
        %swap3A_221 = tpu.vector_load %arg8[%swap3A_219, %swap3A_220] {strides = array<i32>} : memref<40x128xf32, #tpu.memory_space<vmem>>, vector<1x16xf32>,
        %swap3A_222 = vector.shape_cast %swap3A_221 : vector<1x16xf32> to vector<16xf32>
        %swap3A_223 = vector.shape_cast %mul3A_218 : vector<16xf32> to vector<1x16xf32>
        tpu.vector_store %arg8[%swap3A_219, %swap3A_220], %swap3A_223 {strides = array<i32>} : memref<40x128xf32, #tpu.memory_space<vmem>>, vector<1x16xf32>,
      }
      %scan3A_132 = arith.constant 40 : i32
      "tpu.region"() ({
        %run_scoped3A = tpu.sem_alloc : memref<!tpu.dma_semaphore, #tpu.memory_space<semaphore_mem>>
        %dma_start3A_133 = tpu.memref_slice %arg5[%multiple_of3A_126, %mul3A_0] : memref<10000x256xf32, #tpu.memory_space<hbm>> -> memref<40x128xf32, #tpu.memory_space<hbm>>
        %dma_start3A_134 = tpu.memref_slice %arg5[%multiple_of3A_126, %mul3A_0] : memref<10000x256xf32, #tpu.memory_space<hbm>> -> memref<40x128xf32, #tpu.memory_space<hbm>>
        tpu.enqueue_dma source(%arg8 : memref<40x128xf32, #tpu.memory_space<vmem>>) target(%dma_start3A_134 : memref<40x128xf32, #tpu.memory_space<hbm>>) target_semaphore(%run_scoped3A : memref<!tpu.dma_semaphore, #tpu.memory_space<semaphore_mem>>)
        %dma_wait3A_135 = tpu.memref_slice %arg5[%multiple_of3A_126, %mul3A_0] : memref<10000x256xf32, #tpu.memory_space<hbm>> -> memref<40x128xf32, #tpu.memory_space<hbm>>
        %dma_wait3A_136 = tpu.memref_slice %arg5[%multiple_of3A_126, %mul3A_0] : memref<10000x256xf32, #tpu.memory_space<hbm>> -> memref<40x128xf32, #tpu.memory_space<hbm>>
        tpu.wait_dma2 semaphore(%run_scoped3A : memref<!tpu.dma_semaphore, #tpu.memory_space<semaphore_mem>>) src(%arg8 : memref<40x128xf32, #tpu.memory_space<vmem>>) dst(%dma_wait3A_136 : memref<40x128xf32, #tpu.memory_space<hbm>>)
        tpu.yield
      }) : () -> ()
    }
    return
  }
}

</mosaic_0001>

<sc_bundles>
// kernel: _pool_mean.4.cloned.1.call-start
scs
__scs_entry_jumppad:
0x0: {  	(pc) =	sbr.rel $0x88, $3  }
0x1: {  	(tag) =	ssettag $0x0;
	lr =	simm.s32 $0x1  }
0x2: {  	[smem:$0x3F9F] =	sst lr;
	_ =	strace $0xD0000000  }
0x3: {  	_ = 	snop  }
0x4: {  	_ = 	snop  }
0x5: {  	_ = 	snop  }
0x6: {  	_ = 	snop  }
0x7: {  	_ = 	snop  }
__scs_overlays_trampoline_lowered:
0x8: {  	[smem:$0x3FAE] =	sst s0  }
0x9: {  	[smem:$0x3FAF] =	sst s1  }
0xa: {  	[smem:$0x3FB0] =	sst s2  }
0xb: {  	[smem:$0x3FB1] =	sst s3  }
0xc: {  	[smem:$0x3FB2] =	sst s4  }
0xd: {  	[smem:$0x3FB3] =	sst s5  }
0xe: {  	[smem:$0x3FB4] =	sst s6  }
0xf: {  	[smem:$0x3FB5] =	sst s7  }
0x10: {  	[smem:$0x3FB6] =	sst s8  }
0x11: {  	[smem:$0x3FB7] =	sst s9;
	s0 =	simm.s32 @!p0 $0x0  }
0x12: {  	s1 =	sld [smem:$0x3F9D];
	s0 =	simm.s32 @p0 $0x1  }
0x13: {  	[smem:$0x3FB8] =	sst s0;
	s0 =	simm.s32 @!p1 $0x0  }
0x14: {  	s2 =	sld [smem:$0x3F9C];
	s0 =	simm.s32 @p1 $0x1  }
0x15: {  	[smem:$0x3FB9] =	sst s0;
	s0 =	simm.s32 @!p2 $0x0  }
0x16: {  	s3 =	sld [smem:$0x3FDB];
	s0 =	simm.s32 @p2 $0x1  }
0x17: {  	s4 =	simm.s32 $0x1BF5;
	[smem:$0x3FBB] =	sst s0  }
0x18: {  	s0 =	sld [smem:$0x3F9E];
	_ =	swait.ge [sflag:s4], $0x0  }
0x19: {  	s7 =	sld [smem:$0x3F9F]  }
0x1a: {  	s8 =	sadd.s32 $0xFFFFE003, lr  }
0x1b: {  	s9 =	sadd.s32 $0xFFFFFEF7, lr;
	s5 =	simm.s32 $0xFFFFFFFF;
	p2 =	slt.u32 s8, $0xFFFFF086  }
0x1c: {  	p1 =	slt.u32 s9, $0xF7A;
	s5 =	simm.s32 @!p2 $0x0  }
0x1d: {  	s5 =	simm.s32 @p1 $0x1;
	p0 =	seq.s32 s7, s2  }
0x1e: {  	s7 =	smul.u32 @!p0 $0xF7A, s2;
	p2 =	seq.s32 @!p0 s5, $0x0  }
0x1f: {  	s9 =	smul.u32 $0xF7A, s1;
	s8 =	simm.s32 @!p0 $0x1BF5;
	p2 =	por !p2, p0  }
0x20: {  	[sflag:s8] =	ssyncset.s32 @!p0 $0xFFFFF086;
	s6 =	sadd.s32 @!p0 s3, s7;
	s7 =	simm.s32 @!p0 $0x108  }
0x21: {  	s3 =	sadd.s32 s3, s9;
	s6 =	sadd.s32 @!p0 $0x88, s6;
	s7 =	simm.s32 @p2 $0x1082  }
0x22: {  	[simem:s7], [sflag:s8] =	dma.local @!p0 [hbm:s6], $0xF7A  }
0x23: {  	s9 =	sor.u32 $0xD0000000, s2;
	s6 =	simm.s32 $0x108;
	_ =	swait.ge @!p0 [sflag:s8], $0x0  }
0x24: {  	s3 =	sadd.s32 $0x88, s3;
	s6 =	simm.s32 @!p1 $0x1082;
	[sflag:s4] =	ssyncset.s32 $0xFFFFF086  }
0x25: {  	[simem:s6], [sflag:s4] =	dma.local [hbm:s3], $0xF7A  }
0x26: {  	[smem:$0x3F9F] =	sst s1;
	(tag) =	ssettag s2;
	_ =	strace s9  }
0x27: {  	s1 =	sld [smem:$0x3FAF]  }
0x28: {  	s2 =	sld [smem:$0x3FB0]  }
0x29: {  	s4 =	sld [smem:$0x3FB2]  }
0x2a: {  	p0 =	seq.s32 s5, $0x0;
	s5 =	sld [smem:$0x3FB3]  }
0x2b: {  	s6 =	sld [smem:$0x3FB4]  }
0x2c: {  	s7 =	sld [smem:$0x3FB5]  }
0x2d: {  	s3 =	simm.s32 $0x108;
	s8 =	sld [smem:$0x3FB6]  }
0x2e: {  	s3 =	simm.s32 @!p0 $0x1082;
	s9 =	sld [smem:$0x3FB7]  }
0x2f: {  	lr =	sadd.s32 s0, s3;
	s0 =	sld [smem:$0x3FAE]  }
0x30: {  	s3 =	sld [smem:$0x3FB1]  }
0x31: {  	[smem:$0x3FBA] =	sst s10  }
0x32: {  	s10 =	sld [smem:$0x3FB8];
	_ =	sdelay $0x3  }
0x33: {  	p0 =	seq.s32 s10, $0x1;
	s10 =	sld [smem:$0x3FBA];
	_ =	sdelay $0x3  }
0x34: {  	[smem:$0x3FBA] =	sst s10  }
0x35: {  	s10 =	sld [smem:$0x3FB9];
	_ =	sdelay $0x3  }
0x36: {  	p1 =	seq.s32 s10, $0x1;
	s10 =	sld [smem:$0x3FBA];
	_ =	sdelay $0x3  }
0x37: {  	[smem:$0x3FBA] =	sst s10  }
0x38: {  	s10 =	sld [smem:$0x3FBB]  }
0x39: {  	_ = 	snop;
	(pc) =	sbr.ind lr, $3  }
0x3a: {  	_ = 	snop  }
0x3b: {  	_ = 	snop  }
0x3c: {  	p2 =	seq.s32 s10, $0x1;
	s10 =	sld [smem:$0x3FBA]  }
0x3d: {  	_ =	shalt  }
0x3e: {  	_ =	shalt  }
0x3f: {  	_ =	shalt  }
0x40: {  	_ =	shalt  }
0x41: {  	_ =	shalt  }
0x42: {  	_ =	shalt  }
0x43: {  	_ =	shalt  }
0x44: {  	_ =	shalt  }
0x45: {  	_ =	shalt  }
0x46: {  	_ =	shalt  }
0x47: {  	_ =	shalt  }
0x48: {  	_ =	shalt  }
0x49: {  	_ =	shalt  }
0x4a: {  	_ =	shalt  }
0x4b: {  	_ =	shalt  }
0x4c: {  	_ =	shalt  }
0x4d: {  	_ =	shalt  }
0x4e: {  	_ =	shalt  }
0x4f: {  	_ =	shalt  }
0x50: {  	_ =	shalt  }
0x51: {  	_ =	shalt  }
0x52: {  	_ =	shalt  }
0x53: {  	_ =	shalt  }
0x54: {  	_ =	shalt  }
0x55: {  	_ =	shalt  }
0x56: {  	_ =	shalt  }
0x57: {  	_ =	shalt  }
0x58: {  	_ =	shalt  }
0x59: {  	_ =	shalt  }
0x5a: {  	_ =	shalt  }
0x5b: {  	_ =	shalt  }
0x5c: {  	_ =	shalt  }
0x5d: {  	_ =	shalt  }
0x5e: {  	_ =	shalt  }
0x5f: {  	_ =	shalt  }
0x60: {  	_ =	shalt  }
0x61: {  	_ =	shalt  }
0x62: {  	_ =	shalt  }
0x63: {  	_ =	shalt  }
0x64: {  	_ =	shalt  }
0x65: {  	_ =	shalt  }
0x66: {  	_ =	shalt  }
0x67: {  	_ =	shalt  }
0x68: {  	_ =	shalt  }
0x69: {  	_ =	shalt  }
0x6a: {  	_ =	shalt  }
0x6b: {  	_ =	shalt  }
0x6c: {  	_ =	shalt  }
0x6d: {  	_ =	shalt  }
0x6e: {  	_ =	shalt  }
0x6f: {  	_ =	shalt  }
0x70: {  	_ =	shalt  }
0x71: {  	_ =	shalt  }
0x72: {  	_ =	shalt  }
0x73: {  	_ =	shalt  }
0x74: {  	_ =	shalt  }
0x75: {  	_ =	shalt  }
0x76: {  	_ =	shalt  }
0x77: {  	_ =	shalt  }
0x78: {  	_ =	shalt  }
0x79: {  	_ =	shalt  }
0x7a: {  	_ =	shalt  }
0x7b: {  	_ =	shalt  }
0x7c: {  	_ =	shalt  }
0x7d: {  	_ =	shalt  }
0x7e: {  	_ =	shalt  }
0x7f: {  	_ =	shalt  }
0x80: {  	_ =	shalt  }
0x81: {  	_ =	shalt  }
0x82: {  	_ =	shalt  }
0x83: {  	_ =	shalt  }
0x84: {  	_ =	shalt  }
0x85: {  	_ =	shalt  }
0x86: {  	_ =	shalt  }
0x87: {  	_ =	shalt  }
.Lfunc_end0:
.L_simem_size_0:
called_computation_lowered:
.L_overlay_start_0:
0x88: {  	s2 =	sld [smem:$0x3FD9]  }
0x89: {  	s3 =	sld [smem:$0x3FFE];
	_ =	sdelay $0x1  }
0x8a: {  	s1 =	srdreg.scid  }
0x8b: {  	s0 =	sand.u32 $0x1, s1  }
0x8c: {  	s17 =	sshll.u32 s0, $0xA;
	s2 =	sadd.s32 s3, s2  }
0x8d: {  	s2 =	sadd.s32 s2, s17  }
0x8e: {  	[smem:$0x3FC6] =	sst s2  }
0x8f: {  	_ = 	snop  }
0x90: {  	s2 =	sld [smem:$0x3FD0];
	(tm) =	ssettm $0x1  }
0x91: {  	s18 =	sld [smem:$0x3FFB];
	_ =	sdelay $0x3  }
0x92: {  	_ =	strace s18  }
0x93: {  	s3 =	sld [smem:$0x3FFC];
	_ =	sdelay $0x3  }
0x94: {  	_ =	strace s3  }
0x95: {  	s3 =	sld [smem:$0x3FFD];
	_ =	sdelay $0x3  }
0x96: {  	_ =	strace s3  }
0x97: {  	_ =	strace $0x8FFFFFFF  }
0x98: {  	s19 =	sld [smem:$0x3FDB];
	_ =	sdelay $0x1  }
0x99: {  	s4 =	simm.s32 $_scs_section_size  }
0x9a: {  	s5 =	simm.s32 $_size__tile_overlayer_lowered;
	s6 =	simm.s32 $_tile_overlayer_lowered  }
0x9b: {  	s22 =	simm.s32 $0x1BFF;
	s21 =	sshll.u32 s6, $0x1;
	s3 =	sadd.s32 s4, s19  }
0x9c: {  	s7 =	simm.s32 $0x0;
	s20 =	sshll.u32 s5, $0x1;
	s5 =	sadd.s32 s21, s3  }
0x9d: {  	[timem:s7], [sflag:s22] =	dma.local [hbm:s5], s20  }
0x9e: {  	_ =	swait.ge [sflag:s22], s20  }
0x9f: {  	s4 =	ssub.s32 $0x0, s20;
	[sflag:s22] =	ssyncset.done $0x0  }
0xa0: {  	[sflag:s22] =	ssyncadd.s32 s4;
	_ =	sdelay $0x1  }
0xa1: {  	s23 =	simm.s32 $0x1B8B  }
0xa2: {  	_ =	swait.ge [sflag:s23], $0x1  }
0xa3: {  	[sflag:s23] =	ssyncset.done $0x0  }
0xa4: {  	s25 =	simm.s32 $0x1B8E;
	s24 =	sld [smem:$0x3FFE];
	[sflag:s23] =	ssyncadd.s32 $0xFFFFFFFF  }
0xa5: {  	s26 =	simm.s32 $execute0_lowered;
	[smem:$0x3FD2] =	sst s25  }
0xa6: {  	s5 =	sshll.u32 s26, $0x1;
	_ =	strace $0x80000046;
	[dreg:$0x1] =	wrdreg $0xFFFFFFFF  }
0xa7: {  	s28 =	simm.s32 $_size_execute0_lowered;
	s3 =	sadd.s32 s3, s5;
	[dreg:$0x0] =	wrdreg $0x0  }
0xa8: {  	s5 =	sshll.u32 s28, $0x1;
	[dreg:$0x2] =	wrdreg s3  }
0xa9: {  	[dreg:$0x3] =	wrdreg s5  }
0xaa: {  	[dreg:$0x4] =	wrdreg $0xC0  }
0xab: {  	_ =	task [dreg:s7], $0x5FFFF  }
0xac: {  	[dreg:$0x1] =	wrdreg $0xFFFFFFFF  }
0xad: {  	[dreg:$0x0] =	wrdreg $0x60  }
0xae: {  	[dreg:$0x2] =	wrdreg s2  }
0xaf: {  	[dreg:$0x3] =	wrdreg s24  }
0xb0: {  	[dreg:$0x4] =	wrdreg $0x32000  }
0xb1: {  	[dreg:$0x5] =	wrdreg $0x9  }
0xb2: {  	_ =	task.clear_ibuf [dreg:s7], $0x6FFFF;
	_ =	strace $0x90000046  }
0xb3: {  	s29 =	simm.s32 $0x9;
	_ =	strace $0x80000048  }
0xb4: {  	_ =	swait.ge [sflag:s29], $0x1  }
0xb5: {  	[sflag:s29] =	ssyncadd.s32 $0xFFFFFFFF  }
0xb6: {  	_ =	strace $0x90000048  }
0xb7: {  	_ =	sfence  }
0xb8: {  	s30 =	sld [smem:$0x0];
	_ =	sdelay $0x2  }
0xb9: {  	s31 =	sshll.u32 s1, $0xD;
	s1 =	sshrl.u32 s1, $0x2  }
0xba: {  	s3 =	sand.u32 $0x4000, s31;
	s1 =	sadd.s32 s1, s30  }
0xbb: {  	s0 =	sor.u32 s3, s0;
	s1 =	sshll.u32 s1, $0x11  }
0xbc: {  	s0 =	sor.u32 s1, s0  }
0xbd: {  	s0 =	sadd.s32 $0x8F2B, s0  }
0xbe: {  	[sflag:s0] =	ssyncadd.remote.s32 $0x1  }
0xbf: {  	_ =	sfence.sel $0xFFFF  }
0xc0: {  	[dreg:$0x0] =	wrdreg $0xFFFFFFFF;
	(pc) =	sbr.abs _section_cstart, $3  }
0xc1: {  	[dreg:$0x1] =	wrdreg $0xFFFFFFFF  }
0xc2: {  	_ =	task.clear_ibuf [dreg:s7], $0x2FFFF;
	_ =	strace $0x9FFFFFFF  }
0xc3: {  	(tm) =	ssettm $0x7FFFFFFF  }
tec
execute0_lowered:
.L_overlay_start_1:
0x0: {  	(tag) =	ssettag $0x1  }
0x1: {  	s0 =	rddreg [dreg:$0x0]  }
0x2: {  	s1 =	rddreg [dreg:$0x1]  }
0x3: {  	s2 =	rddreg [dreg:$0x2];
	s8 =	stileid.u32  }
0x4: {  	s3 =	simm.s32 $0x0;
	s5 =	srdreg.scid;
	s16 =	simm.s32 $0x2  }
0x5: {  	s17 =	simm.s32 $0x50;
	s18 =	simm.s32 $0x2800;
	s30 =	simm.s32 $0x1  }
0x6: {  	s19 =	simm.s32 $0x2440;
	s20 =	simm.s32 $0x2490;
	s21 =	simm.s32 $0x24E0  }
0x7: {  	s22 =	simm.s32 $0x2530;
	s23 =	simm.s32 $0x2580;
	s24 =	simm.s32 $0x25D0  }
0x8: {  	s25 =	simm.s32 $0x2620;
	s26 =	simm.s32 $0x2670;
	s4 =	smul.u32 $0x2800, s8  }
0x9: {  	s28 =	simm.s32 $0x0;
	[smem:$0x7FF] =	sst s3;
	s29 =	smul.u32 $0xA000, s8  }
0xa: {  	s15 =	sand.u32 $0x1, s5;
	s12 =	smul.u32 $0x500, s8;
	_ =	strace $0x80000047  }
0xb: {  	s7 =	ssub.s32 $0x2, s15;
	p0 =	sne.s32 s15, $0x0;
	s15 =	simm.s32 $0x2D00  }
0xc: {  	s6 =	sshrl.u32 s4, $0x3;
	s31 =	sshrl.u32 s7, $0x1;
	s5 =	sshrl.u32 s29, $0x2  }
0xd: {  	s4 =	sadd.s32 s4, s2;
	s12 =	sadd.s32 s0, s12;
	s11 =	sadd.s32 s5, s2  }
0xe: {  	s1 =	sadd.s32 s6, s1;
	s14 =	ssub.s32 s7, s31;
	s5 =	sadd.s32 $0x500, s11  }
0xf: {  	s6 =	sadd.s32 $0xA00, s11;
	s7 =	sadd.s32 $0xF00, s11;
	s8 =	sadd.s32 $0x1400, s11  }
0x10: {  	s9 =	sadd.s32 $0x1900, s11;
	s10 =	sadd.s32 $0x1E00, s11;
	s11 =	sadd.s32 $0x2300, s11  }
0x11: {  	v0 =	vimm.f32 $0.0e+00;
	v1 =	vimm.f32 $1.000000000e+00;
	s13 =	sadd.s32 $0x8A00, s1;
	s14 =	smax.u32 s14, $0x1;
	s1 =	simm.s32 $0x26C0  }
.LBB2_1:
0x12: {  	s29 =	simm.s32 $0x40;
	s31 =	simm.s32 $0x0  }
.LBB2_2:
0x13: {  	p1 =	sne.s32 s29, $0x13C0;
	[tilespmem:s31+$0x2D00] =	vst v0;
	s0 =	smov.u32 s29;
	s29 =	sadd.s32 $0x40, s29  }
.Ltmp0:
0x14: {  	[tilespmem:s31+$0x2800] =	vst v1;
	(pc) =	sbr.rel @p1 .LBB2_2-.Ltmp0, $2  }
0x15: {  	_ =	sdelay $0x2  }
0x16: {  	s31 =	sshra.s32 s0, $0x2  }
0x17: {  	[tilespmem:s31+$0x2D00] =	vst v0  }
0x18: {  	[tilespmem:s31+$0x2800] =	vst v1  }
0x19: {  	[spmem:s4] =	stream.linear.scatter [tilespmem:s15], [sflag:$0x2], $0x500, $0x38;
	[tilespmem:$0x5A00] =	vst v63  }
0x1a: {  	_ =	swait.ge [sflag:s16], $0x500  }
0x1b: {  	[sflag:s16] =	ssyncset.done $0x0  }
0x1c: {  	[sflag:s16] =	ssyncadd.s32 $0xFFFFFB00  }
0x1d: {  	[spmem:s5] =	stream.linear.scatter [tilespmem:s15], [sflag:$0x2], $0x500, $0x38;
	[tilespmem:$0x5A00] =	vst v63  }
0x1e: {  	_ =	swait.ge [sflag:s16], $0x500  }
0x1f: {  	[sflag:s16] =	ssyncset.done $0x0  }
0x20: {  	[sflag:s16] =	ssyncadd.s32 $0xFFFFFB00  }
0x21: {  	[spmem:s6] =	stream.linear.scatter [tilespmem:s15], [sflag:$0x2], $0x500, $0x38;
	[tilespmem:$0x5A00] =	vst v63  }
0x22: {  	_ =	swait.ge [sflag:s16], $0x500  }
0x23: {  	[sflag:s16] =	ssyncset.done $0x0  }
0x24: {  	[sflag:s16] =	ssyncadd.s32 $0xFFFFFB00  }
0x25: {  	[spmem:s7] =	stream.linear.scatter [tilespmem:s15], [sflag:$0x2], $0x500, $0x38;
	[tilespmem:$0x5A00] =	vst v63  }
0x26: {  	_ =	swait.ge [sflag:s16], $0x500  }
0x27: {  	[sflag:s16] =	ssyncset.done $0x0  }
0x28: {  	[sflag:s16] =	ssyncadd.s32 $0xFFFFFB00  }
0x29: {  	[spmem:s8] =	stream.linear.scatter [tilespmem:s15], [sflag:$0x2], $0x500, $0x38;
	[tilespmem:$0x5A00] =	vst v63  }
0x2a: {  	_ =	swait.ge [sflag:s16], $0x500  }
0x2b: {  	[sflag:s16] =	ssyncset.done $0x0  }
0x2c: {  	[sflag:s16] =	ssyncadd.s32 $0xFFFFFB00  }
0x2d: {  	[spmem:s9] =	stream.linear.scatter [tilespmem:s15], [sflag:$0x2], $0x500, $0x38;
	[tilespmem:$0x5A00] =	vst v63  }
0x2e: {  	_ =	swait.ge [sflag:s16], $0x500  }
0x2f: {  	[sflag:s16] =	ssyncset.done $0x0  }
0x30: {  	[sflag:s16] =	ssyncadd.s32 $0xFFFFFB00  }
0x31: {  	[spmem:s10] =	stream.linear.scatter [tilespmem:s15], [sflag:$0x2], $0x500, $0x38;
	[tilespmem:$0x5A00] =	vst v63  }
0x32: {  	_ =	swait.ge [sflag:s16], $0x500  }
0x33: {  	[sflag:s16] =	ssyncset.done $0x0  }
0x34: {  	[sflag:s16] =	ssyncadd.s32 $0xFFFFFB00  }
0x35: {  	[spmem:s11] =	stream.linear.scatter [tilespmem:s15], [sflag:$0x2], $0x500, $0x38;
	[tilespmem:$0x5A00] =	vst v63  }
0x36: {  	_ =	swait.ge [sflag:s16], $0x500  }
0x37: {  	[sflag:s16] =	ssyncset.done $0x0  }
0x38: {  	[sflag:s16] =	ssyncadd.s32 $0xFFFFFB00  }
0x39: {  	[bflag:$0x0] =	sbarrier.arrive $0xFFFF  }
0x3a: {  	[tilespmem:s3], [sflag:$0x2] =	stream.linear.gather [hbm4b:s12+s3], $0x2800, $0x38;
	[tilespmem:$0x5A00] =	vst v63  }
0x3b: {  	_ =	swait.ge [sflag:s16], $0x2800  }
0x3c: {  	[sflag:s16] =	ssyncset.done $0x0  }
0x3d: {  	[sflag:s16] =	ssyncadd.s32 $0xFFFFD800  }
0x3e: {  	[spmem:s2] =	stream.indirect.scatter.add.f32 [tilespmem:s18], [sflag:$0x1], $0x10, s3, s17, $0xb8;
	[tilespmem:$0x5A00] =	vst v63  }
0x3f: {  	_ = 	snop  }
0x40: {  	[spmem:s2] =	stream.indirect.scatter.add.f32 [tilespmem:s18], [sflag:$0x1], $0x10, s17, s17, $0xb8;
	[tilespmem:$0x5A00] =	vst v63  }
0x41: {  	s0 =	simm.s32 $0xA0  }
0x42: {  	[spmem:s2] =	stream.indirect.scatter.add.f32 [tilespmem:s18], [sflag:$0x1], $0x10, s0, s17, $0xb8;
	[tilespmem:$0x5A00] =	vst v63  }
0x43: {  	s31 =	simm.s32 $0xF0  }
0x44: {  	[spmem:s2] =	stream.indirect.scatter.add.f32 [tilespmem:s18], [sflag:$0x1], $0x10, s31, s17, $0xb8;
	[tilespmem:$0x5A00] =	vst v63  }
0x45: {  	s29 =	simm.s32 $0x140  }
0x46: {  	[spmem:s2] =	stream.indirect.scatter.add.f32 [tilespmem:s18], [sflag:$0x1], $0x10, s29, s17, $0xb8;
	[tilespmem:$0x5A00] =	vst v63  }
0x47: {  	s31 =	simm.s32 $0x190  }
0x48: {  	[spmem:s2] =	stream.indirect.scatter.add.f32 [tilespmem:s18], [sflag:$0x1], $0x10, s31, s17, $0xb8;
	[tilespmem:$0x5A00] =	vst v63  }
0x49: {  	s29 =	simm.s32 $0x1E0  }
0x4a: {  	[spmem:s2] =	stream.indirect.scatter.add.f32 [tilespmem:s18], [sflag:$0x1], $0x10, s29, s17, $0xb8;
	[tilespmem:$0x5A00] =	vst v63  }
0x4b: {  	s31 =	simm.s32 $0x230  }
0x4c: {  	[spmem:s2] =	stream.indirect.scatter.add.f32 [tilespmem:s18], [sflag:$0x1], $0x10, s31, s17, $0xb8;
	[tilespmem:$0x5A00] =	vst v63  }
0x4d: {  	s29 =	simm.s32 $0x280  }
0x4e: {  	[spmem:s2] =	stream.indirect.scatter.add.f32 [tilespmem:s18], [sflag:$0x1], $0x10, s29, s17, $0xb8;
	[tilespmem:$0x5A00] =	vst v63  }
0x4f: {  	s31 =	simm.s32 $0x2D0  }
0x50: {  	[spmem:s2] =	stream.indirect.scatter.add.f32 [tilespmem:s18], [sflag:$0x1], $0x10, s31, s17, $0xb8;
	[tilespmem:$0x5A00] =	vst v63  }
0x51: {  	s29 =	simm.s32 $0x320  }
0x52: {  	[spmem:s2] =	stream.indirect.scatter.add.f32 [tilespmem:s18], [sflag:$0x1], $0x10, s29, s17, $0xb8;
	[tilespmem:$0x5A00] =	vst v63  }
0x53: {  	s31 =	simm.s32 $0x370  }
0x54: {  	[spmem:s2] =	stream.indirect.scatter.add.f32 [tilespmem:s18], [sflag:$0x1], $0x10, s31, s17, $0xb8;
	[tilespmem:$0x5A00] =	vst v63  }
0x55: {  	s29 =	simm.s32 $0x3C0  }
0x56: {  	[spmem:s2] =	stream.indirect.scatter.add.f32 [tilespmem:s18], [sflag:$0x1], $0x10, s29, s17, $0xb8;
	[tilespmem:$0x5A00] =	vst v63  }
0x57: {  	s31 =	simm.s32 $0x410  }
0x58: {  	[spmem:s2] =	stream.indirect.scatter.add.f32 [tilespmem:s18], [sflag:$0x1], $0x10, s31, s17, $0xb8;
	[tilespmem:$0x5A00] =	vst v63  }
0x59: {  	s29 =	simm.s32 $0x460  }
0x5a: {  	[spmem:s2] =	stream.indirect.scatter.add.f32 [tilespmem:s18], [sflag:$0x1], $0x10, s29, s17, $0xb8;
	[tilespmem:$0x5A00] =	vst v63  }
0x5b: {  	s31 =	simm.s32 $0x4B0  }
0x5c: {  	[spmem:s2] =	stream.indirect.scatter.add.f32 [tilespmem:s18], [sflag:$0x1], $0x10, s31, s17, $0xb8;
	[tilespmem:$0x5A00] =	vst v63  }
0x5d: {  	s29 =	simm.s32 $0x500  }
0x5e: {  	[spmem:s2] =	stream.indirect.scatter.add.f32 [tilespmem:s18], [sflag:$0x1], $0x10, s29, s17, $0xb8;
	[tilespmem:$0x5A00] =	vst v63  }
0x5f: {  	s31 =	simm.s32 $0x550  }
0x60: {  	[spmem:s2] =	stream.indirect.scatter.add.f32 [tilespmem:s18], [sflag:$0x1], $0x10, s31, s17, $0xb8;
	[tilespmem:$0x5A00] =	vst v63  }
0x61: {  	s29 =	simm.s32 $0x5A0  }
0x62: {  	[spmem:s2] =	stream.indirect.scatter.add.f32 [tilespmem:s18], [sflag:$0x1], $0x10, s29, s17, $0xb8;
	[tilespmem:$0x5A00] =	vst v63  }
0x63: {  	s31 =	simm.s32 $0x5F0  }
0x64: {  	[spmem:s2] =	stream.indirect.scatter.add.f32 [tilespmem:s18], [sflag:$0x1], $0x10, s31, s17, $0xb8;
	[tilespmem:$0x5A00] =	vst v63  }
0x65: {  	s29 =	simm.s32 $0x640  }
0x66: {  	[spmem:s2] =	stream.indirect.scatter.add.f32 [tilespmem:s18], [sflag:$0x1], $0x10, s29, s17, $0xb8;
	[tilespmem:$0x5A00] =	vst v63  }
0x67: {  	s31 =	simm.s32 $0x690  }
0x68: {  	[spmem:s2] =	stream.indirect.scatter.add.f32 [tilespmem:s18], [sflag:$0x1], $0x10, s31, s17, $0xb8;
	[tilespmem:$0x5A00] =	vst v63  }
0x69: {  	s29 =	simm.s32 $0x6E0  }
0x6a: {  	[spmem:s2] =	stream.indirect.scatter.add.f32 [tilespmem:s18], [sflag:$0x1], $0x10, s29, s17, $0xb8;
	[tilespmem:$0x5A00] =	vst v63  }
0x6b: {  	s31 =	simm.s32 $0x730  }
0x6c: {  	[spmem:s2] =	stream.indirect.scatter.add.f32 [tilespmem:s18], [sflag:$0x1], $0x10, s31, s17, $0xb8;
	[tilespmem:$0x5A00] =	vst v63  }
0x6d: {  	s29 =	simm.s32 $0x780  }
0x6e: {  	[spmem:s2] =	stream.indirect.scatter.add.f32 [tilespmem:s18], [sflag:$0x1], $0x10, s29, s17, $0xb8;
	[tilespmem:$0x5A00] =	vst v63  }
0x6f: {  	_ =	swait.ge [sflag:s30], $0x500  }
0x70: {  	[sflag:s30] =	ssyncset.done $0x0  }
0x71: {  	[sflag:s30] =	ssyncadd.s32 $0xFFFFFB00  }
0x72: {  	_ =	swait.ge [sflag:s30], $0x500  }
0x73: {  	[sflag:s30] =	ssyncset.done $0x0  }
0x74: {  	[sflag:s30] =	ssyncadd.s32 $0xFFFFFB00  }
0x75: {  	_ =	swait.ge [sflag:s30], $0x500  }
0x76: {  	[sflag:s30] =	ssyncset.done $0x0  }
0x77: {  	[sflag:s30] =	ssyncadd.s32 $0xFFFFFB00  }
0x78: {  	_ =	swait.ge [sflag:s30], $0x500  }
0x79: {  	[sflag:s30] =	ssyncset.done $0x0  }
0x7a: {  	[sflag:s30] =	ssyncadd.s32 $0xFFFFFB00  }
0x7b: {  	_ =	swait.ge [sflag:s30], $0x500  }
0x7c: {  	[sflag:s30] =	ssyncset.done $0x0  }
0x7d: {  	[sflag:s30] =	ssyncadd.s32 $0xFFFFFB00  }
0x7e: {  	_ =	swait.ge [sflag:s30], $0x500  }
0x7f: {  	[sflag:s30] =	ssyncset.done $0x0  }
0x80: {  	[sflag:s30] =	ssyncadd.s32 $0xFFFFFB00  }
0x81: {  	_ =	swait.ge [sflag:s30], $0x500  }
0x82: {  	[sflag:s30] =	ssyncset.done $0x0  }
0x83: {  	[sflag:s30] =	ssyncadd.s32 $0xFFFFFB00  }
0x84: {  	_ =	swait.ge [sflag:s30], $0x500  }
0x85: {  	[sflag:s30] =	ssyncset.done $0x0  }
0x86: {  	[sflag:s30] =	ssyncadd.s32 $0xFFFFFB00  }
0x87: {  	_ =	swait.ge [sflag:s30], $0x500  }
0x88: {  	[sflag:s30] =	ssyncset.done $0x0  }
0x89: {  	[sflag:s30] =	ssyncadd.s32 $0xFFFFFB00  }
0x8a: {  	_ =	swait.ge [sflag:s30], $0x500  }
0x8b: {  	[sflag:s30] =	ssyncset.done $0x0  }
0x8c: {  	[sflag:s30] =	ssyncadd.s32 $0xFFFFFB00  }
0x8d: {  	_ =	swait.ge [sflag:s30], $0x500  }
0x8e: {  	[sflag:s30] =	ssyncset.done $0x0  }
0x8f: {  	[sflag:s30] =	ssyncadd.s32 $0xFFFFFB00  }
0x90: {  	_ =	swait.ge [sflag:s30], $0x500  }
0x91: {  	[sflag:s30] =	ssyncset.done $0x0  }
0x92: {  	[sflag:s30] =	ssyncadd.s32 $0xFFFFFB00  }
0x93: {  	_ =	swait.ge [sflag:s30], $0x500  }
0x94: {  	[sflag:s30] =	ssyncset.done $0x0  }
0x95: {  	[sflag:s30] =	ssyncadd.s32 $0xFFFFFB00  }
0x96: {  	_ =	swait.ge [sflag:s30], $0x500  }
0x97: {  	[sflag:s30] =	ssyncset.done $0x0  }
0x98: {  	[sflag:s30] =	ssyncadd.s32 $0xFFFFFB00  }
0x99: {  	_ =	swait.ge [sflag:s30], $0x500  }
0x9a: {  	[sflag:s30] =	ssyncset.done $0x0  }
0x9b: {  	[sflag:s30] =	ssyncadd.s32 $0xFFFFFB00  }
0x9c: {  	_ =	swait.ge [sflag:s30], $0x500  }
0x9d: {  	[sflag:s30] =	ssyncset.done $0x0  }
0x9e: {  	[sflag:s30] =	ssyncadd.s32 $0xFFFFFB00  }
0x9f: {  	_ =	swait.ge [sflag:s30], $0x500  }
0xa0: {  	[sflag:s30] =	ssyncset.done $0x0  }
0xa1: {  	[sflag:s30] =	ssyncadd.s32 $0xFFFFFB00  }
0xa2: {  	_ =	swait.ge [sflag:s30], $0x500  }
0xa3: {  	[sflag:s30] =	ssyncset.done $0x0  }
0xa4: {  	[sflag:s30] =	ssyncadd.s32 $0xFFFFFB00  }
0xa5: {  	_ =	swait.ge [sflag:s30], $0x500  }
0xa6: {  	[sflag:s30] =	ssyncset.done $0x0  }
0xa7: {  	[sflag:s30] =	ssyncadd.s32 $0xFFFFFB00  }
0xa8: {  	_ =	swait.ge [sflag:s30], $0x500  }
0xa9: {  	[sflag:s30] =	ssyncset.done $0x0  }
0xaa: {  	[sflag:s30] =	ssyncadd.s32 $0xFFFFFB00  }
0xab: {  	_ =	swait.ge [sflag:s30], $0x500  }
0xac: {  	[sflag:s30] =	ssyncset.done $0x0  }
0xad: {  	[sflag:s30] =	ssyncadd.s32 $0xFFFFFB00  }
0xae: {  	_ =	swait.ge [sflag:s30], $0x500  }
0xaf: {  	[sflag:s30] =	ssyncset.done $0x0  }
0xb0: {  	[sflag:s30] =	ssyncadd.s32 $0xFFFFFB00  }
0xb1: {  	_ =	swait.ge [sflag:s30], $0x500  }
0xb2: {  	[sflag:s30] =	ssyncset.done $0x0  }
0xb3: {  	[sflag:s30] =	ssyncadd.s32 $0xFFFFFB00  }
0xb4: {  	_ =	swait.ge [sflag:s30], $0x500  }
0xb5: {  	[sflag:s30] =	ssyncset.done $0x0  }
0xb6: {  	[sflag:s30] =	ssyncadd.s32 $0xFFFFFB00  }
0xb7: {  	_ =	swait.ge [sflag:s30], $0x500  }
0xb8: {  	[sflag:s30] =	ssyncset.done $0x0  }
0xb9: {  	s31 =	simm.s32 $0x7D0;
	[sflag:s30] =	ssyncadd.s32 $0xFFFFFB00  }
0xba: {  	[spmem:s2] =	stream.indirect.scatter.add.f32 [tilespmem:s18], [sflag:$0x1], $0x10, s31, s17, $0xb8;
	[tilespmem:$0x5A00] =	vst v63  }
0xbb: {  	s29 =	simm.s32 $0x820  }
0xbc: {  	[spmem:s2] =	stream.indirect.scatter.add.f32 [tilespmem:s18], [sflag:$0x1], $0x10, s29, s17, $0xb8;
	[tilespmem:$0x5A00] =	vst v63  }
0xbd: {  	s31 =	simm.s32 $0x870  }
0xbe: {  	[spmem:s2] =	stream.indirect.scatter.add.f32 [tilespmem:s18], [sflag:$0x1], $0x10, s31, s17, $0xb8;
	[tilespmem:$0x5A00] =	vst v63  }
0xbf: {  	s29 =	simm.s32 $0x8C0  }
0xc0: {  	[spmem:s2] =	stream.indirect.scatter.add.f32 [tilespmem:s18], [sflag:$0x1], $0x10, s29, s17, $0xb8;
	[tilespmem:$0x5A00] =	vst v63  }
0xc1: {  	s31 =	simm.s32 $0x910  }
0xc2: {  	[spmem:s2] =	stream.indirect.scatter.add.f32 [tilespmem:s18], [sflag:$0x1], $0x10, s31, s17, $0xb8;
	[tilespmem:$0x5A00] =	vst v63  }
0xc3: {  	s29 =	simm.s32 $0x960  }
0xc4: {  	[spmem:s2] =	stream.indirect.scatter.add.f32 [tilespmem:s18], [sflag:$0x1], $0x10, s29, s17, $0xb8;
	[tilespmem:$0x5A00] =	vst v63  }
0xc5: {  	s31 =	simm.s32 $0x9B0  }
0xc6: {  	[spmem:s2] =	stream.indirect.scatter.add.f32 [tilespmem:s18], [sflag:$0x1], $0x10, s31, s17, $0xb8;
	[tilespmem:$0x5A00] =	vst v63  }
0xc7: {  	s29 =	simm.s32 $0xA00  }
0xc8: {  	[spmem:s2] =	stream.indirect.scatter.add.f32 [tilespmem:s18], [sflag:$0x1], $0x10, s29, s17, $0xb8;
	[tilespmem:$0x5A00] =	vst v63  }
0xc9: {  	s31 =	simm.s32 $0xA50  }
0xca: {  	[spmem:s2] =	stream.indirect.scatter.add.f32 [tilespmem:s18], [sflag:$0x1], $0x10, s31, s17, $0xb8;
	[tilespmem:$0x5A00] =	vst v63  }
0xcb: {  	s29 =	simm.s32 $0xAA0  }
0xcc: {  	[spmem:s2] =	stream.indirect.scatter.add.f32 [tilespmem:s18], [sflag:$0x1], $0x10, s29, s17, $0xb8;
	[tilespmem:$0x5A00] =	vst v63  }
0xcd: {  	s31 =	simm.s32 $0xAF0  }
0xce: {  	[spmem:s2] =	stream.indirect.scatter.add.f32 [tilespmem:s18], [sflag:$0x1], $0x10, s31, s17, $0xb8;
	[tilespmem:$0x5A00] =	vst v63  }
0xcf: {  	s29 =	simm.s32 $0xB40  }
0xd0: {  	[spmem:s2] =	stream.indirect.scatter.add.f32 [tilespmem:s18], [sflag:$0x1], $0x10, s29, s17, $0xb8;
	[tilespmem:$0x5A00] =	vst v63  }
0xd1: {  	s31 =	simm.s32 $0xB90  }
0xd2: {  	[spmem:s2] =	stream.indirect.scatter.add.f32 [tilespmem:s18], [sflag:$0x1], $0x10, s31, s17, $0xb8;
	[tilespmem:$0x5A00] =	vst v63  }
0xd3: {  	s29 =	simm.s32 $0xBE0  }
0xd4: {  	[spmem:s2] =	stream.indirect.scatter.add.f32 [tilespmem:s18], [sflag:$0x1], $0x10, s29, s17, $0xb8;
	[tilespmem:$0x5A00] =	vst v63  }
0xd5: {  	s31 =	simm.s32 $0xC30  }
0xd6: {  	[spmem:s2] =	stream.indirect.scatter.add.f32 [tilespmem:s18], [sflag:$0x1], $0x10, s31, s17, $0xb8;
	[tilespmem:$0x5A00] =	vst v63  }
0xd7: {  	s29 =	simm.s32 $0xC80  }
0xd8: {  	[spmem:s2] =	stream.indirect.scatter.add.f32 [tilespmem:s18], [sflag:$0x1], $0x10, s29, s17, $0xb8;
	[tilespmem:$0x5A00] =	vst v63  }
0xd9: {  	s31 =	simm.s32 $0xCD0  }
0xda: {  	[spmem:s2] =	stream.indirect.scatter.add.f32 [tilespmem:s18], [sflag:$0x1], $0x10, s31, s17, $0xb8;
	[tilespmem:$0x5A00] =	vst v63  }
0xdb: {  	s29 =	simm.s32 $0xD20  }
0xdc: {  	[spmem:s2] =	stream.indirect.scatter.add.f32 [tilespmem:s18], [sflag:$0x1], $0x10, s29, s17, $0xb8;
	[tilespmem:$0x5A00] =	vst v63  }
0xdd: {  	s31 =	simm.s32 $0xD70  }
0xde: {  	[spmem:s2] =	stream.indirect.scatter.add.f32 [tilespmem:s18], [sflag:$0x1], $0x10, s31, s17, $0xb8;
	[tilespmem:$0x5A00] =	vst v63  }
0xdf: {  	s29 =	simm.s32 $0xDC0  }
0xe0: {  	[spmem:s2] =	stream.indirect.scatter.add.f32 [tilespmem:s18], [sflag:$0x1], $0x10, s29, s17, $0xb8;
	[tilespmem:$0x5A00] =	vst v63  }
0xe1: {  	s31 =	simm.s32 $0xE10  }
0xe2: {  	[spmem:s2] =	stream.indirect.scatter.add.f32 [tilespmem:s18], [sflag:$0x1], $0x10, s31, s17, $0xb8;
	[tilespmem:$0x5A00] =	vst v63  }
0xe3: {  	s29 =	simm.s32 $0xE60  }
0xe4: {  	[spmem:s2] =	stream.indirect.scatter.add.f32 [tilespmem:s18], [sflag:$0x1], $0x10, s29, s17, $0xb8;
	[tilespmem:$0x5A00] =	vst v63  }
0xe5: {  	s31 =	simm.s32 $0xEB0  }
0xe6: {  	[spmem:s2] =	stream.indirect.scatter.add.f32 [tilespmem:s18], [sflag:$0x1], $0x10, s31, s17, $0xb8;
	[tilespmem:$0x5A00] =	vst v63  }
0xe7: {  	s29 =	simm.s32 $0xF00  }
0xe8: {  	[spmem:s2] =	stream.indirect.scatter.add.f32 [tilespmem:s18], [sflag:$0x1], $0x10, s29, s17, $0xb8;
	[tilespmem:$0x5A00] =	vst v63  }
0xe9: {  	s31 =	simm.s32 $0xF50  }
0xea: {  	[spmem:s2] =	stream.indirect.scatter.add.f32 [tilespmem:s18], [sflag:$0x1], $0x10, s31, s17, $0xb8;
	[tilespmem:$0x5A00] =	vst v63  }
0xeb: {  	_ =	swait.ge [sflag:s30], $0x500  }
0xec: {  	[sflag:s30] =	ssyncset.done $0x0  }
0xed: {  	[sflag:s30] =	ssyncadd.s32 $0xFFFFFB00  }
0xee: {  	_ =	swait.ge [sflag:s30], $0x500  }
0xef: {  	[sflag:s30] =	ssyncset.done $0x0  }
0xf0: {  	[sflag:s30] =	ssyncadd.s32 $0xFFFFFB00  }
0xf1: {  	_ =	swait.ge [sflag:s30], $0x500  }
0xf2: {  	[sflag:s30] =	ssyncset.done $0x0  }
0xf3: {  	[sflag:s30] =	ssyncadd.s32 $0xFFFFFB00  }
0xf4: {  	_ =	swait.ge [sflag:s30], $0x500  }
0xf5: {  	[sflag:s30] =	ssyncset.done $0x0  }
0xf6: {  	[sflag:s30] =	ssyncadd.s32 $0xFFFFFB00  }
0xf7: {  	_ =	swait.ge [sflag:s30], $0x500  }
0xf8: {  	[sflag:s30] =	ssyncset.done $0x0  }
0xf9: {  	[sflag:s30] =	ssyncadd.s32 $0xFFFFFB00  }
0xfa: {  	_ =	swait.ge [sflag:s30], $0x500  }
0xfb: {  	[sflag:s30] =	ssyncset.done $0x0  }
0xfc: {  	[sflag:s30] =	ssyncadd.s32 $0xFFFFFB00  }
0xfd: {  	_ =	swait.ge [sflag:s30], $0x500  }
0xfe: {  	[sflag:s30] =	ssyncset.done $0x0  }
0xff: {  	[sflag:s30] =	ssyncadd.s32 $0xFFFFFB00  }
0x100: {  	_ =	swait.ge [sflag:s30], $0x500  }
0x101: {  	[sflag:s30] =	ssyncset.done $0x0  }
0x102: {  	[sflag:s30] =	ssyncadd.s32 $0xFFFFFB00  }
0x103: {  	_ =	swait.ge [sflag:s30], $0x500  }
0x104: {  	[sflag:s30] =	ssyncset.done $0x0  }
0x105: {  	[sflag:s30] =	ssyncadd.s32 $0xFFFFFB00  }
0x106: {  	_ =	swait.ge [sflag:s30], $0x500  }
0x107: {  	[sflag:s30] =	ssyncset.done $0x0  }
0x108: {  	[sflag:s30] =	ssyncadd.s32 $0xFFFFFB00  }
0x109: {  	_ =	swait.ge [sflag:s30], $0x500  }
0x10a: {  	[sflag:s30] =	ssyncset.done $0x0  }
0x10b: {  	[sflag:s30] =	ssyncadd.s32 $0xFFFFFB00  }
0x10c: {  	_ =	swait.ge [sflag:s30], $0x500  }
0x10d: {  	[sflag:s30] =	ssyncset.done $0x0  }
0x10e: {  	[sflag:s30] =	ssyncadd.s32 $0xFFFFFB00  }
0x10f: {  	_ =	swait.ge [sflag:s30], $0x500  }
0x110: {  	[sflag:s30] =	ssyncset.done $0x0  }
0x111: {  	[sflag:s30] =	ssyncadd.s32 $0xFFFFFB00  }
0x112: {  	_ =	swait.ge [sflag:s30], $0x500  }
0x113: {  	[sflag:s30] =	ssyncset.done $0x0  }
0x114: {  	[sflag:s30] =	ssyncadd.s32 $0xFFFFFB00  }
0x115: {  	_ =	swait.ge [sflag:s30], $0x500  }
0x116: {  	[sflag:s30] =	ssyncset.done $0x0  }
0x117: {  	[sflag:s30] =	ssyncadd.s32 $0xFFFFFB00  }
0x118: {  	_ =	swait.ge [sflag:s30], $0x500  }
0x119: {  	[sflag:s30] =	ssyncset.done $0x0  }
0x11a: {  	[sflag:s30] =	ssyncadd.s32 $0xFFFFFB00  }
0x11b: {  	_ =	swait.ge [sflag:s30], $0x500  }
0x11c: {  	[sflag:s30] =	ssyncset.done $0x0  }
0x11d: {  	[sflag:s30] =	ssyncadd.s32 $0xFFFFFB00  }
0x11e: {  	_ =	swait.ge [sflag:s30], $0x500  }
0x11f: {  	[sflag:s30] =	ssyncset.done $0x0  }
0x120: {  	[sflag:s30] =	ssyncadd.s32 $0xFFFFFB00  }
0x121: {  	_ =	swait.ge [sflag:s30], $0x500  }
0x122: {  	[sflag:s30] =	ssyncset.done $0x0  }
0x123: {  	[sflag:s30] =	ssyncadd.s32 $0xFFFFFB00  }
0x124: {  	_ =	swait.ge [sflag:s30], $0x500  }
0x125: {  	[sflag:s30] =	ssyncset.done $0x0  }
0x126: {  	[sflag:s30] =	ssyncadd.s32 $0xFFFFFB00  }
0x127: {  	_ =	swait.ge [sflag:s30], $0x500  }
0x128: {  	[sflag:s30] =	ssyncset.done $0x0  }
0x129: {  	[sflag:s30] =	ssyncadd.s32 $0xFFFFFB00  }
0x12a: {  	_ =	swait.ge [sflag:s30], $0x500  }
0x12b: {  	[sflag:s30] =	ssyncset.done $0x0  }
0x12c: {  	[sflag:s30] =	ssyncadd.s32 $0xFFFFFB00  }
0x12d: {  	_ =	swait.ge [sflag:s30], $0x500  }
0x12e: {  	[sflag:s30] =	ssyncset.done $0x0  }
0x12f: {  	[sflag:s30] =	ssyncadd.s32 $0xFFFFFB00  }
0x130: {  	_ =	swait.ge [sflag:s30], $0x500  }
0x131: {  	[sflag:s30] =	ssyncset.done $0x0  }
0x132: {  	[sflag:s30] =	ssyncadd.s32 $0xFFFFFB00  }
0x133: {  	_ =	swait.ge [sflag:s30], $0x500  }
0x134: {  	[sflag:s30] =	ssyncset.done $0x0  }
0x135: {  	s29 =	simm.s32 $0xFA0;
	[sflag:s30] =	ssyncadd.s32 $0xFFFFFB00  }
0x136: {  	[spmem:s2] =	stream.indirect.scatter.add.f32 [tilespmem:s18], [sflag:$0x1], $0x10, s29, s17, $0xb8;
	[tilespmem:$0x5A00] =	vst v63  }
0x137: {  	s31 =	simm.s32 $0xFF0  }
0x138: {  	[spmem:s2] =	stream.indirect.scatter.add.f32 [tilespmem:s18], [sflag:$0x1], $0x10, s31, s17, $0xb8;
	[tilespmem:$0x5A00] =	vst v63  }
0x139: {  	s29 =	simm.s32 $0x1040  }
0x13a: {  	[spmem:s2] =	stream.indirect.scatter.add.f32 [tilespmem:s18], [sflag:$0x1], $0x10, s29, s17, $0xb8;
	[tilespmem:$0x5A00] =	vst v63  }
0x13b: {  	s31 =	simm.s32 $0x1090  }
0x13c: {  	[spmem:s2] =	stream.indirect.scatter.add.f32 [tilespmem:s18], [sflag:$0x1], $0x10, s31, s17, $0xb8;
	[tilespmem:$0x5A00] =	vst v63  }
0x13d: {  	s29 =	simm.s32 $0x10E0  }
0x13e: {  	[spmem:s2] =	stream.indirect.scatter.add.f32 [tilespmem:s18], [sflag:$0x1], $0x10, s29, s17, $0xb8;
	[tilespmem:$0x5A00] =	vst v63  }
0x13f: {  	s31 =	simm.s32 $0x1130  }
0x140: {  	[spmem:s2] =	stream.indirect.scatter.add.f32 [tilespmem:s18], [sflag:$0x1], $0x10, s31, s17, $0xb8;
	[tilespmem:$0x5A00] =	vst v63  }
0x141: {  	s29 =	simm.s32 $0x1180  }
0x142: {  	[spmem:s2] =	stream.indirect.scatter.add.f32 [tilespmem:s18], [sflag:$0x1], $0x10, s29, s17, $0xb8;
	[tilespmem:$0x5A00] =	vst v63  }
0x143: {  	s31 =	simm.s32 $0x11D0  }
0x144: {  	[spmem:s2] =	stream.indirect.scatter.add.f32 [tilespmem:s18], [sflag:$0x1], $0x10, s31, s17, $0xb8;
	[tilespmem:$0x5A00] =	vst v63  }
0x145: {  	s29 =	simm.s32 $0x1220  }
0x146: {  	[spmem:s2] =	stream.indirect.scatter.add.f32 [tilespmem:s18], [sflag:$0x1], $0x10, s29, s17, $0xb8;
	[tilespmem:$0x5A00] =	vst v63  }
0x147: {  	s31 =	simm.s32 $0x1270  }
0x148: {  	[spmem:s2] =	stream.indirect.scatter.add.f32 [tilespmem:s18], [sflag:$0x1], $0x10, s31, s17, $0xb8;
	[tilespmem:$0x5A00] =	vst v63  }
0x149: {  	s29 =	simm.s32 $0x12C0  }
0x14a: {  	[spmem:s2] =	stream.indirect.scatter.add.f32 [tilespmem:s18], [sflag:$0x1], $0x10, s29, s17, $0xb8;
	[tilespmem:$0x5A00] =	vst v63  }
0x14b: {  	s31 =	simm.s32 $0x1310  }
0x14c: {  	[spmem:s2] =	stream.indirect.scatter.add.f32 [tilespmem:s18], [sflag:$0x1], $0x10, s31, s17, $0xb8;
	[tilespmem:$0x5A00] =	vst v63  }
0x14d: {  	s29 =	simm.s32 $0x1360  }
0x14e: {  	[spmem:s2] =	stream.indirect.scatter.add.f32 [tilespmem:s18], [sflag:$0x1], $0x10, s29, s17, $0xb8;
	[tilespmem:$0x5A00] =	vst v63  }
0x14f: {  	s31 =	simm.s32 $0x13B0  }
0x150: {  	[spmem:s2] =	stream.indirect.scatter.add.f32 [tilespmem:s18], [sflag:$0x1], $0x10, s31, s17, $0xb8;
	[tilespmem:$0x5A00] =	vst v63  }
0x151: {  	s29 =	simm.s32 $0x1400  }
0x152: {  	[spmem:s2] =	stream.indirect.scatter.add.f32 [tilespmem:s18], [sflag:$0x1], $0x10, s29, s17, $0xb8;
	[tilespmem:$0x5A00] =	vst v63  }
0x153: {  	s31 =	simm.s32 $0x1450  }
0x154: {  	[spmem:s2] =	stream.indirect.scatter.add.f32 [tilespmem:s18], [sflag:$0x1], $0x10, s31, s17, $0xb8;
	[tilespmem:$0x5A00] =	vst v63  }
0x155: {  	s29 =	simm.s32 $0x14A0  }
0x156: {  	[spmem:s2] =	stream.indirect.scatter.add.f32 [tilespmem:s18], [sflag:$0x1], $0x10, s29, s17, $0xb8;
	[tilespmem:$0x5A00] =	vst v63  }
0x157: {  	s31 =	simm.s32 $0x14F0  }
0x158: {  	[spmem:s2] =	stream.indirect.scatter.add.f32 [tilespmem:s18], [sflag:$0x1], $0x10, s31, s17, $0xb8;
	[tilespmem:$0x5A00] =	vst v63  }
0x159: {  	s29 =	simm.s32 $0x1540  }
0x15a: {  	[spmem:s2] =	stream.indirect.scatter.add.f32 [tilespmem:s18], [sflag:$0x1], $0x10, s29, s17, $0xb8;
	[tilespmem:$0x5A00] =	vst v63  }
0x15b: {  	s31 =	simm.s32 $0x1590  }
0x15c: {  	[spmem:s2] =	stream.indirect.scatter.add.f32 [tilespmem:s18], [sflag:$0x1], $0x10, s31, s17, $0xb8;
	[tilespmem:$0x5A00] =	vst v63  }
0x15d: {  	s29 =	simm.s32 $0x15E0  }
0x15e: {  	[spmem:s2] =	stream.indirect.scatter.add.f32 [tilespmem:s18], [sflag:$0x1], $0x10, s29, s17, $0xb8;
	[tilespmem:$0x5A00] =	vst v63  }
0x15f: {  	s31 =	simm.s32 $0x1630  }
0x160: {  	[spmem:s2] =	stream.indirect.scatter.add.f32 [tilespmem:s18], [sflag:$0x1], $0x10, s31, s17, $0xb8;
	[tilespmem:$0x5A00] =	vst v63  }
0x161: {  	s29 =	simm.s32 $0x1680  }
0x162: {  	[spmem:s2] =	stream.indirect.scatter.add.f32 [tilespmem:s18], [sflag:$0x1], $0x10, s29, s17, $0xb8;
	[tilespmem:$0x5A00] =	vst v63  }
0x163: {  	s31 =	simm.s32 $0x16D0  }
0x164: {  	[spmem:s2] =	stream.indirect.scatter.add.f32 [tilespmem:s18], [sflag:$0x1], $0x10, s31, s17, $0xb8;
	[tilespmem:$0x5A00] =	vst v63  }
0x165: {  	s29 =	simm.s32 $0x1720  }
0x166: {  	[spmem:s2] =	stream.indirect.scatter.add.f32 [tilespmem:s18], [sflag:$0x1], $0x10, s29, s17, $0xb8;
	[tilespmem:$0x5A00] =	vst v63  }
0x167: {  	_ =	swait.ge [sflag:s30], $0x500  }
0x168: {  	[sflag:s30] =	ssyncset.done $0x0  }
0x169: {  	[sflag:s30] =	ssyncadd.s32 $0xFFFFFB00  }
0x16a: {  	_ =	swait.ge [sflag:s30], $0x500  }
0x16b: {  	[sflag:s30] =	ssyncset.done $0x0  }
0x16c: {  	[sflag:s30] =	ssyncadd.s32 $0xFFFFFB00  }
0x16d: {  	_ =	swait.ge [sflag:s30], $0x500  }
0x16e: {  	[sflag:s30] =	ssyncset.done $0x0  }
0x16f: {  	[sflag:s30] =	ssyncadd.s32 $0xFFFFFB00  }
0x170: {  	_ =	swait.ge [sflag:s30], $0x500  }
0x171: {  	[sflag:s30] =	ssyncset.done $0x0  }
0x172: {  	[sflag:s30] =	ssyncadd.s32 $0xFFFFFB00  }
0x173: {  	_ =	swait.ge [sflag:s30], $0x500  }
0x174: {  	[sflag:s30] =	ssyncset.done $0x0  }
0x175: {  	[sflag:s30] =	ssyncadd.s32 $0xFFFFFB00  }
0x176: {  	_ =	swait.ge [sflag:s30], $0x500  }
0x177: {  	[sflag:s30] =	ssyncset.done $0x0  }
0x178: {  	[sflag:s30] =	ssyncadd.s32 $0xFFFFFB00  }
0x179: {  	_ =	swait.ge [sflag:s30], $0x500  }
0x17a: {  	[sflag:s30] =	ssyncset.done $0x0  }
0x17b: {  	[sflag:s30] =	ssyncadd.s32 $0xFFFFFB00  }
0x17c: {  	_ =	swait.ge [sflag:s30], $0x500  }
0x17d: {  	[sflag:s30] =	ssyncset.done $0x0  }
0x17e: {  	[sflag:s30] =	ssyncadd.s32 $0xFFFFFB00  }
0x17f: {  	_ =	swait.ge [sflag:s30], $0x500  }
0x180: {  	[sflag:s30] =	ssyncset.done $0x0  }
0x181: {  	[sflag:s30] =	ssyncadd.s32 $0xFFFFFB00  }
0x182: {  	_ =	swait.ge [sflag:s30], $0x500  }
0x183: {  	[sflag:s30] =	ssyncset.done $0x0  }
0x184: {  	[sflag:s30] =	ssyncadd.s32 $0xFFFFFB00  }
0x185: {  	_ =	swait.ge [sflag:s30], $0x500  }
0x186: {  	[sflag:s30] =	ssyncset.done $0x0  }
0x187: {  	[sflag:s30] =	ssyncadd.s32 $0xFFFFFB00  }
0x188: {  	_ =	swait.ge [sflag:s30], $0x500  }
0x189: {  	[sflag:s30] =	ssyncset.done $0x0  }
0x18a: {  	[sflag:s30] =	ssyncadd.s32 $0xFFFFFB00  }
0x18b: {  	_ =	swait.ge [sflag:s30], $0x500  }
0x18c: {  	[sflag:s30] =	ssyncset.done $0x0  }
0x18d: {  	[sflag:s30] =	ssyncadd.s32 $0xFFFFFB00  }
0x18e: {  	_ =	swait.ge [sflag:s30], $0x500  }
0x18f: {  	[sflag:s30] =	ssyncset.done $0x0  }
0x190: {  	[sflag:s30] =	ssyncadd.s32 $0xFFFFFB00  }
0x191: {  	_ =	swait.ge [sflag:s30], $0x500  }
0x192: {  	[sflag:s30] =	ssyncset.done $0x0  }
0x193: {  	[sflag:s30] =	ssyncadd.s32 $0xFFFFFB00  }
0x194: {  	_ =	swait.ge [sflag:s30], $0x500  }
0x195: {  	[sflag:s30] =	ssyncset.done $0x0  }
0x196: {  	[sflag:s30] =	ssyncadd.s32 $0xFFFFFB00  }
0x197: {  	_ =	swait.ge [sflag:s30], $0x500  }
0x198: {  	[sflag:s30] =	ssyncset.done $0x0  }
0x199: {  	[sflag:s30] =	ssyncadd.s32 $0xFFFFFB00  }
0x19a: {  	_ =	swait.ge [sflag:s30], $0x500  }
0x19b: {  	[sflag:s30] =	ssyncset.done $0x0  }
0x19c: {  	[sflag:s30] =	ssyncadd.s32 $0xFFFFFB00  }
0x19d: {  	_ =	swait.ge [sflag:s30], $0x500  }
0x19e: {  	[sflag:s30] =	ssyncset.done $0x0  }
0x19f: {  	[sflag:s30] =	ssyncadd.s32 $0xFFFFFB00  }
0x1a0: {  	_ =	swait.ge [sflag:s30], $0x500  }
0x1a1: {  	[sflag:s30] =	ssyncset.done $0x0  }
0x1a2: {  	[sflag:s30] =	ssyncadd.s32 $0xFFFFFB00  }
0x1a3: {  	_ =	swait.ge [sflag:s30], $0x500  }
0x1a4: {  	[sflag:s30] =	ssyncset.done $0x0  }
0x1a5: {  	[sflag:s30] =	ssyncadd.s32 $0xFFFFFB00  }
0x1a6: {  	_ =	swait.ge [sflag:s30], $0x500  }
0x1a7: {  	[sflag:s30] =	ssyncset.done $0x0  }
0x1a8: {  	[sflag:s30] =	ssyncadd.s32 $0xFFFFFB00  }
0x1a9: {  	_ =	swait.ge [sflag:s30], $0x500  }
0x1aa: {  	[sflag:s30] =	ssyncset.done $0x0  }
0x1ab: {  	[sflag:s30] =	ssyncadd.s32 $0xFFFFFB00  }
0x1ac: {  	_ =	swait.ge [sflag:s30], $0x500  }
0x1ad: {  	[sflag:s30] =	ssyncset.done $0x0  }
0x1ae: {  	[sflag:s30] =	ssyncadd.s32 $0xFFFFFB00  }
0x1af: {  	_ =	swait.ge [sflag:s30], $0x500  }
0x1b0: {  	[sflag:s30] =	ssyncset.done $0x0  }
0x1b1: {  	s31 =	simm.s32 $0x1770;
	[sflag:s30] =	ssyncadd.s32 $0xFFFFFB00  }
0x1b2: {  	[spmem:s2] =	stream.indirect.scatter.add.f32 [tilespmem:s18], [sflag:$0x1], $0x10, s31, s17, $0xb8;
	[tilespmem:$0x5A00] =	vst v63  }
0x1b3: {  	s29 =	simm.s32 $0x17C0  }
0x1b4: {  	[spmem:s2] =	stream.indirect.scatter.add.f32 [tilespmem:s18], [sflag:$0x1], $0x10, s29, s17, $0xb8;
	[tilespmem:$0x5A00] =	vst v63  }
0x1b5: {  	s31 =	simm.s32 $0x1810  }
0x1b6: {  	[spmem:s2] =	stream.indirect.scatter.add.f32 [tilespmem:s18], [sflag:$0x1], $0x10, s31, s17, $0xb8;
	[tilespmem:$0x5A00] =	vst v63  }
0x1b7: {  	s29 =	simm.s32 $0x1860  }
0x1b8: {  	[spmem:s2] =	stream.indirect.scatter.add.f32 [tilespmem:s18], [sflag:$0x1], $0x10, s29, s17, $0xb8;
	[tilespmem:$0x5A00] =	vst v63  }
0x1b9: {  	s31 =	simm.s32 $0x18B0  }
0x1ba: {  	[spmem:s2] =	stream.indirect.scatter.add.f32 [tilespmem:s18], [sflag:$0x1], $0x10, s31, s17, $0xb8;
	[tilespmem:$0x5A00] =	vst v63  }
0x1bb: {  	s29 =	simm.s32 $0x1900  }
0x1bc: {  	[spmem:s2] =	stream.indirect.scatter.add.f32 [tilespmem:s18], [sflag:$0x1], $0x10, s29, s17, $0xb8;
	[tilespmem:$0x5A00] =	vst v63  }
0x1bd: {  	s31 =	simm.s32 $0x1950  }
0x1be: {  	[spmem:s2] =	stream.indirect.scatter.add.f32 [tilespmem:s18], [sflag:$0x1], $0x10, s31, s17, $0xb8;
	[tilespmem:$0x5A00] =	vst v63  }
0x1bf: {  	s29 =	simm.s32 $0x19A0  }
0x1c0: {  	[spmem:s2] =	stream.indirect.scatter.add.f32 [tilespmem:s18], [sflag:$0x1], $0x10, s29, s17, $0xb8;
	[tilespmem:$0x5A00] =	vst v63  }
0x1c1: {  	s31 =	simm.s32 $0x19F0  }
0x1c2: {  	[spmem:s2] =	stream.indirect.scatter.add.f32 [tilespmem:s18], [sflag:$0x1], $0x10, s31, s17, $0xb8;
	[tilespmem:$0x5A00] =	vst v63  }
0x1c3: {  	s29 =	simm.s32 $0x1A40  }
0x1c4: {  	[spmem:s2] =	stream.indirect.scatter.add.f32 [tilespmem:s18], [sflag:$0x1], $0x10, s29, s17, $0xb8;
	[tilespmem:$0x5A00] =	vst v63  }
0x1c5: {  	s31 =	simm.s32 $0x1A90  }
0x1c6: {  	[spmem:s2] =	stream.indirect.scatter.add.f32 [tilespmem:s18], [sflag:$0x1], $0x10, s31, s17, $0xb8;
	[tilespmem:$0x5A00] =	vst v63  }
0x1c7: {  	s29 =	simm.s32 $0x1AE0  }
0x1c8: {  	[spmem:s2] =	stream.indirect.scatter.add.f32 [tilespmem:s18], [sflag:$0x1], $0x10, s29, s17, $0xb8;
	[tilespmem:$0x5A00] =	vst v63  }
0x1c9: {  	s31 =	simm.s32 $0x1B30  }
0x1ca: {  	[spmem:s2] =	stream.indirect.scatter.add.f32 [tilespmem:s18], [sflag:$0x1], $0x10, s31, s17, $0xb8;
	[tilespmem:$0x5A00] =	vst v63  }
0x1cb: {  	s29 =	simm.s32 $0x1B80  }
0x1cc: {  	[spmem:s2] =	stream.indirect.scatter.add.f32 [tilespmem:s18], [sflag:$0x1], $0x10, s29, s17, $0xb8;
	[tilespmem:$0x5A00] =	vst v63  }
0x1cd: {  	s31 =	simm.s32 $0x1BD0  }
0x1ce: {  	[spmem:s2] =	stream.indirect.scatter.add.f32 [tilespmem:s18], [sflag:$0x1], $0x10, s31, s17, $0xb8;
	[tilespmem:$0x5A00] =	vst v63  }
0x1cf: {  	s29 =	simm.s32 $0x1C20  }
0x1d0: {  	[spmem:s2] =	stream.indirect.scatter.add.f32 [tilespmem:s18], [sflag:$0x1], $0x10, s29, s17, $0xb8;
	[tilespmem:$0x5A00] =	vst v63  }
0x1d1: {  	s31 =	simm.s32 $0x1C70  }
0x1d2: {  	[spmem:s2] =	stream.indirect.scatter.add.f32 [tilespmem:s18], [sflag:$0x1], $0x10, s31, s17, $0xb8;
	[tilespmem:$0x5A00] =	vst v63  }
0x1d3: {  	s29 =	simm.s32 $0x1CC0  }
0x1d4: {  	[spmem:s2] =	stream.indirect.scatter.add.f32 [tilespmem:s18], [sflag:$0x1], $0x10, s29, s17, $0xb8;
	[tilespmem:$0x5A00] =	vst v63  }
0x1d5: {  	s31 =	simm.s32 $0x1D10  }
0x1d6: {  	[spmem:s2] =	stream.indirect.scatter.add.f32 [tilespmem:s18], [sflag:$0x1], $0x10, s31, s17, $0xb8;
	[tilespmem:$0x5A00] =	vst v63  }
0x1d7: {  	s29 =	simm.s32 $0x1D60  }
0x1d8: {  	[spmem:s2] =	stream.indirect.scatter.add.f32 [tilespmem:s18], [sflag:$0x1], $0x10, s29, s17, $0xb8;
	[tilespmem:$0x5A00] =	vst v63  }
0x1d9: {  	s31 =	simm.s32 $0x1DB0  }
0x1da: {  	[spmem:s2] =	stream.indirect.scatter.add.f32 [tilespmem:s18], [sflag:$0x1], $0x10, s31, s17, $0xb8;
	[tilespmem:$0x5A00] =	vst v63  }
0x1db: {  	s29 =	simm.s32 $0x1E00  }
0x1dc: {  	[spmem:s2] =	stream.indirect.scatter.add.f32 [tilespmem:s18], [sflag:$0x1], $0x10, s29, s17, $0xb8;
	[tilespmem:$0x5A00] =	vst v63  }
0x1dd: {  	s31 =	simm.s32 $0x1E50  }
0x1de: {  	[spmem:s2] =	stream.indirect.scatter.add.f32 [tilespmem:s18], [sflag:$0x1], $0x10, s31, s17, $0xb8;
	[tilespmem:$0x5A00] =	vst v63  }
0x1df: {  	s29 =	simm.s32 $0x1EA0  }
0x1e0: {  	[spmem:s2] =	stream.indirect.scatter.add.f32 [tilespmem:s18], [sflag:$0x1], $0x10, s29, s17, $0xb8;
	[tilespmem:$0x5A00] =	vst v63  }
0x1e1: {  	s31 =	simm.s32 $0x1EF0  }
0x1e2: {  	[spmem:s2] =	stream.indirect.scatter.add.f32 [tilespmem:s18], [sflag:$0x1], $0x10, s31, s17, $0xb8;
	[tilespmem:$0x5A00] =	vst v63  }
0x1e3: {  	_ =	swait.ge [sflag:s30], $0x500  }
0x1e4: {  	[sflag:s30] =	ssyncset.done $0x0  }
0x1e5: {  	[sflag:s30] =	ssyncadd.s32 $0xFFFFFB00  }
0x1e6: {  	_ =	swait.ge [sflag:s30], $0x500  }
0x1e7: {  	[sflag:s30] =	ssyncset.done $0x0  }
0x1e8: {  	[sflag:s30] =	ssyncadd.s32 $0xFFFFFB00  }
0x1e9: {  	_ =	swait.ge [sflag:s30], $0x500  }
0x1ea: {  	[sflag:s30] =	ssyncset.done $0x0  }
0x1eb: {  	[sflag:s30] =	ssyncadd.s32 $0xFFFFFB00  }
0x1ec: {  	_ =	swait.ge [sflag:s30], $0x500  }
0x1ed: {  	[sflag:s30] =	ssyncset.done $0x0  }
0x1ee: {  	[sflag:s30] =	ssyncadd.s32 $0xFFFFFB00  }
0x1ef: {  	_ =	swait.ge [sflag:s30], $0x500  }
0x1f0: {  	[sflag:s30] =	ssyncset.done $0x0  }
0x1f1: {  	[sflag:s30] =	ssyncadd.s32 $0xFFFFFB00  }
0x1f2: {  	_ =	swait.ge [sflag:s30], $0x500  }
0x1f3: {  	[sflag:s30] =	ssyncset.done $0x0  }
0x1f4: {  	[sflag:s30] =	ssyncadd.s32 $0xFFFFFB00  }
0x1f5: {  	_ =	swait.ge [sflag:s30], $0x500  }
0x1f6: {  	[sflag:s30] =	ssyncset.done $0x0  }
0x1f7: {  	[sflag:s30] =	ssyncadd.s32 $0xFFFFFB00  }
0x1f8: {  	_ =	swait.ge [sflag:s30], $0x500  }
0x1f9: {  	[sflag:s30] =	ssyncset.done $0x0  }
0x1fa: {  	[sflag:s30] =	ssyncadd.s32 $0xFFFFFB00  }
0x1fb: {  	_ =	swait.ge [sflag:s30], $0x500  }
0x1fc: {  	[sflag:s30] =	ssyncset.done $0x0  }
0x1fd: {  	[sflag:s30] =	ssyncadd.s32 $0xFFFFFB00  }
0x1fe: {  	_ =	swait.ge [sflag:s30], $0x500  }
0x1ff: {  	[sflag:s30] =	ssyncset.done $0x0  }
0x200: {  	[sflag:s30] =	ssyncadd.s32 $0xFFFFFB00  }
0x201: {  	_ =	swait.ge [sflag:s30], $0x500  }
0x202: {  	[sflag:s30] =	ssyncset.done $0x0  }
0x203: {  	[sflag:s30] =	ssyncadd.s32 $0xFFFFFB00  }
0x204: {  	_ =	swait.ge [sflag:s30], $0x500  }
0x205: {  	[sflag:s30] =	ssyncset.done $0x0  }
0x206: {  	[sflag:s30] =	ssyncadd.s32 $0xFFFFFB00  }
0x207: {  	_ =	swait.ge [sflag:s30], $0x500  }
0x208: {  	[sflag:s30] =	ssyncset.done $0x0  }
0x209: {  	[sflag:s30] =	ssyncadd.s32 $0xFFFFFB00  }
0x20a: {  	_ =	swait.ge [sflag:s30], $0x500  }
0x20b: {  	[sflag:s30] =	ssyncset.done $0x0  }
0x20c: {  	[sflag:s30] =	ssyncadd.s32 $0xFFFFFB00  }
0x20d: {  	_ =	swait.ge [sflag:s30], $0x500  }
0x20e: {  	[sflag:s30] =	ssyncset.done $0x0  }
0x20f: {  	[sflag:s30] =	ssyncadd.s32 $0xFFFFFB00  }
0x210: {  	_ =	swait.ge [sflag:s30], $0x500  }
0x211: {  	[sflag:s30] =	ssyncset.done $0x0  }
0x212: {  	[sflag:s30] =	ssyncadd.s32 $0xFFFFFB00  }
0x213: {  	_ =	swait.ge [sflag:s30], $0x500  }
0x214: {  	[sflag:s30] =	ssyncset.done $0x0  }
0x215: {  	[sflag:s30] =	ssyncadd.s32 $0xFFFFFB00  }
0x216: {  	_ =	swait.ge [sflag:s30], $0x500  }
0x217: {  	[sflag:s30] =	ssyncset.done $0x0  }
0x218: {  	[sflag:s30] =	ssyncadd.s32 $0xFFFFFB00  }
0x219: {  	_ =	swait.ge [sflag:s30], $0x500  }
0x21a: {  	[sflag:s30] =	ssyncset.done $0x0  }
0x21b: {  	[sflag:s30] =	ssyncadd.s32 $0xFFFFFB00  }
0x21c: {  	_ =	swait.ge [sflag:s30], $0x500  }
0x21d: {  	[sflag:s30] =	ssyncset.done $0x0  }
0x21e: {  	[sflag:s30] =	ssyncadd.s32 $0xFFFFFB00  }
0x21f: {  	_ =	swait.ge [sflag:s30], $0x500  }
0x220: {  	[sflag:s30] =	ssyncset.done $0x0  }
0x221: {  	[sflag:s30] =	ssyncadd.s32 $0xFFFFFB00  }
0x222: {  	_ =	swait.ge [sflag:s30], $0x500  }
0x223: {  	[sflag:s30] =	ssyncset.done $0x0  }
0x224: {  	[sflag:s30] =	ssyncadd.s32 $0xFFFFFB00  }
0x225: {  	_ =	swait.ge [sflag:s30], $0x500  }
0x226: {  	[sflag:s30] =	ssyncset.done $0x0  }
0x227: {  	[sflag:s30] =	ssyncadd.s32 $0xFFFFFB00  }
0x228: {  	_ =	swait.ge [sflag:s30], $0x500  }
0x229: {  	[sflag:s30] =	ssyncset.done $0x0  }
0x22a: {  	[sflag:s30] =	ssyncadd.s32 $0xFFFFFB00  }
0x22b: {  	_ =	swait.ge [sflag:s30], $0x500  }
0x22c: {  	[sflag:s30] =	ssyncset.done $0x0  }
0x22d: {  	s29 =	simm.s32 $0x1F40;
	[sflag:s30] =	ssyncadd.s32 $0xFFFFFB00  }
0x22e: {  	[spmem:s2] =	stream.indirect.scatter.add.f32 [tilespmem:s18], [sflag:$0x1], $0x10, s29, s17, $0xb8;
	[tilespmem:$0x5A00] =	vst v63  }
0x22f: {  	s31 =	simm.s32 $0x1F90  }
0x230: {  	[spmem:s2] =	stream.indirect.scatter.add.f32 [tilespmem:s18], [sflag:$0x1], $0x10, s31, s17, $0xb8;
	[tilespmem:$0x5A00] =	vst v63  }
0x231: {  	s29 =	simm.s32 $0x1FE0  }
0x232: {  	[spmem:s2] =	stream.indirect.scatter.add.f32 [tilespmem:s18], [sflag:$0x1], $0x10, s29, s17, $0xb8;
	[tilespmem:$0x5A00] =	vst v63  }
0x233: {  	s31 =	simm.s32 $0x2030  }
0x234: {  	[spmem:s2] =	stream.indirect.scatter.add.f32 [tilespmem:s18], [sflag:$0x1], $0x10, s31, s17, $0xb8;
	[tilespmem:$0x5A00] =	vst v63  }
0x235: {  	s29 =	simm.s32 $0x2080  }
0x236: {  	[spmem:s2] =	stream.indirect.scatter.add.f32 [tilespmem:s18], [sflag:$0x1], $0x10, s29, s17, $0xb8;
	[tilespmem:$0x5A00] =	vst v63  }
0x237: {  	s31 =	simm.s32 $0x20D0  }
0x238: {  	[spmem:s2] =	stream.indirect.scatter.add.f32 [tilespmem:s18], [sflag:$0x1], $0x10, s31, s17, $0xb8;
	[tilespmem:$0x5A00] =	vst v63  }
0x239: {  	s29 =	simm.s32 $0x2120  }
0x23a: {  	[spmem:s2] =	stream.indirect.scatter.add.f32 [tilespmem:s18], [sflag:$0x1], $0x10, s29, s17, $0xb8;
	[tilespmem:$0x5A00] =	vst v63  }
0x23b: {  	s31 =	simm.s32 $0x2170  }
0x23c: {  	[spmem:s2] =	stream.indirect.scatter.add.f32 [tilespmem:s18], [sflag:$0x1], $0x10, s31, s17, $0xb8;
	[tilespmem:$0x5A00] =	vst v63  }
0x23d: {  	s29 =	simm.s32 $0x21C0  }
0x23e: {  	[spmem:s2] =	stream.indirect.scatter.add.f32 [tilespmem:s18], [sflag:$0x1], $0x10, s29, s17, $0xb8;
	[tilespmem:$0x5A00] =	vst v63  }
0x23f: {  	s31 =	simm.s32 $0x2210  }
0x240: {  	[spmem:s2] =	stream.indirect.scatter.add.f32 [tilespmem:s18], [sflag:$0x1], $0x10, s31, s17, $0xb8;
	[tilespmem:$0x5A00] =	vst v63  }
0x241: {  	s29 =	simm.s32 $0x2260  }
0x242: {  	[spmem:s2] =	stream.indirect.scatter.add.f32 [tilespmem:s18], [sflag:$0x1], $0x10, s29, s17, $0xb8;
	[tilespmem:$0x5A00] =	vst v63  }
0x243: {  	s31 =	simm.s32 $0x22B0  }
0x244: {  	[spmem:s2] =	stream.indirect.scatter.add.f32 [tilespmem:s18], [sflag:$0x1], $0x10, s31, s17, $0xb8;
	[tilespmem:$0x5A00] =	vst v63  }
0x245: {  	s29 =	simm.s32 $0x2300  }
0x246: {  	[spmem:s2] =	stream.indirect.scatter.add.f32 [tilespmem:s18], [sflag:$0x1], $0x10, s29, s17, $0xb8;
	[tilespmem:$0x5A00] =	vst v63  }
0x247: {  	s31 =	simm.s32 $0x2350  }
0x248: {  	[spmem:s2] =	stream.indirect.scatter.add.f32 [tilespmem:s18], [sflag:$0x1], $0x10, s31, s17, $0xb8;
	[tilespmem:$0x5A00] =	vst v63  }
0x249: {  	s29 =	simm.s32 $0x23A0  }
0x24a: {  	[spmem:s2] =	stream.indirect.scatter.add.f32 [tilespmem:s18], [sflag:$0x1], $0x10, s29, s17, $0xb8;
	[tilespmem:$0x5A00] =	vst v63  }
0x24b: {  	s31 =	simm.s32 $0x23F0  }
0x24c: {  	[spmem:s2] =	stream.indirect.scatter.add.f32 [tilespmem:s18], [sflag:$0x1], $0x10, s31, s17, $0xb8;
	[tilespmem:$0x5A00] =	vst v63  }
0x24d: {  	_ = 	snop  }
0x24e: {  	[spmem:s2] =	stream.indirect.scatter.add.f32 [tilespmem:s18], [sflag:$0x1], $0x10, s19, s17, $0xb8;
	[tilespmem:$0x5A00] =	vst v63  }
0x24f: {  	_ = 	snop  }
0x250: {  	[spmem:s2] =	stream.indirect.scatter.add.f32 [tilespmem:s18], [sflag:$0x1], $0x10, s20, s17, $0xb8;
	[tilespmem:$0x5A00] =	vst v63  }
0x251: {  	_ = 	snop  }
0x252: {  	[spmem:s2] =	stream.indirect.scatter.add.f32 [tilespmem:s18], [sflag:$0x1], $0x10, s21, s17, $0xb8;
	[tilespmem:$0x5A00] =	vst v63  }
0x253: {  	_ = 	snop  }
0x254: {  	[spmem:s2] =	stream.indirect.scatter.add.f32 [tilespmem:s18], [sflag:$0x1], $0x10, s22, s17, $0xb8;
	[tilespmem:$0x5A00] =	vst v63  }
0x255: {  	_ = 	snop  }
0x256: {  	[spmem:s2] =	stream.indirect.scatter.add.f32 [tilespmem:s18], [sflag:$0x1], $0x10, s23, s17, $0xb8;
	[tilespmem:$0x5A00] =	vst v63  }
0x257: {  	_ = 	snop  }
0x258: {  	[spmem:s2] =	stream.indirect.scatter.add.f32 [tilespmem:s18], [sflag:$0x1], $0x10, s24, s17, $0xb8;
	[tilespmem:$0x5A00] =	vst v63  }
0x259: {  	_ = 	snop  }
0x25a: {  	[spmem:s2] =	stream.indirect.scatter.add.f32 [tilespmem:s18], [sflag:$0x1], $0x10, s25, s17, $0xb8;
	[tilespmem:$0x5A00] =	vst v63  }
0x25b: {  	_ = 	snop  }
0x25c: {  	[spmem:s2] =	stream.indirect.scatter.add.f32 [tilespmem:s18], [sflag:$0x1], $0x10, s26, s17, $0xb8;
	[tilespmem:$0x5A00] =	vst v63  }
0x25d: {  	_ = 	snop  }
0x25e: {  	[spmem:s2] =	stream.indirect.scatter.add.f32 [tilespmem:s18], [sflag:$0x1], $0x10, s1, s17, $0xb8;
	[tilespmem:$0x5A00] =	vst v63  }
0x25f: {  	_ =	swait.ge [sflag:s30], $0x500  }
0x260: {  	[sflag:s30] =	ssyncset.done $0x0  }
0x261: {  	[sflag:s30] =	ssyncadd.s32 $0xFFFFFB00  }
0x262: {  	_ =	swait.ge [sflag:s30], $0x500  }
0x263: {  	[sflag:s30] =	ssyncset.done $0x0  }
0x264: {  	[sflag:s30] =	ssyncadd.s32 $0xFFFFFB00  }
0x265: {  	_ =	swait.ge [sflag:s30], $0x500  }
0x266: {  	[sflag:s30] =	ssyncset.done $0x0  }
0x267: {  	[sflag:s30] =	ssyncadd.s32 $0xFFFFFB00  }
0x268: {  	_ =	swait.ge [sflag:s30], $0x500  }
0x269: {  	[sflag:s30] =	ssyncset.done $0x0  }
0x26a: {  	[sflag:s30] =	ssyncadd.s32 $0xFFFFFB00  }
0x26b: {  	_ =	swait.ge [sflag:s30], $0x500  }
0x26c: {  	[sflag:s30] =	ssyncset.done $0x0  }
0x26d: {  	[sflag:s30] =	ssyncadd.s32 $0xFFFFFB00  }
0x26e: {  	_ =	swait.ge [sflag:s30], $0x500  }
0x26f: {  	[sflag:s30] =	ssyncset.done $0x0  }
0x270: {  	[sflag:s30] =	ssyncadd.s32 $0xFFFFFB00  }
0x271: {  	_ =	swait.ge [sflag:s30], $0x500  }
0x272: {  	[sflag:s30] =	ssyncset.done $0x0  }
0x273: {  	[sflag:s30] =	ssyncadd.s32 $0xFFFFFB00  }
0x274: {  	_ =	swait.ge [sflag:s30], $0x500  }
0x275: {  	[sflag:s30] =	ssyncset.done $0x0  }
0x276: {  	[sflag:s30] =	ssyncadd.s32 $0xFFFFFB00  }
0x277: {  	_ =	swait.ge [sflag:s30], $0x500  }
0x278: {  	[sflag:s30] =	ssyncset.done $0x0  }
0x279: {  	[sflag:s30] =	ssyncadd.s32 $0xFFFFFB00  }
0x27a: {  	_ =	swait.ge [sflag:s30], $0x500  }
0x27b: {  	[sflag:s30] =	ssyncset.done $0x0  }
0x27c: {  	[sflag:s30] =	ssyncadd.s32 $0xFFFFFB00  }
0x27d: {  	_ =	swait.ge [sflag:s30], $0x500  }
0x27e: {  	[sflag:s30] =	ssyncset.done $0x0  }
0x27f: {  	[sflag:s30] =	ssyncadd.s32 $0xFFFFFB00  }
0x280: {  	_ =	swait.ge [sflag:s30], $0x500  }
0x281: {  	[sflag:s30] =	ssyncset.done $0x0  }
0x282: {  	[sflag:s30] =	ssyncadd.s32 $0xFFFFFB00  }
0x283: {  	_ =	swait.ge [sflag:s30], $0x500  }
0x284: {  	[sflag:s30] =	ssyncset.done $0x0  }
0x285: {  	[sflag:s30] =	ssyncadd.s32 $0xFFFFFB00  }
0x286: {  	_ =	swait.ge [sflag:s30], $0x500  }
0x287: {  	[sflag:s30] =	ssyncset.done $0x0  }
0x288: {  	[sflag:s30] =	ssyncadd.s32 $0xFFFFFB00  }
0x289: {  	_ =	swait.ge [sflag:s30], $0x500  }
0x28a: {  	[sflag:s30] =	ssyncset.done $0x0  }
0x28b: {  	[sflag:s30] =	ssyncadd.s32 $0xFFFFFB00  }
0x28c: {  	_ =	swait.ge [sflag:s30], $0x500  }
0x28d: {  	[sflag:s30] =	ssyncset.done $0x0  }
0x28e: {  	[sflag:s30] =	ssyncadd.s32 $0xFFFFFB00  }
0x28f: {  	_ =	swait.ge [sflag:s30], $0x500  }
0x290: {  	[sflag:s30] =	ssyncset.done $0x0  }
0x291: {  	[sflag:s30] =	ssyncadd.s32 $0xFFFFFB00  }
0x292: {  	_ =	swait.ge [sflag:s30], $0x500  }
0x293: {  	[sflag:s30] =	ssyncset.done $0x0  }
0x294: {  	[sflag:s30] =	ssyncadd.s32 $0xFFFFFB00  }
0x295: {  	_ =	swait.ge [sflag:s30], $0x500  }
0x296: {  	[sflag:s30] =	ssyncset.done $0x0  }
0x297: {  	[sflag:s30] =	ssyncadd.s32 $0xFFFFFB00  }
0x298: {  	_ =	swait.ge [sflag:s30], $0x500  }
0x299: {  	[sflag:s30] =	ssyncset.done $0x0  }
0x29a: {  	[sflag:s30] =	ssyncadd.s32 $0xFFFFFB00  }
0x29b: {  	_ =	swait.ge [sflag:s30], $0x500  }
0x29c: {  	[sflag:s30] =	ssyncset.done $0x0  }
0x29d: {  	[sflag:s30] =	ssyncadd.s32 $0xFFFFFB00  }
0x29e: {  	_ =	swait.ge [sflag:s30], $0x500  }
0x29f: {  	[sflag:s30] =	ssyncset.done $0x0  }
0x2a0: {  	[sflag:s30] =	ssyncadd.s32 $0xFFFFFB00  }
0x2a1: {  	_ =	swait.ge [sflag:s30], $0x500  }
0x2a2: {  	[sflag:s30] =	ssyncset.done $0x0  }
0x2a3: {  	[sflag:s30] =	ssyncadd.s32 $0xFFFFFB00  }
0x2a4: {  	_ =	swait.ge [sflag:s30], $0x500  }
0x2a5: {  	[sflag:s30] =	ssyncset.done $0x0  }
0x2a6: {  	[sflag:s30] =	ssyncadd.s32 $0xFFFFFB00  }
0x2a7: {  	_ =	swait.ge [sflag:s30], $0x500  }
0x2a8: {  	s28 =	sadd.s32 $0x1, s28;
	s0 =	stileid.u32;
	[sflag:s30] =	ssyncset.done $0x0  }
0x2a9: {  	p1 =	sne.s32 s28, s14;
	s0 =	sshll.u32 @!p0 s0, $0x6;
	[sflag:s30] =	ssyncadd.s32 $0xFFFFFB00  }
0x2aa: {  	s0 =	sor.u32 @!p0 $0x1C02, s0;
	s29 =	sshrl.u32 @!p0 s4, $0x3;
	[bflag:$0x0] =	sbarrier.arrive $0xFFFF  }
0x2ab: {  	[hbm:s13], [sflag:s0] =	dma.local @!p0 [spmem:s29], $0x500  }
.Ltmp1:
0x2ac: {  	_ = 	snop;
	(pc) =	sbr.rel @p1 .LBB2_1-.Ltmp1, $4  }
0x2ad: {  	s0 =	simm.s32 @!p0 $0x2  }
0x2ae: {  	_ =	swait.ge @!p0 [sflag:s0], $0x500  }
0x2af: {  	[sflag:s0] =	ssyncset.done @!p0 $0x0  }
0x2b0: {  	[sflag:s0] =	ssyncadd.s32 @!p0 $0xFFFFFB00  }
0x2b1: {  	_ =	sfence.sel $0x180000  }
0x2b2: {  	[bflag:$0x0] =	sbarrier.arrive $0xFFFF  }
0x2b3: {  	_ =	strace $0x90000047  }
0x2b4: {  	s0 =	stileid.u32;
	[bflag:$0x2] =	sbarrier.arrive $0xFFFF  }
0x2b5: {  	p0 =	sne.s32 s0, $0x0;
	s0 =	rddreg [dreg:$0x3]  }
0x2b6: {  	s0 =	sadd.s32 @!p0 $0x100000, s0  }
0x2b7: {  	[sflag:s0] =	ssyncadd.tile.s32 @!p0 $0x1;
	_ =	shalt  }
.Lfunc_end2:
_tile_overlayer_lowered:
.L_overlay_start_2:
0x2b8: {  	(tag) =	ssettag $0x2  }
0x2b9: {  	s0 =	rddreg [dreg:$0x0];
	s2 =	stileid.u32  }
0x2ba: {  	s1 =	rddreg [dreg:$0x1];
	p0 =	sne.s32 s2, $0x0  }
0x2bb: {  	s3 =	rddreg [dreg:$0x2];
	[bflag:$0x3] =	sbarrier.arrive $0xFFFF;
	s2 =	simm.s32 @!p0 $0x1C02  }
0x2bc: {  	[timem:s3], [sflag:s2] =	dma.local @!p0 [hbm:s0], s1  }
0x2bd: {  	s0 =	simm.s32 @!p0 $0x2  }
0x2be: {  	_ =	swait.ge @!p0 [sflag:s0], s1  }
0x2bf: {  	s1 =	ssub.s32 @!p0 $0x0, s1;
	[sflag:s0] =	ssyncset.done @!p0 $0x0  }
0x2c0: {  	[sflag:s0] =	ssyncadd.s32 @!p0 s1  }
0x2c1: {  	[bflag:$0x3] =	sbarrier.arrive $0xFFFF  }
0x2c2: {  	_ =	shalt  }

// kernel: _pool_mean.7.cloned.1.call-start
scs
__scs_entry_jumppad:
0x0: {  	(pc) =	sbr.rel $0x88, $3  }
0x1: {  	(tag) =	ssettag $0x0;
	lr =	simm.s32 $0x1  }
0x2: {  	[smem:$0x3F9F] =	sst lr;
	_ =	strace $0xD0000000  }
0x3: {  	_ = 	snop  }
0x4: {  	_ = 	snop  }
0x5: {  	_ = 	snop  }
0x6: {  	_ = 	snop  }
0x7: {  	_ = 	snop  }
__scs_overlays_trampoline_lowered:
0x8: {  	[smem:$0x3FAE] =	sst s0  }
0x9: {  	[smem:$0x3FAF] =	sst s1  }
0xa: {  	[smem:$0x3FB0] =	sst s2  }
0xb: {  	[smem:$0x3FB1] =	sst s3  }
0xc: {  	[smem:$0x3FB2] =	sst s4  }
0xd: {  	[smem:$0x3FB3] =	sst s5  }
0xe: {  	[smem:$0x3FB4] =	sst s6  }
0xf: {  	[smem:$0x3FB5] =	sst s7  }
0x10: {  	[smem:$0x3FB6] =	sst s8  }
0x11: {  	[smem:$0x3FB7] =	sst s9;
	s0 =	simm.s32 @!p0 $0x0  }
0x12: {  	s1 =	sld [smem:$0x3F9D];
	s0 =	simm.s32 @p0 $0x1  }
0x13: {  	[smem:$0x3FB8] =	sst s0;
	s0 =	simm.s32 @!p1 $0x0  }
0x14: {  	s2 =	sld [smem:$0x3F9C];
	s0 =	simm.s32 @p1 $0x1  }
0x15: {  	[smem:$0x3FB9] =	sst s0;
	s0 =	simm.s32 @!p2 $0x0  }
0x16: {  	s3 =	sld [smem:$0x3FDB];
	s0 =	simm.s32 @p2 $0x1  }
0x17: {  	s4 =	simm.s32 $0x1BF5;
	[smem:$0x3FBB] =	sst s0  }
0x18: {  	s0 =	sld [smem:$0x3F9E];
	_ =	swait.ge [sflag:s4], $0x0  }
0x19: {  	s7 =	sld [smem:$0x3F9F]  }
0x1a: {  	s8 =	sadd.s32 $0xFFFFE003, lr  }
0x1b: {  	s9 =	sadd.s32 $0xFFFFFEF7, lr;
	s5 =	simm.s32 $0xFFFFFFFF;
	p2 =	slt.u32 s8, $0xFFFFF086  }
0x1c: {  	p1 =	slt.u32 s9, $0xF7A;
	s5 =	simm.s32 @!p2 $0x0  }
0x1d: {  	s5 =	simm.s32 @p1 $0x1;
	p0 =	seq.s32 s7, s2  }
0x1e: {  	s7 =	smul.u32 @!p0 $0xF7A, s2;
	p2 =	seq.s32 @!p0 s5, $0x0  }
0x1f: {  	s9 =	smul.u32 $0xF7A, s1;
	s8 =	simm.s32 @!p0 $0x1BF5;
	p2 =	por !p2, p0  }
0x20: {  	[sflag:s8] =	ssyncset.s32 @!p0 $0xFFFFF086;
	s6 =	sadd.s32 @!p0 s3, s7;
	s7 =	simm.s32 @!p0 $0x108  }
0x21: {  	s3 =	sadd.s32 s3, s9;
	s6 =	sadd.s32 @!p0 $0x88, s6;
	s7 =	simm.s32 @p2 $0x1082  }
0x22: {  	[simem:s7], [sflag:s8] =	dma.local @!p0 [hbm:s6], $0xF7A  }
0x23: {  	s9 =	sor.u32 $0xD0000000, s2;
	s6 =	simm.s32 $0x108;
	_ =	swait.ge @!p0 [sflag:s8], $0x0  }
0x24: {  	s3 =	sadd.s32 $0x88, s3;
	s6 =	simm.s32 @!p1 $0x1082;
	[sflag:s4] =	ssyncset.s32 $0xFFFFF086  }
0x25: {  	[simem:s6], [sflag:s4] =	dma.local [hbm:s3], $0xF7A  }
0x26: {  	[smem:$0x3F9F] =	sst s1;
	(tag) =	ssettag s2;
	_ =	strace s9  }
0x27: {  	s1 =	sld [smem:$0x3FAF]  }
0x28: {  	s2 =	sld [smem:$0x3FB0]  }
0x29: {  	s4 =	sld [smem:$0x3FB2]  }
0x2a: {  	p0 =	seq.s32 s5, $0x0;
	s5 =	sld [smem:$0x3FB3]  }
0x2b: {  	s6 =	sld [smem:$0x3FB4]  }
0x2c: {  	s7 =	sld [smem:$0x3FB5]  }
0x2d: {  	s3 =	simm.s32 $0x108;
	s8 =	sld [smem:$0x3FB6]  }
0x2e: {  	s3 =	simm.s32 @!p0 $0x1082;
	s9 =	sld [smem:$0x3FB7]  }
0x2f: {  	lr =	sadd.s32 s0, s3;
	s0 =	sld [smem:$0x3FAE]  }
0x30: {  	s3 =	sld [smem:$0x3FB1]  }
0x31: {  	[smem:$0x3FBA] =	sst s10  }
0x32: {  	s10 =	sld [smem:$0x3FB8];
	_ =	sdelay $0x3  }
0x33: {  	p0 =	seq.s32 s10, $0x1;
	s10 =	sld [smem:$0x3FBA];
	_ =	sdelay $0x3  }
0x34: {  	[smem:$0x3FBA] =	sst s10  }
0x35: {  	s10 =	sld [smem:$0x3FB9];
	_ =	sdelay $0x3  }
0x36: {  	p1 =	seq.s32 s10, $0x1;
	s10 =	sld [smem:$0x3FBA];
	_ =	sdelay $0x3  }
0x37: {  	[smem:$0x3FBA] =	sst s10  }
0x38: {  	s10 =	sld [smem:$0x3FBB]  }
0x39: {  	_ = 	snop;
	(pc) =	sbr.ind lr, $3  }
0x3a: {  	_ = 	snop  }
0x3b: {  	_ = 	snop  }
0x3c: {  	p2 =	seq.s32 s10, $0x1;
	s10 =	sld [smem:$0x3FBA]  }
0x3d: {  	_ =	shalt  }
0x3e: {  	_ =	shalt  }
0x3f: {  	_ =	shalt  }
0x40: {  	_ =	shalt  }
0x41: {  	_ =	shalt  }
0x42: {  	_ =	shalt  }
0x43: {  	_ =	shalt  }
0x44: {  	_ =	shalt  }
0x45: {  	_ =	shalt  }
0x46: {  	_ =	shalt  }
0x47: {  	_ =	shalt  }
0x48: {  	_ =	shalt  }
0x49: {  	_ =	shalt  }
0x4a: {  	_ =	shalt  }
0x4b: {  	_ =	shalt  }
0x4c: {  	_ =	shalt  }
0x4d: {  	_ =	shalt  }
0x4e: {  	_ =	shalt  }
0x4f: {  	_ =	shalt  }
0x50: {  	_ =	shalt  }
0x51: {  	_ =	shalt  }
0x52: {  	_ =	shalt  }
0x53: {  	_ =	shalt  }
0x54: {  	_ =	shalt  }
0x55: {  	_ =	shalt  }
0x56: {  	_ =	shalt  }
0x57: {  	_ =	shalt  }
0x58: {  	_ =	shalt  }
0x59: {  	_ =	shalt  }
0x5a: {  	_ =	shalt  }
0x5b: {  	_ =	shalt  }
0x5c: {  	_ =	shalt  }
0x5d: {  	_ =	shalt  }
0x5e: {  	_ =	shalt  }
0x5f: {  	_ =	shalt  }
0x60: {  	_ =	shalt  }
0x61: {  	_ =	shalt  }
0x62: {  	_ =	shalt  }
0x63: {  	_ =	shalt  }
0x64: {  	_ =	shalt  }
0x65: {  	_ =	shalt  }
0x66: {  	_ =	shalt  }
0x67: {  	_ =	shalt  }
0x68: {  	_ =	shalt  }
0x69: {  	_ =	shalt  }
0x6a: {  	_ =	shalt  }
0x6b: {  	_ =	shalt  }
0x6c: {  	_ =	shalt  }
0x6d: {  	_ =	shalt  }
0x6e: {  	_ =	shalt  }
0x6f: {  	_ =	shalt  }
0x70: {  	_ =	shalt  }
0x71: {  	_ =	shalt  }
0x72: {  	_ =	shalt  }
0x73: {  	_ =	shalt  }
0x74: {  	_ =	shalt  }
0x75: {  	_ =	shalt  }
0x76: {  	_ =	shalt  }
0x77: {  	_ =	shalt  }
0x78: {  	_ =	shalt  }
0x79: {  	_ =	shalt  }
0x7a: {  	_ =	shalt  }
0x7b: {  	_ =	shalt  }
0x7c: {  	_ =	shalt  }
0x7d: {  	_ =	shalt  }
0x7e: {  	_ =	shalt  }
0x7f: {  	_ =	shalt  }
0x80: {  	_ =	shalt  }
0x81: {  	_ =	shalt  }
0x82: {  	_ =	shalt  }
0x83: {  	_ =	shalt  }
0x84: {  	_ =	shalt  }
0x85: {  	_ =	shalt  }
0x86: {  	_ =	shalt  }
0x87: {  	_ =	shalt  }
.Lfunc_end0:
.L_simem_size_0:
called_computation.1_lowered:
.L_overlay_start_0:
0x88: {  	s2 =	sld [smem:$0x3FD9]  }
0x89: {  	s3 =	sld [smem:$0x3FFE];
	_ =	sdelay $0x1  }
0x8a: {  	s1 =	srdreg.scid  }
0x8b: {  	s0 =	sand.u32 $0x1, s1  }
0x8c: {  	s17 =	sshll.u32 s0, $0xA;
	s2 =	sadd.s32 s3, s2  }
0x8d: {  	s2 =	sadd.s32 s2, s17  }
0x8e: {  	[smem:$0x3FC6] =	sst s2  }
0x8f: {  	_ = 	snop  }
0x90: {  	s2 =	sld [smem:$0x3FC9]  }
0x91: {  	s18 =	sld [smem:$0x3FD0];
	(tm) =	ssettm $0x1  }
0x92: {  	s4 =	sld [smem:$0x3FFB];
	_ =	sdelay $0x3  }
0x93: {  	_ =	strace s4  }
0x94: {  	s4 =	sld [smem:$0x3FFC];
	_ =	sdelay $0x3  }
0x95: {  	_ =	strace s4  }
0x96: {  	s4 =	sld [smem:$0x3FFD];
	_ =	sdelay $0x3  }
0x97: {  	_ =	strace s4  }
0x98: {  	_ =	strace $0x8FFFFFFF  }
0x99: {  	s19 =	sld [smem:$0x3FDB];
	_ =	sdelay $0x1  }
0x9a: {  	s5 =	simm.s32 $_scs_section_size  }
0x9b: {  	s6 =	simm.s32 $_size__tile_overlayer_lowered;
	s7 =	simm.s32 $_tile_overlayer_lowered  }
0x9c: {  	s22 =	simm.s32 $0x1BFF;
	s21 =	sshll.u32 s7, $0x1;
	s4 =	sadd.s32 s5, s19  }
0x9d: {  	s8 =	simm.s32 $0x0;
	s20 =	sshll.u32 s6, $0x1;
	s6 =	sadd.s32 s21, s4  }
0x9e: {  	[timem:s8], [sflag:s22] =	dma.local [hbm:s6], s20  }
0x9f: {  	_ =	swait.ge [sflag:s22], s20  }
0xa0: {  	s5 =	ssub.s32 $0x0, s20;
	[sflag:s22] =	ssyncset.done $0x0  }
0xa1: {  	[sflag:s22] =	ssyncadd.s32 s5;
	_ =	sdelay $0x1  }
0xa2: {  	s23 =	simm.s32 $0x1B8B  }
0xa3: {  	_ =	swait.ge [sflag:s23], $0x1  }
0xa4: {  	[sflag:s23] =	ssyncset.done $0x0  }
0xa5: {  	s25 =	simm.s32 $0x1B8E;
	s24 =	sld [smem:$0x3FFE];
	[sflag:s23] =	ssyncadd.s32 $0xFFFFFFFF  }
0xa6: {  	s26 =	simm.s32 $execute0_lowered;
	[smem:$0x3FD2] =	sst s25  }
0xa7: {  	s6 =	sshll.u32 s26, $0x1;
	_ =	strace $0x80000049;
	[dreg:$0x1] =	wrdreg $0xFFFFFFFF  }
0xa8: {  	s28 =	simm.s32 $_size_execute0_lowered;
	s4 =	sadd.s32 s4, s6;
	[dreg:$0x0] =	wrdreg $0x0  }
0xa9: {  	s6 =	sshll.u32 s28, $0x1;
	[dreg:$0x2] =	wrdreg s4  }
0xaa: {  	[dreg:$0x3] =	wrdreg s6  }
0xab: {  	[dreg:$0x4] =	wrdreg $0xC0  }
0xac: {  	_ =	task [dreg:s8], $0x5FFFF  }
0xad: {  	[dreg:$0x1] =	wrdreg $0xFFFFFFFF  }
0xae: {  	[dreg:$0x0] =	wrdreg $0x60  }
0xaf: {  	[dreg:$0x2] =	wrdreg s2  }
0xb0: {  	[dreg:$0x3] =	wrdreg s24  }
0xb1: {  	[dreg:$0x4] =	wrdreg s18  }
0xb2: {  	[dreg:$0x5] =	wrdreg $0xA4000  }
0xb3: {  	[dreg:$0x6] =	wrdreg $0x9  }
0xb4: {  	_ =	task.clear_ibuf [dreg:s8], $0x7FFFF;
	_ =	strace $0x90000049  }
0xb5: {  	s29 =	simm.s32 $0x9;
	_ =	strace $0x8000004B  }
0xb6: {  	_ =	swait.ge [sflag:s29], $0x1  }
0xb7: {  	[sflag:s29] =	ssyncadd.s32 $0xFFFFFFFF  }
0xb8: {  	_ =	strace $0x9000004B  }
0xb9: {  	_ =	sfence  }
0xba: {  	s30 =	sld [smem:$0x0];
	_ =	sdelay $0x2  }
0xbb: {  	s31 =	sshll.u32 s1, $0xD;
	s1 =	sshrl.u32 s1, $0x2  }
0xbc: {  	s3 =	sand.u32 $0x4000, s31;
	s1 =	sadd.s32 s1, s30  }
0xbd: {  	s0 =	sor.u32 s3, s0;
	s1 =	sshll.u32 s1, $0x11  }
0xbe: {  	s0 =	sor.u32 s1, s0  }
0xbf: {  	s0 =	sadd.s32 $0x8F2B, s0  }
0xc0: {  	[sflag:s0] =	ssyncadd.remote.s32 $0x1  }
0xc1: {  	_ =	sfence.sel $0xFFFF  }
0xc2: {  	[dreg:$0x0] =	wrdreg $0xFFFFFFFF;
	(pc) =	sbr.abs _section_cstart, $3  }
0xc3: {  	[dreg:$0x1] =	wrdreg $0xFFFFFFFF  }
0xc4: {  	_ =	task.clear_ibuf [dreg:s8], $0x2FFFF;
	_ =	strace $0x9FFFFFFF  }
0xc5: {  	(tm) =	ssettm $0x7FFFFFFF  }
tec
execute0_lowered:
.L_overlay_start_1:
0x0: {  	(tag) =	ssettag $0x1  }
0x1: {  	s0 =	rddreg [dreg:$0x0]  }
0x2: {  	s1 =	rddreg [dreg:$0x1]  }
0x3: {  	s2 =	rddreg [dreg:$0x2]  }
0x4: {  	s3 =	rddreg [dreg:$0x3];
	s12 =	stileid.u32  }
0x5: {  	s4 =	simm.s32 $0x0;
	s5 =	srdreg.scid;
	s10 =	smul.u32 $0x50000, s12  }
0x6: {  	s31 =	simm.s32 $0x7C00;
	[smem:$0x7FF] =	sst s4;
	s8 =	sand.u32 $0x1, s5  }
0x7: {  	s6 =	sshll.u32 s12, $0xB;
	s5 =	sadd.s32 $0xDA00, s1;
	s10 =	sshrl.u32 s10, $0x2  }
0x8: {  	s17 =	smul.u32 $0x271000, s12;
	s9 =	sadd.s32 s6, s1;
	s6 =	sadd.s32 s10, s3  }
0x9: {  	p0 =	seq.s32 s12, $0xF;
	_ =	strace $0x8000004A;
	s10 =	sadd.s32 $0x1400, s6  }
0xa: {  	s7 =	ssub.s32 $0x2, s8;
	s14 =	sadd.s32 $0x2800, s6;
	[dreg:$0x5] =	wrdreg s10  }
0xb: {  	s1 =	simm.s32 $0x400;
	s15 =	sadd.s32 $0x3C00, s6;
	[dreg:$0x6] =	wrdreg s14  }
0xc: {  	s11 =	sshrl.u32 s7, $0x1;
	s16 =	sadd.s32 $0x5000, s6;
	[dreg:$0x7] =	wrdreg s15  }
0xd: {  	s13 =	ssub.s32 s7, s11;
	s11 =	sadd.s32 $0x6400, s6;
	[dreg:$0x8] =	wrdreg s16  }
0xe: {  	s7 =	smul.u32 $0x280, s12;
	s18 =	sadd.s32 $0x7800, s6;
	[dreg:$0x9] =	wrdreg s11  }
0xf: {  	s12 =	simm.s32 $0x2;
	s19 =	sadd.s32 $0x8C00, s6;
	[dreg:$0xa] =	wrdreg s18  }
0x10: {  	s20 =	sadd.s32 $0xA000, s6;
	s22 =	sadd.s32 $0xB400, s6;
	[dreg:$0xb] =	wrdreg s19  }
0x11: {  	s23 =	sadd.s32 $0xC800, s6;
	s26 =	sadd.s32 $0xDC00, s6;
	[dreg:$0xc] =	wrdreg s20  }
0x12: {  	s28 =	sadd.s32 $0x10400, s6;
	s29 =	sadd.s32 $0x11800, s6;
	[dreg:$0xd] =	wrdreg s22  }
0x13: {  	s30 =	sadd.s32 $0x12C00, s6;
	s14 =	sshll.u32 s8, $0xA;
	[dreg:$0xe] =	wrdreg s23  }
0x14: {  	[dreg:$0x12] =	wrdreg s26;
	s26 =	sadd.s32 $0xF000, s6;
	s21 =	sor.u32 s14, s17  }
0x15: {  	s24 =	sadd.s32 $0x5000, s21;
	s25 =	sshrl.u32 s21, $0x3;
	s8 =	sadd.s32 $0xA000, s21  }
0x16: {  	s21 =	simm.s32 $0xA;
	s10 =	sshrl.u32 s24, $0x3;
	s11 =	sadd.s32 s0, s25  }
0x17: {  	s8 =	sshrl.u32 s8, $0x3;
	s24 =	sadd.s32 $0xA00, s9;
	s21 =	simm.s32 @!p0 $0x10  }
0x18: {  	s25 =	smax.u32 s13, $0x1;
	s9 =	simm.s32 $0x7800;
	s13 =	simm.s32 $0x9000  }
0x19: {  	[dreg:$0xf] =	wrdreg s11;
	s10 =	sadd.s32 s0, s10;
	s0 =	sadd.s32 s8, s0  }
0x1a: {  	s8 =	simm.s32 $0x800;
	s11 =	simm.s32 $0x50;
	[dreg:$0x10] =	wrdreg s10  }
0x1b: {  	v0 =	vimm.f32 $0.0e+00;
	[dreg:$0x11] =	wrdreg s0;
	s0 =	simm.s32 $0x3;
	s10 =	simm.s32 $0x1  }
.LBB2_1:
0x1c: {  	s15 =	simm.s32 $0x0;
	s16 =	simm.s32 $0x200  }
.LBB2_2:
0x1d: {  	p0 =	sne.s32 s16, $0x4E00;
	[tilespmem:s15+$0x7C70] =	vst v0  }
0x1e: {  	[tilespmem:s15+$0x7C00] =	vst v0  }
0x1f: {  	[tilespmem:s15+$0x7C10] =	vst v0  }
.Ltmp0:
0x20: {  	[tilespmem:s15+$0x7C20] =	vst v0;
	(pc) =	sbr.rel @p0 .LBB2_2-.Ltmp0, $4  }
0x21: {  	[tilespmem:s15+$0x7C30] =	vst v0  }
0x22: {  	[tilespmem:s15+$0x7C40] =	vst v0  }
0x23: {  	[tilespmem:s15+$0x7C50] =	vst v0  }
0x24: {  	[tilespmem:s15+$0x7C60] =	vst v0;
	s15 =	sshra.s32 s16, $0x2;
	s16 =	sadd.s32 $0x200, s16  }
0x25: {  	[tilespmem:s15+$0x7C70] =	vst v0  }
0x26: {  	[tilespmem:s15+$0x7C00] =	vst v0  }
0x27: {  	[tilespmem:s15+$0x7C10] =	vst v0  }
0x28: {  	[tilespmem:s15+$0x7C20] =	vst v0  }
0x29: {  	[tilespmem:s15+$0x7C30] =	vst v0  }
0x2a: {  	[tilespmem:s15+$0x7C40] =	vst v0  }
0x2b: {  	[tilespmem:s15+$0x7C50] =	vst v0  }
0x2c: {  	[tilespmem:s15+$0x7C60] =	vst v0  }
0x2d: {  	[spmem:s6] =	stream.linear.scatter [tilespmem:s31], [sflag:$0x3], $0x1400, $0x38;
	[tilespmem:$0x1E400] =	vst v63  }
0x2e: {  	_ =	swait.ge [sflag:s0], $0x1400  }
0x2f: {  	[sflag:s0] =	ssyncset.done $0x0  }
0x30: {  	s18 =	rddreg [dreg:$0x5];
	[sflag:s0] =	ssyncadd.s32 $0xFFFFEC00  }
0x31: {  	[spmem:s18] =	stream.linear.scatter [tilespmem:s31], [sflag:$0x3], $0x1400, $0x38;
	[tilespmem:$0x1E400] =	vst v63  }
0x32: {  	_ =	swait.ge [sflag:s0], $0x1400  }
0x33: {  	[sflag:s0] =	ssyncset.done $0x0  }
0x34: {  	s19 =	rddreg [dreg:$0x6];
	[sflag:s0] =	ssyncadd.s32 $0xFFFFEC00  }
0x35: {  	[spmem:s19] =	stream.linear.scatter [tilespmem:s31], [sflag:$0x3], $0x1400, $0x38;
	[tilespmem:$0x1E400] =	vst v63  }
0x36: {  	_ =	swait.ge [sflag:s0], $0x1400  }
0x37: {  	[sflag:s0] =	ssyncset.done $0x0  }
0x38: {  	s20 =	rddreg [dreg:$0x7];
	[sflag:s0] =	ssyncadd.s32 $0xFFFFEC00  }
0x39: {  	[spmem:s20] =	stream.linear.scatter [tilespmem:s31], [sflag:$0x3], $0x1400, $0x38;
	[tilespmem:$0x1E400] =	vst v63  }
0x3a: {  	_ =	swait.ge [sflag:s0], $0x1400  }
0x3b: {  	[sflag:s0] =	ssyncset.done $0x0  }
0x3c: {  	s22 =	rddreg [dreg:$0x8];
	[sflag:s0] =	ssyncadd.s32 $0xFFFFEC00  }
0x3d: {  	[spmem:s22] =	stream.linear.scatter [tilespmem:s31], [sflag:$0x3], $0x1400, $0x38;
	[tilespmem:$0x1E400] =	vst v63  }
0x3e: {  	_ =	swait.ge [sflag:s0], $0x1400  }
0x3f: {  	[sflag:s0] =	ssyncset.done $0x0  }
0x40: {  	s23 =	rddreg [dreg:$0x9];
	[sflag:s0] =	ssyncadd.s32 $0xFFFFEC00  }
0x41: {  	[spmem:s23] =	stream.linear.scatter [tilespmem:s31], [sflag:$0x3], $0x1400, $0x38;
	[tilespmem:$0x1E400] =	vst v63  }
0x42: {  	_ =	swait.ge [sflag:s0], $0x1400  }
0x43: {  	[sflag:s0] =	ssyncset.done $0x0  }
0x44: {  	s16 =	rddreg [dreg:$0xa];
	[sflag:s0] =	ssyncadd.s32 $0xFFFFEC00  }
0x45: {  	[spmem:s16] =	stream.linear.scatter [tilespmem:s31], [sflag:$0x3], $0x1400, $0x38;
	[tilespmem:$0x1E400] =	vst v63  }
0x46: {  	_ =	swait.ge [sflag:s0], $0x1400  }
0x47: {  	[sflag:s0] =	ssyncset.done $0x0  }
0x48: {  	s17 =	rddreg [dreg:$0xb];
	[sflag:s0] =	ssyncadd.s32 $0xFFFFEC00  }
0x49: {  	[spmem:s17] =	stream.linear.scatter [tilespmem:s31], [sflag:$0x3], $0x1400, $0x38;
	[tilespmem:$0x1E400] =	vst v63  }
0x4a: {  	_ =	swait.ge [sflag:s0], $0x1400  }
0x4b: {  	[sflag:s0] =	ssyncset.done $0x0  }
0x4c: {  	s18 =	rddreg [dreg:$0xc];
	[sflag:s0] =	ssyncadd.s32 $0xFFFFEC00  }
0x4d: {  	[spmem:s18] =	stream.linear.scatter [tilespmem:s31], [sflag:$0x3], $0x1400, $0x38;
	[tilespmem:$0x1E400] =	vst v63  }
0x4e: {  	_ =	swait.ge [sflag:s0], $0x1400  }
0x4f: {  	[sflag:s0] =	ssyncset.done $0x0  }
0x50: {  	s19 =	rddreg [dreg:$0xd];
	[sflag:s0] =	ssyncadd.s32 $0xFFFFEC00  }
0x51: {  	[spmem:s19] =	stream.linear.scatter [tilespmem:s31], [sflag:$0x3], $0x1400, $0x38;
	[tilespmem:$0x1E400] =	vst v63  }
0x52: {  	_ =	swait.ge [sflag:s0], $0x1400  }
0x53: {  	[sflag:s0] =	ssyncset.done $0x0  }
0x54: {  	s20 =	rddreg [dreg:$0xe];
	[sflag:s0] =	ssyncadd.s32 $0xFFFFEC00  }
0x55: {  	[spmem:s20] =	stream.linear.scatter [tilespmem:s31], [sflag:$0x3], $0x1400, $0x38;
	[tilespmem:$0x1E400] =	vst v63  }
0x56: {  	_ =	swait.ge [sflag:s0], $0x1400  }
0x57: {  	[sflag:s0] =	ssyncset.done $0x0  }
0x58: {  	s22 =	rddreg [dreg:$0x12];
	[sflag:s0] =	ssyncadd.s32 $0xFFFFEC00  }
0x59: {  	[spmem:s22] =	stream.linear.scatter [tilespmem:s31], [sflag:$0x3], $0x1400, $0x38;
	[tilespmem:$0x1E400] =	vst v63  }
0x5a: {  	_ =	swait.ge [sflag:s0], $0x1400  }
0x5b: {  	[sflag:s0] =	ssyncset.done $0x0  }
0x5c: {  	[sflag:s0] =	ssyncadd.s32 $0xFFFFEC00  }
0x5d: {  	[spmem:s26] =	stream.linear.scatter [tilespmem:s31], [sflag:$0x3], $0x1400, $0x38;
	[tilespmem:$0x1E400] =	vst v63  }
0x5e: {  	_ =	swait.ge [sflag:s0], $0x1400  }
0x5f: {  	[sflag:s0] =	ssyncset.done $0x0  }
0x60: {  	[sflag:s0] =	ssyncadd.s32 $0xFFFFEC00  }
0x61: {  	[spmem:s28] =	stream.linear.scatter [tilespmem:s31], [sflag:$0x3], $0x1400, $0x38;
	[tilespmem:$0x1E400] =	vst v63  }
0x62: {  	_ =	swait.ge [sflag:s0], $0x1400  }
0x63: {  	[sflag:s0] =	ssyncset.done $0x0  }
0x64: {  	[sflag:s0] =	ssyncadd.s32 $0xFFFFEC00  }
0x65: {  	[spmem:s29] =	stream.linear.scatter [tilespmem:s31], [sflag:$0x3], $0x1400, $0x38;
	[tilespmem:$0x1E400] =	vst v63  }
0x66: {  	_ =	swait.ge [sflag:s0], $0x1400  }
0x67: {  	[sflag:s0] =	ssyncset.done $0x0  }
0x68: {  	[sflag:s0] =	ssyncadd.s32 $0xFFFFEC00  }
0x69: {  	[spmem:s30] =	stream.linear.scatter [tilespmem:s31], [sflag:$0x3], $0x1400, $0x38;
	[tilespmem:$0x1E400] =	vst v63  }
0x6a: {  	_ =	swait.ge [sflag:s0], $0x1400  }
0x6b: {  	[sflag:s0] =	ssyncset.done $0x0  }
0x6c: {  	[sflag:s0] =	ssyncadd.s32 $0xFFFFEC00  }
0x6d: {  	[bflag:$0x0] =	sbarrier.arrive $0xFFFF  }
0x6e: {  	s15 =	simm.s32 $0x0;
	s16 =	rddreg [dreg:$0xf]  }
0x6f: {  	[tilespmem:s15], [sflag:$0x1] =	stream.strided.gather [hbm4b:s16+s1], $0x2800, s8, s1, $0x38;
	[tilespmem:$0x1E400] =	vst v63  }
0x70: {  	s17 =	simm.s32 $0x2800;
	s23 =	rddreg [dreg:$0x10]  }
0x71: {  	[tilespmem:s17], [sflag:$0x1] =	stream.strided.gather [hbm4b:s23+s1], $0x2800, s8, s1, $0x38;
	[tilespmem:$0x1E400] =	vst v63  }
0x72: {  	s16 =	simm.s32 $0x2;
	s17 =	rddreg [dreg:$0x11]  }
.LBB2_4:
0x73: {  	p0 =	seq.s32 s15, $0x0  }
0x74: {  	s19 =	sadd.s32 $0xFFFFFFFE, s16;
	s20 =	simm.s32 @!p0 $0x2  }
0x75: {  	s18 =	sand.u32 @!p0 $0x7, s19;
	_ =	swait.ge @!p0 [sflag:s20], $0x2800  }
0x76: {  	p1 =	sne.s32 @!p0 s18, $0x0;
	[sflag:s20] =	ssyncset.done @!p0 $0x0  }
0x77: {  	p1 =	por p0, !p1;
	[sflag:s20] =	ssyncadd.s32 @!p0 $0xFFFFD800  }
0x78: {  	s20 =	sadd.s32 @p1 s15, s24;
	s18 =	simm.s32 @p1 $0x0;
	p0 =	sgt.u32 s19, $0x7A  }
0x79: {  	[tilespmem:s9], [sflag:$0x3] =	stream.linear.gather @p1 [hbm4b:s20+s18], $0x400, $0x38;
	[tilespmem:$0x1E400] =	vst v63  }
0x7a: {  	s20 =	smul.u32 @!p0 $0xAB, s16;
	_ =	sdelay $0x1  }
0x7b: {  	s20 =	sshrl.u32 @!p0 s20, $0x9  }
0x7c: {  	s23 =	smul.u32 $0xAB, s19;
	s20 =	sand.u32 @!p0 $0x7F, s20  }
0x7d: {  	s20 =	smul.u32 @!p0 $0x3, s20  }
0x7e: {  	s23 =	sshrl.u32 s23, $0x9;
	_ =	swait.ge @p1 [sflag:s0], $0x400  }
0x7f: {  	s23 =	sand.u32 $0x7F, s23;
	[sflag:s0] =	ssyncset.done @p1 $0x0;
	s20 =	ssub.s32 @!p0 s16, s20  }
0x80: {  	s23 =	smul.u32 $0x3, s23;
	[sflag:s0] =	ssyncadd.s32 @p1 $0xFFFFFC00;
	s20 =	sand.u32 @!p0 $0xFF, s20  }
0x81: {  	s22 =	simm.s32 @!p0 $0x800;
	_ =	swait.ge [sflag:s10], $0x2800;
	s20 =	smul.u32 @!p0 $0xA000, s20  }
0x82: {  	s19 =	ssub.s32 s19, s23;
	s23 =	simm.s32 @!p0 $0x400;
	[sflag:s10] =	ssyncset.done $0x0  }
0x83: {  	[sflag:s10] =	ssyncadd.s32 $0xFFFFD800;
	s16 =	sadd.s32 $0x1, s16;
	s20 =	sshrl.u32 @!p0 s20, $0x2  }
0x84: {  	[tilespmem:s20], [sflag:$0x1] =	stream.strided.gather @!p0 [hbm4b:s17+s23], $0x2800, s22, s23, $0x38;
	[tilespmem:$0x1E400] =	vst v63  }
0x85: {  	p0 =	sne.s32 s16, $0x7F  }
.Ltmp1:
0x86: {  	s19 =	sand.u32 $0xFF, s19;
	(pc) =	sbr.rel @p0 .LBB2_4-.Ltmp1, $4  }
0x87: {  	s19 =	smul.u32 $0xA000, s19  }
0x88: {  	s15 =	sadd.s32 $0x10, s15;
	s18 =	sshll.u32 s18, $0x7  }
0x89: {  	s18 =	sor.u32 $0x7800, s18;
	s19 =	sshrl.u32 s19, $0x2;
	s17 =	sadd.s32 $0xA00, s17  }
0x8a: {  	[spmem:s3] =	stream.indirect.scatter.add.f32 [tilespmem:s19], [sflag:$0x2], $0x80, s18, s11, $0xb8;
	[tilespmem:$0x1E400] =	vst v63  }
0x8b: {  	_ =	swait.ge [sflag:s12], $0x2800  }
0x8c: {  	[sflag:s12] =	ssyncset.done $0x0  }
0x8d: {  	[sflag:s12] =	ssyncadd.s32 $0xFFFFD800  }
0x8e: {  	s15 =	simm.s32 $0x0;
	s16 =	simm.s32 $0x0;
	[bflag:$0x0] =	sbarrier.arrive $0xFFFF  }
.LBB2_6:
0x8f: {  	s17 =	smul.u32 $0x28, s16;
	_ =	sdelay $0x1  }
0x90: {  	s17 =	sadd.s32 s7, s17  }
0x91: {  	s18 =	sshll.u32 s17, $0x9  }
0x92: {  	s18 =	sshra.s32 s18, $0x2  }
0x93: {  	s18 =	sadd.s32 s18, s3  }
0x94: {  	[tilespmem:s31], [sflag:$0x3] =	stream.linear.gather [spmem:s18], $0x1400, $0x38;
	[tilespmem:$0x1E400] =	vst v63  }
0x95: {  	_ =	swait.ge [sflag:s0], $0x1400  }
0x96: {  	s23 =	sshll.u32 s17, $0x4;
	[sflag:s0] =	ssyncset.done $0x0  }
0x97: {  	s18 =	sadd.s32 s5, s23;
	[sflag:s0] =	ssyncadd.s32 $0xFFFFEC00  }
0x98: {  	[tilespmem:s13], [sflag:$0x3] =	stream.linear.gather [hbm4b:s18+s15], $0x1400, $0x38;
	[tilespmem:$0x1E400] =	vst v63  }
0x99: {  	_ =	swait.ge [sflag:s0], $0x1400  }
0x9a: {  	[sflag:s0] =	ssyncset.done $0x0  }
0x9b: {  	s20 =	simm.s32 $0x0;
	[sflag:s0] =	ssyncadd.s32 $0xFFFFEC00  }
0x9c: {  	v1 =	vld [tilespmem:s20+$0x9000];
	_ =	sdelay $0x4  }
0x9d: {  	v1 =	vmax.f32 v1, $1.000000000e+00  }
0x9e: {  	(erf) = vrcp.f32 v1;
	_ =	sdelay $0x1  }
0x9f: {  	s19 =	simm.s32 $0x80  }
0xa0: {  	v2 =	vld [tilespmem:s19+$0x9000];
	_ =	sdelay $0x2  }
0xa1: {  	v6 =	vld [tilespmem:s20+$0x7C70]  }
0xa2: {  	v5 =	vld [tilespmem:s20+$0x7C00]  }
0xa3: {  	v8 =	vld [tilespmem:s20+$0x7C10];
	v7 =	vmax.f32 v2, $1.000000000e+00  }
0xa4: {  	v3 =	vld [tilespmem:s20+$0x7C20];
	v1 =	vpop (erf);
	(erf) = vrcp.f32 v7  }
0xa5: {  	s18 =	simm.s32 $0x100;
	v4 =	vld [tilespmem:s20+$0x7C30];
	v1 =	vbroadcast v1, $0x0  }
0xa6: {  	v2 =	vld [tilespmem:s18+$0x9000]  }
0xa7: {  	v7 =	vmul.f32 v1, v5;
	v5 =	vld [tilespmem:s20+$0x7C60];
	v9 =	vmul.f32 v6, v1  }
0xa8: {  	s23 =	simm.s32 $0x600;
	v8 =	vmul.f32 v1, v8;
	v6 =	vld [tilespmem:s20+$0x7C50]  }
.LBB2_7:
0xa9: {  	s22 =	sshra.s32 s23, $0x2;
	p0 =	sne.s32 s23, $0x4E00;
	s23 =	sadd.s32 $0x200, s23;
	v10 =	vld [tilespmem:s20+$0x7C40];
	[tilespmem:s20+$0x7C70] =	vst v9  }
0xaa: {  	v3 =	vmul.f32 v3, v1;
	v9 =	vld [tilespmem:s19+$0x7C70];
	[tilespmem:s20+$0x7C00] =	vst v7;
	v4 =	vmul.f32 v4, v1  }
0xab: {  	v7 =	vld [tilespmem:s19+$0x7C00];
	[tilespmem:s20+$0x7C10] =	vst v8  }
0xac: {  	v11 =	vmax.f32 v2, $1.000000000e+00;
	v8 =	vld [tilespmem:s19+$0x7C10];
	[tilespmem:s20+$0x7C20] =	vst v3;
	v5 =	vmul.f32 v5, v1  }
.Ltmp2:
0xad: {  	(erf) = vrcp.f32 v11;
	v3 =	vld [tilespmem:s19+$0x7C20];
	v2 =	vpop (erf);
	[tilespmem:s20+$0x7C30] =	vst v4;
	v6 =	vmul.f32 v6, v1;
	(pc) =	sbr.rel @p0 .LBB2_7-.Ltmp2, $4  }
0xae: {  	v4 =	vld [tilespmem:s19+$0x7C30];
	v10 =	vmul.f32 v10, v1;
	v1 =	vbroadcast v2, $0x0;
	[tilespmem:s20+$0x7C60] =	vst v5  }
0xaf: {  	v2 =	vld [tilespmem:s22+$0x9000];
	[tilespmem:s20+$0x7C50] =	vst v6  }
0xb0: {  	v7 =	vmul.f32 v1, v7;
	v5 =	vld [tilespmem:s19+$0x7C60];
	v9 =	vmul.f32 v9, v1;
	[tilespmem:s20+$0x7C40] =	vst v10;
	s20 =	smov.u32 s19;
	s19 =	smov.u32 s18;
	s18 =	smov.u32 s22  }
0xb1: {  	v8 =	vmul.f32 v1, v8;
	v6 =	vld [tilespmem:s20+$0x7C50]  }
0xb2: {  	v10 =	vld [tilespmem:s20+$0x7C40];
	[tilespmem:s20+$0x7C70] =	vst v9  }
0xb3: {  	v3 =	vmul.f32 v3, v1;
	v9 =	vld [tilespmem:s19+$0x7C70];
	[tilespmem:s20+$0x7C00] =	vst v7  }
0xb4: {  	v4 =	vmul.f32 v4, v1;
	v7 =	vld [tilespmem:s19+$0x7C00];
	[tilespmem:s20+$0x7C10] =	vst v8  }
0xb5: {  	v8 =	vld [tilespmem:s19+$0x7C10];
	[tilespmem:s20+$0x7C20] =	vst v3;
	v5 =	vmul.f32 v5, v1  }
0xb6: {  	v3 =	vld [tilespmem:s19+$0x7C20];
	[tilespmem:s20+$0x7C30] =	vst v4;
	v53 =	vmul.f32 v6, v1;
	v55 =	vpop (erf)  }
0xb7: {  	v54 =	vld [tilespmem:s19+$0x7C30];
	[tilespmem:s20+$0x7C60] =	vst v5;
	v1 =	vmul.f32 v10, v1;
	v56 =	vbroadcast v55, $0x0  }
0xb8: {  	[tilespmem:s20+$0x7C50] =	vst v53  }
0xb9: {  	v57 =	vld [tilespmem:s19+$0x7C60];
	[tilespmem:s20+$0x7C40] =	vst v1;
	v1 =	vmul.f32 v9, v56;
	_ =	sdelay $0x1  }
0xba: {  	[tilespmem:s19+$0x7C70] =	vst v1;
	v1 =	vmax.f32 v2, $1.000000000e+00  }
0xbb: {  	(erf) = vrcp.f32 v1;
	_ =	sdelay $0x3  }
0xbc: {  	v7 =	vmul.f32 v56, v7;
	v58 =	vld [tilespmem:s19+$0x7C50]  }
0xbd: {  	v59 =	vld [tilespmem:s19+$0x7C40];
	v1 =	vmul.f32 v56, v8  }
0xbe: {  	v3 =	vmul.f32 v3, v56;
	v2 =	vld [tilespmem:s18+$0x7C70];
	[tilespmem:s19+$0x7C00] =	vst v7  }
0xbf: {  	v6 =	vmul.f32 v54, v56;
	v7 =	vld [tilespmem:s18+$0x7C00];
	[tilespmem:s19+$0x7C10] =	vst v1  }
0xc0: {  	v5 =	vmul.f32 v57, v56;
	v1 =	vld [tilespmem:s18+$0x7C10];
	[tilespmem:s19+$0x7C20] =	vst v3  }
0xc1: {  	v60 =	vmul.f32 v58, v56;
	v3 =	vld [tilespmem:s18+$0x7C20];
	[tilespmem:s19+$0x7C30] =	vst v6;
	v62 =	vpop (erf)  }
0xc2: {  	v4 =	vmul.f32 v59, v56;
	v61 =	vld [tilespmem:s18+$0x7C30];
	[tilespmem:s19+$0x7C60] =	vst v5;
	v5 =	vbroadcast v62, $0x0  }
0xc3: {  	[tilespmem:s19+$0x7C50] =	vst v60  }
0xc4: {  	v6 =	vld [tilespmem:s18+$0x7C60];
	[tilespmem:s19+$0x7C40] =	vst v4;
	v2 =	vmul.f32 v2, v5  }
0xc5: {  	v4 =	vld [tilespmem:s18+$0x7C50];
	v7 =	vmul.f32 v5, v7  }
0xc6: {  	v63 =	vld [tilespmem:s18+$0x7C40];
	v1 =	vmul.f32 v5, v1;
	[tilespmem:s18+$0x7C70] =	vst v2  }
0xc7: {  	[tilespmem:s18+$0x7C00] =	vst v7;
	v2 =	vmul.f32 v3, v5  }
0xc8: {  	v3 =	vmul.f32 v61, v5;
	[tilespmem:s18+$0x7C10] =	vst v1  }
0xc9: {  	v1 =	vmul.f32 v6, v5;
	[tilespmem:s18+$0x7C20] =	vst v2  }
0xca: {  	s17 =	sshll.u32 s17, $0x8;
	[tilespmem:s18+$0x7C30] =	vst v3;
	v2 =	vmul.f32 v4, v5  }
0xcb: {  	s16 =	sadd.s32 $0x1, s16;
	s17 =	sor.u32 s14, s17;
	v3 =	vmul.f32 v63, v5;
	[tilespmem:s18+$0x7C60] =	vst v1  }
0xcc: {  	p0 =	sne.s32 s16, s21;
	s17 =	sshrl.u32 s17, $0x3;
	[tilespmem:s18+$0x7C50] =	vst v2  }
.Ltmp3:
0xcd: {  	s17 =	sadd.s32 s2, s17;
	[tilespmem:s18+$0x7C40] =	vst v3;
	(pc) =	sbr.rel @p0 .LBB2_6-.Ltmp3, $4  }
0xce: {  	[hbm4b:s17+s1] =	stream.strided.scatter [tilespmem:s31], [sflag:$0x3], $0x1400, s8, s1, $0x38;
	[tilespmem:$0x1E400] =	vst v63  }
0xcf: {  	_ =	swait.ge [sflag:s0], $0x1400  }
0xd0: {  	[sflag:s0] =	ssyncset.done $0x0  }
0xd1: {  	[sflag:s0] =	ssyncadd.s32 $0xFFFFEC00  }
0xd2: {  	s4 =	sadd.s32 $0x1, s4  }
0xd3: {  	p0 =	sne.s32 s4, s25  }
.Ltmp4:
0xd4: {  	_ = 	snop;
	(pc) =	sbr.rel @p0 .LBB2_1-.Ltmp4, $1  }
0xd5: {  	_ =	sdelay $0x3  }
0xd6: {  	_ =	sfence.sel $0x180000  }
0xd7: {  	[bflag:$0x0] =	sbarrier.arrive $0xFFFF  }
0xd8: {  	_ =	strace $0x9000004A  }
0xd9: {  	s0 =	stileid.u32;
	[bflag:$0x2] =	sbarrier.arrive $0xFFFF  }
0xda: {  	p0 =	sne.s32 s0, $0x0;
	s0 =	rddreg [dreg:$0x4]  }
0xdb: {  	s0 =	sadd.s32 @!p0 $0x100000, s0  }
0xdc: {  	[sflag:s0] =	ssyncadd.tile.s32 @!p0 $0x1;
	_ =	shalt  }
.Lfunc_end2:
_tile_overlayer_lowered:
.L_overlay_start_2:
0xdd: {  	(tag) =	ssettag $0x2  }
0xde: {  	s0 =	rddreg [dreg:$0x0];
	s2 =	stileid.u32  }
0xdf: {  	s1 =	rddreg [dreg:$0x1];
	p0 =	sne.s32 s2, $0x0  }
0xe0: {  	s3 =	rddreg [dreg:$0x2];
	[bflag:$0x3] =	sbarrier.arrive $0xFFFF;
	s2 =	simm.s32 @!p0 $0x1C03  }
0xe1: {  	[timem:s3], [sflag:s2] =	dma.local @!p0 [hbm:s0], s1  }
0xe2: {  	s0 =	simm.s32 @!p0 $0x3  }
0xe3: {  	_ =	swait.ge @!p0 [sflag:s0], s1  }
0xe4: {  	s1 =	ssub.s32 @!p0 $0x0, s1;
	[sflag:s0] =	ssyncset.done @!p0 $0x0  }
0xe5: {  	[sflag:s0] =	ssyncadd.s32 @!p0 s1  }
0xe6: {  	[bflag:$0x3] =	sbarrier.arrive $0xFFFF  }
0xe7: {  	_ =	shalt  }

</sc_bundles>
